<compile_context>
chip_gen: v7x
topology: tpu7x:2x2x1
jax: 0.10.2.dev20260603
libtpu: 0.0.44.dev20260713+nightly
codegen_flags: <defaults>
</compile_context>

<pallas_src>
import functools

import jax
import jax.numpy as jnp
from jax import lax
from jax.experimental import pallas as pl
from jax.experimental.pallas import tpu as pltpu
from jax.experimental.pallas import tpu_sc as plsc

N_FIELDS = 26
BATCH = 16384
VOCAB = 100000
FEAT = 16
L = 16
GATHER_ROWS = 128
VTILES = 98
VPAD = VTILES * 8 * 128


def _rowsum_call(nf, off):
    def body(x_ref, o_ref):
        s = jnp.sum(x_ref[...], axis=1, keepdims=True)
        col = lax.broadcasted_iota(jnp.int32, (1, 1, VOCAB), 2)
        s = jnp.where(col == 0, 0.0, s)
        s = jnp.concatenate(
            [s, jnp.zeros((1, 1, VPAD - VOCAB), jnp.float32)], axis=2)
        o_ref[...] = s.reshape(1, VTILES, 8, 128)

    return pl.pallas_call(
        body,
        grid=(nf,),
        in_specs=[pl.BlockSpec((1, FEAT, VOCAB), lambda f: (f + off, 0, 0))],
        out_specs=pl.BlockSpec((1, VTILES, 8, 128), lambda f: (f, 0, 0, 0)),
        out_shape=jax.ShapeDtypeStruct((nf, VTILES, 8, 128), jnp.float32),
    )


def _gather_call(nf, with_base):
    info = plsc.get_sparse_core_info()
    nc, ns = info.num_cores, info.num_subcores
    nw = nc * ns
    bpw = BATCH // nw
    nchunk = bpw // GATHER_ROWS
    nrows = nf * nchunk
    cpf = bpw // L
    mesh = plsc.VectorSubcoreMesh(core_axis_name="c", subcore_axis_name="s")

    @functools.partial(
        pl.kernel,
        out_type=jax.ShapeDtypeStruct((BATCH,), jnp.float32),
        mesh=mesh,
        compiler_params=pltpu.CompilerParams(
            needs_layout_passes=False, use_tc_tiling_on_sc=False),
        scratch_types=[
            pltpu.VMEM((nf, bpw), jnp.int32),
            pltpu.VMEM((nrows, GATHER_ROWS), jnp.int32),
            pltpu.VMEM((bpw,), jnp.float32),
            pltpu.VMEM((GATHER_ROWS,), jnp.float32),
            pltpu.VMEM((GATHER_ROWS,), jnp.float32),
            pltpu.VMEM((bpw,), jnp.float32),
            pltpu.VMEM((L,), jnp.float32),
            pltpu.VMEM_SHARED((nf * VPAD,), jnp.float32),
            pltpu.SemaphoreType.DMA,
            pltpu.SemaphoreType.DMA,
            pltpu.SemaphoreType.DMA,
        ],
    )
    def sc_call(*refs):
        x_refs = refs[:nf]
        s_ref, bias_ref = refs[nf], refs[nf + 1]
        pos = nf + 2
        base_ref = refs[pos] if with_base else None
        pos += 1 if with_base else 0
        out_ref = refs[pos]
        (raw, gidx, acc, buf0, buf1, out_v, bias_v, s_spmem,
         sem_i, sem0, sem1) = refs[pos + 1:]

        sid = lax.axis_index("s")
        wid = sid * nc + lax.axis_index("c")
        base = wid * bpw

        copies = [
            pltpu.async_copy(x_refs[f].at[pl.ds(base, bpw)], raw.at[f], sem_i)
            for f in range(nf)
        ]
        copies.append(pltpu.async_copy(bias_ref, bias_v, sem_i))
        if with_base:
            copies.append(
                pltpu.async_copy(base_ref.at[pl.ds(base, bpw)], acc, sem_i))
        spw = nf * VPAD // ns
        pltpu.sync_copy(s_ref.at[pl.ds(sid * spw, spw)],
                        s_spmem.at[pl.ds(sid * spw, spw)])
        for c in copies:
            c.wait()

        if not with_base:
            @plsc.parallel_loop(0, cpf, unroll=4)
            def _(c):
                acc[pl.ds(c * L, L)] = jnp.zeros((L,), jnp.float32)

        for f in range(nf):
            @plsc.parallel_loop(0, cpf, unroll=4)
            def _stage(c):
                vec = raw[f, pl.ds(c * L, L)]
                gidx[f * nchunk + (c >> 3), pl.ds((c & 7) * L, L)] = (
                    vec + f * VPAD)

        plsc.subcore_barrier()

        def accum(buf, r):
            aoff = (r & (nchunk - 1)) * GATHER_ROWS

            @plsc.parallel_loop(0, GATHER_ROWS // L, unroll=4)
            def _(i):
                plsc.addupdate(
                    acc.at[pl.ds(aoff + i * L, L)], buf[pl.ds(i * L, L)])

        pltpu.async_copy(s_spmem.at[gidx.at[0]], buf0, sem0)

        def step(k, _):
            r0 = 2 * k
            pltpu.async_copy(s_spmem.at[gidx.at[r0 + 1]], buf1, sem1)
            pltpu.make_async_copy(s_spmem.at[gidx.at[r0]], buf0, sem0).wait()
            accum(buf0, r0)
            r2 = jnp.minimum(r0 + 2, nrows - 1)
            pltpu.async_copy(s_spmem.at[gidx.at[r2]], buf0, sem0)
            pltpu.make_async_copy(
                s_spmem.at[gidx.at[r0 + 1]], buf1, sem1).wait()
            accum(buf1, r0 + 1)
            return 0

        lax.fori_loop(0, nrows // 2, step, 0)
        pltpu.make_async_copy(
            s_spmem.at[gidx.at[nrows - 1]], buf0, sem0).wait()

        bias_vec = bias_v[...]

        @plsc.parallel_loop(0, cpf, unroll=4)
        def _(c):
            sl = pl.ds(c * L, L)
            out_v[sl] = acc[sl] + bias_vec

        pltpu.sync_copy(out_v, out_ref.at[pl.ds(base, bpw)])

    return sc_call


def kernel(x_0, x_1, x_2, x_3, x_4, x_5, x_6, x_7, x_8, x_9, x_10, x_11,
           x_12, x_13, x_14, x_15, x_16, x_17, x_18, x_19, x_20, x_21, x_22,
           x_23, x_24, x_25, tables, bias):
    xs = (x_0, x_1, x_2, x_3, x_4, x_5, x_6, x_7, x_8, x_9, x_10, x_11,
          x_12, x_13, x_14, x_15, x_16, x_17, x_18, x_19, x_20, x_21, x_22,
          x_23, x_24, x_25)
    chunks = (3, 9, 9, 5)
    tt = jnp.transpose(tables, (0, 2, 1))
    bias_splat = jnp.broadcast_to(jnp.reshape(bias, ()), (L,))
    zeros_splat = jnp.zeros((L,), jnp.float32)
    out = None
    off = 0
    for nf in chunks:
        s = _rowsum_call(nf, off)(tt).reshape(nf * VPAD)
        if out is None:
            out = _gather_call(nf, False)(*xs[:nf], s, bias_splat)
        else:
            out = _gather_call(nf, True)(
                *xs[off:off + nf], s, zeros_splat, out)
        off += nf
    return out.reshape(BATCH, 1)

# --- scband reference (transcript-rebuilt; emitter-appended) ---
"""Pipeline reference for scband-lr-3530463117532 (READ-ONLY COPY).

The authoritative reference and input builder live on the scoring server;
editing this copy changes nothing except your own understanding.
"""

import jax, jax.numpy as jnp
import numpy as np

N_FIELDS = 26
BATCH = 16384
VOCAB = 100000
FEAT_DIM = 16


def setup_inputs(seed: int = 0) -> dict:
    key = jax.random.key(seed)
    inp = {}
    for i in range(N_FIELDS):
        inp[f"x_{i}"] = jax.random.randint(
            jax.random.fold_in(key, i), (BATCH,), 0, VOCAB, dtype=jnp.int32
        )
    # One embedding table per sparse field, stacked: [n_fields, vocab, feat_dim]
    inp["tables"] = jax.random.normal(
        jax.random.fold_in(key, 100), (N_FIELDS, VOCAB, FEAT_DIM), dtype=jnp.float32
    )
    # Linear_bias: Parameter(torch.randn(1)).reshape(1, 1)
    inp["bias"] = jax.random.normal(
        jax.random.fold_in(key, 101), (1,), dtype=jnp.float32
    ).reshape(1, 1)
    return inp


def reference(
    x_0, x_1, x_2, x_3, x_4, x_5, x_6, x_7, x_8, x_9,
    x_10, x_11, x_12, x_13, x_14, x_15, x_16, x_17, x_18, x_19,
    x_20, x_21, x_22, x_23, x_24, x_25,
    tables, bias,
):
    # Stack per-field indices: [n_fields, batch]
    idx = jnp.stack(
        [
            x_0, x_1, x_2, x_3, x_4, x_5, x_6, x_7, x_8, x_9,
            x_10, x_11, x_12, x_13, x_14, x_15, x_16, x_17, x_18, x_19,
            x_20, x_21, x_22, x_23, x_24, x_25,
        ],
        axis=0,
    )
    # Emulate nn.Embedding(padding_idx=0): row 0 of every table is zero
    tables = tables.at[:, 0, :].set(0.0)
    # Per-field gather: [n_fields, batch, feat_dim]
    emb = jax.vmap(lambda t, i: jnp.take(t, i, axis=0))(tables, idx)
    # torch.cat(emb_ls, dim=1) then sum(dim=1, keepdim=True) == sum over fields and feat dim
    linear_logit = jnp.sum(emb, axis=(0, 2))[:, None] + bias
    return linear_logit

if __name__ == "__main__":
    import jax
    _d = setup_inputs()
    print(jax.jit(kernel)(*tuple(_d.values())))

</pallas_src>

<mosaic_0001>
#map = affine_map<(d0, d1) -> (0)>
module attributes {stable_mosaic.version = 14 : i64} {
  func.func @sc_call(%arg0: i32, %arg1: i32, %arg2: memref<16384xi32, #tpu.memory_space<hbm>>, %arg3: memref<16384xi32, #tpu.memory_space<hbm>>, %arg4: memref<16384xi32, #tpu.memory_space<hbm>>, %arg5: memref<16384xi32, #tpu.memory_space<hbm>>, %arg6: memref<16384xi32, #tpu.memory_space<hbm>>, %arg7: memref<16384xi32, #tpu.memory_space<hbm>>, %arg8: memref<16384xi32, #tpu.memory_space<hbm>>, %arg9: memref<16384xi32, #tpu.memory_space<hbm>>, %arg10: memref<16384xi32, #tpu.memory_space<hbm>>, %arg11: memref<903168xf32, #tpu.memory_space<hbm>>, %arg12: memref<16xf32, #tpu.memory_space<hbm>>, %arg13: memref<16384xf32, #tpu.memory_space<hbm>>, %arg14: memref<16384xf32, #tpu.memory_space<hbm>>, %arg15: memref<9x512xi32, #tpu.memory_space<vmem>>, %arg16: memref<36x128xi32, #tpu.memory_space<vmem>>, %arg17: memref<512xf32, #tpu.memory_space<vmem>>, %arg18: memref<128xf32, #tpu.memory_space<vmem>>, %arg19: memref<128xf32, #tpu.memory_space<vmem>>, %arg20: memref<512xf32, #tpu.memory_space<vmem>>, %arg21: memref<16xf32, #tpu.memory_space<vmem>>, %arg22: memref<903168xf32, #tpu.memory_space<vmem_shared>>, %arg23: memref<!tpu.dma_semaphore, #tpu.memory_space<semaphore_mem>>, %arg24: memref<!tpu.dma_semaphore, #tpu.memory_space<semaphore_mem>>, %arg25: memref<!tpu.dma_semaphore, #tpu.memory_space<semaphore_mem>>) attributes {dimension_semantics = [#tpu.dimension_semantics<core_parallel>, #tpu.dimension_semantics<subcore_parallel>], iteration_bounds = array<i64: 2, 16>, scalar_prefetch = 0 : i64, scratch_operands = 11 : i64, tpu.core_type = #tpu.core_type<sc_vector_subcore>, window_params = [{transform_indices = #map}, {transform_indices = #map}, {transform_indices = #map}, {transform_indices = #map}, {transform_indices = #map}, {transform_indices = #map}, {transform_indices = #map}, {transform_indices = #map}, {transform_indices = #map}, {transform_indices = #map}, {transform_indices = #map}, {transform_indices = #map}, {transform_indices = #map}]} {
    %mul3A = arith.constant 2 : i32
    %mul3A_0 = arith.muli %arg1, %mul3A : i32
    %add3A = arith.addi %mul3A_0, %arg0 : i32
    %mul3A_1 = arith.constant 512 : i32
    %mul3A_2 = arith.muli %add3A, %mul3A_1 : i32
    %dma_start3A = arith.constant 0 : i32
    %dma_start3A_3 = arith.constant 0 : i32
    %dma_start3A_4 = tpu.memref_slice %arg15[%dma_start3A, %dma_start3A_3] : memref<9x512xi32, #tpu.memory_space<vmem>> -> memref<1x512xi32, #tpu.memory_space<vmem>>
    %dma_start3A_5 = tpu.memref_squeeze %dma_start3A_4 : memref<1x512xi32, #tpu.memory_space<vmem>> -> memref<512xi32, #tpu.memory_space<vmem>>
    %dma_start3A_6 = tpu.memref_slice %arg2[%mul3A_2] : memref<16384xi32, #tpu.memory_space<hbm>> -> memref<512xi32, #tpu.memory_space<hbm>>
    %dma_start3A_7 = arith.constant 0 : i32
    %dma_start3A_8 = tpu.memref_slice %arg15[%dma_start3A, %dma_start3A_7] : memref<9x512xi32, #tpu.memory_space<vmem>> -> memref<1x512xi32, #tpu.memory_space<vmem>>
    %dma_start3A_9 = tpu.memref_squeeze %dma_start3A_8 : memref<1x512xi32, #tpu.memory_space<vmem>> -> memref<512xi32, #tpu.memory_space<vmem>>
    %dma_start3A_10 = tpu.memref_slice %arg2[%mul3A_2] : memref<16384xi32, #tpu.memory_space<hbm>> -> memref<512xi32, #tpu.memory_space<hbm>>
    tpu.enqueue_dma source(%dma_start3A_10 : memref<512xi32, #tpu.memory_space<hbm>>) target(%dma_start3A_9 : memref<512xi32, #tpu.memory_space<vmem>>) target_semaphore(%arg23 : memref<!tpu.dma_semaphore, #tpu.memory_space<semaphore_mem>>)
    %dma_start3A_11 = arith.constant 1 : i32
    %dma_start3A_12 = arith.constant 0 : i32
    %dma_start3A_13 = tpu.memref_slice %arg15[%dma_start3A_11, %dma_start3A_12] : memref<9x512xi32, #tpu.memory_space<vmem>> -> memref<1x512xi32, #tpu.memory_space<vmem>>
    %dma_start3A_14 = tpu.memref_squeeze %dma_start3A_13 : memref<1x512xi32, #tpu.memory_space<vmem>> -> memref<512xi32, #tpu.memory_space<vmem>>
    %dma_start3A_15 = tpu.memref_slice %arg3[%mul3A_2] : memref<16384xi32, #tpu.memory_space<hbm>> -> memref<512xi32, #tpu.memory_space<hbm>>
    %dma_start3A_16 = arith.constant 0 : i32
    %dma_start3A_17 = tpu.memref_slice %arg15[%dma_start3A_11, %dma_start3A_16] : memref<9x512xi32, #tpu.memory_space<vmem>> -> memref<1x512xi32, #tpu.memory_space<vmem>>
    %dma_start3A_18 = tpu.memref_squeeze %dma_start3A_17 : memref<1x512xi32, #tpu.memory_space<vmem>> -> memref<512xi32, #tpu.memory_space<vmem>>
    %dma_start3A_19 = tpu.memref_slice %arg3[%mul3A_2] : memref<16384xi32, #tpu.memory_space<hbm>> -> memref<512xi32, #tpu.memory_space<hbm>>
    tpu.enqueue_dma source(%dma_start3A_19 : memref<512xi32, #tpu.memory_space<hbm>>) target(%dma_start3A_18 : memref<512xi32, #tpu.memory_space<vmem>>) target_semaphore(%arg23 : memref<!tpu.dma_semaphore, #tpu.memory_space<semaphore_mem>>)
    %dma_start3A_20 = arith.constant 2 : i32
    %dma_start3A_21 = arith.constant 0 : i32
    %dma_start3A_22 = tpu.memref_slice %arg15[%dma_start3A_20, %dma_start3A_21] : memref<9x512xi32, #tpu.memory_space<vmem>> -> memref<1x512xi32, #tpu.memory_space<vmem>>
    %dma_start3A_23 = tpu.memref_squeeze %dma_start3A_22 : memref<1x512xi32, #tpu.memory_space<vmem>> -> memref<512xi32, #tpu.memory_space<vmem>>
    %dma_start3A_24 = tpu.memref_slice %arg4[%mul3A_2] : memref<16384xi32, #tpu.memory_space<hbm>> -> memref<512xi32, #tpu.memory_space<hbm>>
    %dma_start3A_25 = arith.constant 0 : i32
    %dma_start3A_26 = tpu.memref_slice %arg15[%dma_start3A_20, %dma_start3A_25] : memref<9x512xi32, #tpu.memory_space<vmem>> -> memref<1x512xi32, #tpu.memory_space<vmem>>
    %dma_start3A_27 = tpu.memref_squeeze %dma_start3A_26 : memref<1x512xi32, #tpu.memory_space<vmem>> -> memref<512xi32, #tpu.memory_space<vmem>>
    %dma_start3A_28 = tpu.memref_slice %arg4[%mul3A_2] : memref<16384xi32, #tpu.memory_space<hbm>> -> memref<512xi32, #tpu.memory_space<hbm>>
    tpu.enqueue_dma source(%dma_start3A_28 : memref<512xi32, #tpu.memory_space<hbm>>) target(%dma_start3A_27 : memref<512xi32, #tpu.memory_space<vmem>>) target_semaphore(%arg23 : memref<!tpu.dma_semaphore, #tpu.memory_space<semaphore_mem>>)
    %dma_start3A_29 = arith.constant 3 : i32
    %dma_start3A_30 = arith.constant 0 : i32
    %dma_start3A_31 = tpu.memref_slice %arg15[%dma_start3A_29, %dma_start3A_30] : memref<9x512xi32, #tpu.memory_space<vmem>> -> memref<1x512xi32, #tpu.memory_space<vmem>>
    %dma_start3A_32 = tpu.memref_squeeze %dma_start3A_31 : memref<1x512xi32, #tpu.memory_space<vmem>> -> memref<512xi32, #tpu.memory_space<vmem>>
    %dma_start3A_33 = tpu.memref_slice %arg5[%mul3A_2] : memref<16384xi32, #tpu.memory_space<hbm>> -> memref<512xi32, #tpu.memory_space<hbm>>
    %dma_start3A_34 = arith.constant 0 : i32
    %dma_start3A_35 = tpu.memref_slice %arg15[%dma_start3A_29, %dma_start3A_34] : memref<9x512xi32, #tpu.memory_space<vmem>> -> memref<1x512xi32, #tpu.memory_space<vmem>>
    %dma_start3A_36 = tpu.memref_squeeze %dma_start3A_35 : memref<1x512xi32, #tpu.memory_space<vmem>> -> memref<512xi32, #tpu.memory_space<vmem>>
    %dma_start3A_37 = tpu.memref_slice %arg5[%mul3A_2] : memref<16384xi32, #tpu.memory_space<hbm>> -> memref<512xi32, #tpu.memory_space<hbm>>
    tpu.enqueue_dma source(%dma_start3A_37 : memref<512xi32, #tpu.memory_space<hbm>>) target(%dma_start3A_36 : memref<512xi32, #tpu.memory_space<vmem>>) target_semaphore(%arg23 : memref<!tpu.dma_semaphore, #tpu.memory_space<semaphore_mem>>)
    %dma_start3A_38 = arith.constant 4 : i32
    %dma_start3A_39 = arith.constant 0 : i32
    %dma_start3A_40 = tpu.memref_slice %arg15[%dma_start3A_38, %dma_start3A_39] : memref<9x512xi32, #tpu.memory_space<vmem>> -> memref<1x512xi32, #tpu.memory_space<vmem>>
    %dma_start3A_41 = tpu.memref_squeeze %dma_start3A_40 : memref<1x512xi32, #tpu.memory_space<vmem>> -> memref<512xi32, #tpu.memory_space<vmem>>
    %dma_start3A_42 = tpu.memref_slice %arg6[%mul3A_2] : memref<16384xi32, #tpu.memory_space<hbm>> -> memref<512xi32, #tpu.memory_space<hbm>>
    %dma_start3A_43 = arith.constant 0 : i32
    %dma_start3A_44 = tpu.memref_slice %arg15[%dma_start3A_38, %dma_start3A_43] : memref<9x512xi32, #tpu.memory_space<vmem>> -> memref<1x512xi32, #tpu.memory_space<vmem>>
    %dma_start3A_45 = tpu.memref_squeeze %dma_start3A_44 : memref<1x512xi32, #tpu.memory_space<vmem>> -> memref<512xi32, #tpu.memory_space<vmem>>
    %dma_start3A_46 = tpu.memref_slice %arg6[%mul3A_2] : memref<16384xi32, #tpu.memory_space<hbm>> -> memref<512xi32, #tpu.memory_space<hbm>>
    tpu.enqueue_dma source(%dma_start3A_46 : memref<512xi32, #tpu.memory_space<hbm>>) target(%dma_start3A_45 : memref<512xi32, #tpu.memory_space<vmem>>) target_semaphore(%arg23 : memref<!tpu.dma_semaphore, #tpu.memory_space<semaphore_mem>>)
    %dma_start3A_47 = arith.constant 5 : i32
    %dma_start3A_48 = arith.constant 0 : i32
    %dma_start3A_49 = tpu.memref_slice %arg15[%dma_start3A_47, %dma_start3A_48] : memref<9x512xi32, #tpu.memory_space<vmem>> -> memref<1x512xi32, #tpu.memory_space<vmem>>
    %dma_start3A_50 = tpu.memref_squeeze %dma_start3A_49 : memref<1x512xi32, #tpu.memory_space<vmem>> -> memref<512xi32, #tpu.memory_space<vmem>>
    %dma_start3A_51 = tpu.memref_slice %arg7[%mul3A_2] : memref<16384xi32, #tpu.memory_space<hbm>> -> memref<512xi32, #tpu.memory_space<hbm>>
    %dma_start3A_52 = arith.constant 0 : i32
    %dma_start3A_53 = tpu.memref_slice %arg15[%dma_start3A_47, %dma_start3A_52] : memref<9x512xi32, #tpu.memory_space<vmem>> -> memref<1x512xi32, #tpu.memory_space<vmem>>
    %dma_start3A_54 = tpu.memref_squeeze %dma_start3A_53 : memref<1x512xi32, #tpu.memory_space<vmem>> -> memref<512xi32, #tpu.memory_space<vmem>>
    %dma_start3A_55 = tpu.memref_slice %arg7[%mul3A_2] : memref<16384xi32, #tpu.memory_space<hbm>> -> memref<512xi32, #tpu.memory_space<hbm>>
    tpu.enqueue_dma source(%dma_start3A_55 : memref<512xi32, #tpu.memory_space<hbm>>) target(%dma_start3A_54 : memref<512xi32, #tpu.memory_space<vmem>>) target_semaphore(%arg23 : memref<!tpu.dma_semaphore, #tpu.memory_space<semaphore_mem>>)
    %dma_start3A_56 = arith.constant 6 : i32
    %dma_start3A_57 = arith.constant 0 : i32
    %dma_start3A_58 = tpu.memref_slice %arg15[%dma_start3A_56, %dma_start3A_57] : memref<9x512xi32, #tpu.memory_space<vmem>> -> memref<1x512xi32, #tpu.memory_space<vmem>>
    %dma_start3A_59 = tpu.memref_squeeze %dma_start3A_58 : memref<1x512xi32, #tpu.memory_space<vmem>> -> memref<512xi32, #tpu.memory_space<vmem>>
    %dma_start3A_60 = tpu.memref_slice %arg8[%mul3A_2] : memref<16384xi32, #tpu.memory_space<hbm>> -> memref<512xi32, #tpu.memory_space<hbm>>
    %dma_start3A_61 = arith.constant 0 : i32
    %dma_start3A_62 = tpu.memref_slice %arg15[%dma_start3A_56, %dma_start3A_61] : memref<9x512xi32, #tpu.memory_space<vmem>> -> memref<1x512xi32, #tpu.memory_space<vmem>>
    %dma_start3A_63 = tpu.memref_squeeze %dma_start3A_62 : memref<1x512xi32, #tpu.memory_space<vmem>> -> memref<512xi32, #tpu.memory_space<vmem>>
    %dma_start3A_64 = tpu.memref_slice %arg8[%mul3A_2] : memref<16384xi32, #tpu.memory_space<hbm>> -> memref<512xi32, #tpu.memory_space<hbm>>
    tpu.enqueue_dma source(%dma_start3A_64 : memref<512xi32, #tpu.memory_space<hbm>>) target(%dma_start3A_63 : memref<512xi32, #tpu.memory_space<vmem>>) target_semaphore(%arg23 : memref<!tpu.dma_semaphore, #tpu.memory_space<semaphore_mem>>)
    %dma_start3A_65 = arith.constant 7 : i32
    %dma_start3A_66 = arith.constant 0 : i32
    %dma_start3A_67 = tpu.memref_slice %arg15[%dma_start3A_65, %dma_start3A_66] : memref<9x512xi32, #tpu.memory_space<vmem>> -> memref<1x512xi32, #tpu.memory_space<vmem>>
    %dma_start3A_68 = tpu.memref_squeeze %dma_start3A_67 : memref<1x512xi32, #tpu.memory_space<vmem>> -> memref<512xi32, #tpu.memory_space<vmem>>
    %dma_start3A_69 = tpu.memref_slice %arg9[%mul3A_2] : memref<16384xi32, #tpu.memory_space<hbm>> -> memref<512xi32, #tpu.memory_space<hbm>>
    %dma_start3A_70 = arith.constant 0 : i32
    %dma_start3A_71 = tpu.memref_slice %arg15[%dma_start3A_65, %dma_start3A_70] : memref<9x512xi32, #tpu.memory_space<vmem>> -> memref<1x512xi32, #tpu.memory_space<vmem>>
    %dma_start3A_72 = tpu.memref_squeeze %dma_start3A_71 : memref<1x512xi32, #tpu.memory_space<vmem>> -> memref<512xi32, #tpu.memory_space<vmem>>
    %dma_start3A_73 = tpu.memref_slice %arg9[%mul3A_2] : memref<16384xi32, #tpu.memory_space<hbm>> -> memref<512xi32, #tpu.memory_space<hbm>>
    tpu.enqueue_dma source(%dma_start3A_73 : memref<512xi32, #tpu.memory_space<hbm>>) target(%dma_start3A_72 : memref<512xi32, #tpu.memory_space<vmem>>) target_semaphore(%arg23 : memref<!tpu.dma_semaphore, #tpu.memory_space<semaphore_mem>>)
    %dma_start3A_74 = arith.constant 8 : i32
    %dma_start3A_75 = arith.constant 0 : i32
    %dma_start3A_76 = tpu.memref_slice %arg15[%dma_start3A_74, %dma_start3A_75] : memref<9x512xi32, #tpu.memory_space<vmem>> -> memref<1x512xi32, #tpu.memory_space<vmem>>
    %dma_start3A_77 = tpu.memref_squeeze %dma_start3A_76 : memref<1x512xi32, #tpu.memory_space<vmem>> -> memref<512xi32, #tpu.memory_space<vmem>>
    %dma_start3A_78 = tpu.memref_slice %arg10[%mul3A_2] : memref<16384xi32, #tpu.memory_space<hbm>> -> memref<512xi32, #tpu.memory_space<hbm>>
    %dma_start3A_79 = arith.constant 0 : i32
    %dma_start3A_80 = tpu.memref_slice %arg15[%dma_start3A_74, %dma_start3A_79] : memref<9x512xi32, #tpu.memory_space<vmem>> -> memref<1x512xi32, #tpu.memory_space<vmem>>
    %dma_start3A_81 = tpu.memref_squeeze %dma_start3A_80 : memref<1x512xi32, #tpu.memory_space<vmem>> -> memref<512xi32, #tpu.memory_space<vmem>>
    %dma_start3A_82 = tpu.memref_slice %arg10[%mul3A_2] : memref<16384xi32, #tpu.memory_space<hbm>> -> memref<512xi32, #tpu.memory_space<hbm>>
    tpu.enqueue_dma source(%dma_start3A_82 : memref<512xi32, #tpu.memory_space<hbm>>) target(%dma_start3A_81 : memref<512xi32, #tpu.memory_space<vmem>>) target_semaphore(%arg23 : memref<!tpu.dma_semaphore, #tpu.memory_space<semaphore_mem>>)
    tpu.enqueue_dma source(%arg12 : memref<16xf32, #tpu.memory_space<hbm>>) target(%arg21 : memref<16xf32, #tpu.memory_space<vmem>>) target_semaphore(%arg23 : memref<!tpu.dma_semaphore, #tpu.memory_space<semaphore_mem>>)
    %dma_start3A_83 = tpu.memref_slice %arg13[%mul3A_2] : memref<16384xf32, #tpu.memory_space<hbm>> -> memref<512xf32, #tpu.memory_space<hbm>>
    %dma_start3A_84 = tpu.memref_slice %arg13[%mul3A_2] : memref<16384xf32, #tpu.memory_space<hbm>> -> memref<512xf32, #tpu.memory_space<hbm>>
    tpu.enqueue_dma source(%dma_start3A_84 : memref<512xf32, #tpu.memory_space<hbm>>) target(%arg17 : memref<512xf32, #tpu.memory_space<vmem>>) target_semaphore(%arg23 : memref<!tpu.dma_semaphore, #tpu.memory_space<semaphore_mem>>)
    %mul3A_85 = arith.constant 56448 : i32
    %mul3A_86 = arith.muli %arg1, %mul3A_85 : i32
    %mul3A_87 = arith.constant 56448 : i32
    %mul3A_88 = arith.muli %arg1, %mul3A_87 : i32
    "tpu.region"() ({
      %run_scoped3A = tpu.sem_alloc : memref<!tpu.dma_semaphore, #tpu.memory_space<semaphore_mem>>
      %dma_start3A_219 = tpu.memref_slice %arg22[%mul3A_88] : memref<903168xf32, #tpu.memory_space<vmem_shared>> -> memref<56448xf32, #tpu.memory_space<vmem_shared>>
      %dma_start3A_220 = tpu.memref_slice %arg11[%mul3A_86] : memref<903168xf32, #tpu.memory_space<hbm>> -> memref<56448xf32, #tpu.memory_space<hbm>>
      tpu.enqueue_dma source(%dma_start3A_220 : memref<56448xf32, #tpu.memory_space<hbm>>) target(%dma_start3A_219 : memref<56448xf32, #tpu.memory_space<vmem_shared>>) target_semaphore(%run_scoped3A : memref<!tpu.dma_semaphore, #tpu.memory_space<semaphore_mem>>)
      %dma_wait3A_221 = tpu.memref_slice %arg22[%mul3A_88] : memref<903168xf32, #tpu.memory_space<vmem_shared>> -> memref<56448xf32, #tpu.memory_space<vmem_shared>>
      %dma_wait3A_222 = tpu.memref_slice %arg11[%mul3A_86] : memref<903168xf32, #tpu.memory_space<hbm>> -> memref<56448xf32, #tpu.memory_space<hbm>>
      tpu.wait_dma2 semaphore(%run_scoped3A : memref<!tpu.dma_semaphore, #tpu.memory_space<semaphore_mem>>) src(%dma_wait3A_222 : memref<56448xf32, #tpu.memory_space<hbm>>) dst(%dma_wait3A_221 : memref<56448xf32, #tpu.memory_space<vmem_shared>>)
      tpu.yield
    }) : () -> ()
    %dma_wait3A = arith.constant 0 : i32
    %dma_wait3A_89 = arith.constant 0 : i32
    %dma_wait3A_90 = tpu.memref_slice %arg15[%dma_wait3A, %dma_wait3A_89] : memref<9x512xi32, #tpu.memory_space<vmem>> -> memref<1x512xi32, #tpu.memory_space<vmem>>
    %dma_wait3A_91 = tpu.memref_squeeze %dma_wait3A_90 : memref<1x512xi32, #tpu.memory_space<vmem>> -> memref<512xi32, #tpu.memory_space<vmem>>
    %dma_wait3A_92 = tpu.memref_slice %arg2[%mul3A_2] : memref<16384xi32, #tpu.memory_space<hbm>> -> memref<512xi32, #tpu.memory_space<hbm>>
    %dma_wait3A_93 = arith.constant 0 : i32
    %dma_wait3A_94 = tpu.memref_slice %arg15[%dma_wait3A, %dma_wait3A_93] : memref<9x512xi32, #tpu.memory_space<vmem>> -> memref<1x512xi32, #tpu.memory_space<vmem>>
    %dma_wait3A_95 = tpu.memref_squeeze %dma_wait3A_94 : memref<1x512xi32, #tpu.memory_space<vmem>> -> memref<512xi32, #tpu.memory_space<vmem>>
    %dma_wait3A_96 = tpu.memref_slice %arg2[%mul3A_2] : memref<16384xi32, #tpu.memory_space<hbm>> -> memref<512xi32, #tpu.memory_space<hbm>>
    tpu.wait_dma2 semaphore(%arg23 : memref<!tpu.dma_semaphore, #tpu.memory_space<semaphore_mem>>) src(%dma_wait3A_96 : memref<512xi32, #tpu.memory_space<hbm>>) dst(%dma_wait3A_95 : memref<512xi32, #tpu.memory_space<vmem>>)
    %dma_wait3A_97 = arith.constant 1 : i32
    %dma_wait3A_98 = arith.constant 0 : i32
    %dma_wait3A_99 = tpu.memref_slice %arg15[%dma_wait3A_97, %dma_wait3A_98] : memref<9x512xi32, #tpu.memory_space<vmem>> -> memref<1x512xi32, #tpu.memory_space<vmem>>
    %dma_wait3A_100 = tpu.memref_squeeze %dma_wait3A_99 : memref<1x512xi32, #tpu.memory_space<vmem>> -> memref<512xi32, #tpu.memory_space<vmem>>
    %dma_wait3A_101 = tpu.memref_slice %arg3[%mul3A_2] : memref<16384xi32, #tpu.memory_space<hbm>> -> memref<512xi32, #tpu.memory_space<hbm>>
    %dma_wait3A_102 = arith.constant 0 : i32
    %dma_wait3A_103 = tpu.memref_slice %arg15[%dma_wait3A_97, %dma_wait3A_102] : memref<9x512xi32, #tpu.memory_space<vmem>> -> memref<1x512xi32, #tpu.memory_space<vmem>>
    %dma_wait3A_104 = tpu.memref_squeeze %dma_wait3A_103 : memref<1x512xi32, #tpu.memory_space<vmem>> -> memref<512xi32, #tpu.memory_space<vmem>>
    %dma_wait3A_105 = tpu.memref_slice %arg3[%mul3A_2] : memref<16384xi32, #tpu.memory_space<hbm>> -> memref<512xi32, #tpu.memory_space<hbm>>
    tpu.wait_dma2 semaphore(%arg23 : memref<!tpu.dma_semaphore, #tpu.memory_space<semaphore_mem>>) src(%dma_wait3A_105 : memref<512xi32, #tpu.memory_space<hbm>>) dst(%dma_wait3A_104 : memref<512xi32, #tpu.memory_space<vmem>>)
    %dma_wait3A_106 = arith.constant 2 : i32
    %dma_wait3A_107 = arith.constant 0 : i32
    %dma_wait3A_108 = tpu.memref_slice %arg15[%dma_wait3A_106, %dma_wait3A_107] : memref<9x512xi32, #tpu.memory_space<vmem>> -> memref<1x512xi32, #tpu.memory_space<vmem>>
    %dma_wait3A_109 = tpu.memref_squeeze %dma_wait3A_108 : memref<1x512xi32, #tpu.memory_space<vmem>> -> memref<512xi32, #tpu.memory_space<vmem>>
    %dma_wait3A_110 = tpu.memref_slice %arg4[%mul3A_2] : memref<16384xi32, #tpu.memory_space<hbm>> -> memref<512xi32, #tpu.memory_space<hbm>>
    %dma_wait3A_111 = arith.constant 0 : i32
    %dma_wait3A_112 = tpu.memref_slice %arg15[%dma_wait3A_106, %dma_wait3A_111] : memref<9x512xi32, #tpu.memory_space<vmem>> -> memref<1x512xi32, #tpu.memory_space<vmem>>
    %dma_wait3A_113 = tpu.memref_squeeze %dma_wait3A_112 : memref<1x512xi32, #tpu.memory_space<vmem>> -> memref<512xi32, #tpu.memory_space<vmem>>
    %dma_wait3A_114 = tpu.memref_slice %arg4[%mul3A_2] : memref<16384xi32, #tpu.memory_space<hbm>> -> memref<512xi32, #tpu.memory_space<hbm>>
    tpu.wait_dma2 semaphore(%arg23 : memref<!tpu.dma_semaphore, #tpu.memory_space<semaphore_mem>>) src(%dma_wait3A_114 : memref<512xi32, #tpu.memory_space<hbm>>) dst(%dma_wait3A_113 : memref<512xi32, #tpu.memory_space<vmem>>)
    %dma_wait3A_115 = arith.constant 3 : i32
    %dma_wait3A_116 = arith.constant 0 : i32
    %dma_wait3A_117 = tpu.memref_slice %arg15[%dma_wait3A_115, %dma_wait3A_116] : memref<9x512xi32, #tpu.memory_space<vmem>> -> memref<1x512xi32, #tpu.memory_space<vmem>>
    %dma_wait3A_118 = tpu.memref_squeeze %dma_wait3A_117 : memref<1x512xi32, #tpu.memory_space<vmem>> -> memref<512xi32, #tpu.memory_space<vmem>>
    %dma_wait3A_119 = tpu.memref_slice %arg5[%mul3A_2] : memref<16384xi32, #tpu.memory_space<hbm>> -> memref<512xi32, #tpu.memory_space<hbm>>
    %dma_wait3A_120 = arith.constant 0 : i32
    %dma_wait3A_121 = tpu.memref_slice %arg15[%dma_wait3A_115, %dma_wait3A_120] : memref<9x512xi32, #tpu.memory_space<vmem>> -> memref<1x512xi32, #tpu.memory_space<vmem>>
    %dma_wait3A_122 = tpu.memref_squeeze %dma_wait3A_121 : memref<1x512xi32, #tpu.memory_space<vmem>> -> memref<512xi32, #tpu.memory_space<vmem>>
    %dma_wait3A_123 = tpu.memref_slice %arg5[%mul3A_2] : memref<16384xi32, #tpu.memory_space<hbm>> -> memref<512xi32, #tpu.memory_space<hbm>>
    tpu.wait_dma2 semaphore(%arg23 : memref<!tpu.dma_semaphore, #tpu.memory_space<semaphore_mem>>) src(%dma_wait3A_123 : memref<512xi32, #tpu.memory_space<hbm>>) dst(%dma_wait3A_122 : memref<512xi32, #tpu.memory_space<vmem>>)
    %dma_wait3A_124 = arith.constant 4 : i32
    %dma_wait3A_125 = arith.constant 0 : i32
    %dma_wait3A_126 = tpu.memref_slice %arg15[%dma_wait3A_124, %dma_wait3A_125] : memref<9x512xi32, #tpu.memory_space<vmem>> -> memref<1x512xi32, #tpu.memory_space<vmem>>
    %dma_wait3A_127 = tpu.memref_squeeze %dma_wait3A_126 : memref<1x512xi32, #tpu.memory_space<vmem>> -> memref<512xi32, #tpu.memory_space<vmem>>
    %dma_wait3A_128 = tpu.memref_slice %arg6[%mul3A_2] : memref<16384xi32, #tpu.memory_space<hbm>> -> memref<512xi32, #tpu.memory_space<hbm>>
    %dma_wait3A_129 = arith.constant 0 : i32
    %dma_wait3A_130 = tpu.memref_slice %arg15[%dma_wait3A_124, %dma_wait3A_129] : memref<9x512xi32, #tpu.memory_space<vmem>> -> memref<1x512xi32, #tpu.memory_space<vmem>>
    %dma_wait3A_131 = tpu.memref_squeeze %dma_wait3A_130 : memref<1x512xi32, #tpu.memory_space<vmem>> -> memref<512xi32, #tpu.memory_space<vmem>>
    %dma_wait3A_132 = tpu.memref_slice %arg6[%mul3A_2] : memref<16384xi32, #tpu.memory_space<hbm>> -> memref<512xi32, #tpu.memory_space<hbm>>
    tpu.wait_dma2 semaphore(%arg23 : memref<!tpu.dma_semaphore, #tpu.memory_space<semaphore_mem>>) src(%dma_wait3A_132 : memref<512xi32, #tpu.memory_space<hbm>>) dst(%dma_wait3A_131 : memref<512xi32, #tpu.memory_space<vmem>>)
    %dma_wait3A_133 = arith.constant 5 : i32
    %dma_wait3A_134 = arith.constant 0 : i32
    %dma_wait3A_135 = tpu.memref_slice %arg15[%dma_wait3A_133, %dma_wait3A_134] : memref<9x512xi32, #tpu.memory_space<vmem>> -> memref<1x512xi32, #tpu.memory_space<vmem>>
    %dma_wait3A_136 = tpu.memref_squeeze %dma_wait3A_135 : memref<1x512xi32, #tpu.memory_space<vmem>> -> memref<512xi32, #tpu.memory_space<vmem>>
    %dma_wait3A_137 = tpu.memref_slice %arg7[%mul3A_2] : memref<16384xi32, #tpu.memory_space<hbm>> -> memref<512xi32, #tpu.memory_space<hbm>>
    %dma_wait3A_138 = arith.constant 0 : i32
    %dma_wait3A_139 = tpu.memref_slice %arg15[%dma_wait3A_133, %dma_wait3A_138] : memref<9x512xi32, #tpu.memory_space<vmem>> -> memref<1x512xi32, #tpu.memory_space<vmem>>
    %dma_wait3A_140 = tpu.memref_squeeze %dma_wait3A_139 : memref<1x512xi32, #tpu.memory_space<vmem>> -> memref<512xi32, #tpu.memory_space<vmem>>
    %dma_wait3A_141 = tpu.memref_slice %arg7[%mul3A_2] : memref<16384xi32, #tpu.memory_space<hbm>> -> memref<512xi32, #tpu.memory_space<hbm>>
    tpu.wait_dma2 semaphore(%arg23 : memref<!tpu.dma_semaphore, #tpu.memory_space<semaphore_mem>>) src(%dma_wait3A_141 : memref<512xi32, #tpu.memory_space<hbm>>) dst(%dma_wait3A_140 : memref<512xi32, #tpu.memory_space<vmem>>)
    %dma_wait3A_142 = arith.constant 6 : i32
    %dma_wait3A_143 = arith.constant 0 : i32
    %dma_wait3A_144 = tpu.memref_slice %arg15[%dma_wait3A_142, %dma_wait3A_143] : memref<9x512xi32, #tpu.memory_space<vmem>> -> memref<1x512xi32, #tpu.memory_space<vmem>>
    %dma_wait3A_145 = tpu.memref_squeeze %dma_wait3A_144 : memref<1x512xi32, #tpu.memory_space<vmem>> -> memref<512xi32, #tpu.memory_space<vmem>>
    %dma_wait3A_146 = tpu.memref_slice %arg8[%mul3A_2] : memref<16384xi32, #tpu.memory_space<hbm>> -> memref<512xi32, #tpu.memory_space<hbm>>
    %dma_wait3A_147 = arith.constant 0 : i32
    %dma_wait3A_148 = tpu.memref_slice %arg15[%dma_wait3A_142, %dma_wait3A_147] : memref<9x512xi32, #tpu.memory_space<vmem>> -> memref<1x512xi32, #tpu.memory_space<vmem>>
    %dma_wait3A_149 = tpu.memref_squeeze %dma_wait3A_148 : memref<1x512xi32, #tpu.memory_space<vmem>> -> memref<512xi32, #tpu.memory_space<vmem>>
    %dma_wait3A_150 = tpu.memref_slice %arg8[%mul3A_2] : memref<16384xi32, #tpu.memory_space<hbm>> -> memref<512xi32, #tpu.memory_space<hbm>>
    tpu.wait_dma2 semaphore(%arg23 : memref<!tpu.dma_semaphore, #tpu.memory_space<semaphore_mem>>) src(%dma_wait3A_150 : memref<512xi32, #tpu.memory_space<hbm>>) dst(%dma_wait3A_149 : memref<512xi32, #tpu.memory_space<vmem>>)
    %dma_wait3A_151 = arith.constant 7 : i32
    %dma_wait3A_152 = arith.constant 0 : i32
    %dma_wait3A_153 = tpu.memref_slice %arg15[%dma_wait3A_151, %dma_wait3A_152] : memref<9x512xi32, #tpu.memory_space<vmem>> -> memref<1x512xi32, #tpu.memory_space<vmem>>
    %dma_wait3A_154 = tpu.memref_squeeze %dma_wait3A_153 : memref<1x512xi32, #tpu.memory_space<vmem>> -> memref<512xi32, #tpu.memory_space<vmem>>
    %dma_wait3A_155 = tpu.memref_slice %arg9[%mul3A_2] : memref<16384xi32, #tpu.memory_space<hbm>> -> memref<512xi32, #tpu.memory_space<hbm>>
    %dma_wait3A_156 = arith.constant 0 : i32
    %dma_wait3A_157 = tpu.memref_slice %arg15[%dma_wait3A_151, %dma_wait3A_156] : memref<9x512xi32, #tpu.memory_space<vmem>> -> memref<1x512xi32, #tpu.memory_space<vmem>>
    %dma_wait3A_158 = tpu.memref_squeeze %dma_wait3A_157 : memref<1x512xi32, #tpu.memory_space<vmem>> -> memref<512xi32, #tpu.memory_space<vmem>>
    %dma_wait3A_159 = tpu.memref_slice %arg9[%mul3A_2] : memref<16384xi32, #tpu.memory_space<hbm>> -> memref<512xi32, #tpu.memory_space<hbm>>
    tpu.wait_dma2 semaphore(%arg23 : memref<!tpu.dma_semaphore, #tpu.memory_space<semaphore_mem>>) src(%dma_wait3A_159 : memref<512xi32, #tpu.memory_space<hbm>>) dst(%dma_wait3A_158 : memref<512xi32, #tpu.memory_space<vmem>>)
    %dma_wait3A_160 = arith.constant 8 : i32
    %dma_wait3A_161 = arith.constant 0 : i32
    %dma_wait3A_162 = tpu.memref_slice %arg15[%dma_wait3A_160, %dma_wait3A_161] : memref<9x512xi32, #tpu.memory_space<vmem>> -> memref<1x512xi32, #tpu.memory_space<vmem>>
    %dma_wait3A_163 = tpu.memref_squeeze %dma_wait3A_162 : memref<1x512xi32, #tpu.memory_space<vmem>> -> memref<512xi32, #tpu.memory_space<vmem>>
    %dma_wait3A_164 = tpu.memref_slice %arg10[%mul3A_2] : memref<16384xi32, #tpu.memory_space<hbm>> -> memref<512xi32, #tpu.memory_space<hbm>>
    %dma_wait3A_165 = arith.constant 0 : i32
    %dma_wait3A_166 = tpu.memref_slice %arg15[%dma_wait3A_160, %dma_wait3A_165] : memref<9x512xi32, #tpu.memory_space<vmem>> -> memref<1x512xi32, #tpu.memory_space<vmem>>
    %dma_wait3A_167 = tpu.memref_squeeze %dma_wait3A_166 : memref<1x512xi32, #tpu.memory_space<vmem>> -> memref<512xi32, #tpu.memory_space<vmem>>
    %dma_wait3A_168 = tpu.memref_slice %arg10[%mul3A_2] : memref<16384xi32, #tpu.memory_space<hbm>> -> memref<512xi32, #tpu.memory_space<hbm>>
    tpu.wait_dma2 semaphore(%arg23 : memref<!tpu.dma_semaphore, #tpu.memory_space<semaphore_mem>>) src(%dma_wait3A_168 : memref<512xi32, #tpu.memory_space<hbm>>) dst(%dma_wait3A_167 : memref<512xi32, #tpu.memory_space<vmem>>)
    tpu.wait_dma2 semaphore(%arg23 : memref<!tpu.dma_semaphore, #tpu.memory_space<semaphore_mem>>) src(%arg12 : memref<16xf32, #tpu.memory_space<hbm>>) dst(%arg21 : memref<16xf32, #tpu.memory_space<vmem>>)
    %dma_wait3A_169 = tpu.memref_slice %arg13[%mul3A_2] : memref<16384xf32, #tpu.memory_space<hbm>> -> memref<512xf32, #tpu.memory_space<hbm>>
    %dma_wait3A_170 = tpu.memref_slice %arg13[%mul3A_2] : memref<16384xf32, #tpu.memory_space<hbm>> -> memref<512xf32, #tpu.memory_space<hbm>>
    tpu.wait_dma2 semaphore(%arg23 : memref<!tpu.dma_semaphore, #tpu.memory_space<semaphore_mem>>) src(%dma_wait3A_170 : memref<512xf32, #tpu.memory_space<hbm>>) dst(%arg17 : memref<512xf32, #tpu.memory_space<vmem>>)
    %parallel_loop3A = arith.constant 0 : i32
    %parallel_loop3A_171 = arith.constant 32 : i32
    %parallel_loop3A_172 = arith.constant 1 : i32
    scf.for %parallel_loop3A_219 = %parallel_loop3A to %parallel_loop3A_171 step %parallel_loop3A_172  : i32 {
      %parallel_loop3A_220 = arith.constant 16 : i32
      %parallel_loop3A_221 = arith.muli %parallel_loop3A_219, %parallel_loop3A_220 : i32
      %parallel_loop3A_222 = arith.constant 0 : i32
      %parallel_loop3A_223 = arith.index_cast %parallel_loop3A_222 : i32 to index
      %parallel_loop3A_224 = arith.index_cast %parallel_loop3A_221 : i32 to index
      %parallel_loop3A_225 = tpu.vector_load %arg15[%parallel_loop3A_223, %parallel_loop3A_224] {strides = array<i32>} : memref<9x512xi32, #tpu.memory_space<vmem>>, vector<16xi32>,
      %parallel_loop3A_226 = arith.constant 0 : i32
      %parallel_loop3A_227 = vector.broadcast %parallel_loop3A_226 : i32 to vector<16xi32>
      %parallel_loop3A_228 = arith.addi %parallel_loop3A_225, %parallel_loop3A_227 : vector<16xi32>
      %parallel_loop3A_229 = arith.constant 3 : i32
      %parallel_loop3A_230 = arith.shrsi %parallel_loop3A_219, %parallel_loop3A_229 : i32
      %parallel_loop3A_231 = arith.constant 0 : i32
      %parallel_loop3A_232 = arith.addi %parallel_loop3A_231, %parallel_loop3A_230 : i32
      %parallel_loop3A_233 = arith.constant 7 : i32
      %parallel_loop3A_234 = arith.andi %parallel_loop3A_219, %parallel_loop3A_233 : i32
      %parallel_loop3A_235 = arith.constant 16 : i32
      %parallel_loop3A_236 = arith.muli %parallel_loop3A_234, %parallel_loop3A_235 : i32
      %parallel_loop3A_237 = arith.index_cast %parallel_loop3A_232 : i32 to index
      %parallel_loop3A_238 = arith.index_cast %parallel_loop3A_236 : i32 to index
      %parallel_loop3A_239 = tpu.vector_load %arg16[%parallel_loop3A_237, %parallel_loop3A_238] {strides = array<i32>} : memref<36x128xi32, #tpu.memory_space<vmem>>, vector<16xi32>,
      tpu.vector_store %arg16[%parallel_loop3A_237, %parallel_loop3A_238], %parallel_loop3A_228 {strides = array<i32>} : memref<36x128xi32, #tpu.memory_space<vmem>>, vector<16xi32>,
    } {sc.loop_unroll_factor = 4 : i64, sc.parallel_access}
    %parallel_loop3A_173 = arith.constant 0 : i32
    %parallel_loop3A_174 = arith.constant 32 : i32
    %parallel_loop3A_175 = arith.constant 1 : i32
    scf.for %parallel_loop3A_219 = %parallel_loop3A_173 to %parallel_loop3A_174 step %parallel_loop3A_175  : i32 {
      %parallel_loop3A_220 = arith.constant 16 : i32
      %parallel_loop3A_221 = arith.muli %parallel_loop3A_219, %parallel_loop3A_220 : i32
      %parallel_loop3A_222 = arith.constant 1 : i32
      %parallel_loop3A_223 = arith.index_cast %parallel_loop3A_222 : i32 to index
      %parallel_loop3A_224 = arith.index_cast %parallel_loop3A_221 : i32 to index
      %parallel_loop3A_225 = tpu.vector_load %arg15[%parallel_loop3A_223, %parallel_loop3A_224] {strides = array<i32>} : memref<9x512xi32, #tpu.memory_space<vmem>>, vector<16xi32>,
      %parallel_loop3A_226 = arith.constant 100352 : i32
      %parallel_loop3A_227 = vector.broadcast %parallel_loop3A_226 : i32 to vector<16xi32>
      %parallel_loop3A_228 = arith.addi %parallel_loop3A_225, %parallel_loop3A_227 : vector<16xi32>
      %parallel_loop3A_229 = arith.constant 3 : i32
      %parallel_loop3A_230 = arith.shrsi %parallel_loop3A_219, %parallel_loop3A_229 : i32
      %parallel_loop3A_231 = arith.constant 4 : i32
      %parallel_loop3A_232 = arith.addi %parallel_loop3A_231, %parallel_loop3A_230 : i32
      %parallel_loop3A_233 = arith.constant 7 : i32
      %parallel_loop3A_234 = arith.andi %parallel_loop3A_219, %parallel_loop3A_233 : i32
      %parallel_loop3A_235 = arith.constant 16 : i32
      %parallel_loop3A_236 = arith.muli %parallel_loop3A_234, %parallel_loop3A_235 : i32
      %parallel_loop3A_237 = arith.index_cast %parallel_loop3A_232 : i32 to index
      %parallel_loop3A_238 = arith.index_cast %parallel_loop3A_236 : i32 to index
      %parallel_loop3A_239 = tpu.vector_load %arg16[%parallel_loop3A_237, %parallel_loop3A_238] {strides = array<i32>} : memref<36x128xi32, #tpu.memory_space<vmem>>, vector<16xi32>,
      tpu.vector_store %arg16[%parallel_loop3A_237, %parallel_loop3A_238], %parallel_loop3A_228 {strides = array<i32>} : memref<36x128xi32, #tpu.memory_space<vmem>>, vector<16xi32>,
    } {sc.loop_unroll_factor = 4 : i64, sc.parallel_access}
    %parallel_loop3A_176 = arith.constant 0 : i32
    %parallel_loop3A_177 = arith.constant 32 : i32
    %parallel_loop3A_178 = arith.constant 1 : i32
    scf.for %parallel_loop3A_219 = %parallel_loop3A_176 to %parallel_loop3A_177 step %parallel_loop3A_178  : i32 {
      %parallel_loop3A_220 = arith.constant 16 : i32
      %parallel_loop3A_221 = arith.muli %parallel_loop3A_219, %parallel_loop3A_220 : i32
      %parallel_loop3A_222 = arith.constant 2 : i32
      %parallel_loop3A_223 = arith.index_cast %parallel_loop3A_222 : i32 to index
      %parallel_loop3A_224 = arith.index_cast %parallel_loop3A_221 : i32 to index
      %parallel_loop3A_225 = tpu.vector_load %arg15[%parallel_loop3A_223, %parallel_loop3A_224] {strides = array<i32>} : memref<9x512xi32, #tpu.memory_space<vmem>>, vector<16xi32>,
      %parallel_loop3A_226 = arith.constant 200704 : i32
      %parallel_loop3A_227 = vector.broadcast %parallel_loop3A_226 : i32 to vector<16xi32>
      %parallel_loop3A_228 = arith.addi %parallel_loop3A_225, %parallel_loop3A_227 : vector<16xi32>
      %parallel_loop3A_229 = arith.constant 3 : i32
      %parallel_loop3A_230 = arith.shrsi %parallel_loop3A_219, %parallel_loop3A_229 : i32
      %parallel_loop3A_231 = arith.constant 8 : i32
      %parallel_loop3A_232 = arith.addi %parallel_loop3A_231, %parallel_loop3A_230 : i32
      %parallel_loop3A_233 = arith.constant 7 : i32
      %parallel_loop3A_234 = arith.andi %parallel_loop3A_219, %parallel_loop3A_233 : i32
      %parallel_loop3A_235 = arith.constant 16 : i32
      %parallel_loop3A_236 = arith.muli %parallel_loop3A_234, %parallel_loop3A_235 : i32
      %parallel_loop3A_237 = arith.index_cast %parallel_loop3A_232 : i32 to index
      %parallel_loop3A_238 = arith.index_cast %parallel_loop3A_236 : i32 to index
      %parallel_loop3A_239 = tpu.vector_load %arg16[%parallel_loop3A_237, %parallel_loop3A_238] {strides = array<i32>} : memref<36x128xi32, #tpu.memory_space<vmem>>, vector<16xi32>,
      tpu.vector_store %arg16[%parallel_loop3A_237, %parallel_loop3A_238], %parallel_loop3A_228 {strides = array<i32>} : memref<36x128xi32, #tpu.memory_space<vmem>>, vector<16xi32>,
    } {sc.loop_unroll_factor = 4 : i64, sc.parallel_access}
    %parallel_loop3A_179 = arith.constant 0 : i32
    %parallel_loop3A_180 = arith.constant 32 : i32
    %parallel_loop3A_181 = arith.constant 1 : i32
    scf.for %parallel_loop3A_219 = %parallel_loop3A_179 to %parallel_loop3A_180 step %parallel_loop3A_181  : i32 {
      %parallel_loop3A_220 = arith.constant 16 : i32
      %parallel_loop3A_221 = arith.muli %parallel_loop3A_219, %parallel_loop3A_220 : i32
      %parallel_loop3A_222 = arith.constant 3 : i32
      %parallel_loop3A_223 = arith.index_cast %parallel_loop3A_222 : i32 to index
      %parallel_loop3A_224 = arith.index_cast %parallel_loop3A_221 : i32 to index
      %parallel_loop3A_225 = tpu.vector_load %arg15[%parallel_loop3A_223, %parallel_loop3A_224] {strides = array<i32>} : memref<9x512xi32, #tpu.memory_space<vmem>>, vector<16xi32>,
      %parallel_loop3A_226 = arith.constant 301056 : i32
      %parallel_loop3A_227 = vector.broadcast %parallel_loop3A_226 : i32 to vector<16xi32>
      %parallel_loop3A_228 = arith.addi %parallel_loop3A_225, %parallel_loop3A_227 : vector<16xi32>
      %parallel_loop3A_229 = arith.constant 3 : i32
      %parallel_loop3A_230 = arith.shrsi %parallel_loop3A_219, %parallel_loop3A_229 : i32
      %parallel_loop3A_231 = arith.constant 12 : i32
      %parallel_loop3A_232 = arith.addi %parallel_loop3A_231, %parallel_loop3A_230 : i32
      %parallel_loop3A_233 = arith.constant 7 : i32
      %parallel_loop3A_234 = arith.andi %parallel_loop3A_219, %parallel_loop3A_233 : i32
      %parallel_loop3A_235 = arith.constant 16 : i32
      %parallel_loop3A_236 = arith.muli %parallel_loop3A_234, %parallel_loop3A_235 : i32
      %parallel_loop3A_237 = arith.index_cast %parallel_loop3A_232 : i32 to index
      %parallel_loop3A_238 = arith.index_cast %parallel_loop3A_236 : i32 to index
      %parallel_loop3A_239 = tpu.vector_load %arg16[%parallel_loop3A_237, %parallel_loop3A_238] {strides = array<i32>} : memref<36x128xi32, #tpu.memory_space<vmem>>, vector<16xi32>,
      tpu.vector_store %arg16[%parallel_loop3A_237, %parallel_loop3A_238], %parallel_loop3A_228 {strides = array<i32>} : memref<36x128xi32, #tpu.memory_space<vmem>>, vector<16xi32>,
    } {sc.loop_unroll_factor = 4 : i64, sc.parallel_access}
    %parallel_loop3A_182 = arith.constant 0 : i32
    %parallel_loop3A_183 = arith.constant 32 : i32
    %parallel_loop3A_184 = arith.constant 1 : i32
    scf.for %parallel_loop3A_219 = %parallel_loop3A_182 to %parallel_loop3A_183 step %parallel_loop3A_184  : i32 {
      %parallel_loop3A_220 = arith.constant 16 : i32
      %parallel_loop3A_221 = arith.muli %parallel_loop3A_219, %parallel_loop3A_220 : i32
      %parallel_loop3A_222 = arith.constant 4 : i32
      %parallel_loop3A_223 = arith.index_cast %parallel_loop3A_222 : i32 to index
      %parallel_loop3A_224 = arith.index_cast %parallel_loop3A_221 : i32 to index
      %parallel_loop3A_225 = tpu.vector_load %arg15[%parallel_loop3A_223, %parallel_loop3A_224] {strides = array<i32>} : memref<9x512xi32, #tpu.memory_space<vmem>>, vector<16xi32>,
      %parallel_loop3A_226 = arith.constant 401408 : i32
      %parallel_loop3A_227 = vector.broadcast %parallel_loop3A_226 : i32 to vector<16xi32>
      %parallel_loop3A_228 = arith.addi %parallel_loop3A_225, %parallel_loop3A_227 : vector<16xi32>
      %parallel_loop3A_229 = arith.constant 3 : i32
      %parallel_loop3A_230 = arith.shrsi %parallel_loop3A_219, %parallel_loop3A_229 : i32
      %parallel_loop3A_231 = arith.constant 16 : i32
      %parallel_loop3A_232 = arith.addi %parallel_loop3A_231, %parallel_loop3A_230 : i32
      %parallel_loop3A_233 = arith.constant 7 : i32
      %parallel_loop3A_234 = arith.andi %parallel_loop3A_219, %parallel_loop3A_233 : i32
      %parallel_loop3A_235 = arith.constant 16 : i32
      %parallel_loop3A_236 = arith.muli %parallel_loop3A_234, %parallel_loop3A_235 : i32
      %parallel_loop3A_237 = arith.index_cast %parallel_loop3A_232 : i32 to index
      %parallel_loop3A_238 = arith.index_cast %parallel_loop3A_236 : i32 to index
      %parallel_loop3A_239 = tpu.vector_load %arg16[%parallel_loop3A_237, %parallel_loop3A_238] {strides = array<i32>} : memref<36x128xi32, #tpu.memory_space<vmem>>, vector<16xi32>,
      tpu.vector_store %arg16[%parallel_loop3A_237, %parallel_loop3A_238], %parallel_loop3A_228 {strides = array<i32>} : memref<36x128xi32, #tpu.memory_space<vmem>>, vector<16xi32>,
    } {sc.loop_unroll_factor = 4 : i64, sc.parallel_access}
    %parallel_loop3A_185 = arith.constant 0 : i32
    %parallel_loop3A_186 = arith.constant 32 : i32
    %parallel_loop3A_187 = arith.constant 1 : i32
    scf.for %parallel_loop3A_219 = %parallel_loop3A_185 to %parallel_loop3A_186 step %parallel_loop3A_187  : i32 {
      %parallel_loop3A_220 = arith.constant 16 : i32
      %parallel_loop3A_221 = arith.muli %parallel_loop3A_219, %parallel_loop3A_220 : i32
      %parallel_loop3A_222 = arith.constant 5 : i32
      %parallel_loop3A_223 = arith.index_cast %parallel_loop3A_222 : i32 to index
      %parallel_loop3A_224 = arith.index_cast %parallel_loop3A_221 : i32 to index
      %parallel_loop3A_225 = tpu.vector_load %arg15[%parallel_loop3A_223, %parallel_loop3A_224] {strides = array<i32>} : memref<9x512xi32, #tpu.memory_space<vmem>>, vector<16xi32>,
      %parallel_loop3A_226 = arith.constant 501760 : i32
      %parallel_loop3A_227 = vector.broadcast %parallel_loop3A_226 : i32 to vector<16xi32>
      %parallel_loop3A_228 = arith.addi %parallel_loop3A_225, %parallel_loop3A_227 : vector<16xi32>
      %parallel_loop3A_229 = arith.constant 3 : i32
      %parallel_loop3A_230 = arith.shrsi %parallel_loop3A_219, %parallel_loop3A_229 : i32
      %parallel_loop3A_231 = arith.constant 20 : i32
      %parallel_loop3A_232 = arith.addi %parallel_loop3A_231, %parallel_loop3A_230 : i32
      %parallel_loop3A_233 = arith.constant 7 : i32
      %parallel_loop3A_234 = arith.andi %parallel_loop3A_219, %parallel_loop3A_233 : i32
      %parallel_loop3A_235 = arith.constant 16 : i32
      %parallel_loop3A_236 = arith.muli %parallel_loop3A_234, %parallel_loop3A_235 : i32
      %parallel_loop3A_237 = arith.index_cast %parallel_loop3A_232 : i32 to index
      %parallel_loop3A_238 = arith.index_cast %parallel_loop3A_236 : i32 to index
      %parallel_loop3A_239 = tpu.vector_load %arg16[%parallel_loop3A_237, %parallel_loop3A_238] {strides = array<i32>} : memref<36x128xi32, #tpu.memory_space<vmem>>, vector<16xi32>,
      tpu.vector_store %arg16[%parallel_loop3A_237, %parallel_loop3A_238], %parallel_loop3A_228 {strides = array<i32>} : memref<36x128xi32, #tpu.memory_space<vmem>>, vector<16xi32>,
    } {sc.loop_unroll_factor = 4 : i64, sc.parallel_access}
    %parallel_loop3A_188 = arith.constant 0 : i32
    %parallel_loop3A_189 = arith.constant 32 : i32
    %parallel_loop3A_190 = arith.constant 1 : i32
    scf.for %parallel_loop3A_219 = %parallel_loop3A_188 to %parallel_loop3A_189 step %parallel_loop3A_190  : i32 {
      %parallel_loop3A_220 = arith.constant 16 : i32
      %parallel_loop3A_221 = arith.muli %parallel_loop3A_219, %parallel_loop3A_220 : i32
      %parallel_loop3A_222 = arith.constant 6 : i32
      %parallel_loop3A_223 = arith.index_cast %parallel_loop3A_222 : i32 to index
      %parallel_loop3A_224 = arith.index_cast %parallel_loop3A_221 : i32 to index
      %parallel_loop3A_225 = tpu.vector_load %arg15[%parallel_loop3A_223, %parallel_loop3A_224] {strides = array<i32>} : memref<9x512xi32, #tpu.memory_space<vmem>>, vector<16xi32>,
      %parallel_loop3A_226 = arith.constant 602112 : i32
      %parallel_loop3A_227 = vector.broadcast %parallel_loop3A_226 : i32 to vector<16xi32>
      %parallel_loop3A_228 = arith.addi %parallel_loop3A_225, %parallel_loop3A_227 : vector<16xi32>
      %parallel_loop3A_229 = arith.constant 3 : i32
      %parallel_loop3A_230 = arith.shrsi %parallel_loop3A_219, %parallel_loop3A_229 : i32
      %parallel_loop3A_231 = arith.constant 24 : i32
      %parallel_loop3A_232 = arith.addi %parallel_loop3A_231, %parallel_loop3A_230 : i32
      %parallel_loop3A_233 = arith.constant 7 : i32
      %parallel_loop3A_234 = arith.andi %parallel_loop3A_219, %parallel_loop3A_233 : i32
      %parallel_loop3A_235 = arith.constant 16 : i32
      %parallel_loop3A_236 = arith.muli %parallel_loop3A_234, %parallel_loop3A_235 : i32
      %parallel_loop3A_237 = arith.index_cast %parallel_loop3A_232 : i32 to index
      %parallel_loop3A_238 = arith.index_cast %parallel_loop3A_236 : i32 to index
      %parallel_loop3A_239 = tpu.vector_load %arg16[%parallel_loop3A_237, %parallel_loop3A_238] {strides = array<i32>} : memref<36x128xi32, #tpu.memory_space<vmem>>, vector<16xi32>,
      tpu.vector_store %arg16[%parallel_loop3A_237, %parallel_loop3A_238], %parallel_loop3A_228 {strides = array<i32>} : memref<36x128xi32, #tpu.memory_space<vmem>>, vector<16xi32>,
    } {sc.loop_unroll_factor = 4 : i64, sc.parallel_access}
    %parallel_loop3A_191 = arith.constant 0 : i32
    %parallel_loop3A_192 = arith.constant 32 : i32
    %parallel_loop3A_193 = arith.constant 1 : i32
    scf.for %parallel_loop3A_219 = %parallel_loop3A_191 to %parallel_loop3A_192 step %parallel_loop3A_193  : i32 {
      %parallel_loop3A_220 = arith.constant 16 : i32
      %parallel_loop3A_221 = arith.muli %parallel_loop3A_219, %parallel_loop3A_220 : i32
      %parallel_loop3A_222 = arith.constant 7 : i32
      %parallel_loop3A_223 = arith.index_cast %parallel_loop3A_222 : i32 to index
      %parallel_loop3A_224 = arith.index_cast %parallel_loop3A_221 : i32 to index
      %parallel_loop3A_225 = tpu.vector_load %arg15[%parallel_loop3A_223, %parallel_loop3A_224] {strides = array<i32>} : memref<9x512xi32, #tpu.memory_space<vmem>>, vector<16xi32>,
      %parallel_loop3A_226 = arith.constant 702464 : i32
      %parallel_loop3A_227 = vector.broadcast %parallel_loop3A_226 : i32 to vector<16xi32>
      %parallel_loop3A_228 = arith.addi %parallel_loop3A_225, %parallel_loop3A_227 : vector<16xi32>
      %parallel_loop3A_229 = arith.constant 3 : i32
      %parallel_loop3A_230 = arith.shrsi %parallel_loop3A_219, %parallel_loop3A_229 : i32
      %parallel_loop3A_231 = arith.constant 28 : i32
      %parallel_loop3A_232 = arith.addi %parallel_loop3A_231, %parallel_loop3A_230 : i32
      %parallel_loop3A_233 = arith.constant 7 : i32
      %parallel_loop3A_234 = arith.andi %parallel_loop3A_219, %parallel_loop3A_233 : i32
      %parallel_loop3A_235 = arith.constant 16 : i32
      %parallel_loop3A_236 = arith.muli %parallel_loop3A_234, %parallel_loop3A_235 : i32
      %parallel_loop3A_237 = arith.index_cast %parallel_loop3A_232 : i32 to index
      %parallel_loop3A_238 = arith.index_cast %parallel_loop3A_236 : i32 to index
      %parallel_loop3A_239 = tpu.vector_load %arg16[%parallel_loop3A_237, %parallel_loop3A_238] {strides = array<i32>} : memref<36x128xi32, #tpu.memory_space<vmem>>, vector<16xi32>,
      tpu.vector_store %arg16[%parallel_loop3A_237, %parallel_loop3A_238], %parallel_loop3A_228 {strides = array<i32>} : memref<36x128xi32, #tpu.memory_space<vmem>>, vector<16xi32>,
    } {sc.loop_unroll_factor = 4 : i64, sc.parallel_access}
    %parallel_loop3A_194 = arith.constant 0 : i32
    %parallel_loop3A_195 = arith.constant 32 : i32
    %parallel_loop3A_196 = arith.constant 1 : i32
    scf.for %parallel_loop3A_219 = %parallel_loop3A_194 to %parallel_loop3A_195 step %parallel_loop3A_196  : i32 {
      %parallel_loop3A_220 = arith.constant 16 : i32
      %parallel_loop3A_221 = arith.muli %parallel_loop3A_219, %parallel_loop3A_220 : i32
      %parallel_loop3A_222 = arith.constant 8 : i32
      %parallel_loop3A_223 = arith.index_cast %parallel_loop3A_222 : i32 to index
      %parallel_loop3A_224 = arith.index_cast %parallel_loop3A_221 : i32 to index
      %parallel_loop3A_225 = tpu.vector_load %arg15[%parallel_loop3A_223, %parallel_loop3A_224] {strides = array<i32>} : memref<9x512xi32, #tpu.memory_space<vmem>>, vector<16xi32>,
      %parallel_loop3A_226 = arith.constant 802816 : i32
      %parallel_loop3A_227 = vector.broadcast %parallel_loop3A_226 : i32 to vector<16xi32>
      %parallel_loop3A_228 = arith.addi %parallel_loop3A_225, %parallel_loop3A_227 : vector<16xi32>
      %parallel_loop3A_229 = arith.constant 3 : i32
      %parallel_loop3A_230 = arith.shrsi %parallel_loop3A_219, %parallel_loop3A_229 : i32
      %parallel_loop3A_231 = arith.constant 32 : i32
      %parallel_loop3A_232 = arith.addi %parallel_loop3A_231, %parallel_loop3A_230 : i32
      %parallel_loop3A_233 = arith.constant 7 : i32
      %parallel_loop3A_234 = arith.andi %parallel_loop3A_219, %parallel_loop3A_233 : i32
      %parallel_loop3A_235 = arith.constant 16 : i32
      %parallel_loop3A_236 = arith.muli %parallel_loop3A_234, %parallel_loop3A_235 : i32
      %parallel_loop3A_237 = arith.index_cast %parallel_loop3A_232 : i32 to index
      %parallel_loop3A_238 = arith.index_cast %parallel_loop3A_236 : i32 to index
      %parallel_loop3A_239 = tpu.vector_load %arg16[%parallel_loop3A_237, %parallel_loop3A_238] {strides = array<i32>} : memref<36x128xi32, #tpu.memory_space<vmem>>, vector<16xi32>,
      tpu.vector_store %arg16[%parallel_loop3A_237, %parallel_loop3A_238], %parallel_loop3A_228 {strides = array<i32>} : memref<36x128xi32, #tpu.memory_space<vmem>>, vector<16xi32>,
    } {sc.loop_unroll_factor = 4 : i64, sc.parallel_access}
    %barrier3A = arith.constant 0 : index
    tpu.barrier barrier_id(%barrier3A)
    %dma_start3A_197 = arith.constant 0 : i32
    %dma_start3A_198 = arith.constant 0 : i32
    %dma_start3A_199 = tpu.memref_slice %arg16[%dma_start3A_197, %dma_start3A_198] : memref<36x128xi32, #tpu.memory_space<vmem>> -> memref<1x128xi32, #tpu.memory_space<vmem>>
    %dma_start3A_200 = tpu.memref_squeeze %dma_start3A_199 : memref<1x128xi32, #tpu.memory_space<vmem>> -> memref<128xi32, #tpu.memory_space<vmem>>
    %dma_start3A_201 = arith.constant 0 : i32
    %dma_start3A_202 = tpu.memref_slice %arg22[%dma_start3A_201] : memref<903168xf32, #tpu.memory_space<vmem_shared>> -> memref<903168xf32, #tpu.memory_space<vmem_shared>>
    tpu.enqueue_indirect_dma source(%dma_start3A_202 : memref<903168xf32, #tpu.memory_space<vmem_shared>>) target(%arg18 : memref<128xf32, #tpu.memory_space<vmem>>) offsets(%dma_start3A_200 : memref<128xi32, #tpu.memory_space<vmem>>) semaphore(%arg24 : memref<!tpu.dma_semaphore, #tpu.memory_space<semaphore_mem>>)
    %scan3A = arith.constant 0 : i32
    %scan3A_203 = arith.constant 0 : i32
    %scan3A_204 = arith.constant 18 : i32
    %scan3A_205 = arith.addi %scan3A_203, %scan3A_204 : i32
    %scan3A_206 = arith.constant 1 : i32
    %scan3A_207 = scf.for %scan3A_219 = %scan3A_203 to %scan3A_205 step %scan3A_206 iter_args(%scan3A_220 = %scan3A) -> (i32)  : i32 {
      %mul3A_221 = arith.constant 2 : i32
      %mul3A_222 = arith.muli %mul3A_221, %scan3A_219 : i32
      %add3A_223 = arith.constant 1 : i32
      %add3A_224 = arith.addi %mul3A_222, %add3A_223 : i32
      %dma_start3A_225 = arith.constant 0 : i32
      %dma_start3A_226 = tpu.memref_slice %arg16[%add3A_224, %dma_start3A_225] : memref<36x128xi32, #tpu.memory_space<vmem>> -> memref<1x128xi32, #tpu.memory_space<vmem>>
      %dma_start3A_227 = tpu.memref_squeeze %dma_start3A_226 : memref<1x128xi32, #tpu.memory_space<vmem>> -> memref<128xi32, #tpu.memory_space<vmem>>
      %dma_start3A_228 = arith.constant 0 : i32
      %dma_start3A_229 = tpu.memref_slice %arg22[%dma_start3A_228] : memref<903168xf32, #tpu.memory_space<vmem_shared>> -> memref<903168xf32, #tpu.memory_space<vmem_shared>>
      tpu.enqueue_indirect_dma source(%dma_start3A_229 : memref<903168xf32, #tpu.memory_space<vmem_shared>>) target(%arg19 : memref<128xf32, #tpu.memory_space<vmem>>) offsets(%dma_start3A_227 : memref<128xi32, #tpu.memory_space<vmem>>) semaphore(%arg25 : memref<!tpu.dma_semaphore, #tpu.memory_space<semaphore_mem>>)
      %dma_wait3A_230 = arith.constant 0 : i32
      %dma_wait3A_231 = tpu.memref_slice %arg16[%mul3A_222, %dma_wait3A_230] : memref<36x128xi32, #tpu.memory_space<vmem>> -> memref<1x128xi32, #tpu.memory_space<vmem>>
      %dma_wait3A_232 = tpu.memref_squeeze %dma_wait3A_231 : memref<1x128xi32, #tpu.memory_space<vmem>> -> memref<128xi32, #tpu.memory_space<vmem>>
      %dma_wait3A_233 = arith.constant 0 : i32
      %dma_wait3A_234 = tpu.memref_slice %arg22[%dma_wait3A_233] : memref<903168xf32, #tpu.memory_space<vmem_shared>> -> memref<903168xf32, #tpu.memory_space<vmem_shared>>
      tpu.wait_indirect_dma semaphore(%arg24 : memref<!tpu.dma_semaphore, #tpu.memory_space<semaphore_mem>>) src(%dma_wait3A_234 : memref<903168xf32, #tpu.memory_space<vmem_shared>>) dst(%arg18 : memref<128xf32, #tpu.memory_space<vmem>>)
      %and3A = arith.constant 3 : i32
      %and3A_235 = arith.andi %mul3A_222, %and3A : i32
      %mul3A_236 = arith.constant 128 : i32
      %mul3A_237 = arith.muli %and3A_235, %mul3A_236 : i32
      %parallel_loop3A_238 = arith.constant 0 : i32
      %parallel_loop3A_239 = arith.constant 8 : i32
      %parallel_loop3A_240 = arith.constant 1 : i32
      scf.for %parallel_loop3A_266 = %parallel_loop3A_238 to %parallel_loop3A_239 step %parallel_loop3A_240  : i32 {
        %parallel_loop3A_267 = arith.constant 16 : i32
        %parallel_loop3A_268 = arith.muli %parallel_loop3A_266, %parallel_loop3A_267 : i32
        %parallel_loop3A_269 = arith.addi %mul3A_237, %parallel_loop3A_268 : i32
        %parallel_loop3A_270 = arith.constant 16 : i32
        %parallel_loop3A_271 = arith.muli %parallel_loop3A_266, %parallel_loop3A_270 : i32
        %parallel_loop3A_272 = arith.index_cast %parallel_loop3A_271 : i32 to index
        %parallel_loop3A_273 = tpu.vector_load %arg18[%parallel_loop3A_272] {strides = array<i32>} : memref<128xf32, #tpu.memory_space<vmem>>, vector<16xf32>,
        %parallel_loop3A_274 = arith.index_cast %parallel_loop3A_269 : i32 to index
        %parallel_loop3A_275 = tpu.vector_load %arg17[%parallel_loop3A_274] {strides = array<i32>} : memref<512xf32, #tpu.memory_space<vmem>>, vector<16xf32>,
        tpu.vector_store %arg17[%parallel_loop3A_274], %parallel_loop3A_273 {add = true, strides = array<i32>} : memref<512xf32, #tpu.memory_space<vmem>>, vector<16xf32>,
      } {sc.loop_unroll_factor = 4 : i64, sc.parallel_access}
      %add3A_241 = arith.constant 2 : i32
      %add3A_242 = arith.addi %mul3A_222, %add3A_241 : i32
      %min3A = arith.constant 35 : i32
      %min3A_243 = arith.minsi %add3A_242, %min3A : i32
      %dma_start3A_244 = arith.constant 0 : i32
      %dma_start3A_245 = tpu.memref_slice %arg16[%min3A_243, %dma_start3A_244] : memref<36x128xi32, #tpu.memory_space<vmem>> -> memref<1x128xi32, #tpu.memory_space<vmem>>
      %dma_start3A_246 = tpu.memref_squeeze %dma_start3A_245 : memref<1x128xi32, #tpu.memory_space<vmem>> -> memref<128xi32, #tpu.memory_space<vmem>>
      %dma_start3A_247 = arith.constant 0 : i32
      %dma_start3A_248 = tpu.memref_slice %arg22[%dma_start3A_247] : memref<903168xf32, #tpu.memory_space<vmem_shared>> -> memref<903168xf32, #tpu.memory_space<vmem_shared>>
      tpu.enqueue_indirect_dma source(%dma_start3A_248 : memref<903168xf32, #tpu.memory_space<vmem_shared>>) target(%arg18 : memref<128xf32, #tpu.memory_space<vmem>>) offsets(%dma_start3A_246 : memref<128xi32, #tpu.memory_space<vmem>>) semaphore(%arg24 : memref<!tpu.dma_semaphore, #tpu.memory_space<semaphore_mem>>)
      %add3A_249 = arith.constant 1 : i32
      %add3A_250 = arith.addi %mul3A_222, %add3A_249 : i32
      %dma_wait3A_251 = arith.constant 0 : i32
      %dma_wait3A_252 = tpu.memref_slice %arg16[%add3A_250, %dma_wait3A_251] : memref<36x128xi32, #tpu.memory_space<vmem>> -> memref<1x128xi32, #tpu.memory_space<vmem>>
      %dma_wait3A_253 = tpu.memref_squeeze %dma_wait3A_252 : memref<1x128xi32, #tpu.memory_space<vmem>> -> memref<128xi32, #tpu.memory_space<vmem>>
      %dma_wait3A_254 = arith.constant 0 : i32
      %dma_wait3A_255 = tpu.memref_slice %arg22[%dma_wait3A_254] : memref<903168xf32, #tpu.memory_space<vmem_shared>> -> memref<903168xf32, #tpu.memory_space<vmem_shared>>
      tpu.wait_indirect_dma semaphore(%arg25 : memref<!tpu.dma_semaphore, #tpu.memory_space<semaphore_mem>>) src(%dma_wait3A_255 : memref<903168xf32, #tpu.memory_space<vmem_shared>>) dst(%arg19 : memref<128xf32, #tpu.memory_space<vmem>>)
      %add3A_256 = arith.constant 1 : i32
      %add3A_257 = arith.addi %mul3A_222, %add3A_256 : i32
      %and3A_258 = arith.constant 3 : i32
      %and3A_259 = arith.andi %add3A_257, %and3A_258 : i32
      %mul3A_260 = arith.constant 128 : i32
      %mul3A_261 = arith.muli %and3A_259, %mul3A_260 : i32
      %parallel_loop3A_262 = arith.constant 0 : i32
      %parallel_loop3A_263 = arith.constant 8 : i32
      %parallel_loop3A_264 = arith.constant 1 : i32
      scf.for %parallel_loop3A_266 = %parallel_loop3A_262 to %parallel_loop3A_263 step %parallel_loop3A_264  : i32 {
        %parallel_loop3A_267 = arith.constant 16 : i32
        %parallel_loop3A_268 = arith.muli %parallel_loop3A_266, %parallel_loop3A_267 : i32
        %parallel_loop3A_269 = arith.addi %mul3A_261, %parallel_loop3A_268 : i32
        %parallel_loop3A_270 = arith.constant 16 : i32
        %parallel_loop3A_271 = arith.muli %parallel_loop3A_266, %parallel_loop3A_270 : i32
        %parallel_loop3A_272 = arith.index_cast %parallel_loop3A_271 : i32 to index
        %parallel_loop3A_273 = tpu.vector_load %arg19[%parallel_loop3A_272] {strides = array<i32>} : memref<128xf32, #tpu.memory_space<vmem>>, vector<16xf32>,
        %parallel_loop3A_274 = arith.index_cast %parallel_loop3A_269 : i32 to index
        %parallel_loop3A_275 = tpu.vector_load %arg17[%parallel_loop3A_274] {strides = array<i32>} : memref<512xf32, #tpu.memory_space<vmem>>, vector<16xf32>,
        tpu.vector_store %arg17[%parallel_loop3A_274], %parallel_loop3A_273 {add = true, strides = array<i32>} : memref<512xf32, #tpu.memory_space<vmem>>, vector<16xf32>,
      } {sc.loop_unroll_factor = 4 : i64, sc.parallel_access}
      %scan3A_265 = arith.constant 0 : i32
      scf.yield %scan3A_265 : i32
    }
    %scan3A_208 = arith.constant 18 : i32
    %dma_wait3A_209 = arith.constant 35 : i32
    %dma_wait3A_210 = arith.constant 0 : i32
    %dma_wait3A_211 = tpu.memref_slice %arg16[%dma_wait3A_209, %dma_wait3A_210] : memref<36x128xi32, #tpu.memory_space<vmem>> -> memref<1x128xi32, #tpu.memory_space<vmem>>
    %dma_wait3A_212 = tpu.memref_squeeze %dma_wait3A_211 : memref<1x128xi32, #tpu.memory_space<vmem>> -> memref<128xi32, #tpu.memory_space<vmem>>
    %dma_wait3A_213 = arith.constant 0 : i32
    %dma_wait3A_214 = tpu.memref_slice %arg22[%dma_wait3A_213] : memref<903168xf32, #tpu.memory_space<vmem_shared>> -> memref<903168xf32, #tpu.memory_space<vmem_shared>>
    tpu.wait_indirect_dma semaphore(%arg24 : memref<!tpu.dma_semaphore, #tpu.memory_space<semaphore_mem>>) src(%dma_wait3A_214 : memref<903168xf32, #tpu.memory_space<vmem_shared>>) dst(%arg18 : memref<128xf32, #tpu.memory_space<vmem>>)
    %get3A = arith.constant 0 : index
    %get3A_215 = tpu.vector_load %arg21[%get3A] {strides = array<i32>} : memref<16xf32, #tpu.memory_space<vmem>>, vector<16xf32>,
    %parallel_loop3A_216 = arith.constant 0 : i32
    %parallel_loop3A_217 = arith.constant 32 : i32
    %parallel_loop3A_218 = arith.constant 1 : i32
    scf.for %parallel_loop3A_219 = %parallel_loop3A_216 to %parallel_loop3A_217 step %parallel_loop3A_218  : i32 {
      %parallel_loop3A_220 = arith.constant 16 : i32
      %parallel_loop3A_221 = arith.muli %parallel_loop3A_219, %parallel_loop3A_220 : i32
      %parallel_loop3A_222 = arith.index_cast %parallel_loop3A_221 : i32 to index
      %parallel_loop3A_223 = tpu.vector_load %arg17[%parallel_loop3A_222] {strides = array<i32>} : memref<512xf32, #tpu.memory_space<vmem>>, vector<16xf32>,
      %parallel_loop3A_224 = arith.addf %parallel_loop3A_223, %get3A_215 : vector<16xf32>
      %parallel_loop3A_225 = arith.index_cast %parallel_loop3A_221 : i32 to index
      %parallel_loop3A_226 = tpu.vector_load %arg20[%parallel_loop3A_225] {strides = array<i32>} : memref<512xf32, #tpu.memory_space<vmem>>, vector<16xf32>,
      tpu.vector_store %arg20[%parallel_loop3A_225], %parallel_loop3A_224 {strides = array<i32>} : memref<512xf32, #tpu.memory_space<vmem>>, vector<16xf32>,
    } {sc.loop_unroll_factor = 4 : i64, sc.parallel_access}
    "tpu.region"() ({
      %run_scoped3A = tpu.sem_alloc : memref<!tpu.dma_semaphore, #tpu.memory_space<semaphore_mem>>
      %dma_start3A_219 = tpu.memref_slice %arg14[%mul3A_2] : memref<16384xf32, #tpu.memory_space<hbm>> -> memref<512xf32, #tpu.memory_space<hbm>>
      %dma_start3A_220 = tpu.memref_slice %arg14[%mul3A_2] : memref<16384xf32, #tpu.memory_space<hbm>> -> memref<512xf32, #tpu.memory_space<hbm>>
      tpu.enqueue_dma source(%arg20 : memref<512xf32, #tpu.memory_space<vmem>>) target(%dma_start3A_220 : memref<512xf32, #tpu.memory_space<hbm>>) target_semaphore(%run_scoped3A : memref<!tpu.dma_semaphore, #tpu.memory_space<semaphore_mem>>)
      %dma_wait3A_221 = tpu.memref_slice %arg14[%mul3A_2] : memref<16384xf32, #tpu.memory_space<hbm>> -> memref<512xf32, #tpu.memory_space<hbm>>
      %dma_wait3A_222 = tpu.memref_slice %arg14[%mul3A_2] : memref<16384xf32, #tpu.memory_space<hbm>> -> memref<512xf32, #tpu.memory_space<hbm>>
      tpu.wait_dma2 semaphore(%run_scoped3A : memref<!tpu.dma_semaphore, #tpu.memory_space<semaphore_mem>>) src(%arg20 : memref<512xf32, #tpu.memory_space<vmem>>) dst(%dma_wait3A_222 : memref<512xf32, #tpu.memory_space<hbm>>)
      tpu.yield
    }) : () -> ()
    return
  }
}

#map = affine_map<(d0, d1) -> (0)>
module attributes {stable_mosaic.version = 14 : i64} {
  func.func @sc_call(%arg0: i32, %arg1: i32, %arg2: memref<16384xi32, #tpu.memory_space<hbm>>, %arg3: memref<16384xi32, #tpu.memory_space<hbm>>, %arg4: memref<16384xi32, #tpu.memory_space<hbm>>, %arg5: memref<301056xf32, #tpu.memory_space<hbm>>, %arg6: memref<16xf32, #tpu.memory_space<hbm>>, %arg7: memref<16384xf32, #tpu.memory_space<hbm>>, %arg8: memref<3x512xi32, #tpu.memory_space<vmem>>, %arg9: memref<12x128xi32, #tpu.memory_space<vmem>>, %arg10: memref<512xf32, #tpu.memory_space<vmem>>, %arg11: memref<128xf32, #tpu.memory_space<vmem>>, %arg12: memref<128xf32, #tpu.memory_space<vmem>>, %arg13: memref<512xf32, #tpu.memory_space<vmem>>, %arg14: memref<16xf32, #tpu.memory_space<vmem>>, %arg15: memref<301056xf32, #tpu.memory_space<vmem_shared>>, %arg16: memref<!tpu.dma_semaphore, #tpu.memory_space<semaphore_mem>>, %arg17: memref<!tpu.dma_semaphore, #tpu.memory_space<semaphore_mem>>, %arg18: memref<!tpu.dma_semaphore, #tpu.memory_space<semaphore_mem>>) attributes {dimension_semantics = [#tpu.dimension_semantics<core_parallel>, #tpu.dimension_semantics<subcore_parallel>], iteration_bounds = array<i64: 2, 16>, scalar_prefetch = 0 : i64, scratch_operands = 11 : i64, tpu.core_type = #tpu.core_type<sc_vector_subcore>, window_params = [{transform_indices = #map}, {transform_indices = #map}, {transform_indices = #map}, {transform_indices = #map}, {transform_indices = #map}, {transform_indices = #map}]} {
    %mul3A = arith.constant 2 : i32
    %mul3A_0 = arith.muli %arg1, %mul3A : i32
    %add3A = arith.addi %mul3A_0, %arg0 : i32
    %mul3A_1 = arith.constant 512 : i32
    %mul3A_2 = arith.muli %add3A, %mul3A_1 : i32
    %dma_start3A = arith.constant 0 : i32
    %dma_start3A_3 = arith.constant 0 : i32
    %dma_start3A_4 = tpu.memref_slice %arg8[%dma_start3A, %dma_start3A_3] : memref<3x512xi32, #tpu.memory_space<vmem>> -> memref<1x512xi32, #tpu.memory_space<vmem>>
    %dma_start3A_5 = tpu.memref_squeeze %dma_start3A_4 : memref<1x512xi32, #tpu.memory_space<vmem>> -> memref<512xi32, #tpu.memory_space<vmem>>
    %dma_start3A_6 = tpu.memref_slice %arg2[%mul3A_2] : memref<16384xi32, #tpu.memory_space<hbm>> -> memref<512xi32, #tpu.memory_space<hbm>>
    %dma_start3A_7 = arith.constant 0 : i32
    %dma_start3A_8 = tpu.memref_slice %arg8[%dma_start3A, %dma_start3A_7] : memref<3x512xi32, #tpu.memory_space<vmem>> -> memref<1x512xi32, #tpu.memory_space<vmem>>
    %dma_start3A_9 = tpu.memref_squeeze %dma_start3A_8 : memref<1x512xi32, #tpu.memory_space<vmem>> -> memref<512xi32, #tpu.memory_space<vmem>>
    %dma_start3A_10 = tpu.memref_slice %arg2[%mul3A_2] : memref<16384xi32, #tpu.memory_space<hbm>> -> memref<512xi32, #tpu.memory_space<hbm>>
    tpu.enqueue_dma source(%dma_start3A_10 : memref<512xi32, #tpu.memory_space<hbm>>) target(%dma_start3A_9 : memref<512xi32, #tpu.memory_space<vmem>>) target_semaphore(%arg16 : memref<!tpu.dma_semaphore, #tpu.memory_space<semaphore_mem>>)
    %dma_start3A_11 = arith.constant 1 : i32
    %dma_start3A_12 = arith.constant 0 : i32
    %dma_start3A_13 = tpu.memref_slice %arg8[%dma_start3A_11, %dma_start3A_12] : memref<3x512xi32, #tpu.memory_space<vmem>> -> memref<1x512xi32, #tpu.memory_space<vmem>>
    %dma_start3A_14 = tpu.memref_squeeze %dma_start3A_13 : memref<1x512xi32, #tpu.memory_space<vmem>> -> memref<512xi32, #tpu.memory_space<vmem>>
    %dma_start3A_15 = tpu.memref_slice %arg3[%mul3A_2] : memref<16384xi32, #tpu.memory_space<hbm>> -> memref<512xi32, #tpu.memory_space<hbm>>
    %dma_start3A_16 = arith.constant 0 : i32
    %dma_start3A_17 = tpu.memref_slice %arg8[%dma_start3A_11, %dma_start3A_16] : memref<3x512xi32, #tpu.memory_space<vmem>> -> memref<1x512xi32, #tpu.memory_space<vmem>>
    %dma_start3A_18 = tpu.memref_squeeze %dma_start3A_17 : memref<1x512xi32, #tpu.memory_space<vmem>> -> memref<512xi32, #tpu.memory_space<vmem>>
    %dma_start3A_19 = tpu.memref_slice %arg3[%mul3A_2] : memref<16384xi32, #tpu.memory_space<hbm>> -> memref<512xi32, #tpu.memory_space<hbm>>
    tpu.enqueue_dma source(%dma_start3A_19 : memref<512xi32, #tpu.memory_space<hbm>>) target(%dma_start3A_18 : memref<512xi32, #tpu.memory_space<vmem>>) target_semaphore(%arg16 : memref<!tpu.dma_semaphore, #tpu.memory_space<semaphore_mem>>)
    %dma_start3A_20 = arith.constant 2 : i32
    %dma_start3A_21 = arith.constant 0 : i32
    %dma_start3A_22 = tpu.memref_slice %arg8[%dma_start3A_20, %dma_start3A_21] : memref<3x512xi32, #tpu.memory_space<vmem>> -> memref<1x512xi32, #tpu.memory_space<vmem>>
    %dma_start3A_23 = tpu.memref_squeeze %dma_start3A_22 : memref<1x512xi32, #tpu.memory_space<vmem>> -> memref<512xi32, #tpu.memory_space<vmem>>
    %dma_start3A_24 = tpu.memref_slice %arg4[%mul3A_2] : memref<16384xi32, #tpu.memory_space<hbm>> -> memref<512xi32, #tpu.memory_space<hbm>>
    %dma_start3A_25 = arith.constant 0 : i32
    %dma_start3A_26 = tpu.memref_slice %arg8[%dma_start3A_20, %dma_start3A_25] : memref<3x512xi32, #tpu.memory_space<vmem>> -> memref<1x512xi32, #tpu.memory_space<vmem>>
    %dma_start3A_27 = tpu.memref_squeeze %dma_start3A_26 : memref<1x512xi32, #tpu.memory_space<vmem>> -> memref<512xi32, #tpu.memory_space<vmem>>
    %dma_start3A_28 = tpu.memref_slice %arg4[%mul3A_2] : memref<16384xi32, #tpu.memory_space<hbm>> -> memref<512xi32, #tpu.memory_space<hbm>>
    tpu.enqueue_dma source(%dma_start3A_28 : memref<512xi32, #tpu.memory_space<hbm>>) target(%dma_start3A_27 : memref<512xi32, #tpu.memory_space<vmem>>) target_semaphore(%arg16 : memref<!tpu.dma_semaphore, #tpu.memory_space<semaphore_mem>>)
    tpu.enqueue_dma source(%arg6 : memref<16xf32, #tpu.memory_space<hbm>>) target(%arg14 : memref<16xf32, #tpu.memory_space<vmem>>) target_semaphore(%arg16 : memref<!tpu.dma_semaphore, #tpu.memory_space<semaphore_mem>>)
    %mul3A_29 = arith.constant 18816 : i32
    %mul3A_30 = arith.muli %arg1, %mul3A_29 : i32
    %mul3A_31 = arith.constant 18816 : i32
    %mul3A_32 = arith.muli %arg1, %mul3A_31 : i32
    "tpu.region"() ({
      %run_scoped3A = tpu.sem_alloc : memref<!tpu.dma_semaphore, #tpu.memory_space<semaphore_mem>>
      %dma_start3A_92 = tpu.memref_slice %arg15[%mul3A_32] : memref<301056xf32, #tpu.memory_space<vmem_shared>> -> memref<18816xf32, #tpu.memory_space<vmem_shared>>
      %dma_start3A_93 = tpu.memref_slice %arg5[%mul3A_30] : memref<301056xf32, #tpu.memory_space<hbm>> -> memref<18816xf32, #tpu.memory_space<hbm>>
      tpu.enqueue_dma source(%dma_start3A_93 : memref<18816xf32, #tpu.memory_space<hbm>>) target(%dma_start3A_92 : memref<18816xf32, #tpu.memory_space<vmem_shared>>) target_semaphore(%run_scoped3A : memref<!tpu.dma_semaphore, #tpu.memory_space<semaphore_mem>>)
      %dma_wait3A_94 = tpu.memref_slice %arg15[%mul3A_32] : memref<301056xf32, #tpu.memory_space<vmem_shared>> -> memref<18816xf32, #tpu.memory_space<vmem_shared>>
      %dma_wait3A_95 = tpu.memref_slice %arg5[%mul3A_30] : memref<301056xf32, #tpu.memory_space<hbm>> -> memref<18816xf32, #tpu.memory_space<hbm>>
      tpu.wait_dma2 semaphore(%run_scoped3A : memref<!tpu.dma_semaphore, #tpu.memory_space<semaphore_mem>>) src(%dma_wait3A_95 : memref<18816xf32, #tpu.memory_space<hbm>>) dst(%dma_wait3A_94 : memref<18816xf32, #tpu.memory_space<vmem_shared>>)
      tpu.yield
    }) : () -> ()
    %dma_wait3A = arith.constant 0 : i32
    %dma_wait3A_33 = arith.constant 0 : i32
    %dma_wait3A_34 = tpu.memref_slice %arg8[%dma_wait3A, %dma_wait3A_33] : memref<3x512xi32, #tpu.memory_space<vmem>> -> memref<1x512xi32, #tpu.memory_space<vmem>>
    %dma_wait3A_35 = tpu.memref_squeeze %dma_wait3A_34 : memref<1x512xi32, #tpu.memory_space<vmem>> -> memref<512xi32, #tpu.memory_space<vmem>>
    %dma_wait3A_36 = tpu.memref_slice %arg2[%mul3A_2] : memref<16384xi32, #tpu.memory_space<hbm>> -> memref<512xi32, #tpu.memory_space<hbm>>
    %dma_wait3A_37 = arith.constant 0 : i32
    %dma_wait3A_38 = tpu.memref_slice %arg8[%dma_wait3A, %dma_wait3A_37] : memref<3x512xi32, #tpu.memory_space<vmem>> -> memref<1x512xi32, #tpu.memory_space<vmem>>
    %dma_wait3A_39 = tpu.memref_squeeze %dma_wait3A_38 : memref<1x512xi32, #tpu.memory_space<vmem>> -> memref<512xi32, #tpu.memory_space<vmem>>
    %dma_wait3A_40 = tpu.memref_slice %arg2[%mul3A_2] : memref<16384xi32, #tpu.memory_space<hbm>> -> memref<512xi32, #tpu.memory_space<hbm>>
    tpu.wait_dma2 semaphore(%arg16 : memref<!tpu.dma_semaphore, #tpu.memory_space<semaphore_mem>>) src(%dma_wait3A_40 : memref<512xi32, #tpu.memory_space<hbm>>) dst(%dma_wait3A_39 : memref<512xi32, #tpu.memory_space<vmem>>)
    %dma_wait3A_41 = arith.constant 1 : i32
    %dma_wait3A_42 = arith.constant 0 : i32
    %dma_wait3A_43 = tpu.memref_slice %arg8[%dma_wait3A_41, %dma_wait3A_42] : memref<3x512xi32, #tpu.memory_space<vmem>> -> memref<1x512xi32, #tpu.memory_space<vmem>>
    %dma_wait3A_44 = tpu.memref_squeeze %dma_wait3A_43 : memref<1x512xi32, #tpu.memory_space<vmem>> -> memref<512xi32, #tpu.memory_space<vmem>>
    %dma_wait3A_45 = tpu.memref_slice %arg3[%mul3A_2] : memref<16384xi32, #tpu.memory_space<hbm>> -> memref<512xi32, #tpu.memory_space<hbm>>
    %dma_wait3A_46 = arith.constant 0 : i32
    %dma_wait3A_47 = tpu.memref_slice %arg8[%dma_wait3A_41, %dma_wait3A_46] : memref<3x512xi32, #tpu.memory_space<vmem>> -> memref<1x512xi32, #tpu.memory_space<vmem>>
    %dma_wait3A_48 = tpu.memref_squeeze %dma_wait3A_47 : memref<1x512xi32, #tpu.memory_space<vmem>> -> memref<512xi32, #tpu.memory_space<vmem>>
    %dma_wait3A_49 = tpu.memref_slice %arg3[%mul3A_2] : memref<16384xi32, #tpu.memory_space<hbm>> -> memref<512xi32, #tpu.memory_space<hbm>>
    tpu.wait_dma2 semaphore(%arg16 : memref<!tpu.dma_semaphore, #tpu.memory_space<semaphore_mem>>) src(%dma_wait3A_49 : memref<512xi32, #tpu.memory_space<hbm>>) dst(%dma_wait3A_48 : memref<512xi32, #tpu.memory_space<vmem>>)
    %dma_wait3A_50 = arith.constant 2 : i32
    %dma_wait3A_51 = arith.constant 0 : i32
    %dma_wait3A_52 = tpu.memref_slice %arg8[%dma_wait3A_50, %dma_wait3A_51] : memref<3x512xi32, #tpu.memory_space<vmem>> -> memref<1x512xi32, #tpu.memory_space<vmem>>
    %dma_wait3A_53 = tpu.memref_squeeze %dma_wait3A_52 : memref<1x512xi32, #tpu.memory_space<vmem>> -> memref<512xi32, #tpu.memory_space<vmem>>
    %dma_wait3A_54 = tpu.memref_slice %arg4[%mul3A_2] : memref<16384xi32, #tpu.memory_space<hbm>> -> memref<512xi32, #tpu.memory_space<hbm>>
    %dma_wait3A_55 = arith.constant 0 : i32
    %dma_wait3A_56 = tpu.memref_slice %arg8[%dma_wait3A_50, %dma_wait3A_55] : memref<3x512xi32, #tpu.memory_space<vmem>> -> memref<1x512xi32, #tpu.memory_space<vmem>>
    %dma_wait3A_57 = tpu.memref_squeeze %dma_wait3A_56 : memref<1x512xi32, #tpu.memory_space<vmem>> -> memref<512xi32, #tpu.memory_space<vmem>>
    %dma_wait3A_58 = tpu.memref_slice %arg4[%mul3A_2] : memref<16384xi32, #tpu.memory_space<hbm>> -> memref<512xi32, #tpu.memory_space<hbm>>
    tpu.wait_dma2 semaphore(%arg16 : memref<!tpu.dma_semaphore, #tpu.memory_space<semaphore_mem>>) src(%dma_wait3A_58 : memref<512xi32, #tpu.memory_space<hbm>>) dst(%dma_wait3A_57 : memref<512xi32, #tpu.memory_space<vmem>>)
    tpu.wait_dma2 semaphore(%arg16 : memref<!tpu.dma_semaphore, #tpu.memory_space<semaphore_mem>>) src(%arg6 : memref<16xf32, #tpu.memory_space<hbm>>) dst(%arg14 : memref<16xf32, #tpu.memory_space<vmem>>)
    %parallel_loop3A = arith.constant 0 : i32
    %parallel_loop3A_59 = arith.constant 32 : i32
    %parallel_loop3A_60 = arith.constant 1 : i32
    scf.for %parallel_loop3A_92 = %parallel_loop3A to %parallel_loop3A_59 step %parallel_loop3A_60  : i32 {
      %parallel_loop3A_93 = arith.constant 0.000000e+00 : f32
      %parallel_loop3A_94 = vector.broadcast %parallel_loop3A_93 : f32 to vector<16xf32>
      %parallel_loop3A_95 = arith.constant 16 : i32
      %parallel_loop3A_96 = arith.muli %parallel_loop3A_92, %parallel_loop3A_95 : i32
      %parallel_loop3A_97 = arith.index_cast %parallel_loop3A_96 : i32 to index
      %parallel_loop3A_98 = tpu.vector_load %arg10[%parallel_loop3A_97] {strides = array<i32>} : memref<512xf32, #tpu.memory_space<vmem>>, vector<16xf32>,
      tpu.vector_store %arg10[%parallel_loop3A_97], %parallel_loop3A_94 {strides = array<i32>} : memref<512xf32, #tpu.memory_space<vmem>>, vector<16xf32>,
    } {sc.loop_unroll_factor = 4 : i64, sc.parallel_access}
    %parallel_loop3A_61 = arith.constant 0 : i32
    %parallel_loop3A_62 = arith.constant 32 : i32
    %parallel_loop3A_63 = arith.constant 1 : i32
    scf.for %parallel_loop3A_92 = %parallel_loop3A_61 to %parallel_loop3A_62 step %parallel_loop3A_63  : i32 {
      %parallel_loop3A_93 = arith.constant 16 : i32
      %parallel_loop3A_94 = arith.muli %parallel_loop3A_92, %parallel_loop3A_93 : i32
      %parallel_loop3A_95 = arith.constant 0 : i32
      %parallel_loop3A_96 = arith.index_cast %parallel_loop3A_95 : i32 to index
      %parallel_loop3A_97 = arith.index_cast %parallel_loop3A_94 : i32 to index
      %parallel_loop3A_98 = tpu.vector_load %arg8[%parallel_loop3A_96, %parallel_loop3A_97] {strides = array<i32>} : memref<3x512xi32, #tpu.memory_space<vmem>>, vector<16xi32>,
      %parallel_loop3A_99 = arith.constant 0 : i32
      %parallel_loop3A_100 = vector.broadcast %parallel_loop3A_99 : i32 to vector<16xi32>
      %parallel_loop3A_101 = arith.addi %parallel_loop3A_98, %parallel_loop3A_100 : vector<16xi32>
      %parallel_loop3A_102 = arith.constant 3 : i32
      %parallel_loop3A_103 = arith.shrsi %parallel_loop3A_92, %parallel_loop3A_102 : i32
      %parallel_loop3A_104 = arith.constant 0 : i32
      %parallel_loop3A_105 = arith.addi %parallel_loop3A_104, %parallel_loop3A_103 : i32
      %parallel_loop3A_106 = arith.constant 7 : i32
      %parallel_loop3A_107 = arith.andi %parallel_loop3A_92, %parallel_loop3A_106 : i32
      %parallel_loop3A_108 = arith.constant 16 : i32
      %parallel_loop3A_109 = arith.muli %parallel_loop3A_107, %parallel_loop3A_108 : i32
      %parallel_loop3A_110 = arith.index_cast %parallel_loop3A_105 : i32 to index
      %parallel_loop3A_111 = arith.index_cast %parallel_loop3A_109 : i32 to index
      %parallel_loop3A_112 = tpu.vector_load %arg9[%parallel_loop3A_110, %parallel_loop3A_111] {strides = array<i32>} : memref<12x128xi32, #tpu.memory_space<vmem>>, vector<16xi32>,
      tpu.vector_store %arg9[%parallel_loop3A_110, %parallel_loop3A_111], %parallel_loop3A_101 {strides = array<i32>} : memref<12x128xi32, #tpu.memory_space<vmem>>, vector<16xi32>,
    } {sc.loop_unroll_factor = 4 : i64, sc.parallel_access}
    %parallel_loop3A_64 = arith.constant 0 : i32
    %parallel_loop3A_65 = arith.constant 32 : i32
    %parallel_loop3A_66 = arith.constant 1 : i32
    scf.for %parallel_loop3A_92 = %parallel_loop3A_64 to %parallel_loop3A_65 step %parallel_loop3A_66  : i32 {
      %parallel_loop3A_93 = arith.constant 16 : i32
      %parallel_loop3A_94 = arith.muli %parallel_loop3A_92, %parallel_loop3A_93 : i32
      %parallel_loop3A_95 = arith.constant 1 : i32
      %parallel_loop3A_96 = arith.index_cast %parallel_loop3A_95 : i32 to index
      %parallel_loop3A_97 = arith.index_cast %parallel_loop3A_94 : i32 to index
      %parallel_loop3A_98 = tpu.vector_load %arg8[%parallel_loop3A_96, %parallel_loop3A_97] {strides = array<i32>} : memref<3x512xi32, #tpu.memory_space<vmem>>, vector<16xi32>,
      %parallel_loop3A_99 = arith.constant 100352 : i32
      %parallel_loop3A_100 = vector.broadcast %parallel_loop3A_99 : i32 to vector<16xi32>
      %parallel_loop3A_101 = arith.addi %parallel_loop3A_98, %parallel_loop3A_100 : vector<16xi32>
      %parallel_loop3A_102 = arith.constant 3 : i32
      %parallel_loop3A_103 = arith.shrsi %parallel_loop3A_92, %parallel_loop3A_102 : i32
      %parallel_loop3A_104 = arith.constant 4 : i32
      %parallel_loop3A_105 = arith.addi %parallel_loop3A_104, %parallel_loop3A_103 : i32
      %parallel_loop3A_106 = arith.constant 7 : i32
      %parallel_loop3A_107 = arith.andi %parallel_loop3A_92, %parallel_loop3A_106 : i32
      %parallel_loop3A_108 = arith.constant 16 : i32
      %parallel_loop3A_109 = arith.muli %parallel_loop3A_107, %parallel_loop3A_108 : i32
      %parallel_loop3A_110 = arith.index_cast %parallel_loop3A_105 : i32 to index
      %parallel_loop3A_111 = arith.index_cast %parallel_loop3A_109 : i32 to index
      %parallel_loop3A_112 = tpu.vector_load %arg9[%parallel_loop3A_110, %parallel_loop3A_111] {strides = array<i32>} : memref<12x128xi32, #tpu.memory_space<vmem>>, vector<16xi32>,
      tpu.vector_store %arg9[%parallel_loop3A_110, %parallel_loop3A_111], %parallel_loop3A_101 {strides = array<i32>} : memref<12x128xi32, #tpu.memory_space<vmem>>, vector<16xi32>,
    } {sc.loop_unroll_factor = 4 : i64, sc.parallel_access}
    %parallel_loop3A_67 = arith.constant 0 : i32
    %parallel_loop3A_68 = arith.constant 32 : i32
    %parallel_loop3A_69 = arith.constant 1 : i32
    scf.for %parallel_loop3A_92 = %parallel_loop3A_67 to %parallel_loop3A_68 step %parallel_loop3A_69  : i32 {
      %parallel_loop3A_93 = arith.constant 16 : i32
      %parallel_loop3A_94 = arith.muli %parallel_loop3A_92, %parallel_loop3A_93 : i32
      %parallel_loop3A_95 = arith.constant 2 : i32
      %parallel_loop3A_96 = arith.index_cast %parallel_loop3A_95 : i32 to index
      %parallel_loop3A_97 = arith.index_cast %parallel_loop3A_94 : i32 to index
      %parallel_loop3A_98 = tpu.vector_load %arg8[%parallel_loop3A_96, %parallel_loop3A_97] {strides = array<i32>} : memref<3x512xi32, #tpu.memory_space<vmem>>, vector<16xi32>,
      %parallel_loop3A_99 = arith.constant 200704 : i32
      %parallel_loop3A_100 = vector.broadcast %parallel_loop3A_99 : i32 to vector<16xi32>
      %parallel_loop3A_101 = arith.addi %parallel_loop3A_98, %parallel_loop3A_100 : vector<16xi32>
      %parallel_loop3A_102 = arith.constant 3 : i32
      %parallel_loop3A_103 = arith.shrsi %parallel_loop3A_92, %parallel_loop3A_102 : i32
      %parallel_loop3A_104 = arith.constant 8 : i32
      %parallel_loop3A_105 = arith.addi %parallel_loop3A_104, %parallel_loop3A_103 : i32
      %parallel_loop3A_106 = arith.constant 7 : i32
      %parallel_loop3A_107 = arith.andi %parallel_loop3A_92, %parallel_loop3A_106 : i32
      %parallel_loop3A_108 = arith.constant 16 : i32
      %parallel_loop3A_109 = arith.muli %parallel_loop3A_107, %parallel_loop3A_108 : i32
      %parallel_loop3A_110 = arith.index_cast %parallel_loop3A_105 : i32 to index
      %parallel_loop3A_111 = arith.index_cast %parallel_loop3A_109 : i32 to index
      %parallel_loop3A_112 = tpu.vector_load %arg9[%parallel_loop3A_110, %parallel_loop3A_111] {strides = array<i32>} : memref<12x128xi32, #tpu.memory_space<vmem>>, vector<16xi32>,
      tpu.vector_store %arg9[%parallel_loop3A_110, %parallel_loop3A_111], %parallel_loop3A_101 {strides = array<i32>} : memref<12x128xi32, #tpu.memory_space<vmem>>, vector<16xi32>,
    } {sc.loop_unroll_factor = 4 : i64, sc.parallel_access}
    %barrier3A = arith.constant 0 : index
    tpu.barrier barrier_id(%barrier3A)
    %dma_start3A_70 = arith.constant 0 : i32
    %dma_start3A_71 = arith.constant 0 : i32
    %dma_start3A_72 = tpu.memref_slice %arg9[%dma_start3A_70, %dma_start3A_71] : memref<12x128xi32, #tpu.memory_space<vmem>> -> memref<1x128xi32, #tpu.memory_space<vmem>>
    %dma_start3A_73 = tpu.memref_squeeze %dma_start3A_72 : memref<1x128xi32, #tpu.memory_space<vmem>> -> memref<128xi32, #tpu.memory_space<vmem>>
    %dma_start3A_74 = arith.constant 0 : i32
    %dma_start3A_75 = tpu.memref_slice %arg15[%dma_start3A_74] : memref<301056xf32, #tpu.memory_space<vmem_shared>> -> memref<301056xf32, #tpu.memory_space<vmem_shared>>
    tpu.enqueue_indirect_dma source(%dma_start3A_75 : memref<301056xf32, #tpu.memory_space<vmem_shared>>) target(%arg11 : memref<128xf32, #tpu.memory_space<vmem>>) offsets(%dma_start3A_73 : memref<128xi32, #tpu.memory_space<vmem>>) semaphore(%arg17 : memref<!tpu.dma_semaphore, #tpu.memory_space<semaphore_mem>>)
    %scan3A = arith.constant 0 : i32
    %scan3A_76 = arith.constant 0 : i32
    %scan3A_77 = arith.constant 6 : i32
    %scan3A_78 = arith.addi %scan3A_76, %scan3A_77 : i32
    %scan3A_79 = arith.constant 1 : i32
    %scan3A_80 = scf.for %scan3A_92 = %scan3A_76 to %scan3A_78 step %scan3A_79 iter_args(%scan3A_93 = %scan3A) -> (i32)  : i32 {
      %mul3A_94 = arith.constant 2 : i32
      %mul3A_95 = arith.muli %mul3A_94, %scan3A_92 : i32
      %add3A_96 = arith.constant 1 : i32
      %add3A_97 = arith.addi %mul3A_95, %add3A_96 : i32
      %dma_start3A_98 = arith.constant 0 : i32
      %dma_start3A_99 = tpu.memref_slice %arg9[%add3A_97, %dma_start3A_98] : memref<12x128xi32, #tpu.memory_space<vmem>> -> memref<1x128xi32, #tpu.memory_space<vmem>>
      %dma_start3A_100 = tpu.memref_squeeze %dma_start3A_99 : memref<1x128xi32, #tpu.memory_space<vmem>> -> memref<128xi32, #tpu.memory_space<vmem>>
      %dma_start3A_101 = arith.constant 0 : i32
      %dma_start3A_102 = tpu.memref_slice %arg15[%dma_start3A_101] : memref<301056xf32, #tpu.memory_space<vmem_shared>> -> memref<301056xf32, #tpu.memory_space<vmem_shared>>
      tpu.enqueue_indirect_dma source(%dma_start3A_102 : memref<301056xf32, #tpu.memory_space<vmem_shared>>) target(%arg12 : memref<128xf32, #tpu.memory_space<vmem>>) offsets(%dma_start3A_100 : memref<128xi32, #tpu.memory_space<vmem>>) semaphore(%arg18 : memref<!tpu.dma_semaphore, #tpu.memory_space<semaphore_mem>>)
      %dma_wait3A_103 = arith.constant 0 : i32
      %dma_wait3A_104 = tpu.memref_slice %arg9[%mul3A_95, %dma_wait3A_103] : memref<12x128xi32, #tpu.memory_space<vmem>> -> memref<1x128xi32, #tpu.memory_space<vmem>>
      %dma_wait3A_105 = tpu.memref_squeeze %dma_wait3A_104 : memref<1x128xi32, #tpu.memory_space<vmem>> -> memref<128xi32, #tpu.memory_space<vmem>>
      %dma_wait3A_106 = arith.constant 0 : i32
      %dma_wait3A_107 = tpu.memref_slice %arg15[%dma_wait3A_106] : memref<301056xf32, #tpu.memory_space<vmem_shared>> -> memref<301056xf32, #tpu.memory_space<vmem_shared>>
      tpu.wait_indirect_dma semaphore(%arg17 : memref<!tpu.dma_semaphore, #tpu.memory_space<semaphore_mem>>) src(%dma_wait3A_107 : memref<301056xf32, #tpu.memory_space<vmem_shared>>) dst(%arg11 : memref<128xf32, #tpu.memory_space<vmem>>)
      %and3A = arith.constant 3 : i32
      %and3A_108 = arith.andi %mul3A_95, %and3A : i32
      %mul3A_109 = arith.constant 128 : i32
      %mul3A_110 = arith.muli %and3A_108, %mul3A_109 : i32
      %parallel_loop3A_111 = arith.constant 0 : i32
      %parallel_loop3A_112 = arith.constant 8 : i32
      %parallel_loop3A_113 = arith.constant 1 : i32
      scf.for %parallel_loop3A_139 = %parallel_loop3A_111 to %parallel_loop3A_112 step %parallel_loop3A_113  : i32 {
        %parallel_loop3A_140 = arith.constant 16 : i32
        %parallel_loop3A_141 = arith.muli %parallel_loop3A_139, %parallel_loop3A_140 : i32
        %parallel_loop3A_142 = arith.addi %mul3A_110, %parallel_loop3A_141 : i32
        %parallel_loop3A_143 = arith.constant 16 : i32
        %parallel_loop3A_144 = arith.muli %parallel_loop3A_139, %parallel_loop3A_143 : i32
        %parallel_loop3A_145 = arith.index_cast %parallel_loop3A_144 : i32 to index
        %parallel_loop3A_146 = tpu.vector_load %arg11[%parallel_loop3A_145] {strides = array<i32>} : memref<128xf32, #tpu.memory_space<vmem>>, vector<16xf32>,
        %parallel_loop3A_147 = arith.index_cast %parallel_loop3A_142 : i32 to index
        %parallel_loop3A_148 = tpu.vector_load %arg10[%parallel_loop3A_147] {strides = array<i32>} : memref<512xf32, #tpu.memory_space<vmem>>, vector<16xf32>,
        tpu.vector_store %arg10[%parallel_loop3A_147], %parallel_loop3A_146 {add = true, strides = array<i32>} : memref<512xf32, #tpu.memory_space<vmem>>, vector<16xf32>,
      } {sc.loop_unroll_factor = 4 : i64, sc.parallel_access}
      %add3A_114 = arith.constant 2 : i32
      %add3A_115 = arith.addi %mul3A_95, %add3A_114 : i32
      %min3A = arith.constant 11 : i32
      %min3A_116 = arith.minsi %add3A_115, %min3A : i32
      %dma_start3A_117 = arith.constant 0 : i32
      %dma_start3A_118 = tpu.memref_slice %arg9[%min3A_116, %dma_start3A_117] : memref<12x128xi32, #tpu.memory_space<vmem>> -> memref<1x128xi32, #tpu.memory_space<vmem>>
      %dma_start3A_119 = tpu.memref_squeeze %dma_start3A_118 : memref<1x128xi32, #tpu.memory_space<vmem>> -> memref<128xi32, #tpu.memory_space<vmem>>
      %dma_start3A_120 = arith.constant 0 : i32
      %dma_start3A_121 = tpu.memref_slice %arg15[%dma_start3A_120] : memref<301056xf32, #tpu.memory_space<vmem_shared>> -> memref<301056xf32, #tpu.memory_space<vmem_shared>>
      tpu.enqueue_indirect_dma source(%dma_start3A_121 : memref<301056xf32, #tpu.memory_space<vmem_shared>>) target(%arg11 : memref<128xf32, #tpu.memory_space<vmem>>) offsets(%dma_start3A_119 : memref<128xi32, #tpu.memory_space<vmem>>) semaphore(%arg17 : memref<!tpu.dma_semaphore, #tpu.memory_space<semaphore_mem>>)
      %add3A_122 = arith.constant 1 : i32
      %add3A_123 = arith.addi %mul3A_95, %add3A_122 : i32
      %dma_wait3A_124 = arith.constant 0 : i32
      %dma_wait3A_125 = tpu.memref_slice %arg9[%add3A_123, %dma_wait3A_124] : memref<12x128xi32, #tpu.memory_space<vmem>> -> memref<1x128xi32, #tpu.memory_space<vmem>>
      %dma_wait3A_126 = tpu.memref_squeeze %dma_wait3A_125 : memref<1x128xi32, #tpu.memory_space<vmem>> -> memref<128xi32, #tpu.memory_space<vmem>>
      %dma_wait3A_127 = arith.constant 0 : i32
      %dma_wait3A_128 = tpu.memref_slice %arg15[%dma_wait3A_127] : memref<301056xf32, #tpu.memory_space<vmem_shared>> -> memref<301056xf32, #tpu.memory_space<vmem_shared>>
      tpu.wait_indirect_dma semaphore(%arg18 : memref<!tpu.dma_semaphore, #tpu.memory_space<semaphore_mem>>) src(%dma_wait3A_128 : memref<301056xf32, #tpu.memory_space<vmem_shared>>) dst(%arg12 : memref<128xf32, #tpu.memory_space<vmem>>)
      %add3A_129 = arith.constant 1 : i32
      %add3A_130 = arith.addi %mul3A_95, %add3A_129 : i32
      %and3A_131 = arith.constant 3 : i32
      %and3A_132 = arith.andi %add3A_130, %and3A_131 : i32
      %mul3A_133 = arith.constant 128 : i32
      %mul3A_134 = arith.muli %and3A_132, %mul3A_133 : i32
      %parallel_loop3A_135 = arith.constant 0 : i32
      %parallel_loop3A_136 = arith.constant 8 : i32
      %parallel_loop3A_137 = arith.constant 1 : i32
      scf.for %parallel_loop3A_139 = %parallel_loop3A_135 to %parallel_loop3A_136 step %parallel_loop3A_137  : i32 {
        %parallel_loop3A_140 = arith.constant 16 : i32
        %parallel_loop3A_141 = arith.muli %parallel_loop3A_139, %parallel_loop3A_140 : i32
        %parallel_loop3A_142 = arith.addi %mul3A_134, %parallel_loop3A_141 : i32
        %parallel_loop3A_143 = arith.constant 16 : i32
        %parallel_loop3A_144 = arith.muli %parallel_loop3A_139, %parallel_loop3A_143 : i32
        %parallel_loop3A_145 = arith.index_cast %parallel_loop3A_144 : i32 to index
        %parallel_loop3A_146 = tpu.vector_load %arg12[%parallel_loop3A_145] {strides = array<i32>} : memref<128xf32, #tpu.memory_space<vmem>>, vector<16xf32>,
        %parallel_loop3A_147 = arith.index_cast %parallel_loop3A_142 : i32 to index
        %parallel_loop3A_148 = tpu.vector_load %arg10[%parallel_loop3A_147] {strides = array<i32>} : memref<512xf32, #tpu.memory_space<vmem>>, vector<16xf32>,
        tpu.vector_store %arg10[%parallel_loop3A_147], %parallel_loop3A_146 {add = true, strides = array<i32>} : memref<512xf32, #tpu.memory_space<vmem>>, vector<16xf32>,
      } {sc.loop_unroll_factor = 4 : i64, sc.parallel_access}
      %scan3A_138 = arith.constant 0 : i32
      scf.yield %scan3A_138 : i32
    }
    %scan3A_81 = arith.constant 6 : i32
    %dma_wait3A_82 = arith.constant 11 : i32
    %dma_wait3A_83 = arith.constant 0 : i32
    %dma_wait3A_84 = tpu.memref_slice %arg9[%dma_wait3A_82, %dma_wait3A_83] : memref<12x128xi32, #tpu.memory_space<vmem>> -> memref<1x128xi32, #tpu.memory_space<vmem>>
    %dma_wait3A_85 = tpu.memref_squeeze %dma_wait3A_84 : memref<1x128xi32, #tpu.memory_space<vmem>> -> memref<128xi32, #tpu.memory_space<vmem>>
    %dma_wait3A_86 = arith.constant 0 : i32
    %dma_wait3A_87 = tpu.memref_slice %arg15[%dma_wait3A_86] : memref<301056xf32, #tpu.memory_space<vmem_shared>> -> memref<301056xf32, #tpu.memory_space<vmem_shared>>
    tpu.wait_indirect_dma semaphore(%arg17 : memref<!tpu.dma_semaphore, #tpu.memory_space<semaphore_mem>>) src(%dma_wait3A_87 : memref<301056xf32, #tpu.memory_space<vmem_shared>>) dst(%arg11 : memref<128xf32, #tpu.memory_space<vmem>>)
    %get3A = arith.constant 0 : index
    %get3A_88 = tpu.vector_load %arg14[%get3A] {strides = array<i32>} : memref<16xf32, #tpu.memory_space<vmem>>, vector<16xf32>,
    %parallel_loop3A_89 = arith.constant 0 : i32
    %parallel_loop3A_90 = arith.constant 32 : i32
    %parallel_loop3A_91 = arith.constant 1 : i32
    scf.for %parallel_loop3A_92 = %parallel_loop3A_89 to %parallel_loop3A_90 step %parallel_loop3A_91  : i32 {
      %parallel_loop3A_93 = arith.constant 16 : i32
      %parallel_loop3A_94 = arith.muli %parallel_loop3A_92, %parallel_loop3A_93 : i32
      %parallel_loop3A_95 = arith.index_cast %parallel_loop3A_94 : i32 to index
      %parallel_loop3A_96 = tpu.vector_load %arg10[%parallel_loop3A_95] {strides = array<i32>} : memref<512xf32, #tpu.memory_space<vmem>>, vector<16xf32>,
      %parallel_loop3A_97 = arith.addf %parallel_loop3A_96, %get3A_88 : vector<16xf32>
      %parallel_loop3A_98 = arith.index_cast %parallel_loop3A_94 : i32 to index
      %parallel_loop3A_99 = tpu.vector_load %arg13[%parallel_loop3A_98] {strides = array<i32>} : memref<512xf32, #tpu.memory_space<vmem>>, vector<16xf32>,
      tpu.vector_store %arg13[%parallel_loop3A_98], %parallel_loop3A_97 {strides = array<i32>} : memref<512xf32, #tpu.memory_space<vmem>>, vector<16xf32>,
    } {sc.loop_unroll_factor = 4 : i64, sc.parallel_access}
    "tpu.region"() ({
      %run_scoped3A = tpu.sem_alloc : memref<!tpu.dma_semaphore, #tpu.memory_space<semaphore_mem>>
      %dma_start3A_92 = tpu.memref_slice %arg7[%mul3A_2] : memref<16384xf32, #tpu.memory_space<hbm>> -> memref<512xf32, #tpu.memory_space<hbm>>
      %dma_start3A_93 = tpu.memref_slice %arg7[%mul3A_2] : memref<16384xf32, #tpu.memory_space<hbm>> -> memref<512xf32, #tpu.memory_space<hbm>>
      tpu.enqueue_dma source(%arg13 : memref<512xf32, #tpu.memory_space<vmem>>) target(%dma_start3A_93 : memref<512xf32, #tpu.memory_space<hbm>>) target_semaphore(%run_scoped3A : memref<!tpu.dma_semaphore, #tpu.memory_space<semaphore_mem>>)
      %dma_wait3A_94 = tpu.memref_slice %arg7[%mul3A_2] : memref<16384xf32, #tpu.memory_space<hbm>> -> memref<512xf32, #tpu.memory_space<hbm>>
      %dma_wait3A_95 = tpu.memref_slice %arg7[%mul3A_2] : memref<16384xf32, #tpu.memory_space<hbm>> -> memref<512xf32, #tpu.memory_space<hbm>>
      tpu.wait_dma2 semaphore(%run_scoped3A : memref<!tpu.dma_semaphore, #tpu.memory_space<semaphore_mem>>) src(%arg13 : memref<512xf32, #tpu.memory_space<vmem>>) dst(%dma_wait3A_95 : memref<512xf32, #tpu.memory_space<hbm>>)
      tpu.yield
    }) : () -> ()
    return
  }
}

#map = affine_map<(d0, d1) -> (0)>
module attributes {stable_mosaic.version = 14 : i64} {
  func.func @sc_call(%arg0: i32, %arg1: i32, %arg2: memref<16384xi32, #tpu.memory_space<hbm>>, %arg3: memref<16384xi32, #tpu.memory_space<hbm>>, %arg4: memref<16384xi32, #tpu.memory_space<hbm>>, %arg5: memref<16384xi32, #tpu.memory_space<hbm>>, %arg6: memref<16384xi32, #tpu.memory_space<hbm>>, %arg7: memref<16384xi32, #tpu.memory_space<hbm>>, %arg8: memref<16384xi32, #tpu.memory_space<hbm>>, %arg9: memref<16384xi32, #tpu.memory_space<hbm>>, %arg10: memref<16384xi32, #tpu.memory_space<hbm>>, %arg11: memref<903168xf32, #tpu.memory_space<hbm>>, %arg12: memref<16xf32, #tpu.memory_space<hbm>>, %arg13: memref<16384xf32, #tpu.memory_space<hbm>>, %arg14: memref<16384xf32, #tpu.memory_space<hbm>>, %arg15: memref<9x512xi32, #tpu.memory_space<vmem>>, %arg16: memref<36x128xi32, #tpu.memory_space<vmem>>, %arg17: memref<512xf32, #tpu.memory_space<vmem>>, %arg18: memref<128xf32, #tpu.memory_space<vmem>>, %arg19: memref<128xf32, #tpu.memory_space<vmem>>, %arg20: memref<512xf32, #tpu.memory_space<vmem>>, %arg21: memref<16xf32, #tpu.memory_space<vmem>>, %arg22: memref<903168xf32, #tpu.memory_space<vmem_shared>>, %arg23: memref<!tpu.dma_semaphore, #tpu.memory_space<semaphore_mem>>, %arg24: memref<!tpu.dma_semaphore, #tpu.memory_space<semaphore_mem>>, %arg25: memref<!tpu.dma_semaphore, #tpu.memory_space<semaphore_mem>>) attributes {dimension_semantics = [#tpu.dimension_semantics<core_parallel>, #tpu.dimension_semantics<subcore_parallel>], iteration_bounds = array<i64: 2, 16>, scalar_prefetch = 0 : i64, scratch_operands = 11 : i64, tpu.core_type = #tpu.core_type<sc_vector_subcore>, window_params = [{transform_indices = #map}, {transform_indices = #map}, {transform_indices = #map}, {transform_indices = #map}, {transform_indices = #map}, {transform_indices = #map}, {transform_indices = #map}, {transform_indices = #map}, {transform_indices = #map}, {transform_indices = #map}, {transform_indices = #map}, {transform_indices = #map}, {transform_indices = #map}]} {
    %mul3A = arith.constant 2 : i32
    %mul3A_0 = arith.muli %arg1, %mul3A : i32
    %add3A = arith.addi %mul3A_0, %arg0 : i32
    %mul3A_1 = arith.constant 512 : i32
    %mul3A_2 = arith.muli %add3A, %mul3A_1 : i32
    %dma_start3A = arith.constant 0 : i32
    %dma_start3A_3 = arith.constant 0 : i32
    %dma_start3A_4 = tpu.memref_slice %arg15[%dma_start3A, %dma_start3A_3] : memref<9x512xi32, #tpu.memory_space<vmem>> -> memref<1x512xi32, #tpu.memory_space<vmem>>
    %dma_start3A_5 = tpu.memref_squeeze %dma_start3A_4 : memref<1x512xi32, #tpu.memory_space<vmem>> -> memref<512xi32, #tpu.memory_space<vmem>>
    %dma_start3A_6 = tpu.memref_slice %arg2[%mul3A_2] : memref<16384xi32, #tpu.memory_space<hbm>> -> memref<512xi32, #tpu.memory_space<hbm>>
    %dma_start3A_7 = arith.constant 0 : i32
    %dma_start3A_8 = tpu.memref_slice %arg15[%dma_start3A, %dma_start3A_7] : memref<9x512xi32, #tpu.memory_space<vmem>> -> memref<1x512xi32, #tpu.memory_space<vmem>>
    %dma_start3A_9 = tpu.memref_squeeze %dma_start3A_8 : memref<1x512xi32, #tpu.memory_space<vmem>> -> memref<512xi32, #tpu.memory_space<vmem>>
    %dma_start3A_10 = tpu.memref_slice %arg2[%mul3A_2] : memref<16384xi32, #tpu.memory_space<hbm>> -> memref<512xi32, #tpu.memory_space<hbm>>
    tpu.enqueue_dma source(%dma_start3A_10 : memref<512xi32, #tpu.memory_space<hbm>>) target(%dma_start3A_9 : memref<512xi32, #tpu.memory_space<vmem>>) target_semaphore(%arg23 : memref<!tpu.dma_semaphore, #tpu.memory_space<semaphore_mem>>)
    %dma_start3A_11 = arith.constant 1 : i32
    %dma_start3A_12 = arith.constant 0 : i32
    %dma_start3A_13 = tpu.memref_slice %arg15[%dma_start3A_11, %dma_start3A_12] : memref<9x512xi32, #tpu.memory_space<vmem>> -> memref<1x512xi32, #tpu.memory_space<vmem>>
    %dma_start3A_14 = tpu.memref_squeeze %dma_start3A_13 : memref<1x512xi32, #tpu.memory_space<vmem>> -> memref<512xi32, #tpu.memory_space<vmem>>
    %dma_start3A_15 = tpu.memref_slice %arg3[%mul3A_2] : memref<16384xi32, #tpu.memory_space<hbm>> -> memref<512xi32, #tpu.memory_space<hbm>>
    %dma_start3A_16 = arith.constant 0 : i32
    %dma_start3A_17 = tpu.memref_slice %arg15[%dma_start3A_11, %dma_start3A_16] : memref<9x512xi32, #tpu.memory_space<vmem>> -> memref<1x512xi32, #tpu.memory_space<vmem>>
    %dma_start3A_18 = tpu.memref_squeeze %dma_start3A_17 : memref<1x512xi32, #tpu.memory_space<vmem>> -> memref<512xi32, #tpu.memory_space<vmem>>
    %dma_start3A_19 = tpu.memref_slice %arg3[%mul3A_2] : memref<16384xi32, #tpu.memory_space<hbm>> -> memref<512xi32, #tpu.memory_space<hbm>>
    tpu.enqueue_dma source(%dma_start3A_19 : memref<512xi32, #tpu.memory_space<hbm>>) target(%dma_start3A_18 : memref<512xi32, #tpu.memory_space<vmem>>) target_semaphore(%arg23 : memref<!tpu.dma_semaphore, #tpu.memory_space<semaphore_mem>>)
    %dma_start3A_20 = arith.constant 2 : i32
    %dma_start3A_21 = arith.constant 0 : i32
    %dma_start3A_22 = tpu.memref_slice %arg15[%dma_start3A_20, %dma_start3A_21] : memref<9x512xi32, #tpu.memory_space<vmem>> -> memref<1x512xi32, #tpu.memory_space<vmem>>
    %dma_start3A_23 = tpu.memref_squeeze %dma_start3A_22 : memref<1x512xi32, #tpu.memory_space<vmem>> -> memref<512xi32, #tpu.memory_space<vmem>>
    %dma_start3A_24 = tpu.memref_slice %arg4[%mul3A_2] : memref<16384xi32, #tpu.memory_space<hbm>> -> memref<512xi32, #tpu.memory_space<hbm>>
    %dma_start3A_25 = arith.constant 0 : i32
    %dma_start3A_26 = tpu.memref_slice %arg15[%dma_start3A_20, %dma_start3A_25] : memref<9x512xi32, #tpu.memory_space<vmem>> -> memref<1x512xi32, #tpu.memory_space<vmem>>
    %dma_start3A_27 = tpu.memref_squeeze %dma_start3A_26 : memref<1x512xi32, #tpu.memory_space<vmem>> -> memref<512xi32, #tpu.memory_space<vmem>>
    %dma_start3A_28 = tpu.memref_slice %arg4[%mul3A_2] : memref<16384xi32, #tpu.memory_space<hbm>> -> memref<512xi32, #tpu.memory_space<hbm>>
    tpu.enqueue_dma source(%dma_start3A_28 : memref<512xi32, #tpu.memory_space<hbm>>) target(%dma_start3A_27 : memref<512xi32, #tpu.memory_space<vmem>>) target_semaphore(%arg23 : memref<!tpu.dma_semaphore, #tpu.memory_space<semaphore_mem>>)
    %dma_start3A_29 = arith.constant 3 : i32
    %dma_start3A_30 = arith.constant 0 : i32
    %dma_start3A_31 = tpu.memref_slice %arg15[%dma_start3A_29, %dma_start3A_30] : memref<9x512xi32, #tpu.memory_space<vmem>> -> memref<1x512xi32, #tpu.memory_space<vmem>>
    %dma_start3A_32 = tpu.memref_squeeze %dma_start3A_31 : memref<1x512xi32, #tpu.memory_space<vmem>> -> memref<512xi32, #tpu.memory_space<vmem>>
    %dma_start3A_33 = tpu.memref_slice %arg5[%mul3A_2] : memref<16384xi32, #tpu.memory_space<hbm>> -> memref<512xi32, #tpu.memory_space<hbm>>
    %dma_start3A_34 = arith.constant 0 : i32
    %dma_start3A_35 = tpu.memref_slice %arg15[%dma_start3A_29, %dma_start3A_34] : memref<9x512xi32, #tpu.memory_space<vmem>> -> memref<1x512xi32, #tpu.memory_space<vmem>>
    %dma_start3A_36 = tpu.memref_squeeze %dma_start3A_35 : memref<1x512xi32, #tpu.memory_space<vmem>> -> memref<512xi32, #tpu.memory_space<vmem>>
    %dma_start3A_37 = tpu.memref_slice %arg5[%mul3A_2] : memref<16384xi32, #tpu.memory_space<hbm>> -> memref<512xi32, #tpu.memory_space<hbm>>
    tpu.enqueue_dma source(%dma_start3A_37 : memref<512xi32, #tpu.memory_space<hbm>>) target(%dma_start3A_36 : memref<512xi32, #tpu.memory_space<vmem>>) target_semaphore(%arg23 : memref<!tpu.dma_semaphore, #tpu.memory_space<semaphore_mem>>)
    %dma_start3A_38 = arith.constant 4 : i32
    %dma_start3A_39 = arith.constant 0 : i32
    %dma_start3A_40 = tpu.memref_slice %arg15[%dma_start3A_38, %dma_start3A_39] : memref<9x512xi32, #tpu.memory_space<vmem>> -> memref<1x512xi32, #tpu.memory_space<vmem>>
    %dma_start3A_41 = tpu.memref_squeeze %dma_start3A_40 : memref<1x512xi32, #tpu.memory_space<vmem>> -> memref<512xi32, #tpu.memory_space<vmem>>
    %dma_start3A_42 = tpu.memref_slice %arg6[%mul3A_2] : memref<16384xi32, #tpu.memory_space<hbm>> -> memref<512xi32, #tpu.memory_space<hbm>>
    %dma_start3A_43 = arith.constant 0 : i32
    %dma_start3A_44 = tpu.memref_slice %arg15[%dma_start3A_38, %dma_start3A_43] : memref<9x512xi32, #tpu.memory_space<vmem>> -> memref<1x512xi32, #tpu.memory_space<vmem>>
    %dma_start3A_45 = tpu.memref_squeeze %dma_start3A_44 : memref<1x512xi32, #tpu.memory_space<vmem>> -> memref<512xi32, #tpu.memory_space<vmem>>
    %dma_start3A_46 = tpu.memref_slice %arg6[%mul3A_2] : memref<16384xi32, #tpu.memory_space<hbm>> -> memref<512xi32, #tpu.memory_space<hbm>>
    tpu.enqueue_dma source(%dma_start3A_46 : memref<512xi32, #tpu.memory_space<hbm>>) target(%dma_start3A_45 : memref<512xi32, #tpu.memory_space<vmem>>) target_semaphore(%arg23 : memref<!tpu.dma_semaphore, #tpu.memory_space<semaphore_mem>>)
    %dma_start3A_47 = arith.constant 5 : i32
    %dma_start3A_48 = arith.constant 0 : i32
    %dma_start3A_49 = tpu.memref_slice %arg15[%dma_start3A_47, %dma_start3A_48] : memref<9x512xi32, #tpu.memory_space<vmem>> -> memref<1x512xi32, #tpu.memory_space<vmem>>
    %dma_start3A_50 = tpu.memref_squeeze %dma_start3A_49 : memref<1x512xi32, #tpu.memory_space<vmem>> -> memref<512xi32, #tpu.memory_space<vmem>>
    %dma_start3A_51 = tpu.memref_slice %arg7[%mul3A_2] : memref<16384xi32, #tpu.memory_space<hbm>> -> memref<512xi32, #tpu.memory_space<hbm>>
    %dma_start3A_52 = arith.constant 0 : i32
    %dma_start3A_53 = tpu.memref_slice %arg15[%dma_start3A_47, %dma_start3A_52] : memref<9x512xi32, #tpu.memory_space<vmem>> -> memref<1x512xi32, #tpu.memory_space<vmem>>
    %dma_start3A_54 = tpu.memref_squeeze %dma_start3A_53 : memref<1x512xi32, #tpu.memory_space<vmem>> -> memref<512xi32, #tpu.memory_space<vmem>>
    %dma_start3A_55 = tpu.memref_slice %arg7[%mul3A_2] : memref<16384xi32, #tpu.memory_space<hbm>> -> memref<512xi32, #tpu.memory_space<hbm>>
    tpu.enqueue_dma source(%dma_start3A_55 : memref<512xi32, #tpu.memory_space<hbm>>) target(%dma_start3A_54 : memref<512xi32, #tpu.memory_space<vmem>>) target_semaphore(%arg23 : memref<!tpu.dma_semaphore, #tpu.memory_space<semaphore_mem>>)
    %dma_start3A_56 = arith.constant 6 : i32
    %dma_start3A_57 = arith.constant 0 : i32
    %dma_start3A_58 = tpu.memref_slice %arg15[%dma_start3A_56, %dma_start3A_57] : memref<9x512xi32, #tpu.memory_space<vmem>> -> memref<1x512xi32, #tpu.memory_space<vmem>>
    %dma_start3A_59 = tpu.memref_squeeze %dma_start3A_58 : memref<1x512xi32, #tpu.memory_space<vmem>> -> memref<512xi32, #tpu.memory_space<vmem>>
    %dma_start3A_60 = tpu.memref_slice %arg8[%mul3A_2] : memref<16384xi32, #tpu.memory_space<hbm>> -> memref<512xi32, #tpu.memory_space<hbm>>
    %dma_start3A_61 = arith.constant 0 : i32
    %dma_start3A_62 = tpu.memref_slice %arg15[%dma_start3A_56, %dma_start3A_61] : memref<9x512xi32, #tpu.memory_space<vmem>> -> memref<1x512xi32, #tpu.memory_space<vmem>>
    %dma_start3A_63 = tpu.memref_squeeze %dma_start3A_62 : memref<1x512xi32, #tpu.memory_space<vmem>> -> memref<512xi32, #tpu.memory_space<vmem>>
    %dma_start3A_64 = tpu.memref_slice %arg8[%mul3A_2] : memref<16384xi32, #tpu.memory_space<hbm>> -> memref<512xi32, #tpu.memory_space<hbm>>
    tpu.enqueue_dma source(%dma_start3A_64 : memref<512xi32, #tpu.memory_space<hbm>>) target(%dma_start3A_63 : memref<512xi32, #tpu.memory_space<vmem>>) target_semaphore(%arg23 : memref<!tpu.dma_semaphore, #tpu.memory_space<semaphore_mem>>)
    %dma_start3A_65 = arith.constant 7 : i32
    %dma_start3A_66 = arith.constant 0 : i32
    %dma_start3A_67 = tpu.memref_slice %arg15[%dma_start3A_65, %dma_start3A_66] : memref<9x512xi32, #tpu.memory_space<vmem>> -> memref<1x512xi32, #tpu.memory_space<vmem>>
    %dma_start3A_68 = tpu.memref_squeeze %dma_start3A_67 : memref<1x512xi32, #tpu.memory_space<vmem>> -> memref<512xi32, #tpu.memory_space<vmem>>
    %dma_start3A_69 = tpu.memref_slice %arg9[%mul3A_2] : memref<16384xi32, #tpu.memory_space<hbm>> -> memref<512xi32, #tpu.memory_space<hbm>>
    %dma_start3A_70 = arith.constant 0 : i32
    %dma_start3A_71 = tpu.memref_slice %arg15[%dma_start3A_65, %dma_start3A_70] : memref<9x512xi32, #tpu.memory_space<vmem>> -> memref<1x512xi32, #tpu.memory_space<vmem>>
    %dma_start3A_72 = tpu.memref_squeeze %dma_start3A_71 : memref<1x512xi32, #tpu.memory_space<vmem>> -> memref<512xi32, #tpu.memory_space<vmem>>
    %dma_start3A_73 = tpu.memref_slice %arg9[%mul3A_2] : memref<16384xi32, #tpu.memory_space<hbm>> -> memref<512xi32, #tpu.memory_space<hbm>>
    tpu.enqueue_dma source(%dma_start3A_73 : memref<512xi32, #tpu.memory_space<hbm>>) target(%dma_start3A_72 : memref<512xi32, #tpu.memory_space<vmem>>) target_semaphore(%arg23 : memref<!tpu.dma_semaphore, #tpu.memory_space<semaphore_mem>>)
    %dma_start3A_74 = arith.constant 8 : i32
    %dma_start3A_75 = arith.constant 0 : i32
    %dma_start3A_76 = tpu.memref_slice %arg15[%dma_start3A_74, %dma_start3A_75] : memref<9x512xi32, #tpu.memory_space<vmem>> -> memref<1x512xi32, #tpu.memory_space<vmem>>
    %dma_start3A_77 = tpu.memref_squeeze %dma_start3A_76 : memref<1x512xi32, #tpu.memory_space<vmem>> -> memref<512xi32, #tpu.memory_space<vmem>>
    %dma_start3A_78 = tpu.memref_slice %arg10[%mul3A_2] : memref<16384xi32, #tpu.memory_space<hbm>> -> memref<512xi32, #tpu.memory_space<hbm>>
    %dma_start3A_79 = arith.constant 0 : i32
    %dma_start3A_80 = tpu.memref_slice %arg15[%dma_start3A_74, %dma_start3A_79] : memref<9x512xi32, #tpu.memory_space<vmem>> -> memref<1x512xi32, #tpu.memory_space<vmem>>
    %dma_start3A_81 = tpu.memref_squeeze %dma_start3A_80 : memref<1x512xi32, #tpu.memory_space<vmem>> -> memref<512xi32, #tpu.memory_space<vmem>>
    %dma_start3A_82 = tpu.memref_slice %arg10[%mul3A_2] : memref<16384xi32, #tpu.memory_space<hbm>> -> memref<512xi32, #tpu.memory_space<hbm>>
    tpu.enqueue_dma source(%dma_start3A_82 : memref<512xi32, #tpu.memory_space<hbm>>) target(%dma_start3A_81 : memref<512xi32, #tpu.memory_space<vmem>>) target_semaphore(%arg23 : memref<!tpu.dma_semaphore, #tpu.memory_space<semaphore_mem>>)
    tpu.enqueue_dma source(%arg12 : memref<16xf32, #tpu.memory_space<hbm>>) target(%arg21 : memref<16xf32, #tpu.memory_space<vmem>>) target_semaphore(%arg23 : memref<!tpu.dma_semaphore, #tpu.memory_space<semaphore_mem>>)
    %dma_start3A_83 = tpu.memref_slice %arg13[%mul3A_2] : memref<16384xf32, #tpu.memory_space<hbm>> -> memref<512xf32, #tpu.memory_space<hbm>>
    %dma_start3A_84 = tpu.memref_slice %arg13[%mul3A_2] : memref<16384xf32, #tpu.memory_space<hbm>> -> memref<512xf32, #tpu.memory_space<hbm>>
    tpu.enqueue_dma source(%dma_start3A_84 : memref<512xf32, #tpu.memory_space<hbm>>) target(%arg17 : memref<512xf32, #tpu.memory_space<vmem>>) target_semaphore(%arg23 : memref<!tpu.dma_semaphore, #tpu.memory_space<semaphore_mem>>)
    %mul3A_85 = arith.constant 56448 : i32
    %mul3A_86 = arith.muli %arg1, %mul3A_85 : i32
    %mul3A_87 = arith.constant 56448 : i32
    %mul3A_88 = arith.muli %arg1, %mul3A_87 : i32
    "tpu.region"() ({
      %run_scoped3A = tpu.sem_alloc : memref<!tpu.dma_semaphore, #tpu.memory_space<semaphore_mem>>
      %dma_start3A_219 = tpu.memref_slice %arg22[%mul3A_88] : memref<903168xf32, #tpu.memory_space<vmem_shared>> -> memref<56448xf32, #tpu.memory_space<vmem_shared>>
      %dma_start3A_220 = tpu.memref_slice %arg11[%mul3A_86] : memref<903168xf32, #tpu.memory_space<hbm>> -> memref<56448xf32, #tpu.memory_space<hbm>>
      tpu.enqueue_dma source(%dma_start3A_220 : memref<56448xf32, #tpu.memory_space<hbm>>) target(%dma_start3A_219 : memref<56448xf32, #tpu.memory_space<vmem_shared>>) target_semaphore(%run_scoped3A : memref<!tpu.dma_semaphore, #tpu.memory_space<semaphore_mem>>)
      %dma_wait3A_221 = tpu.memref_slice %arg22[%mul3A_88] : memref<903168xf32, #tpu.memory_space<vmem_shared>> -> memref<56448xf32, #tpu.memory_space<vmem_shared>>
      %dma_wait3A_222 = tpu.memref_slice %arg11[%mul3A_86] : memref<903168xf32, #tpu.memory_space<hbm>> -> memref<56448xf32, #tpu.memory_space<hbm>>
      tpu.wait_dma2 semaphore(%run_scoped3A : memref<!tpu.dma_semaphore, #tpu.memory_space<semaphore_mem>>) src(%dma_wait3A_222 : memref<56448xf32, #tpu.memory_space<hbm>>) dst(%dma_wait3A_221 : memref<56448xf32, #tpu.memory_space<vmem_shared>>)
      tpu.yield
    }) : () -> ()
    %dma_wait3A = arith.constant 0 : i32
    %dma_wait3A_89 = arith.constant 0 : i32
    %dma_wait3A_90 = tpu.memref_slice %arg15[%dma_wait3A, %dma_wait3A_89] : memref<9x512xi32, #tpu.memory_space<vmem>> -> memref<1x512xi32, #tpu.memory_space<vmem>>
    %dma_wait3A_91 = tpu.memref_squeeze %dma_wait3A_90 : memref<1x512xi32, #tpu.memory_space<vmem>> -> memref<512xi32, #tpu.memory_space<vmem>>
    %dma_wait3A_92 = tpu.memref_slice %arg2[%mul3A_2] : memref<16384xi32, #tpu.memory_space<hbm>> -> memref<512xi32, #tpu.memory_space<hbm>>
    %dma_wait3A_93 = arith.constant 0 : i32
    %dma_wait3A_94 = tpu.memref_slice %arg15[%dma_wait3A, %dma_wait3A_93] : memref<9x512xi32, #tpu.memory_space<vmem>> -> memref<1x512xi32, #tpu.memory_space<vmem>>
    %dma_wait3A_95 = tpu.memref_squeeze %dma_wait3A_94 : memref<1x512xi32, #tpu.memory_space<vmem>> -> memref<512xi32, #tpu.memory_space<vmem>>
    %dma_wait3A_96 = tpu.memref_slice %arg2[%mul3A_2] : memref<16384xi32, #tpu.memory_space<hbm>> -> memref<512xi32, #tpu.memory_space<hbm>>
    tpu.wait_dma2 semaphore(%arg23 : memref<!tpu.dma_semaphore, #tpu.memory_space<semaphore_mem>>) src(%dma_wait3A_96 : memref<512xi32, #tpu.memory_space<hbm>>) dst(%dma_wait3A_95 : memref<512xi32, #tpu.memory_space<vmem>>)
    %dma_wait3A_97 = arith.constant 1 : i32
    %dma_wait3A_98 = arith.constant 0 : i32
    %dma_wait3A_99 = tpu.memref_slice %arg15[%dma_wait3A_97, %dma_wait3A_98] : memref<9x512xi32, #tpu.memory_space<vmem>> -> memref<1x512xi32, #tpu.memory_space<vmem>>
    %dma_wait3A_100 = tpu.memref_squeeze %dma_wait3A_99 : memref<1x512xi32, #tpu.memory_space<vmem>> -> memref<512xi32, #tpu.memory_space<vmem>>
    %dma_wait3A_101 = tpu.memref_slice %arg3[%mul3A_2] : memref<16384xi32, #tpu.memory_space<hbm>> -> memref<512xi32, #tpu.memory_space<hbm>>
    %dma_wait3A_102 = arith.constant 0 : i32
    %dma_wait3A_103 = tpu.memref_slice %arg15[%dma_wait3A_97, %dma_wait3A_102] : memref<9x512xi32, #tpu.memory_space<vmem>> -> memref<1x512xi32, #tpu.memory_space<vmem>>
    %dma_wait3A_104 = tpu.memref_squeeze %dma_wait3A_103 : memref<1x512xi32, #tpu.memory_space<vmem>> -> memref<512xi32, #tpu.memory_space<vmem>>
    %dma_wait3A_105 = tpu.memref_slice %arg3[%mul3A_2] : memref<16384xi32, #tpu.memory_space<hbm>> -> memref<512xi32, #tpu.memory_space<hbm>>
    tpu.wait_dma2 semaphore(%arg23 : memref<!tpu.dma_semaphore, #tpu.memory_space<semaphore_mem>>) src(%dma_wait3A_105 : memref<512xi32, #tpu.memory_space<hbm>>) dst(%dma_wait3A_104 : memref<512xi32, #tpu.memory_space<vmem>>)
    %dma_wait3A_106 = arith.constant 2 : i32
    %dma_wait3A_107 = arith.constant 0 : i32
    %dma_wait3A_108 = tpu.memref_slice %arg15[%dma_wait3A_106, %dma_wait3A_107] : memref<9x512xi32, #tpu.memory_space<vmem>> -> memref<1x512xi32, #tpu.memory_space<vmem>>
    %dma_wait3A_109 = tpu.memref_squeeze %dma_wait3A_108 : memref<1x512xi32, #tpu.memory_space<vmem>> -> memref<512xi32, #tpu.memory_space<vmem>>
    %dma_wait3A_110 = tpu.memref_slice %arg4[%mul3A_2] : memref<16384xi32, #tpu.memory_space<hbm>> -> memref<512xi32, #tpu.memory_space<hbm>>
    %dma_wait3A_111 = arith.constant 0 : i32
    %dma_wait3A_112 = tpu.memref_slice %arg15[%dma_wait3A_106, %dma_wait3A_111] : memref<9x512xi32, #tpu.memory_space<vmem>> -> memref<1x512xi32, #tpu.memory_space<vmem>>
    %dma_wait3A_113 = tpu.memref_squeeze %dma_wait3A_112 : memref<1x512xi32, #tpu.memory_space<vmem>> -> memref<512xi32, #tpu.memory_space<vmem>>
    %dma_wait3A_114 = tpu.memref_slice %arg4[%mul3A_2] : memref<16384xi32, #tpu.memory_space<hbm>> -> memref<512xi32, #tpu.memory_space<hbm>>
    tpu.wait_dma2 semaphore(%arg23 : memref<!tpu.dma_semaphore, #tpu.memory_space<semaphore_mem>>) src(%dma_wait3A_114 : memref<512xi32, #tpu.memory_space<hbm>>) dst(%dma_wait3A_113 : memref<512xi32, #tpu.memory_space<vmem>>)
    %dma_wait3A_115 = arith.constant 3 : i32
    %dma_wait3A_116 = arith.constant 0 : i32
    %dma_wait3A_117 = tpu.memref_slice %arg15[%dma_wait3A_115, %dma_wait3A_116] : memref<9x512xi32, #tpu.memory_space<vmem>> -> memref<1x512xi32, #tpu.memory_space<vmem>>
    %dma_wait3A_118 = tpu.memref_squeeze %dma_wait3A_117 : memref<1x512xi32, #tpu.memory_space<vmem>> -> memref<512xi32, #tpu.memory_space<vmem>>
    %dma_wait3A_119 = tpu.memref_slice %arg5[%mul3A_2] : memref<16384xi32, #tpu.memory_space<hbm>> -> memref<512xi32, #tpu.memory_space<hbm>>
    %dma_wait3A_120 = arith.constant 0 : i32
    %dma_wait3A_121 = tpu.memref_slice %arg15[%dma_wait3A_115, %dma_wait3A_120] : memref<9x512xi32, #tpu.memory_space<vmem>> -> memref<1x512xi32, #tpu.memory_space<vmem>>
    %dma_wait3A_122 = tpu.memref_squeeze %dma_wait3A_121 : memref<1x512xi32, #tpu.memory_space<vmem>> -> memref<512xi32, #tpu.memory_space<vmem>>
    %dma_wait3A_123 = tpu.memref_slice %arg5[%mul3A_2] : memref<16384xi32, #tpu.memory_space<hbm>> -> memref<512xi32, #tpu.memory_space<hbm>>
    tpu.wait_dma2 semaphore(%arg23 : memref<!tpu.dma_semaphore, #tpu.memory_space<semaphore_mem>>) src(%dma_wait3A_123 : memref<512xi32, #tpu.memory_space<hbm>>) dst(%dma_wait3A_122 : memref<512xi32, #tpu.memory_space<vmem>>)
    %dma_wait3A_124 = arith.constant 4 : i32
    %dma_wait3A_125 = arith.constant 0 : i32
    %dma_wait3A_126 = tpu.memref_slice %arg15[%dma_wait3A_124, %dma_wait3A_125] : memref<9x512xi32, #tpu.memory_space<vmem>> -> memref<1x512xi32, #tpu.memory_space<vmem>>
    %dma_wait3A_127 = tpu.memref_squeeze %dma_wait3A_126 : memref<1x512xi32, #tpu.memory_space<vmem>> -> memref<512xi32, #tpu.memory_space<vmem>>
    %dma_wait3A_128 = tpu.memref_slice %arg6[%mul3A_2] : memref<16384xi32, #tpu.memory_space<hbm>> -> memref<512xi32, #tpu.memory_space<hbm>>
    %dma_wait3A_129 = arith.constant 0 : i32
    %dma_wait3A_130 = tpu.memref_slice %arg15[%dma_wait3A_124, %dma_wait3A_129] : memref<9x512xi32, #tpu.memory_space<vmem>> -> memref<1x512xi32, #tpu.memory_space<vmem>>
    %dma_wait3A_131 = tpu.memref_squeeze %dma_wait3A_130 : memref<1x512xi32, #tpu.memory_space<vmem>> -> memref<512xi32, #tpu.memory_space<vmem>>
    %dma_wait3A_132 = tpu.memref_slice %arg6[%mul3A_2] : memref<16384xi32, #tpu.memory_space<hbm>> -> memref<512xi32, #tpu.memory_space<hbm>>
    tpu.wait_dma2 semaphore(%arg23 : memref<!tpu.dma_semaphore, #tpu.memory_space<semaphore_mem>>) src(%dma_wait3A_132 : memref<512xi32, #tpu.memory_space<hbm>>) dst(%dma_wait3A_131 : memref<512xi32, #tpu.memory_space<vmem>>)
    %dma_wait3A_133 = arith.constant 5 : i32
    %dma_wait3A_134 = arith.constant 0 : i32
    %dma_wait3A_135 = tpu.memref_slice %arg15[%dma_wait3A_133, %dma_wait3A_134] : memref<9x512xi32, #tpu.memory_space<vmem>> -> memref<1x512xi32, #tpu.memory_space<vmem>>
    %dma_wait3A_136 = tpu.memref_squeeze %dma_wait3A_135 : memref<1x512xi32, #tpu.memory_space<vmem>> -> memref<512xi32, #tpu.memory_space<vmem>>
    %dma_wait3A_137 = tpu.memref_slice %arg7[%mul3A_2] : memref<16384xi32, #tpu.memory_space<hbm>> -> memref<512xi32, #tpu.memory_space<hbm>>
    %dma_wait3A_138 = arith.constant 0 : i32
    %dma_wait3A_139 = tpu.memref_slice %arg15[%dma_wait3A_133, %dma_wait3A_138] : memref<9x512xi32, #tpu.memory_space<vmem>> -> memref<1x512xi32, #tpu.memory_space<vmem>>
    %dma_wait3A_140 = tpu.memref_squeeze %dma_wait3A_139 : memref<1x512xi32, #tpu.memory_space<vmem>> -> memref<512xi32, #tpu.memory_space<vmem>>
    %dma_wait3A_141 = tpu.memref_slice %arg7[%mul3A_2] : memref<16384xi32, #tpu.memory_space<hbm>> -> memref<512xi32, #tpu.memory_space<hbm>>
    tpu.wait_dma2 semaphore(%arg23 : memref<!tpu.dma_semaphore, #tpu.memory_space<semaphore_mem>>) src(%dma_wait3A_141 : memref<512xi32, #tpu.memory_space<hbm>>) dst(%dma_wait3A_140 : memref<512xi32, #tpu.memory_space<vmem>>)
    %dma_wait3A_142 = arith.constant 6 : i32
    %dma_wait3A_143 = arith.constant 0 : i32
    %dma_wait3A_144 = tpu.memref_slice %arg15[%dma_wait3A_142, %dma_wait3A_143] : memref<9x512xi32, #tpu.memory_space<vmem>> -> memref<1x512xi32, #tpu.memory_space<vmem>>
    %dma_wait3A_145 = tpu.memref_squeeze %dma_wait3A_144 : memref<1x512xi32, #tpu.memory_space<vmem>> -> memref<512xi32, #tpu.memory_space<vmem>>
    %dma_wait3A_146 = tpu.memref_slice %arg8[%mul3A_2] : memref<16384xi32, #tpu.memory_space<hbm>> -> memref<512xi32, #tpu.memory_space<hbm>>
    %dma_wait3A_147 = arith.constant 0 : i32
    %dma_wait3A_148 = tpu.memref_slice %arg15[%dma_wait3A_142, %dma_wait3A_147] : memref<9x512xi32, #tpu.memory_space<vmem>> -> memref<1x512xi32, #tpu.memory_space<vmem>>
    %dma_wait3A_149 = tpu.memref_squeeze %dma_wait3A_148 : memref<1x512xi32, #tpu.memory_space<vmem>> -> memref<512xi32, #tpu.memory_space<vmem>>
    %dma_wait3A_150 = tpu.memref_slice %arg8[%mul3A_2] : memref<16384xi32, #tpu.memory_space<hbm>> -> memref<512xi32, #tpu.memory_space<hbm>>
    tpu.wait_dma2 semaphore(%arg23 : memref<!tpu.dma_semaphore, #tpu.memory_space<semaphore_mem>>) src(%dma_wait3A_150 : memref<512xi32, #tpu.memory_space<hbm>>) dst(%dma_wait3A_149 : memref<512xi32, #tpu.memory_space<vmem>>)
    %dma_wait3A_151 = arith.constant 7 : i32
    %dma_wait3A_152 = arith.constant 0 : i32
    %dma_wait3A_153 = tpu.memref_slice %arg15[%dma_wait3A_151, %dma_wait3A_152] : memref<9x512xi32, #tpu.memory_space<vmem>> -> memref<1x512xi32, #tpu.memory_space<vmem>>
    %dma_wait3A_154 = tpu.memref_squeeze %dma_wait3A_153 : memref<1x512xi32, #tpu.memory_space<vmem>> -> memref<512xi32, #tpu.memory_space<vmem>>
    %dma_wait3A_155 = tpu.memref_slice %arg9[%mul3A_2] : memref<16384xi32, #tpu.memory_space<hbm>> -> memref<512xi32, #tpu.memory_space<hbm>>
    %dma_wait3A_156 = arith.constant 0 : i32
    %dma_wait3A_157 = tpu.memref_slice %arg15[%dma_wait3A_151, %dma_wait3A_156] : memref<9x512xi32, #tpu.memory_space<vmem>> -> memref<1x512xi32, #tpu.memory_space<vmem>>
    %dma_wait3A_158 = tpu.memref_squeeze %dma_wait3A_157 : memref<1x512xi32, #tpu.memory_space<vmem>> -> memref<512xi32, #tpu.memory_space<vmem>>
    %dma_wait3A_159 = tpu.memref_slice %arg9[%mul3A_2] : memref<16384xi32, #tpu.memory_space<hbm>> -> memref<512xi32, #tpu.memory_space<hbm>>
    tpu.wait_dma2 semaphore(%arg23 : memref<!tpu.dma_semaphore, #tpu.memory_space<semaphore_mem>>) src(%dma_wait3A_159 : memref<512xi32, #tpu.memory_space<hbm>>) dst(%dma_wait3A_158 : memref<512xi32, #tpu.memory_space<vmem>>)
    %dma_wait3A_160 = arith.constant 8 : i32
    %dma_wait3A_161 = arith.constant 0 : i32
    %dma_wait3A_162 = tpu.memref_slice %arg15[%dma_wait3A_160, %dma_wait3A_161] : memref<9x512xi32, #tpu.memory_space<vmem>> -> memref<1x512xi32, #tpu.memory_space<vmem>>
    %dma_wait3A_163 = tpu.memref_squeeze %dma_wait3A_162 : memref<1x512xi32, #tpu.memory_space<vmem>> -> memref<512xi32, #tpu.memory_space<vmem>>
    %dma_wait3A_164 = tpu.memref_slice %arg10[%mul3A_2] : memref<16384xi32, #tpu.memory_space<hbm>> -> memref<512xi32, #tpu.memory_space<hbm>>
    %dma_wait3A_165 = arith.constant 0 : i32
    %dma_wait3A_166 = tpu.memref_slice %arg15[%dma_wait3A_160, %dma_wait3A_165] : memref<9x512xi32, #tpu.memory_space<vmem>> -> memref<1x512xi32, #tpu.memory_space<vmem>>
    %dma_wait3A_167 = tpu.memref_squeeze %dma_wait3A_166 : memref<1x512xi32, #tpu.memory_space<vmem>> -> memref<512xi32, #tpu.memory_space<vmem>>
    %dma_wait3A_168 = tpu.memref_slice %arg10[%mul3A_2] : memref<16384xi32, #tpu.memory_space<hbm>> -> memref<512xi32, #tpu.memory_space<hbm>>
    tpu.wait_dma2 semaphore(%arg23 : memref<!tpu.dma_semaphore, #tpu.memory_space<semaphore_mem>>) src(%dma_wait3A_168 : memref<512xi32, #tpu.memory_space<hbm>>) dst(%dma_wait3A_167 : memref<512xi32, #tpu.memory_space<vmem>>)
    tpu.wait_dma2 semaphore(%arg23 : memref<!tpu.dma_semaphore, #tpu.memory_space<semaphore_mem>>) src(%arg12 : memref<16xf32, #tpu.memory_space<hbm>>) dst(%arg21 : memref<16xf32, #tpu.memory_space<vmem>>)
    %dma_wait3A_169 = tpu.memref_slice %arg13[%mul3A_2] : memref<16384xf32, #tpu.memory_space<hbm>> -> memref<512xf32, #tpu.memory_space<hbm>>
    %dma_wait3A_170 = tpu.memref_slice %arg13[%mul3A_2] : memref<16384xf32, #tpu.memory_space<hbm>> -> memref<512xf32, #tpu.memory_space<hbm>>
    tpu.wait_dma2 semaphore(%arg23 : memref<!tpu.dma_semaphore, #tpu.memory_space<semaphore_mem>>) src(%dma_wait3A_170 : memref<512xf32, #tpu.memory_space<hbm>>) dst(%arg17 : memref<512xf32, #tpu.memory_space<vmem>>)
    %parallel_loop3A = arith.constant 0 : i32
    %parallel_loop3A_171 = arith.constant 32 : i32
    %parallel_loop3A_172 = arith.constant 1 : i32
    scf.for %parallel_loop3A_219 = %parallel_loop3A to %parallel_loop3A_171 step %parallel_loop3A_172  : i32 {
      %parallel_loop3A_220 = arith.constant 16 : i32
      %parallel_loop3A_221 = arith.muli %parallel_loop3A_219, %parallel_loop3A_220 : i32
      %parallel_loop3A_222 = arith.constant 0 : i32
      %parallel_loop3A_223 = arith.index_cast %parallel_loop3A_222 : i32 to index
      %parallel_loop3A_224 = arith.index_cast %parallel_loop3A_221 : i32 to index
      %parallel_loop3A_225 = tpu.vector_load %arg15[%parallel_loop3A_223, %parallel_loop3A_224] {strides = array<i32>} : memref<9x512xi32, #tpu.memory_space<vmem>>, vector<16xi32>,
      %parallel_loop3A_226 = arith.constant 0 : i32
      %parallel_loop3A_227 = vector.broadcast %parallel_loop3A_226 : i32 to vector<16xi32>
      %parallel_loop3A_228 = arith.addi %parallel_loop3A_225, %parallel_loop3A_227 : vector<16xi32>
      %parallel_loop3A_229 = arith.constant 3 : i32
      %parallel_loop3A_230 = arith.shrsi %parallel_loop3A_219, %parallel_loop3A_229 : i32
      %parallel_loop3A_231 = arith.constant 0 : i32
      %parallel_loop3A_232 = arith.addi %parallel_loop3A_231, %parallel_loop3A_230 : i32
      %parallel_loop3A_233 = arith.constant 7 : i32
      %parallel_loop3A_234 = arith.andi %parallel_loop3A_219, %parallel_loop3A_233 : i32
      %parallel_loop3A_235 = arith.constant 16 : i32
      %parallel_loop3A_236 = arith.muli %parallel_loop3A_234, %parallel_loop3A_235 : i32
      %parallel_loop3A_237 = arith.index_cast %parallel_loop3A_232 : i32 to index
      %parallel_loop3A_238 = arith.index_cast %parallel_loop3A_236 : i32 to index
      %parallel_loop3A_239 = tpu.vector_load %arg16[%parallel_loop3A_237, %parallel_loop3A_238] {strides = array<i32>} : memref<36x128xi32, #tpu.memory_space<vmem>>, vector<16xi32>,
      tpu.vector_store %arg16[%parallel_loop3A_237, %parallel_loop3A_238], %parallel_loop3A_228 {strides = array<i32>} : memref<36x128xi32, #tpu.memory_space<vmem>>, vector<16xi32>,
    } {sc.loop_unroll_factor = 4 : i64, sc.parallel_access}
    %parallel_loop3A_173 = arith.constant 0 : i32
    %parallel_loop3A_174 = arith.constant 32 : i32
    %parallel_loop3A_175 = arith.constant 1 : i32
    scf.for %parallel_loop3A_219 = %parallel_loop3A_173 to %parallel_loop3A_174 step %parallel_loop3A_175  : i32 {
      %parallel_loop3A_220 = arith.constant 16 : i32
      %parallel_loop3A_221 = arith.muli %parallel_loop3A_219, %parallel_loop3A_220 : i32
      %parallel_loop3A_222 = arith.constant 1 : i32
      %parallel_loop3A_223 = arith.index_cast %parallel_loop3A_222 : i32 to index
      %parallel_loop3A_224 = arith.index_cast %parallel_loop3A_221 : i32 to index
      %parallel_loop3A_225 = tpu.vector_load %arg15[%parallel_loop3A_223, %parallel_loop3A_224] {strides = array<i32>} : memref<9x512xi32, #tpu.memory_space<vmem>>, vector<16xi32>,
      %parallel_loop3A_226 = arith.constant 100352 : i32
      %parallel_loop3A_227 = vector.broadcast %parallel_loop3A_226 : i32 to vector<16xi32>
      %parallel_loop3A_228 = arith.addi %parallel_loop3A_225, %parallel_loop3A_227 : vector<16xi32>
      %parallel_loop3A_229 = arith.constant 3 : i32
      %parallel_loop3A_230 = arith.shrsi %parallel_loop3A_219, %parallel_loop3A_229 : i32
      %parallel_loop3A_231 = arith.constant 4 : i32
      %parallel_loop3A_232 = arith.addi %parallel_loop3A_231, %parallel_loop3A_230 : i32
      %parallel_loop3A_233 = arith.constant 7 : i32
      %parallel_loop3A_234 = arith.andi %parallel_loop3A_219, %parallel_loop3A_233 : i32
      %parallel_loop3A_235 = arith.constant 16 : i32
      %parallel_loop3A_236 = arith.muli %parallel_loop3A_234, %parallel_loop3A_235 : i32
      %parallel_loop3A_237 = arith.index_cast %parallel_loop3A_232 : i32 to index
      %parallel_loop3A_238 = arith.index_cast %parallel_loop3A_236 : i32 to index
      %parallel_loop3A_239 = tpu.vector_load %arg16[%parallel_loop3A_237, %parallel_loop3A_238] {strides = array<i32>} : memref<36x128xi32, #tpu.memory_space<vmem>>, vector<16xi32>,
      tpu.vector_store %arg16[%parallel_loop3A_237, %parallel_loop3A_238], %parallel_loop3A_228 {strides = array<i32>} : memref<36x128xi32, #tpu.memory_space<vmem>>, vector<16xi32>,
    } {sc.loop_unroll_factor = 4 : i64, sc.parallel_access}
    %parallel_loop3A_176 = arith.constant 0 : i32
    %parallel_loop3A_177 = arith.constant 32 : i32
    %parallel_loop3A_178 = arith.constant 1 : i32
    scf.for %parallel_loop3A_219 = %parallel_loop3A_176 to %parallel_loop3A_177 step %parallel_loop3A_178  : i32 {
      %parallel_loop3A_220 = arith.constant 16 : i32
      %parallel_loop3A_221 = arith.muli %parallel_loop3A_219, %parallel_loop3A_220 : i32
      %parallel_loop3A_222 = arith.constant 2 : i32
      %parallel_loop3A_223 = arith.index_cast %parallel_loop3A_222 : i32 to index
      %parallel_loop3A_224 = arith.index_cast %parallel_loop3A_221 : i32 to index
      %parallel_loop3A_225 = tpu.vector_load %arg15[%parallel_loop3A_223, %parallel_loop3A_224] {strides = array<i32>} : memref<9x512xi32, #tpu.memory_space<vmem>>, vector<16xi32>,
      %parallel_loop3A_226 = arith.constant 200704 : i32
      %parallel_loop3A_227 = vector.broadcast %parallel_loop3A_226 : i32 to vector<16xi32>
      %parallel_loop3A_228 = arith.addi %parallel_loop3A_225, %parallel_loop3A_227 : vector<16xi32>
      %parallel_loop3A_229 = arith.constant 3 : i32
      %parallel_loop3A_230 = arith.shrsi %parallel_loop3A_219, %parallel_loop3A_229 : i32
      %parallel_loop3A_231 = arith.constant 8 : i32
      %parallel_loop3A_232 = arith.addi %parallel_loop3A_231, %parallel_loop3A_230 : i32
      %parallel_loop3A_233 = arith.constant 7 : i32
      %parallel_loop3A_234 = arith.andi %parallel_loop3A_219, %parallel_loop3A_233 : i32
      %parallel_loop3A_235 = arith.constant 16 : i32
      %parallel_loop3A_236 = arith.muli %parallel_loop3A_234, %parallel_loop3A_235 : i32
      %parallel_loop3A_237 = arith.index_cast %parallel_loop3A_232 : i32 to index
      %parallel_loop3A_238 = arith.index_cast %parallel_loop3A_236 : i32 to index
      %parallel_loop3A_239 = tpu.vector_load %arg16[%parallel_loop3A_237, %parallel_loop3A_238] {strides = array<i32>} : memref<36x128xi32, #tpu.memory_space<vmem>>, vector<16xi32>,
      tpu.vector_store %arg16[%parallel_loop3A_237, %parallel_loop3A_238], %parallel_loop3A_228 {strides = array<i32>} : memref<36x128xi32, #tpu.memory_space<vmem>>, vector<16xi32>,
    } {sc.loop_unroll_factor = 4 : i64, sc.parallel_access}
    %parallel_loop3A_179 = arith.constant 0 : i32
    %parallel_loop3A_180 = arith.constant 32 : i32
    %parallel_loop3A_181 = arith.constant 1 : i32
    scf.for %parallel_loop3A_219 = %parallel_loop3A_179 to %parallel_loop3A_180 step %parallel_loop3A_181  : i32 {
      %parallel_loop3A_220 = arith.constant 16 : i32
      %parallel_loop3A_221 = arith.muli %parallel_loop3A_219, %parallel_loop3A_220 : i32
      %parallel_loop3A_222 = arith.constant 3 : i32
      %parallel_loop3A_223 = arith.index_cast %parallel_loop3A_222 : i32 to index
      %parallel_loop3A_224 = arith.index_cast %parallel_loop3A_221 : i32 to index
      %parallel_loop3A_225 = tpu.vector_load %arg15[%parallel_loop3A_223, %parallel_loop3A_224] {strides = array<i32>} : memref<9x512xi32, #tpu.memory_space<vmem>>, vector<16xi32>,
      %parallel_loop3A_226 = arith.constant 301056 : i32
      %parallel_loop3A_227 = vector.broadcast %parallel_loop3A_226 : i32 to vector<16xi32>
      %parallel_loop3A_228 = arith.addi %parallel_loop3A_225, %parallel_loop3A_227 : vector<16xi32>
      %parallel_loop3A_229 = arith.constant 3 : i32
      %parallel_loop3A_230 = arith.shrsi %parallel_loop3A_219, %parallel_loop3A_229 : i32
      %parallel_loop3A_231 = arith.constant 12 : i32
      %parallel_loop3A_232 = arith.addi %parallel_loop3A_231, %parallel_loop3A_230 : i32
      %parallel_loop3A_233 = arith.constant 7 : i32
      %parallel_loop3A_234 = arith.andi %parallel_loop3A_219, %parallel_loop3A_233 : i32
      %parallel_loop3A_235 = arith.constant 16 : i32
      %parallel_loop3A_236 = arith.muli %parallel_loop3A_234, %parallel_loop3A_235 : i32
      %parallel_loop3A_237 = arith.index_cast %parallel_loop3A_232 : i32 to index
      %parallel_loop3A_238 = arith.index_cast %parallel_loop3A_236 : i32 to index
      %parallel_loop3A_239 = tpu.vector_load %arg16[%parallel_loop3A_237, %parallel_loop3A_238] {strides = array<i32>} : memref<36x128xi32, #tpu.memory_space<vmem>>, vector<16xi32>,
      tpu.vector_store %arg16[%parallel_loop3A_237, %parallel_loop3A_238], %parallel_loop3A_228 {strides = array<i32>} : memref<36x128xi32, #tpu.memory_space<vmem>>, vector<16xi32>,
    } {sc.loop_unroll_factor = 4 : i64, sc.parallel_access}
    %parallel_loop3A_182 = arith.constant 0 : i32
    %parallel_loop3A_183 = arith.constant 32 : i32
    %parallel_loop3A_184 = arith.constant 1 : i32
    scf.for %parallel_loop3A_219 = %parallel_loop3A_182 to %parallel_loop3A_183 step %parallel_loop3A_184  : i32 {
      %parallel_loop3A_220 = arith.constant 16 : i32
      %parallel_loop3A_221 = arith.muli %parallel_loop3A_219, %parallel_loop3A_220 : i32
      %parallel_loop3A_222 = arith.constant 4 : i32
      %parallel_loop3A_223 = arith.index_cast %parallel_loop3A_222 : i32 to index
      %parallel_loop3A_224 = arith.index_cast %parallel_loop3A_221 : i32 to index
      %parallel_loop3A_225 = tpu.vector_load %arg15[%parallel_loop3A_223, %parallel_loop3A_224] {strides = array<i32>} : memref<9x512xi32, #tpu.memory_space<vmem>>, vector<16xi32>,
      %parallel_loop3A_226 = arith.constant 401408 : i32
      %parallel_loop3A_227 = vector.broadcast %parallel_loop3A_226 : i32 to vector<16xi32>
      %parallel_loop3A_228 = arith.addi %parallel_loop3A_225, %parallel_loop3A_227 : vector<16xi32>
      %parallel_loop3A_229 = arith.constant 3 : i32
      %parallel_loop3A_230 = arith.shrsi %parallel_loop3A_219, %parallel_loop3A_229 : i32
      %parallel_loop3A_231 = arith.constant 16 : i32
      %parallel_loop3A_232 = arith.addi %parallel_loop3A_231, %parallel_loop3A_230 : i32
      %parallel_loop3A_233 = arith.constant 7 : i32
      %parallel_loop3A_234 = arith.andi %parallel_loop3A_219, %parallel_loop3A_233 : i32
      %parallel_loop3A_235 = arith.constant 16 : i32
      %parallel_loop3A_236 = arith.muli %parallel_loop3A_234, %parallel_loop3A_235 : i32
      %parallel_loop3A_237 = arith.index_cast %parallel_loop3A_232 : i32 to index
      %parallel_loop3A_238 = arith.index_cast %parallel_loop3A_236 : i32 to index
      %parallel_loop3A_239 = tpu.vector_load %arg16[%parallel_loop3A_237, %parallel_loop3A_238] {strides = array<i32>} : memref<36x128xi32, #tpu.memory_space<vmem>>, vector<16xi32>,
      tpu.vector_store %arg16[%parallel_loop3A_237, %parallel_loop3A_238], %parallel_loop3A_228 {strides = array<i32>} : memref<36x128xi32, #tpu.memory_space<vmem>>, vector<16xi32>,
    } {sc.loop_unroll_factor = 4 : i64, sc.parallel_access}
    %parallel_loop3A_185 = arith.constant 0 : i32
    %parallel_loop3A_186 = arith.constant 32 : i32
    %parallel_loop3A_187 = arith.constant 1 : i32
    scf.for %parallel_loop3A_219 = %parallel_loop3A_185 to %parallel_loop3A_186 step %parallel_loop3A_187  : i32 {
      %parallel_loop3A_220 = arith.constant 16 : i32
      %parallel_loop3A_221 = arith.muli %parallel_loop3A_219, %parallel_loop3A_220 : i32
      %parallel_loop3A_222 = arith.constant 5 : i32
      %parallel_loop3A_223 = arith.index_cast %parallel_loop3A_222 : i32 to index
      %parallel_loop3A_224 = arith.index_cast %parallel_loop3A_221 : i32 to index
      %parallel_loop3A_225 = tpu.vector_load %arg15[%parallel_loop3A_223, %parallel_loop3A_224] {strides = array<i32>} : memref<9x512xi32, #tpu.memory_space<vmem>>, vector<16xi32>,
      %parallel_loop3A_226 = arith.constant 501760 : i32
      %parallel_loop3A_227 = vector.broadcast %parallel_loop3A_226 : i32 to vector<16xi32>
      %parallel_loop3A_228 = arith.addi %parallel_loop3A_225, %parallel_loop3A_227 : vector<16xi32>
      %parallel_loop3A_229 = arith.constant 3 : i32
      %parallel_loop3A_230 = arith.shrsi %parallel_loop3A_219, %parallel_loop3A_229 : i32
      %parallel_loop3A_231 = arith.constant 20 : i32
      %parallel_loop3A_232 = arith.addi %parallel_loop3A_231, %parallel_loop3A_230 : i32
      %parallel_loop3A_233 = arith.constant 7 : i32
      %parallel_loop3A_234 = arith.andi %parallel_loop3A_219, %parallel_loop3A_233 : i32
      %parallel_loop3A_235 = arith.constant 16 : i32
      %parallel_loop3A_236 = arith.muli %parallel_loop3A_234, %parallel_loop3A_235 : i32
      %parallel_loop3A_237 = arith.index_cast %parallel_loop3A_232 : i32 to index
      %parallel_loop3A_238 = arith.index_cast %parallel_loop3A_236 : i32 to index
      %parallel_loop3A_239 = tpu.vector_load %arg16[%parallel_loop3A_237, %parallel_loop3A_238] {strides = array<i32>} : memref<36x128xi32, #tpu.memory_space<vmem>>, vector<16xi32>,
      tpu.vector_store %arg16[%parallel_loop3A_237, %parallel_loop3A_238], %parallel_loop3A_228 {strides = array<i32>} : memref<36x128xi32, #tpu.memory_space<vmem>>, vector<16xi32>,
    } {sc.loop_unroll_factor = 4 : i64, sc.parallel_access}
    %parallel_loop3A_188 = arith.constant 0 : i32
    %parallel_loop3A_189 = arith.constant 32 : i32
    %parallel_loop3A_190 = arith.constant 1 : i32
    scf.for %parallel_loop3A_219 = %parallel_loop3A_188 to %parallel_loop3A_189 step %parallel_loop3A_190  : i32 {
      %parallel_loop3A_220 = arith.constant 16 : i32
      %parallel_loop3A_221 = arith.muli %parallel_loop3A_219, %parallel_loop3A_220 : i32
      %parallel_loop3A_222 = arith.constant 6 : i32
      %parallel_loop3A_223 = arith.index_cast %parallel_loop3A_222 : i32 to index
      %parallel_loop3A_224 = arith.index_cast %parallel_loop3A_221 : i32 to index
      %parallel_loop3A_225 = tpu.vector_load %arg15[%parallel_loop3A_223, %parallel_loop3A_224] {strides = array<i32>} : memref<9x512xi32, #tpu.memory_space<vmem>>, vector<16xi32>,
      %parallel_loop3A_226 = arith.constant 602112 : i32
      %parallel_loop3A_227 = vector.broadcast %parallel_loop3A_226 : i32 to vector<16xi32>
      %parallel_loop3A_228 = arith.addi %parallel_loop3A_225, %parallel_loop3A_227 : vector<16xi32>
      %parallel_loop3A_229 = arith.constant 3 : i32
      %parallel_loop3A_230 = arith.shrsi %parallel_loop3A_219, %parallel_loop3A_229 : i32
      %parallel_loop3A_231 = arith.constant 24 : i32
      %parallel_loop3A_232 = arith.addi %parallel_loop3A_231, %parallel_loop3A_230 : i32
      %parallel_loop3A_233 = arith.constant 7 : i32
      %parallel_loop3A_234 = arith.andi %parallel_loop3A_219, %parallel_loop3A_233 : i32
      %parallel_loop3A_235 = arith.constant 16 : i32
      %parallel_loop3A_236 = arith.muli %parallel_loop3A_234, %parallel_loop3A_235 : i32
      %parallel_loop3A_237 = arith.index_cast %parallel_loop3A_232 : i32 to index
      %parallel_loop3A_238 = arith.index_cast %parallel_loop3A_236 : i32 to index
      %parallel_loop3A_239 = tpu.vector_load %arg16[%parallel_loop3A_237, %parallel_loop3A_238] {strides = array<i32>} : memref<36x128xi32, #tpu.memory_space<vmem>>, vector<16xi32>,
      tpu.vector_store %arg16[%parallel_loop3A_237, %parallel_loop3A_238], %parallel_loop3A_228 {strides = array<i32>} : memref<36x128xi32, #tpu.memory_space<vmem>>, vector<16xi32>,
    } {sc.loop_unroll_factor = 4 : i64, sc.parallel_access}
    %parallel_loop3A_191 = arith.constant 0 : i32
    %parallel_loop3A_192 = arith.constant 32 : i32
    %parallel_loop3A_193 = arith.constant 1 : i32
    scf.for %parallel_loop3A_219 = %parallel_loop3A_191 to %parallel_loop3A_192 step %parallel_loop3A_193  : i32 {
      %parallel_loop3A_220 = arith.constant 16 : i32
      %parallel_loop3A_221 = arith.muli %parallel_loop3A_219, %parallel_loop3A_220 : i32
      %parallel_loop3A_222 = arith.constant 7 : i32
      %parallel_loop3A_223 = arith.index_cast %parallel_loop3A_222 : i32 to index
      %parallel_loop3A_224 = arith.index_cast %parallel_loop3A_221 : i32 to index
      %parallel_loop3A_225 = tpu.vector_load %arg15[%parallel_loop3A_223, %parallel_loop3A_224] {strides = array<i32>} : memref<9x512xi32, #tpu.memory_space<vmem>>, vector<16xi32>,
      %parallel_loop3A_226 = arith.constant 702464 : i32
      %parallel_loop3A_227 = vector.broadcast %parallel_loop3A_226 : i32 to vector<16xi32>
      %parallel_loop3A_228 = arith.addi %parallel_loop3A_225, %parallel_loop3A_227 : vector<16xi32>
      %parallel_loop3A_229 = arith.constant 3 : i32
      %parallel_loop3A_230 = arith.shrsi %parallel_loop3A_219, %parallel_loop3A_229 : i32
      %parallel_loop3A_231 = arith.constant 28 : i32
      %parallel_loop3A_232 = arith.addi %parallel_loop3A_231, %parallel_loop3A_230 : i32
      %parallel_loop3A_233 = arith.constant 7 : i32
      %parallel_loop3A_234 = arith.andi %parallel_loop3A_219, %parallel_loop3A_233 : i32
      %parallel_loop3A_235 = arith.constant 16 : i32
      %parallel_loop3A_236 = arith.muli %parallel_loop3A_234, %parallel_loop3A_235 : i32
      %parallel_loop3A_237 = arith.index_cast %parallel_loop3A_232 : i32 to index
      %parallel_loop3A_238 = arith.index_cast %parallel_loop3A_236 : i32 to index
      %parallel_loop3A_239 = tpu.vector_load %arg16[%parallel_loop3A_237, %parallel_loop3A_238] {strides = array<i32>} : memref<36x128xi32, #tpu.memory_space<vmem>>, vector<16xi32>,
      tpu.vector_store %arg16[%parallel_loop3A_237, %parallel_loop3A_238], %parallel_loop3A_228 {strides = array<i32>} : memref<36x128xi32, #tpu.memory_space<vmem>>, vector<16xi32>,
    } {sc.loop_unroll_factor = 4 : i64, sc.parallel_access}
    %parallel_loop3A_194 = arith.constant 0 : i32
    %parallel_loop3A_195 = arith.constant 32 : i32
    %parallel_loop3A_196 = arith.constant 1 : i32
    scf.for %parallel_loop3A_219 = %parallel_loop3A_194 to %parallel_loop3A_195 step %parallel_loop3A_196  : i32 {
      %parallel_loop3A_220 = arith.constant 16 : i32
      %parallel_loop3A_221 = arith.muli %parallel_loop3A_219, %parallel_loop3A_220 : i32
      %parallel_loop3A_222 = arith.constant 8 : i32
      %parallel_loop3A_223 = arith.index_cast %parallel_loop3A_222 : i32 to index
      %parallel_loop3A_224 = arith.index_cast %parallel_loop3A_221 : i32 to index
      %parallel_loop3A_225 = tpu.vector_load %arg15[%parallel_loop3A_223, %parallel_loop3A_224] {strides = array<i32>} : memref<9x512xi32, #tpu.memory_space<vmem>>, vector<16xi32>,
      %parallel_loop3A_226 = arith.constant 802816 : i32
      %parallel_loop3A_227 = vector.broadcast %parallel_loop3A_226 : i32 to vector<16xi32>
      %parallel_loop3A_228 = arith.addi %parallel_loop3A_225, %parallel_loop3A_227 : vector<16xi32>
      %parallel_loop3A_229 = arith.constant 3 : i32
      %parallel_loop3A_230 = arith.shrsi %parallel_loop3A_219, %parallel_loop3A_229 : i32
      %parallel_loop3A_231 = arith.constant 32 : i32
      %parallel_loop3A_232 = arith.addi %parallel_loop3A_231, %parallel_loop3A_230 : i32
      %parallel_loop3A_233 = arith.constant 7 : i32
      %parallel_loop3A_234 = arith.andi %parallel_loop3A_219, %parallel_loop3A_233 : i32
      %parallel_loop3A_235 = arith.constant 16 : i32
      %parallel_loop3A_236 = arith.muli %parallel_loop3A_234, %parallel_loop3A_235 : i32
      %parallel_loop3A_237 = arith.index_cast %parallel_loop3A_232 : i32 to index
      %parallel_loop3A_238 = arith.index_cast %parallel_loop3A_236 : i32 to index
      %parallel_loop3A_239 = tpu.vector_load %arg16[%parallel_loop3A_237, %parallel_loop3A_238] {strides = array<i32>} : memref<36x128xi32, #tpu.memory_space<vmem>>, vector<16xi32>,
      tpu.vector_store %arg16[%parallel_loop3A_237, %parallel_loop3A_238], %parallel_loop3A_228 {strides = array<i32>} : memref<36x128xi32, #tpu.memory_space<vmem>>, vector<16xi32>,
    } {sc.loop_unroll_factor = 4 : i64, sc.parallel_access}
    %barrier3A = arith.constant 0 : index
    tpu.barrier barrier_id(%barrier3A)
    %dma_start3A_197 = arith.constant 0 : i32
    %dma_start3A_198 = arith.constant 0 : i32
    %dma_start3A_199 = tpu.memref_slice %arg16[%dma_start3A_197, %dma_start3A_198] : memref<36x128xi32, #tpu.memory_space<vmem>> -> memref<1x128xi32, #tpu.memory_space<vmem>>
    %dma_start3A_200 = tpu.memref_squeeze %dma_start3A_199 : memref<1x128xi32, #tpu.memory_space<vmem>> -> memref<128xi32, #tpu.memory_space<vmem>>
    %dma_start3A_201 = arith.constant 0 : i32
    %dma_start3A_202 = tpu.memref_slice %arg22[%dma_start3A_201] : memref<903168xf32, #tpu.memory_space<vmem_shared>> -> memref<903168xf32, #tpu.memory_space<vmem_shared>>
    tpu.enqueue_indirect_dma source(%dma_start3A_202 : memref<903168xf32, #tpu.memory_space<vmem_shared>>) target(%arg18 : memref<128xf32, #tpu.memory_space<vmem>>) offsets(%dma_start3A_200 : memref<128xi32, #tpu.memory_space<vmem>>) semaphore(%arg24 : memref<!tpu.dma_semaphore, #tpu.memory_space<semaphore_mem>>)
    %scan3A = arith.constant 0 : i32
    %scan3A_203 = arith.constant 0 : i32
    %scan3A_204 = arith.constant 18 : i32
    %scan3A_205 = arith.addi %scan3A_203, %scan3A_204 : i32
    %scan3A_206 = arith.constant 1 : i32
    %scan3A_207 = scf.for %scan3A_219 = %scan3A_203 to %scan3A_205 step %scan3A_206 iter_args(%scan3A_220 = %scan3A) -> (i32)  : i32 {
      %mul3A_221 = arith.constant 2 : i32
      %mul3A_222 = arith.muli %mul3A_221, %scan3A_219 : i32
      %add3A_223 = arith.constant 1 : i32
      %add3A_224 = arith.addi %mul3A_222, %add3A_223 : i32
      %dma_start3A_225 = arith.constant 0 : i32
      %dma_start3A_226 = tpu.memref_slice %arg16[%add3A_224, %dma_start3A_225] : memref<36x128xi32, #tpu.memory_space<vmem>> -> memref<1x128xi32, #tpu.memory_space<vmem>>
      %dma_start3A_227 = tpu.memref_squeeze %dma_start3A_226 : memref<1x128xi32, #tpu.memory_space<vmem>> -> memref<128xi32, #tpu.memory_space<vmem>>
      %dma_start3A_228 = arith.constant 0 : i32
      %dma_start3A_229 = tpu.memref_slice %arg22[%dma_start3A_228] : memref<903168xf32, #tpu.memory_space<vmem_shared>> -> memref<903168xf32, #tpu.memory_space<vmem_shared>>
      tpu.enqueue_indirect_dma source(%dma_start3A_229 : memref<903168xf32, #tpu.memory_space<vmem_shared>>) target(%arg19 : memref<128xf32, #tpu.memory_space<vmem>>) offsets(%dma_start3A_227 : memref<128xi32, #tpu.memory_space<vmem>>) semaphore(%arg25 : memref<!tpu.dma_semaphore, #tpu.memory_space<semaphore_mem>>)
      %dma_wait3A_230 = arith.constant 0 : i32
      %dma_wait3A_231 = tpu.memref_slice %arg16[%mul3A_222, %dma_wait3A_230] : memref<36x128xi32, #tpu.memory_space<vmem>> -> memref<1x128xi32, #tpu.memory_space<vmem>>
      %dma_wait3A_232 = tpu.memref_squeeze %dma_wait3A_231 : memref<1x128xi32, #tpu.memory_space<vmem>> -> memref<128xi32, #tpu.memory_space<vmem>>
      %dma_wait3A_233 = arith.constant 0 : i32
      %dma_wait3A_234 = tpu.memref_slice %arg22[%dma_wait3A_233] : memref<903168xf32, #tpu.memory_space<vmem_shared>> -> memref<903168xf32, #tpu.memory_space<vmem_shared>>
      tpu.wait_indirect_dma semaphore(%arg24 : memref<!tpu.dma_semaphore, #tpu.memory_space<semaphore_mem>>) src(%dma_wait3A_234 : memref<903168xf32, #tpu.memory_space<vmem_shared>>) dst(%arg18 : memref<128xf32, #tpu.memory_space<vmem>>)
      %and3A = arith.constant 3 : i32
      %and3A_235 = arith.andi %mul3A_222, %and3A : i32
      %mul3A_236 = arith.constant 128 : i32
      %mul3A_237 = arith.muli %and3A_235, %mul3A_236 : i32
      %parallel_loop3A_238 = arith.constant 0 : i32
      %parallel_loop3A_239 = arith.constant 8 : i32
      %parallel_loop3A_240 = arith.constant 1 : i32
      scf.for %parallel_loop3A_266 = %parallel_loop3A_238 to %parallel_loop3A_239 step %parallel_loop3A_240  : i32 {
        %parallel_loop3A_267 = arith.constant 16 : i32
        %parallel_loop3A_268 = arith.muli %parallel_loop3A_266, %parallel_loop3A_267 : i32
        %parallel_loop3A_269 = arith.addi %mul3A_237, %parallel_loop3A_268 : i32
        %parallel_loop3A_270 = arith.constant 16 : i32
        %parallel_loop3A_271 = arith.muli %parallel_loop3A_266, %parallel_loop3A_270 : i32
        %parallel_loop3A_272 = arith.index_cast %parallel_loop3A_271 : i32 to index
        %parallel_loop3A_273 = tpu.vector_load %arg18[%parallel_loop3A_272] {strides = array<i32>} : memref<128xf32, #tpu.memory_space<vmem>>, vector<16xf32>,
        %parallel_loop3A_274 = arith.index_cast %parallel_loop3A_269 : i32 to index
        %parallel_loop3A_275 = tpu.vector_load %arg17[%parallel_loop3A_274] {strides = array<i32>} : memref<512xf32, #tpu.memory_space<vmem>>, vector<16xf32>,
        tpu.vector_store %arg17[%parallel_loop3A_274], %parallel_loop3A_273 {add = true, strides = array<i32>} : memref<512xf32, #tpu.memory_space<vmem>>, vector<16xf32>,
      } {sc.loop_unroll_factor = 4 : i64, sc.parallel_access}
      %add3A_241 = arith.constant 2 : i32
      %add3A_242 = arith.addi %mul3A_222, %add3A_241 : i32
      %min3A = arith.constant 35 : i32
      %min3A_243 = arith.minsi %add3A_242, %min3A : i32
      %dma_start3A_244 = arith.constant 0 : i32
      %dma_start3A_245 = tpu.memref_slice %arg16[%min3A_243, %dma_start3A_244] : memref<36x128xi32, #tpu.memory_space<vmem>> -> memref<1x128xi32, #tpu.memory_space<vmem>>
      %dma_start3A_246 = tpu.memref_squeeze %dma_start3A_245 : memref<1x128xi32, #tpu.memory_space<vmem>> -> memref<128xi32, #tpu.memory_space<vmem>>
      %dma_start3A_247 = arith.constant 0 : i32
      %dma_start3A_248 = tpu.memref_slice %arg22[%dma_start3A_247] : memref<903168xf32, #tpu.memory_space<vmem_shared>> -> memref<903168xf32, #tpu.memory_space<vmem_shared>>
      tpu.enqueue_indirect_dma source(%dma_start3A_248 : memref<903168xf32, #tpu.memory_space<vmem_shared>>) target(%arg18 : memref<128xf32, #tpu.memory_space<vmem>>) offsets(%dma_start3A_246 : memref<128xi32, #tpu.memory_space<vmem>>) semaphore(%arg24 : memref<!tpu.dma_semaphore, #tpu.memory_space<semaphore_mem>>)
      %add3A_249 = arith.constant 1 : i32
      %add3A_250 = arith.addi %mul3A_222, %add3A_249 : i32
      %dma_wait3A_251 = arith.constant 0 : i32
      %dma_wait3A_252 = tpu.memref_slice %arg16[%add3A_250, %dma_wait3A_251] : memref<36x128xi32, #tpu.memory_space<vmem>> -> memref<1x128xi32, #tpu.memory_space<vmem>>
      %dma_wait3A_253 = tpu.memref_squeeze %dma_wait3A_252 : memref<1x128xi32, #tpu.memory_space<vmem>> -> memref<128xi32, #tpu.memory_space<vmem>>
      %dma_wait3A_254 = arith.constant 0 : i32
      %dma_wait3A_255 = tpu.memref_slice %arg22[%dma_wait3A_254] : memref<903168xf32, #tpu.memory_space<vmem_shared>> -> memref<903168xf32, #tpu.memory_space<vmem_shared>>
      tpu.wait_indirect_dma semaphore(%arg25 : memref<!tpu.dma_semaphore, #tpu.memory_space<semaphore_mem>>) src(%dma_wait3A_255 : memref<903168xf32, #tpu.memory_space<vmem_shared>>) dst(%arg19 : memref<128xf32, #tpu.memory_space<vmem>>)
      %add3A_256 = arith.constant 1 : i32
      %add3A_257 = arith.addi %mul3A_222, %add3A_256 : i32
      %and3A_258 = arith.constant 3 : i32
      %and3A_259 = arith.andi %add3A_257, %and3A_258 : i32
      %mul3A_260 = arith.constant 128 : i32
      %mul3A_261 = arith.muli %and3A_259, %mul3A_260 : i32
      %parallel_loop3A_262 = arith.constant 0 : i32
      %parallel_loop3A_263 = arith.constant 8 : i32
      %parallel_loop3A_264 = arith.constant 1 : i32
      scf.for %parallel_loop3A_266 = %parallel_loop3A_262 to %parallel_loop3A_263 step %parallel_loop3A_264  : i32 {
        %parallel_loop3A_267 = arith.constant 16 : i32
        %parallel_loop3A_268 = arith.muli %parallel_loop3A_266, %parallel_loop3A_267 : i32
        %parallel_loop3A_269 = arith.addi %mul3A_261, %parallel_loop3A_268 : i32
        %parallel_loop3A_270 = arith.constant 16 : i32
        %parallel_loop3A_271 = arith.muli %parallel_loop3A_266, %parallel_loop3A_270 : i32
        %parallel_loop3A_272 = arith.index_cast %parallel_loop3A_271 : i32 to index
        %parallel_loop3A_273 = tpu.vector_load %arg19[%parallel_loop3A_272] {strides = array<i32>} : memref<128xf32, #tpu.memory_space<vmem>>, vector<16xf32>,
        %parallel_loop3A_274 = arith.index_cast %parallel_loop3A_269 : i32 to index
        %parallel_loop3A_275 = tpu.vector_load %arg17[%parallel_loop3A_274] {strides = array<i32>} : memref<512xf32, #tpu.memory_space<vmem>>, vector<16xf32>,
        tpu.vector_store %arg17[%parallel_loop3A_274], %parallel_loop3A_273 {add = true, strides = array<i32>} : memref<512xf32, #tpu.memory_space<vmem>>, vector<16xf32>,
      } {sc.loop_unroll_factor = 4 : i64, sc.parallel_access}
      %scan3A_265 = arith.constant 0 : i32
      scf.yield %scan3A_265 : i32
    }
    %scan3A_208 = arith.constant 18 : i32
    %dma_wait3A_209 = arith.constant 35 : i32
    %dma_wait3A_210 = arith.constant 0 : i32
    %dma_wait3A_211 = tpu.memref_slice %arg16[%dma_wait3A_209, %dma_wait3A_210] : memref<36x128xi32, #tpu.memory_space<vmem>> -> memref<1x128xi32, #tpu.memory_space<vmem>>
    %dma_wait3A_212 = tpu.memref_squeeze %dma_wait3A_211 : memref<1x128xi32, #tpu.memory_space<vmem>> -> memref<128xi32, #tpu.memory_space<vmem>>
    %dma_wait3A_213 = arith.constant 0 : i32
    %dma_wait3A_214 = tpu.memref_slice %arg22[%dma_wait3A_213] : memref<903168xf32, #tpu.memory_space<vmem_shared>> -> memref<903168xf32, #tpu.memory_space<vmem_shared>>
    tpu.wait_indirect_dma semaphore(%arg24 : memref<!tpu.dma_semaphore, #tpu.memory_space<semaphore_mem>>) src(%dma_wait3A_214 : memref<903168xf32, #tpu.memory_space<vmem_shared>>) dst(%arg18 : memref<128xf32, #tpu.memory_space<vmem>>)
    %get3A = arith.constant 0 : index
    %get3A_215 = tpu.vector_load %arg21[%get3A] {strides = array<i32>} : memref<16xf32, #tpu.memory_space<vmem>>, vector<16xf32>,
    %parallel_loop3A_216 = arith.constant 0 : i32
    %parallel_loop3A_217 = arith.constant 32 : i32
    %parallel_loop3A_218 = arith.constant 1 : i32
    scf.for %parallel_loop3A_219 = %parallel_loop3A_216 to %parallel_loop3A_217 step %parallel_loop3A_218  : i32 {
      %parallel_loop3A_220 = arith.constant 16 : i32
      %parallel_loop3A_221 = arith.muli %parallel_loop3A_219, %parallel_loop3A_220 : i32
      %parallel_loop3A_222 = arith.index_cast %parallel_loop3A_221 : i32 to index
      %parallel_loop3A_223 = tpu.vector_load %arg17[%parallel_loop3A_222] {strides = array<i32>} : memref<512xf32, #tpu.memory_space<vmem>>, vector<16xf32>,
      %parallel_loop3A_224 = arith.addf %parallel_loop3A_223, %get3A_215 : vector<16xf32>
      %parallel_loop3A_225 = arith.index_cast %parallel_loop3A_221 : i32 to index
      %parallel_loop3A_226 = tpu.vector_load %arg20[%parallel_loop3A_225] {strides = array<i32>} : memref<512xf32, #tpu.memory_space<vmem>>, vector<16xf32>,
      tpu.vector_store %arg20[%parallel_loop3A_225], %parallel_loop3A_224 {strides = array<i32>} : memref<512xf32, #tpu.memory_space<vmem>>, vector<16xf32>,
    } {sc.loop_unroll_factor = 4 : i64, sc.parallel_access}
    "tpu.region"() ({
      %run_scoped3A = tpu.sem_alloc : memref<!tpu.dma_semaphore, #tpu.memory_space<semaphore_mem>>
      %dma_start3A_219 = tpu.memref_slice %arg14[%mul3A_2] : memref<16384xf32, #tpu.memory_space<hbm>> -> memref<512xf32, #tpu.memory_space<hbm>>
      %dma_start3A_220 = tpu.memref_slice %arg14[%mul3A_2] : memref<16384xf32, #tpu.memory_space<hbm>> -> memref<512xf32, #tpu.memory_space<hbm>>
      tpu.enqueue_dma source(%arg20 : memref<512xf32, #tpu.memory_space<vmem>>) target(%dma_start3A_220 : memref<512xf32, #tpu.memory_space<hbm>>) target_semaphore(%run_scoped3A : memref<!tpu.dma_semaphore, #tpu.memory_space<semaphore_mem>>)
      %dma_wait3A_221 = tpu.memref_slice %arg14[%mul3A_2] : memref<16384xf32, #tpu.memory_space<hbm>> -> memref<512xf32, #tpu.memory_space<hbm>>
      %dma_wait3A_222 = tpu.memref_slice %arg14[%mul3A_2] : memref<16384xf32, #tpu.memory_space<hbm>> -> memref<512xf32, #tpu.memory_space<hbm>>
      tpu.wait_dma2 semaphore(%run_scoped3A : memref<!tpu.dma_semaphore, #tpu.memory_space<semaphore_mem>>) src(%arg20 : memref<512xf32, #tpu.memory_space<vmem>>) dst(%dma_wait3A_222 : memref<512xf32, #tpu.memory_space<hbm>>)
      tpu.yield
    }) : () -> ()
    return
  }
}

#map = affine_map<(d0, d1) -> (0)>
module attributes {stable_mosaic.version = 14 : i64} {
  func.func @sc_call(%arg0: i32, %arg1: i32, %arg2: memref<16384xi32, #tpu.memory_space<hbm>>, %arg3: memref<16384xi32, #tpu.memory_space<hbm>>, %arg4: memref<16384xi32, #tpu.memory_space<hbm>>, %arg5: memref<16384xi32, #tpu.memory_space<hbm>>, %arg6: memref<16384xi32, #tpu.memory_space<hbm>>, %arg7: memref<501760xf32, #tpu.memory_space<hbm>>, %arg8: memref<16xf32, #tpu.memory_space<hbm>>, %arg9: memref<16384xf32, #tpu.memory_space<hbm>>, %arg10: memref<16384xf32, #tpu.memory_space<hbm>>, %arg11: memref<5x512xi32, #tpu.memory_space<vmem>>, %arg12: memref<20x128xi32, #tpu.memory_space<vmem>>, %arg13: memref<512xf32, #tpu.memory_space<vmem>>, %arg14: memref<128xf32, #tpu.memory_space<vmem>>, %arg15: memref<128xf32, #tpu.memory_space<vmem>>, %arg16: memref<512xf32, #tpu.memory_space<vmem>>, %arg17: memref<16xf32, #tpu.memory_space<vmem>>, %arg18: memref<501760xf32, #tpu.memory_space<vmem_shared>>, %arg19: memref<!tpu.dma_semaphore, #tpu.memory_space<semaphore_mem>>, %arg20: memref<!tpu.dma_semaphore, #tpu.memory_space<semaphore_mem>>, %arg21: memref<!tpu.dma_semaphore, #tpu.memory_space<semaphore_mem>>) attributes {dimension_semantics = [#tpu.dimension_semantics<core_parallel>, #tpu.dimension_semantics<subcore_parallel>], iteration_bounds = array<i64: 2, 16>, scalar_prefetch = 0 : i64, scratch_operands = 11 : i64, tpu.core_type = #tpu.core_type<sc_vector_subcore>, window_params = [{transform_indices = #map}, {transform_indices = #map}, {transform_indices = #map}, {transform_indices = #map}, {transform_indices = #map}, {transform_indices = #map}, {transform_indices = #map}, {transform_indices = #map}, {transform_indices = #map}]} {
    %mul3A = arith.constant 2 : i32
    %mul3A_0 = arith.muli %arg1, %mul3A : i32
    %add3A = arith.addi %mul3A_0, %arg0 : i32
    %mul3A_1 = arith.constant 512 : i32
    %mul3A_2 = arith.muli %add3A, %mul3A_1 : i32
    %dma_start3A = arith.constant 0 : i32
    %dma_start3A_3 = arith.constant 0 : i32
    %dma_start3A_4 = tpu.memref_slice %arg11[%dma_start3A, %dma_start3A_3] : memref<5x512xi32, #tpu.memory_space<vmem>> -> memref<1x512xi32, #tpu.memory_space<vmem>>
    %dma_start3A_5 = tpu.memref_squeeze %dma_start3A_4 : memref<1x512xi32, #tpu.memory_space<vmem>> -> memref<512xi32, #tpu.memory_space<vmem>>
    %dma_start3A_6 = tpu.memref_slice %arg2[%mul3A_2] : memref<16384xi32, #tpu.memory_space<hbm>> -> memref<512xi32, #tpu.memory_space<hbm>>
    %dma_start3A_7 = arith.constant 0 : i32
    %dma_start3A_8 = tpu.memref_slice %arg11[%dma_start3A, %dma_start3A_7] : memref<5x512xi32, #tpu.memory_space<vmem>> -> memref<1x512xi32, #tpu.memory_space<vmem>>
    %dma_start3A_9 = tpu.memref_squeeze %dma_start3A_8 : memref<1x512xi32, #tpu.memory_space<vmem>> -> memref<512xi32, #tpu.memory_space<vmem>>
    %dma_start3A_10 = tpu.memref_slice %arg2[%mul3A_2] : memref<16384xi32, #tpu.memory_space<hbm>> -> memref<512xi32, #tpu.memory_space<hbm>>
    tpu.enqueue_dma source(%dma_start3A_10 : memref<512xi32, #tpu.memory_space<hbm>>) target(%dma_start3A_9 : memref<512xi32, #tpu.memory_space<vmem>>) target_semaphore(%arg19 : memref<!tpu.dma_semaphore, #tpu.memory_space<semaphore_mem>>)
    %dma_start3A_11 = arith.constant 1 : i32
    %dma_start3A_12 = arith.constant 0 : i32
    %dma_start3A_13 = tpu.memref_slice %arg11[%dma_start3A_11, %dma_start3A_12] : memref<5x512xi32, #tpu.memory_space<vmem>> -> memref<1x512xi32, #tpu.memory_space<vmem>>
    %dma_start3A_14 = tpu.memref_squeeze %dma_start3A_13 : memref<1x512xi32, #tpu.memory_space<vmem>> -> memref<512xi32, #tpu.memory_space<vmem>>
    %dma_start3A_15 = tpu.memref_slice %arg3[%mul3A_2] : memref<16384xi32, #tpu.memory_space<hbm>> -> memref<512xi32, #tpu.memory_space<hbm>>
    %dma_start3A_16 = arith.constant 0 : i32
    %dma_start3A_17 = tpu.memref_slice %arg11[%dma_start3A_11, %dma_start3A_16] : memref<5x512xi32, #tpu.memory_space<vmem>> -> memref<1x512xi32, #tpu.memory_space<vmem>>
    %dma_start3A_18 = tpu.memref_squeeze %dma_start3A_17 : memref<1x512xi32, #tpu.memory_space<vmem>> -> memref<512xi32, #tpu.memory_space<vmem>>
    %dma_start3A_19 = tpu.memref_slice %arg3[%mul3A_2] : memref<16384xi32, #tpu.memory_space<hbm>> -> memref<512xi32, #tpu.memory_space<hbm>>
    tpu.enqueue_dma source(%dma_start3A_19 : memref<512xi32, #tpu.memory_space<hbm>>) target(%dma_start3A_18 : memref<512xi32, #tpu.memory_space<vmem>>) target_semaphore(%arg19 : memref<!tpu.dma_semaphore, #tpu.memory_space<semaphore_mem>>)
    %dma_start3A_20 = arith.constant 2 : i32
    %dma_start3A_21 = arith.constant 0 : i32
    %dma_start3A_22 = tpu.memref_slice %arg11[%dma_start3A_20, %dma_start3A_21] : memref<5x512xi32, #tpu.memory_space<vmem>> -> memref<1x512xi32, #tpu.memory_space<vmem>>
    %dma_start3A_23 = tpu.memref_squeeze %dma_start3A_22 : memref<1x512xi32, #tpu.memory_space<vmem>> -> memref<512xi32, #tpu.memory_space<vmem>>
    %dma_start3A_24 = tpu.memref_slice %arg4[%mul3A_2] : memref<16384xi32, #tpu.memory_space<hbm>> -> memref<512xi32, #tpu.memory_space<hbm>>
    %dma_start3A_25 = arith.constant 0 : i32
    %dma_start3A_26 = tpu.memref_slice %arg11[%dma_start3A_20, %dma_start3A_25] : memref<5x512xi32, #tpu.memory_space<vmem>> -> memref<1x512xi32, #tpu.memory_space<vmem>>
    %dma_start3A_27 = tpu.memref_squeeze %dma_start3A_26 : memref<1x512xi32, #tpu.memory_space<vmem>> -> memref<512xi32, #tpu.memory_space<vmem>>
    %dma_start3A_28 = tpu.memref_slice %arg4[%mul3A_2] : memref<16384xi32, #tpu.memory_space<hbm>> -> memref<512xi32, #tpu.memory_space<hbm>>
    tpu.enqueue_dma source(%dma_start3A_28 : memref<512xi32, #tpu.memory_space<hbm>>) target(%dma_start3A_27 : memref<512xi32, #tpu.memory_space<vmem>>) target_semaphore(%arg19 : memref<!tpu.dma_semaphore, #tpu.memory_space<semaphore_mem>>)
    %dma_start3A_29 = arith.constant 3 : i32
    %dma_start3A_30 = arith.constant 0 : i32
    %dma_start3A_31 = tpu.memref_slice %arg11[%dma_start3A_29, %dma_start3A_30] : memref<5x512xi32, #tpu.memory_space<vmem>> -> memref<1x512xi32, #tpu.memory_space<vmem>>
    %dma_start3A_32 = tpu.memref_squeeze %dma_start3A_31 : memref<1x512xi32, #tpu.memory_space<vmem>> -> memref<512xi32, #tpu.memory_space<vmem>>
    %dma_start3A_33 = tpu.memref_slice %arg5[%mul3A_2] : memref<16384xi32, #tpu.memory_space<hbm>> -> memref<512xi32, #tpu.memory_space<hbm>>
    %dma_start3A_34 = arith.constant 0 : i32
    %dma_start3A_35 = tpu.memref_slice %arg11[%dma_start3A_29, %dma_start3A_34] : memref<5x512xi32, #tpu.memory_space<vmem>> -> memref<1x512xi32, #tpu.memory_space<vmem>>
    %dma_start3A_36 = tpu.memref_squeeze %dma_start3A_35 : memref<1x512xi32, #tpu.memory_space<vmem>> -> memref<512xi32, #tpu.memory_space<vmem>>
    %dma_start3A_37 = tpu.memref_slice %arg5[%mul3A_2] : memref<16384xi32, #tpu.memory_space<hbm>> -> memref<512xi32, #tpu.memory_space<hbm>>
    tpu.enqueue_dma source(%dma_start3A_37 : memref<512xi32, #tpu.memory_space<hbm>>) target(%dma_start3A_36 : memref<512xi32, #tpu.memory_space<vmem>>) target_semaphore(%arg19 : memref<!tpu.dma_semaphore, #tpu.memory_space<semaphore_mem>>)
    %dma_start3A_38 = arith.constant 4 : i32
    %dma_start3A_39 = arith.constant 0 : i32
    %dma_start3A_40 = tpu.memref_slice %arg11[%dma_start3A_38, %dma_start3A_39] : memref<5x512xi32, #tpu.memory_space<vmem>> -> memref<1x512xi32, #tpu.memory_space<vmem>>
    %dma_start3A_41 = tpu.memref_squeeze %dma_start3A_40 : memref<1x512xi32, #tpu.memory_space<vmem>> -> memref<512xi32, #tpu.memory_space<vmem>>
    %dma_start3A_42 = tpu.memref_slice %arg6[%mul3A_2] : memref<16384xi32, #tpu.memory_space<hbm>> -> memref<512xi32, #tpu.memory_space<hbm>>
    %dma_start3A_43 = arith.constant 0 : i32
    %dma_start3A_44 = tpu.memref_slice %arg11[%dma_start3A_38, %dma_start3A_43] : memref<5x512xi32, #tpu.memory_space<vmem>> -> memref<1x512xi32, #tpu.memory_space<vmem>>
    %dma_start3A_45 = tpu.memref_squeeze %dma_start3A_44 : memref<1x512xi32, #tpu.memory_space<vmem>> -> memref<512xi32, #tpu.memory_space<vmem>>
    %dma_start3A_46 = tpu.memref_slice %arg6[%mul3A_2] : memref<16384xi32, #tpu.memory_space<hbm>> -> memref<512xi32, #tpu.memory_space<hbm>>
    tpu.enqueue_dma source(%dma_start3A_46 : memref<512xi32, #tpu.memory_space<hbm>>) target(%dma_start3A_45 : memref<512xi32, #tpu.memory_space<vmem>>) target_semaphore(%arg19 : memref<!tpu.dma_semaphore, #tpu.memory_space<semaphore_mem>>)
    tpu.enqueue_dma source(%arg8 : memref<16xf32, #tpu.memory_space<hbm>>) target(%arg17 : memref<16xf32, #tpu.memory_space<vmem>>) target_semaphore(%arg19 : memref<!tpu.dma_semaphore, #tpu.memory_space<semaphore_mem>>)
    %dma_start3A_47 = tpu.memref_slice %arg9[%mul3A_2] : memref<16384xf32, #tpu.memory_space<hbm>> -> memref<512xf32, #tpu.memory_space<hbm>>
    %dma_start3A_48 = tpu.memref_slice %arg9[%mul3A_2] : memref<16384xf32, #tpu.memory_space<hbm>> -> memref<512xf32, #tpu.memory_space<hbm>>
    tpu.enqueue_dma source(%dma_start3A_48 : memref<512xf32, #tpu.memory_space<hbm>>) target(%arg13 : memref<512xf32, #tpu.memory_space<vmem>>) target_semaphore(%arg19 : memref<!tpu.dma_semaphore, #tpu.memory_space<semaphore_mem>>)
    %mul3A_49 = arith.constant 31360 : i32
    %mul3A_50 = arith.muli %arg1, %mul3A_49 : i32
    %mul3A_51 = arith.constant 31360 : i32
    %mul3A_52 = arith.muli %arg1, %mul3A_51 : i32
    "tpu.region"() ({
      %run_scoped3A = tpu.sem_alloc : memref<!tpu.dma_semaphore, #tpu.memory_space<semaphore_mem>>
      %dma_start3A_135 = tpu.memref_slice %arg18[%mul3A_52] : memref<501760xf32, #tpu.memory_space<vmem_shared>> -> memref<31360xf32, #tpu.memory_space<vmem_shared>>
      %dma_start3A_136 = tpu.memref_slice %arg7[%mul3A_50] : memref<501760xf32, #tpu.memory_space<hbm>> -> memref<31360xf32, #tpu.memory_space<hbm>>
      tpu.enqueue_dma source(%dma_start3A_136 : memref<31360xf32, #tpu.memory_space<hbm>>) target(%dma_start3A_135 : memref<31360xf32, #tpu.memory_space<vmem_shared>>) target_semaphore(%run_scoped3A : memref<!tpu.dma_semaphore, #tpu.memory_space<semaphore_mem>>)
      %dma_wait3A_137 = tpu.memref_slice %arg18[%mul3A_52] : memref<501760xf32, #tpu.memory_space<vmem_shared>> -> memref<31360xf32, #tpu.memory_space<vmem_shared>>
      %dma_wait3A_138 = tpu.memref_slice %arg7[%mul3A_50] : memref<501760xf32, #tpu.memory_space<hbm>> -> memref<31360xf32, #tpu.memory_space<hbm>>
      tpu.wait_dma2 semaphore(%run_scoped3A : memref<!tpu.dma_semaphore, #tpu.memory_space<semaphore_mem>>) src(%dma_wait3A_138 : memref<31360xf32, #tpu.memory_space<hbm>>) dst(%dma_wait3A_137 : memref<31360xf32, #tpu.memory_space<vmem_shared>>)
      tpu.yield
    }) : () -> ()
    %dma_wait3A = arith.constant 0 : i32
    %dma_wait3A_53 = arith.constant 0 : i32
    %dma_wait3A_54 = tpu.memref_slice %arg11[%dma_wait3A, %dma_wait3A_53] : memref<5x512xi32, #tpu.memory_space<vmem>> -> memref<1x512xi32, #tpu.memory_space<vmem>>
    %dma_wait3A_55 = tpu.memref_squeeze %dma_wait3A_54 : memref<1x512xi32, #tpu.memory_space<vmem>> -> memref<512xi32, #tpu.memory_space<vmem>>
    %dma_wait3A_56 = tpu.memref_slice %arg2[%mul3A_2] : memref<16384xi32, #tpu.memory_space<hbm>> -> memref<512xi32, #tpu.memory_space<hbm>>
    %dma_wait3A_57 = arith.constant 0 : i32
    %dma_wait3A_58 = tpu.memref_slice %arg11[%dma_wait3A, %dma_wait3A_57] : memref<5x512xi32, #tpu.memory_space<vmem>> -> memref<1x512xi32, #tpu.memory_space<vmem>>
    %dma_wait3A_59 = tpu.memref_squeeze %dma_wait3A_58 : memref<1x512xi32, #tpu.memory_space<vmem>> -> memref<512xi32, #tpu.memory_space<vmem>>
    %dma_wait3A_60 = tpu.memref_slice %arg2[%mul3A_2] : memref<16384xi32, #tpu.memory_space<hbm>> -> memref<512xi32, #tpu.memory_space<hbm>>
    tpu.wait_dma2 semaphore(%arg19 : memref<!tpu.dma_semaphore, #tpu.memory_space<semaphore_mem>>) src(%dma_wait3A_60 : memref<512xi32, #tpu.memory_space<hbm>>) dst(%dma_wait3A_59 : memref<512xi32, #tpu.memory_space<vmem>>)
    %dma_wait3A_61 = arith.constant 1 : i32
    %dma_wait3A_62 = arith.constant 0 : i32
    %dma_wait3A_63 = tpu.memref_slice %arg11[%dma_wait3A_61, %dma_wait3A_62] : memref<5x512xi32, #tpu.memory_space<vmem>> -> memref<1x512xi32, #tpu.memory_space<vmem>>
    %dma_wait3A_64 = tpu.memref_squeeze %dma_wait3A_63 : memref<1x512xi32, #tpu.memory_space<vmem>> -> memref<512xi32, #tpu.memory_space<vmem>>
    %dma_wait3A_65 = tpu.memref_slice %arg3[%mul3A_2] : memref<16384xi32, #tpu.memory_space<hbm>> -> memref<512xi32, #tpu.memory_space<hbm>>
    %dma_wait3A_66 = arith.constant 0 : i32
    %dma_wait3A_67 = tpu.memref_slice %arg11[%dma_wait3A_61, %dma_wait3A_66] : memref<5x512xi32, #tpu.memory_space<vmem>> -> memref<1x512xi32, #tpu.memory_space<vmem>>
    %dma_wait3A_68 = tpu.memref_squeeze %dma_wait3A_67 : memref<1x512xi32, #tpu.memory_space<vmem>> -> memref<512xi32, #tpu.memory_space<vmem>>
    %dma_wait3A_69 = tpu.memref_slice %arg3[%mul3A_2] : memref<16384xi32, #tpu.memory_space<hbm>> -> memref<512xi32, #tpu.memory_space<hbm>>
    tpu.wait_dma2 semaphore(%arg19 : memref<!tpu.dma_semaphore, #tpu.memory_space<semaphore_mem>>) src(%dma_wait3A_69 : memref<512xi32, #tpu.memory_space<hbm>>) dst(%dma_wait3A_68 : memref<512xi32, #tpu.memory_space<vmem>>)
    %dma_wait3A_70 = arith.constant 2 : i32
    %dma_wait3A_71 = arith.constant 0 : i32
    %dma_wait3A_72 = tpu.memref_slice %arg11[%dma_wait3A_70, %dma_wait3A_71] : memref<5x512xi32, #tpu.memory_space<vmem>> -> memref<1x512xi32, #tpu.memory_space<vmem>>
    %dma_wait3A_73 = tpu.memref_squeeze %dma_wait3A_72 : memref<1x512xi32, #tpu.memory_space<vmem>> -> memref<512xi32, #tpu.memory_space<vmem>>
    %dma_wait3A_74 = tpu.memref_slice %arg4[%mul3A_2] : memref<16384xi32, #tpu.memory_space<hbm>> -> memref<512xi32, #tpu.memory_space<hbm>>
    %dma_wait3A_75 = arith.constant 0 : i32
    %dma_wait3A_76 = tpu.memref_slice %arg11[%dma_wait3A_70, %dma_wait3A_75] : memref<5x512xi32, #tpu.memory_space<vmem>> -> memref<1x512xi32, #tpu.memory_space<vmem>>
    %dma_wait3A_77 = tpu.memref_squeeze %dma_wait3A_76 : memref<1x512xi32, #tpu.memory_space<vmem>> -> memref<512xi32, #tpu.memory_space<vmem>>
    %dma_wait3A_78 = tpu.memref_slice %arg4[%mul3A_2] : memref<16384xi32, #tpu.memory_space<hbm>> -> memref<512xi32, #tpu.memory_space<hbm>>
    tpu.wait_dma2 semaphore(%arg19 : memref<!tpu.dma_semaphore, #tpu.memory_space<semaphore_mem>>) src(%dma_wait3A_78 : memref<512xi32, #tpu.memory_space<hbm>>) dst(%dma_wait3A_77 : memref<512xi32, #tpu.memory_space<vmem>>)
    %dma_wait3A_79 = arith.constant 3 : i32
    %dma_wait3A_80 = arith.constant 0 : i32
    %dma_wait3A_81 = tpu.memref_slice %arg11[%dma_wait3A_79, %dma_wait3A_80] : memref<5x512xi32, #tpu.memory_space<vmem>> -> memref<1x512xi32, #tpu.memory_space<vmem>>
    %dma_wait3A_82 = tpu.memref_squeeze %dma_wait3A_81 : memref<1x512xi32, #tpu.memory_space<vmem>> -> memref<512xi32, #tpu.memory_space<vmem>>
    %dma_wait3A_83 = tpu.memref_slice %arg5[%mul3A_2] : memref<16384xi32, #tpu.memory_space<hbm>> -> memref<512xi32, #tpu.memory_space<hbm>>
    %dma_wait3A_84 = arith.constant 0 : i32
    %dma_wait3A_85 = tpu.memref_slice %arg11[%dma_wait3A_79, %dma_wait3A_84] : memref<5x512xi32, #tpu.memory_space<vmem>> -> memref<1x512xi32, #tpu.memory_space<vmem>>
    %dma_wait3A_86 = tpu.memref_squeeze %dma_wait3A_85 : memref<1x512xi32, #tpu.memory_space<vmem>> -> memref<512xi32, #tpu.memory_space<vmem>>
    %dma_wait3A_87 = tpu.memref_slice %arg5[%mul3A_2] : memref<16384xi32, #tpu.memory_space<hbm>> -> memref<512xi32, #tpu.memory_space<hbm>>
    tpu.wait_dma2 semaphore(%arg19 : memref<!tpu.dma_semaphore, #tpu.memory_space<semaphore_mem>>) src(%dma_wait3A_87 : memref<512xi32, #tpu.memory_space<hbm>>) dst(%dma_wait3A_86 : memref<512xi32, #tpu.memory_space<vmem>>)
    %dma_wait3A_88 = arith.constant 4 : i32
    %dma_wait3A_89 = arith.constant 0 : i32
    %dma_wait3A_90 = tpu.memref_slice %arg11[%dma_wait3A_88, %dma_wait3A_89] : memref<5x512xi32, #tpu.memory_space<vmem>> -> memref<1x512xi32, #tpu.memory_space<vmem>>
    %dma_wait3A_91 = tpu.memref_squeeze %dma_wait3A_90 : memref<1x512xi32, #tpu.memory_space<vmem>> -> memref<512xi32, #tpu.memory_space<vmem>>
    %dma_wait3A_92 = tpu.memref_slice %arg6[%mul3A_2] : memref<16384xi32, #tpu.memory_space<hbm>> -> memref<512xi32, #tpu.memory_space<hbm>>
    %dma_wait3A_93 = arith.constant 0 : i32
    %dma_wait3A_94 = tpu.memref_slice %arg11[%dma_wait3A_88, %dma_wait3A_93] : memref<5x512xi32, #tpu.memory_space<vmem>> -> memref<1x512xi32, #tpu.memory_space<vmem>>
    %dma_wait3A_95 = tpu.memref_squeeze %dma_wait3A_94 : memref<1x512xi32, #tpu.memory_space<vmem>> -> memref<512xi32, #tpu.memory_space<vmem>>
    %dma_wait3A_96 = tpu.memref_slice %arg6[%mul3A_2] : memref<16384xi32, #tpu.memory_space<hbm>> -> memref<512xi32, #tpu.memory_space<hbm>>
    tpu.wait_dma2 semaphore(%arg19 : memref<!tpu.dma_semaphore, #tpu.memory_space<semaphore_mem>>) src(%dma_wait3A_96 : memref<512xi32, #tpu.memory_space<hbm>>) dst(%dma_wait3A_95 : memref<512xi32, #tpu.memory_space<vmem>>)
    tpu.wait_dma2 semaphore(%arg19 : memref<!tpu.dma_semaphore, #tpu.memory_space<semaphore_mem>>) src(%arg8 : memref<16xf32, #tpu.memory_space<hbm>>) dst(%arg17 : memref<16xf32, #tpu.memory_space<vmem>>)
    %dma_wait3A_97 = tpu.memref_slice %arg9[%mul3A_2] : memref<16384xf32, #tpu.memory_space<hbm>> -> memref<512xf32, #tpu.memory_space<hbm>>
    %dma_wait3A_98 = tpu.memref_slice %arg9[%mul3A_2] : memref<16384xf32, #tpu.memory_space<hbm>> -> memref<512xf32, #tpu.memory_space<hbm>>
    tpu.wait_dma2 semaphore(%arg19 : memref<!tpu.dma_semaphore, #tpu.memory_space<semaphore_mem>>) src(%dma_wait3A_98 : memref<512xf32, #tpu.memory_space<hbm>>) dst(%arg13 : memref<512xf32, #tpu.memory_space<vmem>>)
    %parallel_loop3A = arith.constant 0 : i32
    %parallel_loop3A_99 = arith.constant 32 : i32
    %parallel_loop3A_100 = arith.constant 1 : i32
    scf.for %parallel_loop3A_135 = %parallel_loop3A to %parallel_loop3A_99 step %parallel_loop3A_100  : i32 {
      %parallel_loop3A_136 = arith.constant 16 : i32
      %parallel_loop3A_137 = arith.muli %parallel_loop3A_135, %parallel_loop3A_136 : i32
      %parallel_loop3A_138 = arith.constant 0 : i32
      %parallel_loop3A_139 = arith.index_cast %parallel_loop3A_138 : i32 to index
      %parallel_loop3A_140 = arith.index_cast %parallel_loop3A_137 : i32 to index
      %parallel_loop3A_141 = tpu.vector_load %arg11[%parallel_loop3A_139, %parallel_loop3A_140] {strides = array<i32>} : memref<5x512xi32, #tpu.memory_space<vmem>>, vector<16xi32>,
      %parallel_loop3A_142 = arith.constant 0 : i32
      %parallel_loop3A_143 = vector.broadcast %parallel_loop3A_142 : i32 to vector<16xi32>
      %parallel_loop3A_144 = arith.addi %parallel_loop3A_141, %parallel_loop3A_143 : vector<16xi32>
      %parallel_loop3A_145 = arith.constant 3 : i32
      %parallel_loop3A_146 = arith.shrsi %parallel_loop3A_135, %parallel_loop3A_145 : i32
      %parallel_loop3A_147 = arith.constant 0 : i32
      %parallel_loop3A_148 = arith.addi %parallel_loop3A_147, %parallel_loop3A_146 : i32
      %parallel_loop3A_149 = arith.constant 7 : i32
      %parallel_loop3A_150 = arith.andi %parallel_loop3A_135, %parallel_loop3A_149 : i32
      %parallel_loop3A_151 = arith.constant 16 : i32
      %parallel_loop3A_152 = arith.muli %parallel_loop3A_150, %parallel_loop3A_151 : i32
      %parallel_loop3A_153 = arith.index_cast %parallel_loop3A_148 : i32 to index
      %parallel_loop3A_154 = arith.index_cast %parallel_loop3A_152 : i32 to index
      %parallel_loop3A_155 = tpu.vector_load %arg12[%parallel_loop3A_153, %parallel_loop3A_154] {strides = array<i32>} : memref<20x128xi32, #tpu.memory_space<vmem>>, vector<16xi32>,
      tpu.vector_store %arg12[%parallel_loop3A_153, %parallel_loop3A_154], %parallel_loop3A_144 {strides = array<i32>} : memref<20x128xi32, #tpu.memory_space<vmem>>, vector<16xi32>,
    } {sc.loop_unroll_factor = 4 : i64, sc.parallel_access}
    %parallel_loop3A_101 = arith.constant 0 : i32
    %parallel_loop3A_102 = arith.constant 32 : i32
    %parallel_loop3A_103 = arith.constant 1 : i32
    scf.for %parallel_loop3A_135 = %parallel_loop3A_101 to %parallel_loop3A_102 step %parallel_loop3A_103  : i32 {
      %parallel_loop3A_136 = arith.constant 16 : i32
      %parallel_loop3A_137 = arith.muli %parallel_loop3A_135, %parallel_loop3A_136 : i32
      %parallel_loop3A_138 = arith.constant 1 : i32
      %parallel_loop3A_139 = arith.index_cast %parallel_loop3A_138 : i32 to index
      %parallel_loop3A_140 = arith.index_cast %parallel_loop3A_137 : i32 to index
      %parallel_loop3A_141 = tpu.vector_load %arg11[%parallel_loop3A_139, %parallel_loop3A_140] {strides = array<i32>} : memref<5x512xi32, #tpu.memory_space<vmem>>, vector<16xi32>,
      %parallel_loop3A_142 = arith.constant 100352 : i32
      %parallel_loop3A_143 = vector.broadcast %parallel_loop3A_142 : i32 to vector<16xi32>
      %parallel_loop3A_144 = arith.addi %parallel_loop3A_141, %parallel_loop3A_143 : vector<16xi32>
      %parallel_loop3A_145 = arith.constant 3 : i32
      %parallel_loop3A_146 = arith.shrsi %parallel_loop3A_135, %parallel_loop3A_145 : i32
      %parallel_loop3A_147 = arith.constant 4 : i32
      %parallel_loop3A_148 = arith.addi %parallel_loop3A_147, %parallel_loop3A_146 : i32
      %parallel_loop3A_149 = arith.constant 7 : i32
      %parallel_loop3A_150 = arith.andi %parallel_loop3A_135, %parallel_loop3A_149 : i32
      %parallel_loop3A_151 = arith.constant 16 : i32
      %parallel_loop3A_152 = arith.muli %parallel_loop3A_150, %parallel_loop3A_151 : i32
      %parallel_loop3A_153 = arith.index_cast %parallel_loop3A_148 : i32 to index
      %parallel_loop3A_154 = arith.index_cast %parallel_loop3A_152 : i32 to index
      %parallel_loop3A_155 = tpu.vector_load %arg12[%parallel_loop3A_153, %parallel_loop3A_154] {strides = array<i32>} : memref<20x128xi32, #tpu.memory_space<vmem>>, vector<16xi32>,
      tpu.vector_store %arg12[%parallel_loop3A_153, %parallel_loop3A_154], %parallel_loop3A_144 {strides = array<i32>} : memref<20x128xi32, #tpu.memory_space<vmem>>, vector<16xi32>,
    } {sc.loop_unroll_factor = 4 : i64, sc.parallel_access}
    %parallel_loop3A_104 = arith.constant 0 : i32
    %parallel_loop3A_105 = arith.constant 32 : i32
    %parallel_loop3A_106 = arith.constant 1 : i32
    scf.for %parallel_loop3A_135 = %parallel_loop3A_104 to %parallel_loop3A_105 step %parallel_loop3A_106  : i32 {
      %parallel_loop3A_136 = arith.constant 16 : i32
      %parallel_loop3A_137 = arith.muli %parallel_loop3A_135, %parallel_loop3A_136 : i32
      %parallel_loop3A_138 = arith.constant 2 : i32
      %parallel_loop3A_139 = arith.index_cast %parallel_loop3A_138 : i32 to index
      %parallel_loop3A_140 = arith.index_cast %parallel_loop3A_137 : i32 to index
      %parallel_loop3A_141 = tpu.vector_load %arg11[%parallel_loop3A_139, %parallel_loop3A_140] {strides = array<i32>} : memref<5x512xi32, #tpu.memory_space<vmem>>, vector<16xi32>,
      %parallel_loop3A_142 = arith.constant 200704 : i32
      %parallel_loop3A_143 = vector.broadcast %parallel_loop3A_142 : i32 to vector<16xi32>
      %parallel_loop3A_144 = arith.addi %parallel_loop3A_141, %parallel_loop3A_143 : vector<16xi32>
      %parallel_loop3A_145 = arith.constant 3 : i32
      %parallel_loop3A_146 = arith.shrsi %parallel_loop3A_135, %parallel_loop3A_145 : i32
      %parallel_loop3A_147 = arith.constant 8 : i32
      %parallel_loop3A_148 = arith.addi %parallel_loop3A_147, %parallel_loop3A_146 : i32
      %parallel_loop3A_149 = arith.constant 7 : i32
      %parallel_loop3A_150 = arith.andi %parallel_loop3A_135, %parallel_loop3A_149 : i32
      %parallel_loop3A_151 = arith.constant 16 : i32
      %parallel_loop3A_152 = arith.muli %parallel_loop3A_150, %parallel_loop3A_151 : i32
      %parallel_loop3A_153 = arith.index_cast %parallel_loop3A_148 : i32 to index
      %parallel_loop3A_154 = arith.index_cast %parallel_loop3A_152 : i32 to index
      %parallel_loop3A_155 = tpu.vector_load %arg12[%parallel_loop3A_153, %parallel_loop3A_154] {strides = array<i32>} : memref<20x128xi32, #tpu.memory_space<vmem>>, vector<16xi32>,
      tpu.vector_store %arg12[%parallel_loop3A_153, %parallel_loop3A_154], %parallel_loop3A_144 {strides = array<i32>} : memref<20x128xi32, #tpu.memory_space<vmem>>, vector<16xi32>,
    } {sc.loop_unroll_factor = 4 : i64, sc.parallel_access}
    %parallel_loop3A_107 = arith.constant 0 : i32
    %parallel_loop3A_108 = arith.constant 32 : i32
    %parallel_loop3A_109 = arith.constant 1 : i32
    scf.for %parallel_loop3A_135 = %parallel_loop3A_107 to %parallel_loop3A_108 step %parallel_loop3A_109  : i32 {
      %parallel_loop3A_136 = arith.constant 16 : i32
      %parallel_loop3A_137 = arith.muli %parallel_loop3A_135, %parallel_loop3A_136 : i32
      %parallel_loop3A_138 = arith.constant 3 : i32
      %parallel_loop3A_139 = arith.index_cast %parallel_loop3A_138 : i32 to index
      %parallel_loop3A_140 = arith.index_cast %parallel_loop3A_137 : i32 to index
      %parallel_loop3A_141 = tpu.vector_load %arg11[%parallel_loop3A_139, %parallel_loop3A_140] {strides = array<i32>} : memref<5x512xi32, #tpu.memory_space<vmem>>, vector<16xi32>,
      %parallel_loop3A_142 = arith.constant 301056 : i32
      %parallel_loop3A_143 = vector.broadcast %parallel_loop3A_142 : i32 to vector<16xi32>
      %parallel_loop3A_144 = arith.addi %parallel_loop3A_141, %parallel_loop3A_143 : vector<16xi32>
      %parallel_loop3A_145 = arith.constant 3 : i32
      %parallel_loop3A_146 = arith.shrsi %parallel_loop3A_135, %parallel_loop3A_145 : i32
      %parallel_loop3A_147 = arith.constant 12 : i32
      %parallel_loop3A_148 = arith.addi %parallel_loop3A_147, %parallel_loop3A_146 : i32
      %parallel_loop3A_149 = arith.constant 7 : i32
      %parallel_loop3A_150 = arith.andi %parallel_loop3A_135, %parallel_loop3A_149 : i32
      %parallel_loop3A_151 = arith.constant 16 : i32
      %parallel_loop3A_152 = arith.muli %parallel_loop3A_150, %parallel_loop3A_151 : i32
      %parallel_loop3A_153 = arith.index_cast %parallel_loop3A_148 : i32 to index
      %parallel_loop3A_154 = arith.index_cast %parallel_loop3A_152 : i32 to index
      %parallel_loop3A_155 = tpu.vector_load %arg12[%parallel_loop3A_153, %parallel_loop3A_154] {strides = array<i32>} : memref<20x128xi32, #tpu.memory_space<vmem>>, vector<16xi32>,
      tpu.vector_store %arg12[%parallel_loop3A_153, %parallel_loop3A_154], %parallel_loop3A_144 {strides = array<i32>} : memref<20x128xi32, #tpu.memory_space<vmem>>, vector<16xi32>,
    } {sc.loop_unroll_factor = 4 : i64, sc.parallel_access}
    %parallel_loop3A_110 = arith.constant 0 : i32
    %parallel_loop3A_111 = arith.constant 32 : i32
    %parallel_loop3A_112 = arith.constant 1 : i32
    scf.for %parallel_loop3A_135 = %parallel_loop3A_110 to %parallel_loop3A_111 step %parallel_loop3A_112  : i32 {
      %parallel_loop3A_136 = arith.constant 16 : i32
      %parallel_loop3A_137 = arith.muli %parallel_loop3A_135, %parallel_loop3A_136 : i32
      %parallel_loop3A_138 = arith.constant 4 : i32
      %parallel_loop3A_139 = arith.index_cast %parallel_loop3A_138 : i32 to index
      %parallel_loop3A_140 = arith.index_cast %parallel_loop3A_137 : i32 to index
      %parallel_loop3A_141 = tpu.vector_load %arg11[%parallel_loop3A_139, %parallel_loop3A_140] {strides = array<i32>} : memref<5x512xi32, #tpu.memory_space<vmem>>, vector<16xi32>,
      %parallel_loop3A_142 = arith.constant 401408 : i32
      %parallel_loop3A_143 = vector.broadcast %parallel_loop3A_142 : i32 to vector<16xi32>
      %parallel_loop3A_144 = arith.addi %parallel_loop3A_141, %parallel_loop3A_143 : vector<16xi32>
      %parallel_loop3A_145 = arith.constant 3 : i32
      %parallel_loop3A_146 = arith.shrsi %parallel_loop3A_135, %parallel_loop3A_145 : i32
      %parallel_loop3A_147 = arith.constant 16 : i32
      %parallel_loop3A_148 = arith.addi %parallel_loop3A_147, %parallel_loop3A_146 : i32
      %parallel_loop3A_149 = arith.constant 7 : i32
      %parallel_loop3A_150 = arith.andi %parallel_loop3A_135, %parallel_loop3A_149 : i32
      %parallel_loop3A_151 = arith.constant 16 : i32
      %parallel_loop3A_152 = arith.muli %parallel_loop3A_150, %parallel_loop3A_151 : i32
      %parallel_loop3A_153 = arith.index_cast %parallel_loop3A_148 : i32 to index
      %parallel_loop3A_154 = arith.index_cast %parallel_loop3A_152 : i32 to index
      %parallel_loop3A_155 = tpu.vector_load %arg12[%parallel_loop3A_153, %parallel_loop3A_154] {strides = array<i32>} : memref<20x128xi32, #tpu.memory_space<vmem>>, vector<16xi32>,
      tpu.vector_store %arg12[%parallel_loop3A_153, %parallel_loop3A_154], %parallel_loop3A_144 {strides = array<i32>} : memref<20x128xi32, #tpu.memory_space<vmem>>, vector<16xi32>,
    } {sc.loop_unroll_factor = 4 : i64, sc.parallel_access}
    %barrier3A = arith.constant 0 : index
    tpu.barrier barrier_id(%barrier3A)
    %dma_start3A_113 = arith.constant 0 : i32
    %dma_start3A_114 = arith.constant 0 : i32
    %dma_start3A_115 = tpu.memref_slice %arg12[%dma_start3A_113, %dma_start3A_114] : memref<20x128xi32, #tpu.memory_space<vmem>> -> memref<1x128xi32, #tpu.memory_space<vmem>>
    %dma_start3A_116 = tpu.memref_squeeze %dma_start3A_115 : memref<1x128xi32, #tpu.memory_space<vmem>> -> memref<128xi32, #tpu.memory_space<vmem>>
    %dma_start3A_117 = arith.constant 0 : i32
    %dma_start3A_118 = tpu.memref_slice %arg18[%dma_start3A_117] : memref<501760xf32, #tpu.memory_space<vmem_shared>> -> memref<501760xf32, #tpu.memory_space<vmem_shared>>
    tpu.enqueue_indirect_dma source(%dma_start3A_118 : memref<501760xf32, #tpu.memory_space<vmem_shared>>) target(%arg14 : memref<128xf32, #tpu.memory_space<vmem>>) offsets(%dma_start3A_116 : memref<128xi32, #tpu.memory_space<vmem>>) semaphore(%arg20 : memref<!tpu.dma_semaphore, #tpu.memory_space<semaphore_mem>>)
    %scan3A = arith.constant 0 : i32
    %scan3A_119 = arith.constant 0 : i32
    %scan3A_120 = arith.constant 10 : i32
    %scan3A_121 = arith.addi %scan3A_119, %scan3A_120 : i32
    %scan3A_122 = arith.constant 1 : i32
    %scan3A_123 = scf.for %scan3A_135 = %scan3A_119 to %scan3A_121 step %scan3A_122 iter_args(%scan3A_136 = %scan3A) -> (i32)  : i32 {
      %mul3A_137 = arith.constant 2 : i32
      %mul3A_138 = arith.muli %mul3A_137, %scan3A_135 : i32
      %add3A_139 = arith.constant 1 : i32
      %add3A_140 = arith.addi %mul3A_138, %add3A_139 : i32
      %dma_start3A_141 = arith.constant 0 : i32
      %dma_start3A_142 = tpu.memref_slice %arg12[%add3A_140, %dma_start3A_141] : memref<20x128xi32, #tpu.memory_space<vmem>> -> memref<1x128xi32, #tpu.memory_space<vmem>>
      %dma_start3A_143 = tpu.memref_squeeze %dma_start3A_142 : memref<1x128xi32, #tpu.memory_space<vmem>> -> memref<128xi32, #tpu.memory_space<vmem>>
      %dma_start3A_144 = arith.constant 0 : i32
      %dma_start3A_145 = tpu.memref_slice %arg18[%dma_start3A_144] : memref<501760xf32, #tpu.memory_space<vmem_shared>> -> memref<501760xf32, #tpu.memory_space<vmem_shared>>
      tpu.enqueue_indirect_dma source(%dma_start3A_145 : memref<501760xf32, #tpu.memory_space<vmem_shared>>) target(%arg15 : memref<128xf32, #tpu.memory_space<vmem>>) offsets(%dma_start3A_143 : memref<128xi32, #tpu.memory_space<vmem>>) semaphore(%arg21 : memref<!tpu.dma_semaphore, #tpu.memory_space<semaphore_mem>>)
      %dma_wait3A_146 = arith.constant 0 : i32
      %dma_wait3A_147 = tpu.memref_slice %arg12[%mul3A_138, %dma_wait3A_146] : memref<20x128xi32, #tpu.memory_space<vmem>> -> memref<1x128xi32, #tpu.memory_space<vmem>>
      %dma_wait3A_148 = tpu.memref_squeeze %dma_wait3A_147 : memref<1x128xi32, #tpu.memory_space<vmem>> -> memref<128xi32, #tpu.memory_space<vmem>>
      %dma_wait3A_149 = arith.constant 0 : i32
      %dma_wait3A_150 = tpu.memref_slice %arg18[%dma_wait3A_149] : memref<501760xf32, #tpu.memory_space<vmem_shared>> -> memref<501760xf32, #tpu.memory_space<vmem_shared>>
      tpu.wait_indirect_dma semaphore(%arg20 : memref<!tpu.dma_semaphore, #tpu.memory_space<semaphore_mem>>) src(%dma_wait3A_150 : memref<501760xf32, #tpu.memory_space<vmem_shared>>) dst(%arg14 : memref<128xf32, #tpu.memory_space<vmem>>)
      %and3A = arith.constant 3 : i32
      %and3A_151 = arith.andi %mul3A_138, %and3A : i32
      %mul3A_152 = arith.constant 128 : i32
      %mul3A_153 = arith.muli %and3A_151, %mul3A_152 : i32
      %parallel_loop3A_154 = arith.constant 0 : i32
      %parallel_loop3A_155 = arith.constant 8 : i32
      %parallel_loop3A_156 = arith.constant 1 : i32
      scf.for %parallel_loop3A_182 = %parallel_loop3A_154 to %parallel_loop3A_155 step %parallel_loop3A_156  : i32 {
        %parallel_loop3A_183 = arith.constant 16 : i32
        %parallel_loop3A_184 = arith.muli %parallel_loop3A_182, %parallel_loop3A_183 : i32
        %parallel_loop3A_185 = arith.addi %mul3A_153, %parallel_loop3A_184 : i32
        %parallel_loop3A_186 = arith.constant 16 : i32
        %parallel_loop3A_187 = arith.muli %parallel_loop3A_182, %parallel_loop3A_186 : i32
        %parallel_loop3A_188 = arith.index_cast %parallel_loop3A_187 : i32 to index
        %parallel_loop3A_189 = tpu.vector_load %arg14[%parallel_loop3A_188] {strides = array<i32>} : memref<128xf32, #tpu.memory_space<vmem>>, vector<16xf32>,
        %parallel_loop3A_190 = arith.index_cast %parallel_loop3A_185 : i32 to index
        %parallel_loop3A_191 = tpu.vector_load %arg13[%parallel_loop3A_190] {strides = array<i32>} : memref<512xf32, #tpu.memory_space<vmem>>, vector<16xf32>,
        tpu.vector_store %arg13[%parallel_loop3A_190], %parallel_loop3A_189 {add = true, strides = array<i32>} : memref<512xf32, #tpu.memory_space<vmem>>, vector<16xf32>,
      } {sc.loop_unroll_factor = 4 : i64, sc.parallel_access}
      %add3A_157 = arith.constant 2 : i32
      %add3A_158 = arith.addi %mul3A_138, %add3A_157 : i32
      %min3A = arith.constant 19 : i32
      %min3A_159 = arith.minsi %add3A_158, %min3A : i32
      %dma_start3A_160 = arith.constant 0 : i32
      %dma_start3A_161 = tpu.memref_slice %arg12[%min3A_159, %dma_start3A_160] : memref<20x128xi32, #tpu.memory_space<vmem>> -> memref<1x128xi32, #tpu.memory_space<vmem>>
      %dma_start3A_162 = tpu.memref_squeeze %dma_start3A_161 : memref<1x128xi32, #tpu.memory_space<vmem>> -> memref<128xi32, #tpu.memory_space<vmem>>
      %dma_start3A_163 = arith.constant 0 : i32
      %dma_start3A_164 = tpu.memref_slice %arg18[%dma_start3A_163] : memref<501760xf32, #tpu.memory_space<vmem_shared>> -> memref<501760xf32, #tpu.memory_space<vmem_shared>>
      tpu.enqueue_indirect_dma source(%dma_start3A_164 : memref<501760xf32, #tpu.memory_space<vmem_shared>>) target(%arg14 : memref<128xf32, #tpu.memory_space<vmem>>) offsets(%dma_start3A_162 : memref<128xi32, #tpu.memory_space<vmem>>) semaphore(%arg20 : memref<!tpu.dma_semaphore, #tpu.memory_space<semaphore_mem>>)
      %add3A_165 = arith.constant 1 : i32
      %add3A_166 = arith.addi %mul3A_138, %add3A_165 : i32
      %dma_wait3A_167 = arith.constant 0 : i32
      %dma_wait3A_168 = tpu.memref_slice %arg12[%add3A_166, %dma_wait3A_167] : memref<20x128xi32, #tpu.memory_space<vmem>> -> memref<1x128xi32, #tpu.memory_space<vmem>>
      %dma_wait3A_169 = tpu.memref_squeeze %dma_wait3A_168 : memref<1x128xi32, #tpu.memory_space<vmem>> -> memref<128xi32, #tpu.memory_space<vmem>>
      %dma_wait3A_170 = arith.constant 0 : i32
      %dma_wait3A_171 = tpu.memref_slice %arg18[%dma_wait3A_170] : memref<501760xf32, #tpu.memory_space<vmem_shared>> -> memref<501760xf32, #tpu.memory_space<vmem_shared>>
      tpu.wait_indirect_dma semaphore(%arg21 : memref<!tpu.dma_semaphore, #tpu.memory_space<semaphore_mem>>) src(%dma_wait3A_171 : memref<501760xf32, #tpu.memory_space<vmem_shared>>) dst(%arg15 : memref<128xf32, #tpu.memory_space<vmem>>)
      %add3A_172 = arith.constant 1 : i32
      %add3A_173 = arith.addi %mul3A_138, %add3A_172 : i32
      %and3A_174 = arith.constant 3 : i32
      %and3A_175 = arith.andi %add3A_173, %and3A_174 : i32
      %mul3A_176 = arith.constant 128 : i32
      %mul3A_177 = arith.muli %and3A_175, %mul3A_176 : i32
      %parallel_loop3A_178 = arith.constant 0 : i32
      %parallel_loop3A_179 = arith.constant 8 : i32
      %parallel_loop3A_180 = arith.constant 1 : i32
      scf.for %parallel_loop3A_182 = %parallel_loop3A_178 to %parallel_loop3A_179 step %parallel_loop3A_180  : i32 {
        %parallel_loop3A_183 = arith.constant 16 : i32
        %parallel_loop3A_184 = arith.muli %parallel_loop3A_182, %parallel_loop3A_183 : i32
        %parallel_loop3A_185 = arith.addi %mul3A_177, %parallel_loop3A_184 : i32
        %parallel_loop3A_186 = arith.constant 16 : i32
        %parallel_loop3A_187 = arith.muli %parallel_loop3A_182, %parallel_loop3A_186 : i32
        %parallel_loop3A_188 = arith.index_cast %parallel_loop3A_187 : i32 to index
        %parallel_loop3A_189 = tpu.vector_load %arg15[%parallel_loop3A_188] {strides = array<i32>} : memref<128xf32, #tpu.memory_space<vmem>>, vector<16xf32>,
        %parallel_loop3A_190 = arith.index_cast %parallel_loop3A_185 : i32 to index
        %parallel_loop3A_191 = tpu.vector_load %arg13[%parallel_loop3A_190] {strides = array<i32>} : memref<512xf32, #tpu.memory_space<vmem>>, vector<16xf32>,
        tpu.vector_store %arg13[%parallel_loop3A_190], %parallel_loop3A_189 {add = true, strides = array<i32>} : memref<512xf32, #tpu.memory_space<vmem>>, vector<16xf32>,
      } {sc.loop_unroll_factor = 4 : i64, sc.parallel_access}
      %scan3A_181 = arith.constant 0 : i32
      scf.yield %scan3A_181 : i32
    }
    %scan3A_124 = arith.constant 10 : i32
    %dma_wait3A_125 = arith.constant 19 : i32
    %dma_wait3A_126 = arith.constant 0 : i32
    %dma_wait3A_127 = tpu.memref_slice %arg12[%dma_wait3A_125, %dma_wait3A_126] : memref<20x128xi32, #tpu.memory_space<vmem>> -> memref<1x128xi32, #tpu.memory_space<vmem>>
    %dma_wait3A_128 = tpu.memref_squeeze %dma_wait3A_127 : memref<1x128xi32, #tpu.memory_space<vmem>> -> memref<128xi32, #tpu.memory_space<vmem>>
    %dma_wait3A_129 = arith.constant 0 : i32
    %dma_wait3A_130 = tpu.memref_slice %arg18[%dma_wait3A_129] : memref<501760xf32, #tpu.memory_space<vmem_shared>> -> memref<501760xf32, #tpu.memory_space<vmem_shared>>
    tpu.wait_indirect_dma semaphore(%arg20 : memref<!tpu.dma_semaphore, #tpu.memory_space<semaphore_mem>>) src(%dma_wait3A_130 : memref<501760xf32, #tpu.memory_space<vmem_shared>>) dst(%arg14 : memref<128xf32, #tpu.memory_space<vmem>>)
    %get3A = arith.constant 0 : index
    %get3A_131 = tpu.vector_load %arg17[%get3A] {strides = array<i32>} : memref<16xf32, #tpu.memory_space<vmem>>, vector<16xf32>,
    %parallel_loop3A_132 = arith.constant 0 : i32
    %parallel_loop3A_133 = arith.constant 32 : i32
    %parallel_loop3A_134 = arith.constant 1 : i32
    scf.for %parallel_loop3A_135 = %parallel_loop3A_132 to %parallel_loop3A_133 step %parallel_loop3A_134  : i32 {
      %parallel_loop3A_136 = arith.constant 16 : i32
      %parallel_loop3A_137 = arith.muli %parallel_loop3A_135, %parallel_loop3A_136 : i32
      %parallel_loop3A_138 = arith.index_cast %parallel_loop3A_137 : i32 to index
      %parallel_loop3A_139 = tpu.vector_load %arg13[%parallel_loop3A_138] {strides = array<i32>} : memref<512xf32, #tpu.memory_space<vmem>>, vector<16xf32>,
      %parallel_loop3A_140 = arith.addf %parallel_loop3A_139, %get3A_131 : vector<16xf32>
      %parallel_loop3A_141 = arith.index_cast %parallel_loop3A_137 : i32 to index
      %parallel_loop3A_142 = tpu.vector_load %arg16[%parallel_loop3A_141] {strides = array<i32>} : memref<512xf32, #tpu.memory_space<vmem>>, vector<16xf32>,
      tpu.vector_store %arg16[%parallel_loop3A_141], %parallel_loop3A_140 {strides = array<i32>} : memref<512xf32, #tpu.memory_space<vmem>>, vector<16xf32>,
    } {sc.loop_unroll_factor = 4 : i64, sc.parallel_access}
    "tpu.region"() ({
      %run_scoped3A = tpu.sem_alloc : memref<!tpu.dma_semaphore, #tpu.memory_space<semaphore_mem>>
      %dma_start3A_135 = tpu.memref_slice %arg10[%mul3A_2] : memref<16384xf32, #tpu.memory_space<hbm>> -> memref<512xf32, #tpu.memory_space<hbm>>
      %dma_start3A_136 = tpu.memref_slice %arg10[%mul3A_2] : memref<16384xf32, #tpu.memory_space<hbm>> -> memref<512xf32, #tpu.memory_space<hbm>>
      tpu.enqueue_dma source(%arg16 : memref<512xf32, #tpu.memory_space<vmem>>) target(%dma_start3A_136 : memref<512xf32, #tpu.memory_space<hbm>>) target_semaphore(%run_scoped3A : memref<!tpu.dma_semaphore, #tpu.memory_space<semaphore_mem>>)
      %dma_wait3A_137 = tpu.memref_slice %arg10[%mul3A_2] : memref<16384xf32, #tpu.memory_space<hbm>> -> memref<512xf32, #tpu.memory_space<hbm>>
      %dma_wait3A_138 = tpu.memref_slice %arg10[%mul3A_2] : memref<16384xf32, #tpu.memory_space<hbm>> -> memref<512xf32, #tpu.memory_space<hbm>>
      tpu.wait_dma2 semaphore(%run_scoped3A : memref<!tpu.dma_semaphore, #tpu.memory_space<semaphore_mem>>) src(%arg16 : memref<512xf32, #tpu.memory_space<vmem>>) dst(%dma_wait3A_138 : memref<512xf32, #tpu.memory_space<hbm>>)
      tpu.yield
    }) : () -> ()
    return
  }
}

module attributes {stable_mosaic.version = 14 : i64} {
  func.func @body(%arg0: i32, %arg1: memref<1x16x100000xf32, #tpu.memory_space<vmem>>, %arg2: memref<1x98x8x128xf32, #tpu.memory_space<vmem>>) attributes {dimension_semantics = [#tpu.dimension_semantics<arbitrary>], iteration_bounds = array<i64: 9>, scalar_prefetch = 0 : i64, scratch_operands = 0 : i64, tpu.core_type = #tpu.core_type<tc>, window_params = [{transform_indices = @transform_0, window_bounds = array<i64: 1, 16, 100000>}, {transform_indices = @transform_1, window_bounds = array<i64: 1, 98, 8, 128>}]} {
    %get3A = arith.constant 0 : index
    %get3A_0 = arith.constant 0 : index
    %get3A_1 = arith.constant 0 : index
    %get3A_2 = vector.load %arg1[%get3A, %get3A_0, %get3A_1] : memref<1x16x100000xf32, #tpu.memory_space<vmem>>, vector<1x16x100000xf32>
    %reduce_sum3A = arith.constant dense<0.000000e+00> : vector<1x100000xf32>
    %reduce_sum3A_3 = vector.multi_reduction <add>, %get3A_2, %reduce_sum3A [1] : vector<1x16x100000xf32> to vector<1x100000xf32>
    %broadcast_in_dim3A = vector.shape_cast %reduce_sum3A_3 : vector<1x100000xf32> to vector<1x1x100000xf32>
    %iota3A = tpu.iota {dimensions = array<i32: 2>} : vector<1x1x100000xi32>
    %eq3A = arith.constant 0 : i32
    %eq3A_4 = vector.broadcast %eq3A : i32 to vector<1x1x100000xi32>
    %eq3A_5 = arith.cmpi eq, %iota3A, %eq3A_4 : vector<1x1x100000xi32>
    %jit3A = arith.constant 0.000000e+00 : f32
    %broadcast_in_dim3A_6 = vector.broadcast %jit3A : f32 to vector<1x1x100000xf32>
    %select_n3A = arith.select %eq3A_5, %broadcast_in_dim3A_6, %broadcast_in_dim3A : vector<1x1x100000xi1>, vector<1x1x100000xf32>
    %broadcast_in_dim3A_7 = arith.constant 0.000000e+00 : f32
    %broadcast_in_dim3A_8 = vector.broadcast %broadcast_in_dim3A_7 : f32 to vector<1x1x352xf32>
    %concatenate3A = tpu.concatenate %select_n3A, %broadcast_in_dim3A_8 in 2 : vector<1x1x100000xf32>, vector<1x1x352xf32> -> vector<1x1x100352xf32>
    %reshape3A = vector.shape_cast %concatenate3A : vector<1x1x100352xf32> to vector<1x98x8x128xf32>
    %swap3A = arith.constant 0 : index
    %swap3A_9 = arith.constant 0 : index
    %swap3A_10 = arith.constant 0 : index
    %swap3A_11 = arith.constant 0 : index
    %swap3A_12 = vector.load %arg2[%swap3A, %swap3A_9, %swap3A_10, %swap3A_11] : memref<1x98x8x128xf32, #tpu.memory_space<vmem>>, vector<1x98x8x128xf32>
    tpu.vector_store %arg2[%swap3A, %swap3A_9, %swap3A_10, %swap3A_11], %reshape3A {strides = array<i32>} : memref<1x98x8x128xf32, #tpu.memory_space<vmem>>, vector<1x98x8x128xf32>,
    return
  }
  func.func @transform_0(%arg0: i32) -> (i32, i32, i32) {
    %add3A = arith.constant 3 : i32
    %add3A_0 = arith.addi %arg0, %add3A : i32
    %c0_i32 = arith.constant 0 : i32
    %c0_i32_1 = arith.constant 0 : i32
    %c0_i32_2 = arith.constant 0 : i32
    return %add3A_0, %c0_i32, %c0_i32_1 : i32, i32, i32
  }
  func.func @transform_1(%arg0: i32) -> (i32, i32, i32, i32) {
    %c0_i32 = arith.constant 0 : i32
    %c0_i32_0 = arith.constant 0 : i32
    %c0_i32_1 = arith.constant 0 : i32
    %c0_i32_2 = arith.constant 0 : i32
    return %arg0, %c0_i32, %c0_i32_0, %c0_i32_1 : i32, i32, i32, i32
  }
}

module attributes {stable_mosaic.version = 14 : i64} {
  func.func @body(%arg0: i32, %arg1: memref<1x16x100000xf32, #tpu.memory_space<vmem>>, %arg2: memref<1x98x8x128xf32, #tpu.memory_space<vmem>>) attributes {dimension_semantics = [#tpu.dimension_semantics<arbitrary>], iteration_bounds = array<i64: 3>, scalar_prefetch = 0 : i64, scratch_operands = 0 : i64, tpu.core_type = #tpu.core_type<tc>, window_params = [{transform_indices = @transform_0, window_bounds = array<i64: 1, 16, 100000>}, {transform_indices = @transform_1, window_bounds = array<i64: 1, 98, 8, 128>}]} {
    %get3A = arith.constant 0 : index
    %get3A_0 = arith.constant 0 : index
    %get3A_1 = arith.constant 0 : index
    %get3A_2 = vector.load %arg1[%get3A, %get3A_0, %get3A_1] : memref<1x16x100000xf32, #tpu.memory_space<vmem>>, vector<1x16x100000xf32>
    %reduce_sum3A = arith.constant dense<0.000000e+00> : vector<1x100000xf32>
    %reduce_sum3A_3 = vector.multi_reduction <add>, %get3A_2, %reduce_sum3A [1] : vector<1x16x100000xf32> to vector<1x100000xf32>
    %broadcast_in_dim3A = vector.shape_cast %reduce_sum3A_3 : vector<1x100000xf32> to vector<1x1x100000xf32>
    %iota3A = tpu.iota {dimensions = array<i32: 2>} : vector<1x1x100000xi32>
    %eq3A = arith.constant 0 : i32
    %eq3A_4 = vector.broadcast %eq3A : i32 to vector<1x1x100000xi32>
    %eq3A_5 = arith.cmpi eq, %iota3A, %eq3A_4 : vector<1x1x100000xi32>
    %jit3A = arith.constant 0.000000e+00 : f32
    %broadcast_in_dim3A_6 = vector.broadcast %jit3A : f32 to vector<1x1x100000xf32>
    %select_n3A = arith.select %eq3A_5, %broadcast_in_dim3A_6, %broadcast_in_dim3A : vector<1x1x100000xi1>, vector<1x1x100000xf32>
    %broadcast_in_dim3A_7 = arith.constant 0.000000e+00 : f32
    %broadcast_in_dim3A_8 = vector.broadcast %broadcast_in_dim3A_7 : f32 to vector<1x1x352xf32>
    %concatenate3A = tpu.concatenate %select_n3A, %broadcast_in_dim3A_8 in 2 : vector<1x1x100000xf32>, vector<1x1x352xf32> -> vector<1x1x100352xf32>
    %reshape3A = vector.shape_cast %concatenate3A : vector<1x1x100352xf32> to vector<1x98x8x128xf32>
    %swap3A = arith.constant 0 : index
    %swap3A_9 = arith.constant 0 : index
    %swap3A_10 = arith.constant 0 : index
    %swap3A_11 = arith.constant 0 : index
    %swap3A_12 = vector.load %arg2[%swap3A, %swap3A_9, %swap3A_10, %swap3A_11] : memref<1x98x8x128xf32, #tpu.memory_space<vmem>>, vector<1x98x8x128xf32>
    tpu.vector_store %arg2[%swap3A, %swap3A_9, %swap3A_10, %swap3A_11], %reshape3A {strides = array<i32>} : memref<1x98x8x128xf32, #tpu.memory_space<vmem>>, vector<1x98x8x128xf32>,
    return
  }
  func.func @transform_0(%arg0: i32) -> (i32, i32, i32) {
    %add3A = arith.constant 0 : i32
    %add3A_0 = arith.addi %arg0, %add3A : i32
    %c0_i32 = arith.constant 0 : i32
    %c0_i32_1 = arith.constant 0 : i32
    %c0_i32_2 = arith.constant 0 : i32
    return %add3A_0, %c0_i32, %c0_i32_1 : i32, i32, i32
  }
  func.func @transform_1(%arg0: i32) -> (i32, i32, i32, i32) {
    %c0_i32 = arith.constant 0 : i32
    %c0_i32_0 = arith.constant 0 : i32
    %c0_i32_1 = arith.constant 0 : i32
    %c0_i32_2 = arith.constant 0 : i32
    return %arg0, %c0_i32, %c0_i32_0, %c0_i32_1 : i32, i32, i32, i32
  }
}

module attributes {stable_mosaic.version = 14 : i64} {
  func.func @body(%arg0: i32, %arg1: memref<1x16x100000xf32, #tpu.memory_space<vmem>>, %arg2: memref<1x98x8x128xf32, #tpu.memory_space<vmem>>) attributes {dimension_semantics = [#tpu.dimension_semantics<arbitrary>], iteration_bounds = array<i64: 9>, scalar_prefetch = 0 : i64, scratch_operands = 0 : i64, tpu.core_type = #tpu.core_type<tc>, window_params = [{transform_indices = @transform_0, window_bounds = array<i64: 1, 16, 100000>}, {transform_indices = @transform_1, window_bounds = array<i64: 1, 98, 8, 128>}]} {
    %get3A = arith.constant 0 : index
    %get3A_0 = arith.constant 0 : index
    %get3A_1 = arith.constant 0 : index
    %get3A_2 = vector.load %arg1[%get3A, %get3A_0, %get3A_1] : memref<1x16x100000xf32, #tpu.memory_space<vmem>>, vector<1x16x100000xf32>
    %reduce_sum3A = arith.constant dense<0.000000e+00> : vector<1x100000xf32>
    %reduce_sum3A_3 = vector.multi_reduction <add>, %get3A_2, %reduce_sum3A [1] : vector<1x16x100000xf32> to vector<1x100000xf32>
    %broadcast_in_dim3A = vector.shape_cast %reduce_sum3A_3 : vector<1x100000xf32> to vector<1x1x100000xf32>
    %iota3A = tpu.iota {dimensions = array<i32: 2>} : vector<1x1x100000xi32>
    %eq3A = arith.constant 0 : i32
    %eq3A_4 = vector.broadcast %eq3A : i32 to vector<1x1x100000xi32>
    %eq3A_5 = arith.cmpi eq, %iota3A, %eq3A_4 : vector<1x1x100000xi32>
    %jit3A = arith.constant 0.000000e+00 : f32
    %broadcast_in_dim3A_6 = vector.broadcast %jit3A : f32 to vector<1x1x100000xf32>
    %select_n3A = arith.select %eq3A_5, %broadcast_in_dim3A_6, %broadcast_in_dim3A : vector<1x1x100000xi1>, vector<1x1x100000xf32>
    %broadcast_in_dim3A_7 = arith.constant 0.000000e+00 : f32
    %broadcast_in_dim3A_8 = vector.broadcast %broadcast_in_dim3A_7 : f32 to vector<1x1x352xf32>
    %concatenate3A = tpu.concatenate %select_n3A, %broadcast_in_dim3A_8 in 2 : vector<1x1x100000xf32>, vector<1x1x352xf32> -> vector<1x1x100352xf32>
    %reshape3A = vector.shape_cast %concatenate3A : vector<1x1x100352xf32> to vector<1x98x8x128xf32>
    %swap3A = arith.constant 0 : index
    %swap3A_9 = arith.constant 0 : index
    %swap3A_10 = arith.constant 0 : index
    %swap3A_11 = arith.constant 0 : index
    %swap3A_12 = vector.load %arg2[%swap3A, %swap3A_9, %swap3A_10, %swap3A_11] : memref<1x98x8x128xf32, #tpu.memory_space<vmem>>, vector<1x98x8x128xf32>
    tpu.vector_store %arg2[%swap3A, %swap3A_9, %swap3A_10, %swap3A_11], %reshape3A {strides = array<i32>} : memref<1x98x8x128xf32, #tpu.memory_space<vmem>>, vector<1x98x8x128xf32>,
    return
  }
  func.func @transform_0(%arg0: i32) -> (i32, i32, i32) {
    %add3A = arith.constant 12 : i32
    %add3A_0 = arith.addi %arg0, %add3A : i32
    %c0_i32 = arith.constant 0 : i32
    %c0_i32_1 = arith.constant 0 : i32
    %c0_i32_2 = arith.constant 0 : i32
    return %add3A_0, %c0_i32, %c0_i32_1 : i32, i32, i32
  }
  func.func @transform_1(%arg0: i32) -> (i32, i32, i32, i32) {
    %c0_i32 = arith.constant 0 : i32
    %c0_i32_0 = arith.constant 0 : i32
    %c0_i32_1 = arith.constant 0 : i32
    %c0_i32_2 = arith.constant 0 : i32
    return %arg0, %c0_i32, %c0_i32_0, %c0_i32_1 : i32, i32, i32, i32
  }
}

module attributes {stable_mosaic.version = 14 : i64} {
  func.func @body(%arg0: i32, %arg1: memref<1x16x100000xf32, #tpu.memory_space<vmem>>, %arg2: memref<1x98x8x128xf32, #tpu.memory_space<vmem>>) attributes {dimension_semantics = [#tpu.dimension_semantics<arbitrary>], iteration_bounds = array<i64: 5>, scalar_prefetch = 0 : i64, scratch_operands = 0 : i64, tpu.core_type = #tpu.core_type<tc>, window_params = [{transform_indices = @transform_0, window_bounds = array<i64: 1, 16, 100000>}, {transform_indices = @transform_1, window_bounds = array<i64: 1, 98, 8, 128>}]} {
    %get3A = arith.constant 0 : index
    %get3A_0 = arith.constant 0 : index
    %get3A_1 = arith.constant 0 : index
    %get3A_2 = vector.load %arg1[%get3A, %get3A_0, %get3A_1] : memref<1x16x100000xf32, #tpu.memory_space<vmem>>, vector<1x16x100000xf32>
    %reduce_sum3A = arith.constant dense<0.000000e+00> : vector<1x100000xf32>
    %reduce_sum3A_3 = vector.multi_reduction <add>, %get3A_2, %reduce_sum3A [1] : vector<1x16x100000xf32> to vector<1x100000xf32>
    %broadcast_in_dim3A = vector.shape_cast %reduce_sum3A_3 : vector<1x100000xf32> to vector<1x1x100000xf32>
    %iota3A = tpu.iota {dimensions = array<i32: 2>} : vector<1x1x100000xi32>
    %eq3A = arith.constant 0 : i32
    %eq3A_4 = vector.broadcast %eq3A : i32 to vector<1x1x100000xi32>
    %eq3A_5 = arith.cmpi eq, %iota3A, %eq3A_4 : vector<1x1x100000xi32>
    %jit3A = arith.constant 0.000000e+00 : f32
    %broadcast_in_dim3A_6 = vector.broadcast %jit3A : f32 to vector<1x1x100000xf32>
    %select_n3A = arith.select %eq3A_5, %broadcast_in_dim3A_6, %broadcast_in_dim3A : vector<1x1x100000xi1>, vector<1x1x100000xf32>
    %broadcast_in_dim3A_7 = arith.constant 0.000000e+00 : f32
    %broadcast_in_dim3A_8 = vector.broadcast %broadcast_in_dim3A_7 : f32 to vector<1x1x352xf32>
    %concatenate3A = tpu.concatenate %select_n3A, %broadcast_in_dim3A_8 in 2 : vector<1x1x100000xf32>, vector<1x1x352xf32> -> vector<1x1x100352xf32>
    %reshape3A = vector.shape_cast %concatenate3A : vector<1x1x100352xf32> to vector<1x98x8x128xf32>
    %swap3A = arith.constant 0 : index
    %swap3A_9 = arith.constant 0 : index
    %swap3A_10 = arith.constant 0 : index
    %swap3A_11 = arith.constant 0 : index
    %swap3A_12 = vector.load %arg2[%swap3A, %swap3A_9, %swap3A_10, %swap3A_11] : memref<1x98x8x128xf32, #tpu.memory_space<vmem>>, vector<1x98x8x128xf32>
    tpu.vector_store %arg2[%swap3A, %swap3A_9, %swap3A_10, %swap3A_11], %reshape3A {strides = array<i32>} : memref<1x98x8x128xf32, #tpu.memory_space<vmem>>, vector<1x98x8x128xf32>,
    return
  }
  func.func @transform_0(%arg0: i32) -> (i32, i32, i32) {
    %add3A = arith.constant 21 : i32
    %add3A_0 = arith.addi %arg0, %add3A : i32
    %c0_i32 = arith.constant 0 : i32
    %c0_i32_1 = arith.constant 0 : i32
    %c0_i32_2 = arith.constant 0 : i32
    return %add3A_0, %c0_i32, %c0_i32_1 : i32, i32, i32
  }
  func.func @transform_1(%arg0: i32) -> (i32, i32, i32, i32) {
    %c0_i32 = arith.constant 0 : i32
    %c0_i32_0 = arith.constant 0 : i32
    %c0_i32_1 = arith.constant 0 : i32
    %c0_i32_2 = arith.constant 0 : i32
    return %arg0, %c0_i32, %c0_i32_0, %c0_i32_1 : i32, i32, i32, i32
  }
}

</mosaic_0001>

<sc_bundles>
// kernel: kernel.10.cloned.1.call-start
scs
__scs_entry_jumppad:
0x0: {  	(pc) =	sbr.rel $0x88, $3  }
0x1: {  	(tag) =	ssettag $0x0;
	lr =	simm.s32 $0x1  }
0x2: {  	[smem:$0x3F85] =	sst lr;
	_ =	strace $0xD0000000  }
0x3: {  	_ = 	snop  }
0x4: {  	_ = 	snop  }
0x5: {  	_ = 	snop  }
0x6: {  	_ = 	snop  }
0x7: {  	_ = 	snop  }
__scs_overlays_trampoline_lowered:
0x8: {  	[smem:$0x3F94] =	sst s0  }
0x9: {  	[smem:$0x3F95] =	sst s1  }
0xa: {  	[smem:$0x3F96] =	sst s2  }
0xb: {  	[smem:$0x3F97] =	sst s3  }
0xc: {  	[smem:$0x3F98] =	sst s4  }
0xd: {  	[smem:$0x3F99] =	sst s5  }
0xe: {  	[smem:$0x3F9A] =	sst s6  }
0xf: {  	[smem:$0x3F9B] =	sst s7  }
0x10: {  	[smem:$0x3F9C] =	sst s8  }
0x11: {  	[smem:$0x3F9D] =	sst s9;
	s0 =	simm.s32 @!p0 $0x0  }
0x12: {  	s1 =	sld [smem:$0x3F83];
	s0 =	simm.s32 @p0 $0x1  }
0x13: {  	[smem:$0x3F9E] =	sst s0;
	s0 =	simm.s32 @!p1 $0x0  }
0x14: {  	s2 =	sld [smem:$0x3F82];
	s0 =	simm.s32 @p1 $0x1  }
0x15: {  	[smem:$0x3F9F] =	sst s0;
	s0 =	simm.s32 @!p2 $0x0  }
0x16: {  	s3 =	sld [smem:$0x3FDB];
	s0 =	simm.s32 @p2 $0x1  }
0x17: {  	s4 =	simm.s32 $0x1BF5;
	[smem:$0x3FA1] =	sst s0  }
0x18: {  	s0 =	sld [smem:$0x3F84];
	_ =	swait.ge [sflag:s4], $0x0  }
0x19: {  	s7 =	sld [smem:$0x3F85]  }
0x1a: {  	s8 =	sadd.s32 $0xFFFFE003, lr  }
0x1b: {  	s9 =	sadd.s32 $0xFFFFFEF7, lr;
	s5 =	simm.s32 $0xFFFFFFFF;
	p2 =	slt.u32 s8, $0xFFFFF086  }
0x1c: {  	p1 =	slt.u32 s9, $0xF7A;
	s5 =	simm.s32 @!p2 $0x0  }
0x1d: {  	s5 =	simm.s32 @p1 $0x1;
	p0 =	seq.s32 s7, s2  }
0x1e: {  	s7 =	smul.u32 @!p0 $0xF7A, s2;
	p2 =	seq.s32 @!p0 s5, $0x0  }
0x1f: {  	s9 =	smul.u32 $0xF7A, s1;
	s8 =	simm.s32 @!p0 $0x1BF5;
	p2 =	por !p2, p0  }
0x20: {  	[sflag:s8] =	ssyncset.s32 @!p0 $0xFFFFF086;
	s6 =	sadd.s32 @!p0 s3, s7;
	s7 =	simm.s32 @!p0 $0x108  }
0x21: {  	s3 =	sadd.s32 s3, s9;
	s6 =	sadd.s32 @!p0 $0x88, s6;
	s7 =	simm.s32 @p2 $0x1082  }
0x22: {  	[simem:s7], [sflag:s8] =	dma.local @!p0 [hbm:s6], $0xF7A  }
0x23: {  	s9 =	sor.u32 $0xD0000000, s2;
	s6 =	simm.s32 $0x108;
	_ =	swait.ge @!p0 [sflag:s8], $0x0  }
0x24: {  	s3 =	sadd.s32 $0x88, s3;
	s6 =	simm.s32 @!p1 $0x1082;
	[sflag:s4] =	ssyncset.s32 $0xFFFFF086  }
0x25: {  	[simem:s6], [sflag:s4] =	dma.local [hbm:s3], $0xF7A  }
0x26: {  	[smem:$0x3F85] =	sst s1;
	(tag) =	ssettag s2;
	_ =	strace s9  }
0x27: {  	s1 =	sld [smem:$0x3F95]  }
0x28: {  	s2 =	sld [smem:$0x3F96]  }
0x29: {  	s4 =	sld [smem:$0x3F98]  }
0x2a: {  	p0 =	seq.s32 s5, $0x0;
	s5 =	sld [smem:$0x3F99]  }
0x2b: {  	s6 =	sld [smem:$0x3F9A]  }
0x2c: {  	s7 =	sld [smem:$0x3F9B]  }
0x2d: {  	s3 =	simm.s32 $0x108;
	s8 =	sld [smem:$0x3F9C]  }
0x2e: {  	s3 =	simm.s32 @!p0 $0x1082;
	s9 =	sld [smem:$0x3F9D]  }
0x2f: {  	lr =	sadd.s32 s0, s3;
	s0 =	sld [smem:$0x3F94]  }
0x30: {  	s3 =	sld [smem:$0x3F97]  }
0x31: {  	[smem:$0x3FA0] =	sst s10  }
0x32: {  	s10 =	sld [smem:$0x3F9E];
	_ =	sdelay $0x3  }
0x33: {  	p0 =	seq.s32 s10, $0x1;
	s10 =	sld [smem:$0x3FA0];
	_ =	sdelay $0x3  }
0x34: {  	[smem:$0x3FA0] =	sst s10  }
0x35: {  	s10 =	sld [smem:$0x3F9F];
	_ =	sdelay $0x3  }
0x36: {  	p1 =	seq.s32 s10, $0x1;
	s10 =	sld [smem:$0x3FA0];
	_ =	sdelay $0x3  }
0x37: {  	[smem:$0x3FA0] =	sst s10  }
0x38: {  	s10 =	sld [smem:$0x3FA1]  }
0x39: {  	_ = 	snop;
	(pc) =	sbr.ind lr, $3  }
0x3a: {  	_ = 	snop  }
0x3b: {  	_ = 	snop  }
0x3c: {  	p2 =	seq.s32 s10, $0x1;
	s10 =	sld [smem:$0x3FA0]  }
0x3d: {  	_ =	shalt  }
0x3e: {  	_ =	shalt  }
0x3f: {  	_ =	shalt  }
0x40: {  	_ =	shalt  }
0x41: {  	_ =	shalt  }
0x42: {  	_ =	shalt  }
0x43: {  	_ =	shalt  }
0x44: {  	_ =	shalt  }
0x45: {  	_ =	shalt  }
0x46: {  	_ =	shalt  }
0x47: {  	_ =	shalt  }
0x48: {  	_ =	shalt  }
0x49: {  	_ =	shalt  }
0x4a: {  	_ =	shalt  }
0x4b: {  	_ =	shalt  }
0x4c: {  	_ =	shalt  }
0x4d: {  	_ =	shalt  }
0x4e: {  	_ =	shalt  }
0x4f: {  	_ =	shalt  }
0x50: {  	_ =	shalt  }
0x51: {  	_ =	shalt  }
0x52: {  	_ =	shalt  }
0x53: {  	_ =	shalt  }
0x54: {  	_ =	shalt  }
0x55: {  	_ =	shalt  }
0x56: {  	_ =	shalt  }
0x57: {  	_ =	shalt  }
0x58: {  	_ =	shalt  }
0x59: {  	_ =	shalt  }
0x5a: {  	_ =	shalt  }
0x5b: {  	_ =	shalt  }
0x5c: {  	_ =	shalt  }
0x5d: {  	_ =	shalt  }
0x5e: {  	_ =	shalt  }
0x5f: {  	_ =	shalt  }
0x60: {  	_ =	shalt  }
0x61: {  	_ =	shalt  }
0x62: {  	_ =	shalt  }
0x63: {  	_ =	shalt  }
0x64: {  	_ =	shalt  }
0x65: {  	_ =	shalt  }
0x66: {  	_ =	shalt  }
0x67: {  	_ =	shalt  }
0x68: {  	_ =	shalt  }
0x69: {  	_ =	shalt  }
0x6a: {  	_ =	shalt  }
0x6b: {  	_ =	shalt  }
0x6c: {  	_ =	shalt  }
0x6d: {  	_ =	shalt  }
0x6e: {  	_ =	shalt  }
0x6f: {  	_ =	shalt  }
0x70: {  	_ =	shalt  }
0x71: {  	_ =	shalt  }
0x72: {  	_ =	shalt  }
0x73: {  	_ =	shalt  }
0x74: {  	_ =	shalt  }
0x75: {  	_ =	shalt  }
0x76: {  	_ =	shalt  }
0x77: {  	_ =	shalt  }
0x78: {  	_ =	shalt  }
0x79: {  	_ =	shalt  }
0x7a: {  	_ =	shalt  }
0x7b: {  	_ =	shalt  }
0x7c: {  	_ =	shalt  }
0x7d: {  	_ =	shalt  }
0x7e: {  	_ =	shalt  }
0x7f: {  	_ =	shalt  }
0x80: {  	_ =	shalt  }
0x81: {  	_ =	shalt  }
0x82: {  	_ =	shalt  }
0x83: {  	_ =	shalt  }
0x84: {  	_ =	shalt  }
0x85: {  	_ =	shalt  }
0x86: {  	_ =	shalt  }
0x87: {  	_ =	shalt  }
.Lfunc_end0:
.L_simem_size_0:
called_computation_lowered:
.L_overlay_start_0:
0x88: {  	s2 =	sld [smem:$0x3FD9]  }
0x89: {  	s3 =	sld [smem:$0x3FFE];
	_ =	sdelay $0x1  }
0x8a: {  	s1 =	srdreg.scid  }
0x8b: {  	s0 =	sand.u32 $0x1, s1  }
0x8c: {  	s17 =	sshll.u32 s0, $0xA;
	s2 =	sadd.s32 s3, s2  }
0x8d: {  	s2 =	sadd.s32 s2, s17  }
0x8e: {  	[smem:$0x3FAC] =	sst s2  }
0x8f: {  	_ = 	snop  }
0x90: {  	s2 =	sld [smem:$0x3FC9]  }
0x91: {  	s18 =	sld [smem:$0x3FC8]  }
0x92: {  	s4 =	sld [smem:$0x3FC7];
	(tm) =	ssettm $0x1  }
0x93: {  	s5 =	sld [smem:$0x3FFB];
	_ =	sdelay $0x3  }
0x94: {  	_ =	strace s5  }
0x95: {  	s5 =	sld [smem:$0x3FFC];
	_ =	sdelay $0x3  }
0x96: {  	_ =	strace s5  }
0x97: {  	s5 =	sld [smem:$0x3FFD];
	_ =	sdelay $0x3  }
0x98: {  	_ =	strace s5  }
0x99: {  	_ =	strace $0x8FFFFFFF  }
0x9a: {  	s19 =	sld [smem:$0x3FDB];
	_ =	sdelay $0x1  }
0x9b: {  	s6 =	simm.s32 $_scs_section_size  }
0x9c: {  	s7 =	simm.s32 $_size__tile_overlayer_lowered;
	s8 =	simm.s32 $_tile_overlayer_lowered  }
0x9d: {  	s22 =	simm.s32 $0x1BFF;
	s21 =	sshll.u32 s8, $0x1;
	s5 =	sadd.s32 s6, s19  }
0x9e: {  	s9 =	simm.s32 $0x0;
	s20 =	sshll.u32 s7, $0x1;
	s7 =	sadd.s32 s21, s5  }
0x9f: {  	[timem:s9], [sflag:s22] =	dma.local [hbm:s7], s20  }
0xa0: {  	_ =	swait.ge [sflag:s22], s20  }
0xa1: {  	s6 =	ssub.s32 $0x0, s20;
	[sflag:s22] =	ssyncset.done $0x0  }
0xa2: {  	[sflag:s22] =	ssyncadd.s32 s6;
	_ =	sdelay $0x1  }
0xa3: {  	s23 =	simm.s32 $0x1B8B  }
0xa4: {  	_ =	swait.ge [sflag:s23], $0x1  }
0xa5: {  	[sflag:s23] =	ssyncset.done $0x0  }
0xa6: {  	s25 =	simm.s32 $0x1B8E;
	s24 =	sld [smem:$0x3FFE];
	[sflag:s23] =	ssyncadd.s32 $0xFFFFFFFF  }
0xa7: {  	s26 =	simm.s32 $execute0_lowered;
	[smem:$0x3FD2] =	sst s25  }
0xa8: {  	s7 =	sshll.u32 s26, $0x1;
	_ =	strace $0x80000046;
	[dreg:$0x1] =	wrdreg $0xFFFFFFFF  }
0xa9: {  	s28 =	simm.s32 $_size_execute0_lowered;
	s5 =	sadd.s32 s5, s7;
	[dreg:$0x0] =	wrdreg $0x0  }
0xaa: {  	s7 =	sshll.u32 s28, $0x1;
	[dreg:$0x2] =	wrdreg s5  }
0xab: {  	[dreg:$0x3] =	wrdreg s7  }
0xac: {  	[dreg:$0x4] =	wrdreg $0xC0  }
0xad: {  	_ =	task [dreg:s9], $0x5FFFF  }
0xae: {  	[dreg:$0x1] =	wrdreg $0xFFFFFFFF  }
0xaf: {  	[dreg:$0x0] =	wrdreg $0x60  }
0xb0: {  	[dreg:$0x2] =	wrdreg s2  }
0xb1: {  	[dreg:$0x3] =	wrdreg s18  }
0xb2: {  	[dreg:$0x4] =	wrdreg s4  }
0xb3: {  	[dreg:$0x5] =	wrdreg s24  }
0xb4: {  	[dreg:$0x6] =	wrdreg $0x11100  }
0xb5: {  	[dreg:$0x7] =	wrdreg $0x9  }
0xb6: {  	_ =	task.clear_ibuf [dreg:s9], $0x8FFFF;
	_ =	strace $0x90000046  }
0xb7: {  	s29 =	simm.s32 $0x9;
	_ =	strace $0x80000048  }
0xb8: {  	_ =	swait.ge [sflag:s29], $0x1  }
0xb9: {  	[sflag:s29] =	ssyncadd.s32 $0xFFFFFFFF  }
0xba: {  	_ =	strace $0x90000048  }
0xbb: {  	_ =	sfence  }
0xbc: {  	s30 =	sld [smem:$0x0];
	_ =	sdelay $0x2  }
0xbd: {  	s31 =	sshll.u32 s1, $0xD;
	s1 =	sshrl.u32 s1, $0x2  }
0xbe: {  	s3 =	sand.u32 $0x4000, s31;
	s1 =	sadd.s32 s1, s30  }
0xbf: {  	s0 =	sor.u32 s3, s0;
	s1 =	sshll.u32 s1, $0x11  }
0xc0: {  	s0 =	sor.u32 s1, s0  }
0xc1: {  	s0 =	sadd.s32 $0x8F2B, s0  }
0xc2: {  	[sflag:s0] =	ssyncadd.remote.s32 $0x1  }
0xc3: {  	_ =	sfence.sel $0xFFFF  }
0xc4: {  	[dreg:$0x0] =	wrdreg $0xFFFFFFFF;
	(pc) =	sbr.abs _section_cstart, $3  }
0xc5: {  	[dreg:$0x1] =	wrdreg $0xFFFFFFFF  }
0xc6: {  	_ =	task.clear_ibuf [dreg:s9], $0x2FFFF;
	_ =	strace $0x9FFFFFFF  }
0xc7: {  	(tm) =	ssettm $0x7FFFFFFF  }
tec
execute0_lowered:
.L_overlay_start_1:
0x0: {  	(tag) =	ssettag $0x1  }
0x1: {  	s0 =	rddreg [dreg:$0x0]  }
0x2: {  	s1 =	rddreg [dreg:$0x1]  }
0x3: {  	s7 =	rddreg [dreg:$0x2]  }
0x4: {  	s5 =	rddreg [dreg:$0x3]  }
0x5: {  	s2 =	rddreg [dreg:$0x4]  }
0x6: {  	s3 =	simm.s32 $0x0;
	s13 =	stileid.u32;
	s4 =	srdreg.scid  }
0x7: {  	s16 =	simm.s32 $0x4;
	s17 =	simm.s32 $0x1;
	s18 =	simm.s32 $0x80  }
0x8: {  	s20 =	simm.s32 $0xE00;
	s21 =	simm.s32 $0xE80;
	s22 =	simm.s32 $0x2  }
0x9: {  	s23 =	simm.s32 $0x3;
	[smem:$0x7FF] =	sst s3;
	s8 =	smul.u32 $0x4980, s13  }
0xa: {  	s4 =	sand.u32 $0x1, s4;
	s9 =	sshll.u32 s13, $0x7;
	s25 =	sadd.s32 $0xAC00, s5  }
0xb: {  	s31 =	sshll.u32 s13, $0x6;
	_ =	strace $0x80000047;
	s10 =	sshll.u32 s4, $0x6  }
0xc: {  	s24 =	ssub.s32 $0x2, s4;
	[dreg:$0x6] =	wrdreg s25;
	s25 =	simm.s32 $0x0  }
0xd: {  	s6 =	sshrl.u32 s8, $0x3;
	s9 =	sor.u32 s10, s9;
	s26 =	sshrl.u32 s24, $0x1  }
0xe: {  	s30 =	sadd.s32 s8, s2;
	s11 =	sadd.s32 s6, s5;
	s0 =	sadd.s32 s0, s9  }
0xf: {  	s10 =	sadd.s32 s9, s5;
	s28 =	sadd.s32 s1, s9;
	[dreg:$0x7] =	wrdreg s0  }
0x10: {  	s12 =	ssub.s32 s24, s26;
	s29 =	sadd.s32 s7, s9;
	[dreg:$0x8] =	wrdreg s28  }
0x11: {  	s9 =	sor.u32 $0x1C04, s31;
	s15 =	sshrl.u32 s30, $0x3;
	[dreg:$0x9] =	wrdreg s29  }
0x12: {  	v0 =	vimm.f32 $0.0e+00;
	s8 =	sadd.s32 $0x1800, s11;
	s10 =	sadd.s32 $0xAE00, s10;
	s11 =	smax.u32 s12, $0x1  }
.LBB2_1:
0x13: {  	s0 =	rddreg [dreg:$0x7]  }
0x14: {  	[tilespmem:s3], [sflag:$0x1] =	stream.linear.gather [hbm4b:s0+s3], $0x200, $0x38;
	[tilespmem:$0x5A90] =	vst v63  }
0x15: {  	s26 =	rddreg [dreg:$0x8];
	s1 =	simm.s32 $0x200  }
0x16: {  	[tilespmem:s1], [sflag:$0x1] =	stream.linear.gather [hbm4b:s26+s3], $0x200, $0x38;
	[tilespmem:$0x5A90] =	vst v63  }
0x17: {  	s28 =	rddreg [dreg:$0x9];
	s29 =	simm.s32 $0x400  }
0x18: {  	[tilespmem:s29], [sflag:$0x1] =	stream.linear.gather [hbm4b:s28+s3], $0x200, $0x38;
	[tilespmem:$0x5A90] =	vst v63  }
0x19: {  	s30 =	rddreg [dreg:$0x6];
	s31 =	simm.s32 $0x1100  }
0x1a: {  	[tilespmem:s31], [sflag:$0x1] =	stream.linear.gather [hbm4b:s30+s3], $0x10, $0x38;
	[tilespmem:$0x5A90] =	vst v63  }
0x1b: {  	[spmem:s15], [sflag:s9] =	dma.local [hbm:s8], $0x930  }
0x1c: {  	_ =	swait.ge [sflag:s16], $0x930  }
0x1d: {  	[sflag:s16] =	ssyncset.done $0x0  }
0x1e: {  	[sflag:s16] =	ssyncadd.s32 $0xFFFFF6D0  }
0x1f: {  	_ =	swait.ge [sflag:s17], $0x200  }
0x20: {  	[sflag:s17] =	ssyncset.done $0x0  }
0x21: {  	[sflag:s17] =	ssyncadd.s32 $0xFFFFFE00  }
0x22: {  	_ =	swait.ge [sflag:s17], $0x200  }
0x23: {  	[sflag:s17] =	ssyncset.done $0x0  }
0x24: {  	[sflag:s17] =	ssyncadd.s32 $0xFFFFFE00  }
0x25: {  	_ =	swait.ge [sflag:s17], $0x200  }
0x26: {  	[sflag:s17] =	ssyncset.done $0x0  }
0x27: {  	[sflag:s17] =	ssyncadd.s32 $0xFFFFFE00  }
0x28: {  	_ =	swait.ge [sflag:s17], $0x10  }
0x29: {  	[sflag:s17] =	ssyncset.done $0x0  }
0x2a: {  	s0 =	simm.s32 $0xC20;
	[sflag:s17] =	ssyncadd.s32 $0xFFFFFFF0  }
0x2b: {  	[tilespmem:s0+$0xFFFFFFE0] =	vst v0  }
0x2c: {  	[tilespmem:s0+$0x10] =	vst v0  }
0x2d: {  	s13 =	simm.s32 $0x20;
	s1 =	simm.s32 $0x0;
	[tilespmem:s0+$0x0] =	vst v0  }
.LBB2_2:
0x2e: {  	s1 =	sadd.s32 $0x4, s1  }
0x2f: {  	[tilespmem:s0+$0xFFFFFFF0] =	vst v0;
	s0 =	sadd.s32 $0x40, s0;
	s26 =	simm.s32 $0x30;
	p0 =	slt.u32 s1, $0x1C  }
.Ltmp0:
0x30: {  	[tilespmem:s0+$0xFFFFFFE0] =	vst v0;
	(pc) =	sbr.rel @p0 .LBB2_2-.Ltmp0, $3  }
0x31: {  	_ =	sdelay $0x1  }
0x32: {  	[tilespmem:s0+$0x10] =	vst v0  }
0x33: {  	[tilespmem:s0+$0x0] =	vst v0  }
0x34: {  	[tilespmem:s0+$0xFFFFFFF0] =	vst v0  }
0x35: {  	v2 =	vld [tilespmem:s13+$0x10]  }
0x36: {  	s6 =	simm.s32 $0x0  }
0x37: {  	v3 =	vld [tilespmem:s13+$0xFFFFFFF0];
	s29 =	sand.u32 $0x180, s6  }
0x38: {  	s12 =	simm.s32 $0x0;
	s0 =	sand.u32 $0x70, s26;
	s14 =	sor.u32 $0x600, s29  }
0x39: {  	s28 =	simm.s32 $0x230;
	s1 =	simm.s32 $0x10;
	v1 =	vld [tilespmem:s13+$0x0];
	s4 =	sor.u32 s0, s14  }
0x3a: {  	s24 =	simm.s32 $0x20;
	s30 =	sand.u32 $0x40, s6;
	s31 =	sand.u32 $0x50, s1;
	[tilespmem:s4+$0x0] =	vst v2;
	v2 =	vld [tilespmem:s13+$0xFFFFFFE0]  }
0x3b: {  	s1 =	sand.u32 $0x60, s24;
	s19 =	sor.u32 s30, s14;
	s7 =	sor.u32 s31, s14  }
0x3c: {  	s24 =	sor.u32 s1, s14;
	s14 =	simm.s32 $0x30;
	[tilespmem:s7+$0x0] =	vst v3;
	s13 =	simm.s32 $0x60  }
.LBB2_4:
0x3d: {  	s14 =	sadd.s32 $0x40, s14  }
0x3e: {  	v3 =	vld [tilespmem:s13+$0x10];
	s12 =	sadd.s32 $0x4, s12;
	[tilespmem:s24+$0x0] =	vst v1;
	s4 =	sadd.s32 $0xFFFFFFD0, s14  }
0x3f: {  	v4 =	vld [tilespmem:s13+$0xFFFFFFF0];
	s24 =	sadd.s32 $0xFFFFFFE0, s14;
	p0 =	slt.u32 s12, $0x1C;
	[tilespmem:s19+$0x0] =	vst v2;
	s5 =	sadd.s32 $0xFFFFFFF0, s14  }
.Ltmp1:
0x40: {  	s19 =	sand.u32 $0x40, s4;
	s4 =	sand.u32 $0x180, s4;
	v1 =	vld [tilespmem:s13+$0x0];
	(pc) =	sbr.rel @p0 .LBB2_4-.Ltmp1, $4  }
0x41: {  	s6 =	sand.u32 $0x70, s14;
	s24 =	sand.u32 $0x50, s24;
	v2 =	vld [tilespmem:s13+$0xFFFFFFE0];
	s4 =	sor.u32 $0x600, s4  }
0x42: {  	s5 =	sand.u32 $0x60, s5;
	s19 =	sor.u32 s19, s4;
	s6 =	sor.u32 s6, s4  }
0x43: {  	s7 =	sor.u32 s24, s4;
	s24 =	sor.u32 s5, s4;
	[tilespmem:s6+$0x0] =	vst v3  }
0x44: {  	s13 =	sadd.s32 $0x40, s13;
	[tilespmem:s7+$0x0] =	vst v4  }
0x45: {  	[tilespmem:s24+$0x0] =	vst v1  }
0x46: {  	[tilespmem:s19+$0x0] =	vst v2  }
0x47: {  	v2 =	vld [tilespmem:s28+$0x0];
	_ =	sdelay $0x2  }
0x48: {  	v3 =	vld [tilespmem:s28+$0xFFFFFFE0]  }
0x49: {  	v1 =	vld [tilespmem:s28+$0xFFFFFFF0]  }
0x4a: {  	v4 =	vadd.s32 $0x18800, v2;
	v2 =	vld [tilespmem:s28+$0xFFFFFFD0]  }
0x4b: {  	s12 =	simm.s32 $0x0;
	s4 =	sor.u32 $0x800, s29  }
0x4c: {  	s29 =	simm.s32 $0x430;
	s30 =	sor.u32 s30, s4;
	s0 =	sor.u32 s0, s4  }
0x4d: {  	s13 =	sor.u32 s31, s4;
	s1 =	sor.u32 s1, s4;
	v3 =	vadd.s32 $0x18800, v3;
	[tilespmem:s0+$0x0] =	vst v4;
	s0 =	simm.s32 $0x270  }
.LBB2_6:
0x4e: {  	v4 =	vld [tilespmem:s0+$0x0];
	s12 =	sadd.s32 $0x4, s12;
	[tilespmem:s13+$0x0] =	vst v3;
	v1 =	vadd.s32 $0x18800, v1;
	s26 =	sadd.s32 $0x40, s26  }
0x4f: {  	v3 =	vld [tilespmem:s0+$0xFFFFFFE0];
	p0 =	slt.u32 s12, $0x1C;
	v2 =	vadd.s32 $0x18800, v2;
	[tilespmem:s1+$0x0] =	vst v1;
	s1 =	sadd.s32 $0xFFFFFFD0, s26  }
.Ltmp2:
0x50: {  	s4 =	sadd.s32 $0xFFFFFFE0, s26;
	s5 =	sadd.s32 $0xFFFFFFF0, s26;
	v1 =	vld [tilespmem:s0+$0xFFFFFFF0];
	[tilespmem:s30+$0x0] =	vst v2;
	(pc) =	sbr.rel @p0 .LBB2_6-.Ltmp2, $4  }
0x51: {  	s6 =	sand.u32 $0x40, s1;
	s1 =	sand.u32 $0x180, s1;
	s4 =	sand.u32 $0x50, s4;
	v2 =	vld [tilespmem:s0+$0xFFFFFFD0]  }
0x52: {  	s7 =	sand.u32 $0x70, s26;
	s5 =	sand.u32 $0x60, s5;
	s1 =	sor.u32 $0x800, s1  }
0x53: {  	s30 =	sor.u32 s6, s1;
	s13 =	sor.u32 s4, s1;
	s4 =	sor.u32 s7, s1;
	v4 =	vadd.s32 $0x18800, v4  }
0x54: {  	s28 =	simm.s32 $0x30;
	s0 =	sadd.s32 $0x40, s0;
	s1 =	sor.u32 s5, s1;
	v3 =	vadd.s32 $0x18800, v3;
	[tilespmem:s4+$0x0] =	vst v4  }
0x55: {  	[tilespmem:s13+$0x0] =	vst v3;
	v1 =	vadd.s32 $0x18800, v1  }
0x56: {  	v2 =	vadd.s32 $0x18800, v2;
	[tilespmem:s1+$0x0] =	vst v1  }
0x57: {  	[tilespmem:s30+$0x0] =	vst v2  }
0x58: {  	v5 =	vld [tilespmem:s29+$0xFFFFFFD0]  }
0x59: {  	s0 =	simm.s32 $0x4;
	v4 =	vld [tilespmem:s29+$0xFFFFFFF0]  }
0x5a: {  	s4 =	sand.u32 $0x70, s28;
	s26 =	simm.s32 $0x470;
	s30 =	simm.s32 $0x0;
	v3 =	vld [tilespmem:s29+$0x0]  }
0x5b: {  	s6 =	simm.s32 $0x10;
	s13 =	simm.s32 $0x20;
	s5 =	sand.u32 $0x180, s30;
	v2 =	vld [tilespmem:s29+$0xFFFFFFE0]  }
0x5c: {  	s31 =	sand.u32 $0x50, s6;
	s1 =	sand.u32 $0x40, s30;
	v1 =	vld [tilespmem:s26+$0xFFFFFFD0];
	s12 =	sor.u32 $0xA00, s5  }
0x5d: {  	s19 =	sor.u32 s1, s12;
	s1 =	sor.u32 s31, s12;
	s14 =	sor.u32 s4, s12;
	v5 =	vadd.s32 $0x31000, v5  }
.LBB2_8:
0x5e: {  	s0 =	sadd.s32 $0x4, s0;
	v4 =	vadd.s32 $0x31000, v4  }
0x5f: {  	v6 =	vld [tilespmem:s26+$0xFFFFFFF0];
	[tilespmem:s19+$0x0] =	vst v5;
	s4 =	sand.u32 $0x60, s13;
	v5 =	vadd.s32 $0x31000, v3;
	s28 =	sadd.s32 $0x40, s28;
	p0 =	slt.u32 s0, $0x1C  }
.Ltmp3:
0x60: {  	v3 =	vld [tilespmem:s26+$0x0];
	v7 =	vadd.s32 $0x31000, v2;
	s4 =	sor.u32 s4, s12;
	[tilespmem:s14+$0x0] =	vst v5;
	(pc) =	sbr.rel @p0 .LBB2_8-.Ltmp3, $4  }
0x61: {  	s5 =	sadd.s32 $0xFFFFFFD0, s28;
	s6 =	sand.u32 $0x70, s28;
	v2 =	vld [tilespmem:s26+$0xFFFFFFE0];
	s26 =	sadd.s32 $0x40, s26;
	[tilespmem:s4+$0x0] =	vst v4;
	v4 =	vmov v1  }
0x62: {  	s7 =	sadd.s32 $0xFFFFFFE0, s28;
	s13 =	sadd.s32 $0xFFFFFFF0, s28;
	s4 =	sand.u32 $0x180, s5;
	v1 =	vld [tilespmem:s26+$0xFFFFFFD0];
	[tilespmem:s1+$0x0] =	vst v7  }
0x63: {  	s12 =	sor.u32 $0xA00, s4;
	s4 =	sand.u32 $0x50, s7;
	s1 =	sand.u32 $0x40, s5  }
0x64: {  	v5 =	vadd.s32 $0x31000, v4;
	s14 =	sor.u32 s6, s12;
	s19 =	sor.u32 s1, s12;
	s1 =	sor.u32 s4, s12;
	v4 =	vmov v6  }
0x65: {  	s0 =	sadd.s32 $0x40, s28;
	v6 =	vld [tilespmem:s26+$0x0]  }
0x66: {  	[tilespmem:s19+$0x0] =	vst v5;
	v63 =	vld [tilespmem:s26+$0xFFFFFFF0];
	s4 =	sand.u32 $0x60, s13;
	v3 =	vadd.s32 $0x31000, v3;
	s5 =	sadd.s32 $0xFFFFFFD0, s0  }
0x67: {  	v4 =	vadd.s32 $0x31000, v4;
	s4 =	sor.u32 s4, s12;
	[tilespmem:s14+$0x0] =	vst v3;
	v3 =	vld [tilespmem:s26+$0xFFFFFFE0];
	s6 =	sand.u32 $0x180, s5  }
0x68: {  	v2 =	vadd.s32 $0x31000, v2;
	[tilespmem:s4+$0x0] =	vst v4;
	s19 =	sand.u32 $0x40, s5;
	s24 =	sor.u32 $0xA00, s6  }
0x69: {  	s26 =	sand.u32 $0x70, s0;
	s7 =	sadd.s32 $0xFFFFFFF0, s0;
	[tilespmem:s1+$0x0] =	vst v2;
	v1 =	vadd.s32 $0x31000, v1;
	s28 =	sor.u32 s19, s24  }
0x6a: {  	s0 =	sadd.s32 $0xFFFFFFE0, s0;
	s30 =	sand.u32 $0x60, s7;
	s29 =	sor.u32 s26, s24;
	[tilespmem:s28+$0x0] =	vst v1;
	v1 =	vadd.s32 $0x31000, v6  }
0x6b: {  	s0 =	sand.u32 $0x50, s0;
	s1 =	sor.u32 s30, s24;
	v2 =	vadd.s32 $0x31000, v63;
	[tilespmem:s29+$0x0] =	vst v1  }
0x6c: {  	s0 =	sor.u32 s0, s24;
	v1 =	vadd.s32 $0x31000, v3;
	[tilespmem:s1+$0x0] =	vst v2  }
0x6d: {  	[tilespmem:s0+$0x0] =	vst v1  }
0x6e: {  	s31 =	simm.s32 $0x600;
	s26 =	simm.s32 $0x0;
	[bflag:$0x0] =	sbarrier.arrive $0xFFFF  }
0x6f: {  	[tilespmem:s20], [sflag:$0x2] =	stream.indirect.gather [spmem:s2], $0x1, s31, s18, $0xb8;
	[tilespmem:$0x5A90] =	vst v63  }
.LBB2_10:
0x70: {  	s0 =	sshllo.u32 s26, $0x1  }
0x71: {  	s0 =	sshll.u32 s0, $0x7  }
0x72: {  	s1 =	sand.u32 $0x3FFFFF80, s0  }
0x73: {  	s1 =	sadd.s32 $0x600, s1  }
0x74: {  	[tilespmem:s21], [sflag:$0x3] =	stream.indirect.gather [spmem:s2], $0x1, s1, s18, $0xb8;
	[tilespmem:$0x5A90] =	vst v63  }
0x75: {  	s4 =	sshll.u32 s26, $0x8;
	p0 =	por $0x1, $0x1;
	_ =	swait.ge [sflag:s22], $0x80  }
0x76: {  	s13 =	simm.s32 $0x0;
	s4 =	sand.u32 $0x100, s4;
	[sflag:s22] =	ssyncset.done $0x0  }
0x77: {  	s12 =	sor.u32 $0xC00, s4;
	s1 =	sshll.u32 s26, $0x1;
	[sflag:s22] =	ssyncadd.s32 $0xFFFFFF80  }
.LBB2_11:
0x78: {  	v1 =	vld [tilespmem:s13+$0xE00]  }
0x79: {  	v2 =	vld [tilespmem:s13+$0xE10]  }
0x7a: {  	v3 =	vld [tilespmem:s13+$0xE20]  }
0x7b: {  	v4 =	vld [tilespmem:s13+$0xE30];
	p1 =	por p0, p0  }
.Ltmp4:
0x7c: {  	s4 =	sadd.s32 s13, s12;
	(pc) =	sbr.rel @p1 .LBB2_11-.Ltmp4, $4  }
0x7d: {  	[tilespmem:s4+$0x0] =	vst.add.f32.msk $0xffff, v1  }
0x7e: {  	[tilespmem:s4+$0x10] =	vst.add.f32.msk $0xffff, v2  }
0x7f: {  	[tilespmem:s4+$0x20] =	vst.add.f32.msk $0xffff, v3  }
0x80: {  	s13 =	simm.s32 $0x40;
	p0 =	por $0x0, $0x0;
	[tilespmem:s4+$0x30] =	vst.add.f32.msk $0xffff, v4  }
0x81: {  	s1 =	smin.u32 s1, $0x9  }
0x82: {  	s1 =	sshll.u32 s1, $0x7  }
0x83: {  	s1 =	sadd.s32 $0x700, s1  }
0x84: {  	[tilespmem:s20], [sflag:$0x2] =	stream.indirect.gather [spmem:s2], $0x1, s1, s18, $0xb8;
	[tilespmem:$0x5A90] =	vst v63  }
0x85: {  	_ =	swait.ge [sflag:s23], $0x80  }
0x86: {  	s0 =	sand.u32 $0x180, s0;
	p0 =	por $0x1, $0x1;
	[sflag:s23] =	ssyncset.done $0x0  }
0x87: {  	s0 =	sor.u32 $0xC00, s0;
	s1 =	simm.s32 $0x0;
	[sflag:s23] =	ssyncadd.s32 $0xFFFFFF80  }
.LBB2_13:
0x88: {  	v1 =	vld [tilespmem:s1+$0xE80]  }
0x89: {  	v2 =	vld [tilespmem:s1+$0xE90]  }
0x8a: {  	v3 =	vld [tilespmem:s1+$0xEA0]  }
0x8b: {  	v4 =	vld [tilespmem:s1+$0xEB0];
	p1 =	por p0, p0  }
.Ltmp5:
0x8c: {  	s31 =	sadd.s32 s1, s0;
	(pc) =	sbr.rel @p1 .LBB2_13-.Ltmp5, $4  }
0x8d: {  	[tilespmem:s31+$0x0] =	vst.add.f32.msk $0xffff, v1  }
0x8e: {  	[tilespmem:s31+$0x10] =	vst.add.f32.msk $0xffff, v2  }
0x8f: {  	[tilespmem:s31+$0x20] =	vst.add.f32.msk $0xffff, v3  }
0x90: {  	s1 =	simm.s32 $0x40;
	p0 =	por $0x0, $0x0;
	[tilespmem:s31+$0x30] =	vst.add.f32.msk $0xffff, v4  }
0x91: {  	s26 =	sadd.s32 $0x1, s26  }
0x92: {  	p0 =	sne.s32 s26, $0x6  }
.Ltmp6:
0x93: {  	_ = 	snop;
	(pc) =	sbr.rel @p0 .LBB2_10-.Ltmp6, $1  }
0x94: {  	_ =	sdelay $0x3  }
0x95: {  	_ =	swait.ge [sflag:s22], $0x80  }
0x96: {  	[sflag:s22] =	ssyncset.done $0x0  }
0x97: {  	[sflag:s22] =	ssyncadd.s32 $0xFFFFFF80  }
0x98: {  	s0 =	simm.s32 $0xC20;
	v1 =	vld [tilespmem:$0x1100]  }
0x99: {  	v2 =	vld [tilespmem:s0+$0xFFFFFFE0]  }
0x9a: {  	v3 =	vld [tilespmem:s0+$0x10]  }
0x9b: {  	v5 =	vld [tilespmem:s0+$0x0];
	_ =	sdelay $0x1  }
0x9c: {  	v6 =	vld [tilespmem:s0+$0xFFFFFFF0]  }
0x9d: {  	s1 =	simm.s32 $0xC60;
	v7 =	vadd.f32 v2, v1  }
0x9e: {  	s0 =	simm.s32 $0xF20;
	v4 =	vld [tilespmem:s1+$0xFFFFFFE0];
	v8 =	vadd.f32 v3, v1  }
0x9f: {  	v2 =	vld [tilespmem:s1+$0x10];
	[tilespmem:s0+$0xFFFFFFE0] =	vst v7;
	v7 =	vadd.f32 v5, v1  }
0xa0: {  	v3 =	vld [tilespmem:s1+$0x0];
	[tilespmem:s0+$0x10] =	vst v8  }
0xa1: {  	s12 =	simm.s32 $0x4;
	v6 =	vadd.f32 v6, v1;
	v5 =	vld [tilespmem:s1+$0xFFFFFFF0];
	[tilespmem:s0+$0x0] =	vst v7  }
.LBB2_16:
0xa2: {  	s12 =	sadd.s32 $0x4, s12  }
0xa3: {  	[tilespmem:s0+$0xFFFFFFF0] =	vst v6;
	s0 =	sadd.s32 $0x40, s0;
	p0 =	slt.u32 s12, $0x1C  }
.Ltmp7:
0xa4: {  	s1 =	sadd.s32 $0x40, s1;
	v6 =	vadd.f32 v4, v1;
	(pc) =	sbr.rel @p0 .LBB2_16-.Ltmp7, $4  }
0xa5: {  	v4 =	vld [tilespmem:s1+$0xFFFFFFE0];
	v7 =	vadd.f32 v2, v1  }
0xa6: {  	v2 =	vld [tilespmem:s1+$0x10];
	[tilespmem:s0+$0xFFFFFFE0] =	vst v6;
	v8 =	vadd.f32 v3, v1  }
0xa7: {  	v3 =	vld [tilespmem:s1+$0x0];
	v6 =	vadd.f32 v5, v1;
	[tilespmem:s0+$0x10] =	vst v7  }
0xa8: {  	v5 =	vld [tilespmem:s1+$0xFFFFFFF0];
	[tilespmem:s0+$0x0] =	vst v8  }
0xa9: {  	_ = 	snop  }
0xaa: {  	v4 =	vadd.f32 v4, v1  }
0xab: {  	[tilespmem:s0+$0xFFFFFFF0] =	vst v6;
	s30 =	sadd.s32 $0x40, s0;
	v2 =	vadd.f32 v2, v1  }
0xac: {  	[tilespmem:s30+$0xFFFFFFE0] =	vst v4;
	v3 =	vadd.f32 v3, v1  }
0xad: {  	s25 =	sadd.s32 $0x1, s25;
	v1 =	vadd.f32 v5, v1;
	[tilespmem:s30+$0x10] =	vst v2  }
0xae: {  	p0 =	sne.s32 s25, s11;
	[tilespmem:s30+$0x0] =	vst v3  }
.Ltmp8:
0xaf: {  	s31 =	simm.s32 $0xF00;
	[tilespmem:s30+$0xFFFFFFF0] =	vst v1;
	(pc) =	sbr.rel @p0 .LBB2_1-.Ltmp8, $4  }
0xb0: {  	[hbm4b:s10+s3] =	stream.linear.scatter [tilespmem:s31], [sflag:$0x4], $0x200, $0x38;
	[tilespmem:$0x5A90] =	vst v63  }
0xb1: {  	_ =	swait.ge [sflag:s16], $0x200  }
0xb2: {  	[sflag:s16] =	ssyncset.done $0x0  }
0xb3: {  	[sflag:s16] =	ssyncadd.s32 $0xFFFFFE00  }
0xb4: {  	_ =	sfence.sel $0x180000  }
0xb5: {  	[bflag:$0x0] =	sbarrier.arrive $0xFFFF  }
0xb6: {  	_ =	strace $0x90000047  }
0xb7: {  	s0 =	stileid.u32;
	[bflag:$0x2] =	sbarrier.arrive $0xFFFF  }
0xb8: {  	p0 =	sne.s32 s0, $0x0;
	s0 =	rddreg [dreg:$0x5]  }
0xb9: {  	s0 =	sadd.s32 @!p0 $0x100000, s0  }
0xba: {  	[sflag:s0] =	ssyncadd.tile.s32 @!p0 $0x1;
	_ =	shalt  }
.Lfunc_end2:
_tile_overlayer_lowered:
.L_overlay_start_2:
0xbb: {  	(tag) =	ssettag $0x2  }
0xbc: {  	s0 =	rddreg [dreg:$0x0];
	s2 =	stileid.u32  }
0xbd: {  	s1 =	rddreg [dreg:$0x1];
	p0 =	sne.s32 s2, $0x0  }
0xbe: {  	s3 =	rddreg [dreg:$0x2];
	[bflag:$0x3] =	sbarrier.arrive $0xFFFF;
	s2 =	simm.s32 @!p0 $0x1C04  }
0xbf: {  	[timem:s3], [sflag:s2] =	dma.local @!p0 [hbm:s0], s1  }
0xc0: {  	s0 =	simm.s32 @!p0 $0x4  }
0xc1: {  	_ =	swait.ge @!p0 [sflag:s0], s1  }
0xc2: {  	s1 =	ssub.s32 @!p0 $0x0, s1;
	[sflag:s0] =	ssyncset.done @!p0 $0x0  }
0xc3: {  	[sflag:s0] =	ssyncadd.s32 @!p0 s1  }
0xc4: {  	[bflag:$0x3] =	sbarrier.arrive $0xFFFF  }
0xc5: {  	_ =	shalt  }

// kernel: kernel.13.cloned.1.call-start
scs
__scs_entry_jumppad:
0x0: {  	(pc) =	sbr.rel $0x88, $3  }
0x1: {  	(tag) =	ssettag $0x0;
	lr =	simm.s32 $0x1  }
0x2: {  	[smem:$0x3F85] =	sst lr;
	_ =	strace $0xD0000000  }
0x3: {  	_ = 	snop  }
0x4: {  	_ = 	snop  }
0x5: {  	_ = 	snop  }
0x6: {  	_ = 	snop  }
0x7: {  	_ = 	snop  }
__scs_overlays_trampoline_lowered:
0x8: {  	[smem:$0x3F94] =	sst s0  }
0x9: {  	[smem:$0x3F95] =	sst s1  }
0xa: {  	[smem:$0x3F96] =	sst s2  }
0xb: {  	[smem:$0x3F97] =	sst s3  }
0xc: {  	[smem:$0x3F98] =	sst s4  }
0xd: {  	[smem:$0x3F99] =	sst s5  }
0xe: {  	[smem:$0x3F9A] =	sst s6  }
0xf: {  	[smem:$0x3F9B] =	sst s7  }
0x10: {  	[smem:$0x3F9C] =	sst s8  }
0x11: {  	[smem:$0x3F9D] =	sst s9;
	s0 =	simm.s32 @!p0 $0x0  }
0x12: {  	s1 =	sld [smem:$0x3F83];
	s0 =	simm.s32 @p0 $0x1  }
0x13: {  	[smem:$0x3F9E] =	sst s0;
	s0 =	simm.s32 @!p1 $0x0  }
0x14: {  	s2 =	sld [smem:$0x3F82];
	s0 =	simm.s32 @p1 $0x1  }
0x15: {  	[smem:$0x3F9F] =	sst s0;
	s0 =	simm.s32 @!p2 $0x0  }
0x16: {  	s3 =	sld [smem:$0x3FDB];
	s0 =	simm.s32 @p2 $0x1  }
0x17: {  	s4 =	simm.s32 $0x1BF5;
	[smem:$0x3FA1] =	sst s0  }
0x18: {  	s0 =	sld [smem:$0x3F84];
	_ =	swait.ge [sflag:s4], $0x0  }
0x19: {  	s7 =	sld [smem:$0x3F85]  }
0x1a: {  	s8 =	sadd.s32 $0xFFFFE003, lr  }
0x1b: {  	s9 =	sadd.s32 $0xFFFFFEF7, lr;
	s5 =	simm.s32 $0xFFFFFFFF;
	p2 =	slt.u32 s8, $0xFFFFF086  }
0x1c: {  	p1 =	slt.u32 s9, $0xF7A;
	s5 =	simm.s32 @!p2 $0x0  }
0x1d: {  	s5 =	simm.s32 @p1 $0x1;
	p0 =	seq.s32 s7, s2  }
0x1e: {  	s7 =	smul.u32 @!p0 $0xF7A, s2;
	p2 =	seq.s32 @!p0 s5, $0x0  }
0x1f: {  	s9 =	smul.u32 $0xF7A, s1;
	s8 =	simm.s32 @!p0 $0x1BF5;
	p2 =	por !p2, p0  }
0x20: {  	[sflag:s8] =	ssyncset.s32 @!p0 $0xFFFFF086;
	s6 =	sadd.s32 @!p0 s3, s7;
	s7 =	simm.s32 @!p0 $0x108  }
0x21: {  	s3 =	sadd.s32 s3, s9;
	s6 =	sadd.s32 @!p0 $0x88, s6;
	s7 =	simm.s32 @p2 $0x1082  }
0x22: {  	[simem:s7], [sflag:s8] =	dma.local @!p0 [hbm:s6], $0xF7A  }
0x23: {  	s9 =	sor.u32 $0xD0000000, s2;
	s6 =	simm.s32 $0x108;
	_ =	swait.ge @!p0 [sflag:s8], $0x0  }
0x24: {  	s3 =	sadd.s32 $0x88, s3;
	s6 =	simm.s32 @!p1 $0x1082;
	[sflag:s4] =	ssyncset.s32 $0xFFFFF086  }
0x25: {  	[simem:s6], [sflag:s4] =	dma.local [hbm:s3], $0xF7A  }
0x26: {  	[smem:$0x3F85] =	sst s1;
	(tag) =	ssettag s2;
	_ =	strace s9  }
0x27: {  	s1 =	sld [smem:$0x3F95]  }
0x28: {  	s2 =	sld [smem:$0x3F96]  }
0x29: {  	s4 =	sld [smem:$0x3F98]  }
0x2a: {  	p0 =	seq.s32 s5, $0x0;
	s5 =	sld [smem:$0x3F99]  }
0x2b: {  	s6 =	sld [smem:$0x3F9A]  }
0x2c: {  	s7 =	sld [smem:$0x3F9B]  }
0x2d: {  	s3 =	simm.s32 $0x108;
	s8 =	sld [smem:$0x3F9C]  }
0x2e: {  	s3 =	simm.s32 @!p0 $0x1082;
	s9 =	sld [smem:$0x3F9D]  }
0x2f: {  	lr =	sadd.s32 s0, s3;
	s0 =	sld [smem:$0x3F94]  }
0x30: {  	s3 =	sld [smem:$0x3F97]  }
0x31: {  	[smem:$0x3FA0] =	sst s10  }
0x32: {  	s10 =	sld [smem:$0x3F9E];
	_ =	sdelay $0x3  }
0x33: {  	p0 =	seq.s32 s10, $0x1;
	s10 =	sld [smem:$0x3FA0];
	_ =	sdelay $0x3  }
0x34: {  	[smem:$0x3FA0] =	sst s10  }
0x35: {  	s10 =	sld [smem:$0x3F9F];
	_ =	sdelay $0x3  }
0x36: {  	p1 =	seq.s32 s10, $0x1;
	s10 =	sld [smem:$0x3FA0];
	_ =	sdelay $0x3  }
0x37: {  	[smem:$0x3FA0] =	sst s10  }
0x38: {  	s10 =	sld [smem:$0x3FA1]  }
0x39: {  	_ = 	snop;
	(pc) =	sbr.ind lr, $3  }
0x3a: {  	_ = 	snop  }
0x3b: {  	_ = 	snop  }
0x3c: {  	p2 =	seq.s32 s10, $0x1;
	s10 =	sld [smem:$0x3FA0]  }
0x3d: {  	_ =	shalt  }
0x3e: {  	_ =	shalt  }
0x3f: {  	_ =	shalt  }
0x40: {  	_ =	shalt  }
0x41: {  	_ =	shalt  }
0x42: {  	_ =	shalt  }
0x43: {  	_ =	shalt  }
0x44: {  	_ =	shalt  }
0x45: {  	_ =	shalt  }
0x46: {  	_ =	shalt  }
0x47: {  	_ =	shalt  }
0x48: {  	_ =	shalt  }
0x49: {  	_ =	shalt  }
0x4a: {  	_ =	shalt  }
0x4b: {  	_ =	shalt  }
0x4c: {  	_ =	shalt  }
0x4d: {  	_ =	shalt  }
0x4e: {  	_ =	shalt  }
0x4f: {  	_ =	shalt  }
0x50: {  	_ =	shalt  }
0x51: {  	_ =	shalt  }
0x52: {  	_ =	shalt  }
0x53: {  	_ =	shalt  }
0x54: {  	_ =	shalt  }
0x55: {  	_ =	shalt  }
0x56: {  	_ =	shalt  }
0x57: {  	_ =	shalt  }
0x58: {  	_ =	shalt  }
0x59: {  	_ =	shalt  }
0x5a: {  	_ =	shalt  }
0x5b: {  	_ =	shalt  }
0x5c: {  	_ =	shalt  }
0x5d: {  	_ =	shalt  }
0x5e: {  	_ =	shalt  }
0x5f: {  	_ =	shalt  }
0x60: {  	_ =	shalt  }
0x61: {  	_ =	shalt  }
0x62: {  	_ =	shalt  }
0x63: {  	_ =	shalt  }
0x64: {  	_ =	shalt  }
0x65: {  	_ =	shalt  }
0x66: {  	_ =	shalt  }
0x67: {  	_ =	shalt  }
0x68: {  	_ =	shalt  }
0x69: {  	_ =	shalt  }
0x6a: {  	_ =	shalt  }
0x6b: {  	_ =	shalt  }
0x6c: {  	_ =	shalt  }
0x6d: {  	_ =	shalt  }
0x6e: {  	_ =	shalt  }
0x6f: {  	_ =	shalt  }
0x70: {  	_ =	shalt  }
0x71: {  	_ =	shalt  }
0x72: {  	_ =	shalt  }
0x73: {  	_ =	shalt  }
0x74: {  	_ =	shalt  }
0x75: {  	_ =	shalt  }
0x76: {  	_ =	shalt  }
0x77: {  	_ =	shalt  }
0x78: {  	_ =	shalt  }
0x79: {  	_ =	shalt  }
0x7a: {  	_ =	shalt  }
0x7b: {  	_ =	shalt  }
0x7c: {  	_ =	shalt  }
0x7d: {  	_ =	shalt  }
0x7e: {  	_ =	shalt  }
0x7f: {  	_ =	shalt  }
0x80: {  	_ =	shalt  }
0x81: {  	_ =	shalt  }
0x82: {  	_ =	shalt  }
0x83: {  	_ =	shalt  }
0x84: {  	_ =	shalt  }
0x85: {  	_ =	shalt  }
0x86: {  	_ =	shalt  }
0x87: {  	_ =	shalt  }
.Lfunc_end0:
.L_simem_size_0:
called_computation.1_lowered:
.L_overlay_start_0:
0x88: {  	s2 =	sld [smem:$0x3FD9]  }
0x89: {  	s3 =	sld [smem:$0x3FFE];
	_ =	sdelay $0x1  }
0x8a: {  	s1 =	srdreg.scid  }
0x8b: {  	s0 =	sand.u32 $0x1, s1  }
0x8c: {  	s17 =	sshll.u32 s0, $0xA;
	s2 =	sadd.s32 s3, s2  }
0x8d: {  	s2 =	sadd.s32 s2, s17  }
0x8e: {  	[smem:$0x3FAC] =	sst s2  }
0x8f: {  	_ = 	snop  }
0x90: {  	s2 =	sld [smem:$0x3FC6]  }
0x91: {  	s18 =	sld [smem:$0x3FC5]  }
0x92: {  	s4 =	sld [smem:$0x3FC4]  }
0x93: {  	s5 =	sld [smem:$0x3FC3]  }
0x94: {  	s6 =	sld [smem:$0x3FC2]  }
0x95: {  	s7 =	sld [smem:$0x3FC1]  }
0x96: {  	s8 =	sld [smem:$0x3FC0]  }
0x97: {  	s9 =	sld [smem:$0x3FBF]  }
0x98: {  	s10 =	sld [smem:$0x3FBE]  }
0x99: {  	s11 =	sld [smem:$0x3FD0];
	(tm) =	ssettm $0x1  }
0x9a: {  	s12 =	sld [smem:$0x3FFB];
	_ =	sdelay $0x3  }
0x9b: {  	_ =	strace s12  }
0x9c: {  	s12 =	sld [smem:$0x3FFC];
	_ =	sdelay $0x3  }
0x9d: {  	_ =	strace s12  }
0x9e: {  	s12 =	sld [smem:$0x3FFD];
	_ =	sdelay $0x3  }
0x9f: {  	_ =	strace s12  }
0xa0: {  	_ =	strace $0x8FFFFFFF  }
0xa1: {  	s19 =	sld [smem:$0x3FDB];
	_ =	sdelay $0x1  }
0xa2: {  	s13 =	simm.s32 $_scs_section_size  }
0xa3: {  	s14 =	simm.s32 $_size__tile_overlayer_lowered;
	s15 =	simm.s32 $_tile_overlayer_lowered  }
0xa4: {  	s22 =	simm.s32 $0x1BFF;
	s21 =	sshll.u32 s15, $0x1;
	s12 =	sadd.s32 s13, s19  }
0xa5: {  	s16 =	simm.s32 $0x0;
	s20 =	sshll.u32 s14, $0x1;
	s14 =	sadd.s32 s21, s12  }
0xa6: {  	[timem:s16], [sflag:s22] =	dma.local [hbm:s14], s20  }
0xa7: {  	_ =	swait.ge [sflag:s22], s20  }
0xa8: {  	s13 =	ssub.s32 $0x0, s20;
	[sflag:s22] =	ssyncset.done $0x0  }
0xa9: {  	[sflag:s22] =	ssyncadd.s32 s13;
	_ =	sdelay $0x1  }
0xaa: {  	s23 =	simm.s32 $0x1B8B  }
0xab: {  	_ =	swait.ge [sflag:s23], $0x1  }
0xac: {  	[sflag:s23] =	ssyncset.done $0x0  }
0xad: {  	s25 =	simm.s32 $0x1B8E;
	s24 =	sld [smem:$0x3FFE];
	[sflag:s23] =	ssyncadd.s32 $0xFFFFFFFF  }
0xae: {  	s26 =	simm.s32 $execute0_lowered;
	[smem:$0x3FD2] =	sst s25  }
0xaf: {  	s14 =	sshll.u32 s26, $0x1;
	_ =	strace $0x80000049;
	[dreg:$0x1] =	wrdreg $0xFFFFFFFF  }
0xb0: {  	s28 =	simm.s32 $_size_execute0_lowered;
	s12 =	sadd.s32 s12, s14;
	[dreg:$0x0] =	wrdreg $0x0  }
0xb1: {  	s14 =	sshll.u32 s28, $0x1;
	[dreg:$0x2] =	wrdreg s12  }
0xb2: {  	[dreg:$0x3] =	wrdreg s14  }
0xb3: {  	[dreg:$0x4] =	wrdreg $0xC0  }
0xb4: {  	_ =	task [dreg:s16], $0x5FFFF  }
0xb5: {  	[dreg:$0x1] =	wrdreg $0xFFFFFFFF  }
0xb6: {  	[dreg:$0x0] =	wrdreg $0x60  }
0xb7: {  	[dreg:$0x2] =	wrdreg s2  }
0xb8: {  	[dreg:$0x3] =	wrdreg s18  }
0xb9: {  	[dreg:$0x4] =	wrdreg s4  }
0xba: {  	[dreg:$0x5] =	wrdreg s5  }
0xbb: {  	[dreg:$0x6] =	wrdreg s6  }
0xbc: {  	[dreg:$0x7] =	wrdreg s7  }
0xbd: {  	[dreg:$0x8] =	wrdreg s8  }
0xbe: {  	[dreg:$0x9] =	wrdreg s9  }
0xbf: {  	[dreg:$0xa] =	wrdreg s10  }
0xc0: {  	[dreg:$0xb] =	wrdreg s24  }
0xc1: {  	[dreg:$0xc] =	wrdreg s11  }
0xc2: {  	[dreg:$0xd] =	wrdreg $0x29100  }
0xc3: {  	[dreg:$0xe] =	wrdreg $0x9  }
0xc4: {  	_ =	task.clear_ibuf [dreg:s16], $0xFFFFF;
	_ =	strace $0x90000049  }
0xc5: {  	s29 =	simm.s32 $0x9;
	_ =	strace $0x8000004B  }
0xc6: {  	_ =	swait.ge [sflag:s29], $0x1  }
0xc7: {  	[sflag:s29] =	ssyncadd.s32 $0xFFFFFFFF  }
0xc8: {  	_ =	strace $0x9000004B  }
0xc9: {  	_ =	sfence  }
0xca: {  	s30 =	sld [smem:$0x0];
	_ =	sdelay $0x2  }
0xcb: {  	s31 =	sshll.u32 s1, $0xD;
	s1 =	sshrl.u32 s1, $0x2  }
0xcc: {  	s3 =	sand.u32 $0x4000, s31;
	s1 =	sadd.s32 s1, s30  }
0xcd: {  	s0 =	sor.u32 s3, s0;
	s1 =	sshll.u32 s1, $0x11  }
0xce: {  	s0 =	sor.u32 s1, s0  }
0xcf: {  	s0 =	sadd.s32 $0x8F2B, s0  }
0xd0: {  	[sflag:s0] =	ssyncadd.remote.s32 $0x1  }
0xd1: {  	_ =	sfence.sel $0xFFFF  }
0xd2: {  	[dreg:$0x0] =	wrdreg $0xFFFFFFFF;
	(pc) =	sbr.abs _section_cstart, $3  }
0xd3: {  	[dreg:$0x1] =	wrdreg $0xFFFFFFFF  }
0xd4: {  	_ =	task.clear_ibuf [dreg:s16], $0x2FFFF;
	_ =	strace $0x9FFFFFFF  }
0xd5: {  	(tm) =	ssettm $0x7FFFFFFF  }
tec
execute0_lowered:
.L_overlay_start_1:
0x0: {  	(tag) =	ssettag $0x1  }
0x1: {  	s0 =	rddreg [dreg:$0x0]  }
0x2: {  	s1 =	rddreg [dreg:$0x1]  }
0x3: {  	s4 =	rddreg [dreg:$0x2]  }
0x4: {  	s5 =	rddreg [dreg:$0x3]  }
0x5: {  	s6 =	rddreg [dreg:$0x4]  }
0x6: {  	s7 =	rddreg [dreg:$0x5]  }
0x7: {  	s8 =	rddreg [dreg:$0x6]  }
0x8: {  	s9 =	rddreg [dreg:$0x7]  }
0x9: {  	s10 =	rddreg [dreg:$0x8]  }
0xa: {  	s11 =	rddreg [dreg:$0x9]  }
0xb: {  	s17 =	rddreg [dreg:$0xa]  }
0xc: {  	s2 =	rddreg [dreg:$0xb];
	s3 =	simm.s32 $0x0;
	s13 =	srdreg.scid  }
0xd: {  	s20 =	stileid.u32;
	[smem:$0x7FF] =	sst s3;
	s28 =	sand.u32 $0x1, s13  }
0xe: {  	s29 =	sshll.u32 s20, $0x7;
	s18 =	sadd.s32 $0x1800, s11;
	s14 =	sshll.u32 s28, $0x6  }
0xf: {  	_ =	strace $0x8000004A;
	[dreg:$0xd] =	wrdreg s18;
	s18 =	sor.u32 s14, s29  }
0x10: {  	s15 =	smul.u32 $0xDC80, s20;
	s0 =	sadd.s32 s0, s18  }
0x11: {  	s31 =	simm.s32 $0x4;
	s14 =	sadd.s32 s1, s18;
	[dreg:$0xe] =	wrdreg s0  }
0x12: {  	s12 =	sshrl.u32 s15, $0x3;
	s21 =	sadd.s32 s4, s18;
	[dreg:$0xf] =	wrdreg s14  }
0x13: {  	s29 =	sadd.s32 s15, s2;
	s22 =	sadd.s32 s5, s18;
	[dreg:$0x10] =	wrdreg s21  }
0x14: {  	s16 =	sadd.s32 s12, s11;
	s23 =	sadd.s32 s6, s18;
	[dreg:$0x11] =	wrdreg s22  }
0x15: {  	s12 =	ssub.s32 $0x2, s28;
	s24 =	sadd.s32 s7, s18;
	[dreg:$0x12] =	wrdreg s23  }
0x16: {  	s11 =	sadd.s32 s18, s11;
	s25 =	sadd.s32 s8, s18;
	[dreg:$0x13] =	wrdreg s24  }
0x17: {  	s26 =	sadd.s32 s9, s18;
	s28 =	sadd.s32 s10, s18;
	[dreg:$0x14] =	wrdreg s25  }
0x18: {  	s17 =	sadd.s32 s17, s18;
	s1 =	simm.s32 $0x1;
	[dreg:$0x15] =	wrdreg s26  }
0x19: {  	s30 =	sshrl.u32 s12, $0x1;
	[dreg:$0x16] =	wrdreg s28;
	s14 =	sadd.s32 $0xAE00, s11  }
0x1a: {  	s15 =	sadd.s32 $0xB600, s16;
	s25 =	sshrl.u32 s29, $0x3;
	s0 =	simm.s32 $0x80  }
0x1b: {  	s21 =	simm.s32 $0x2680;
	s22 =	simm.s32 $0x2;
	s23 =	simm.s32 $0x3  }
0x1c: {  	s26 =	simm.s32 $0x0;
	s19 =	ssub.s32 s12, s30;
	s30 =	sshll.u32 s20, $0x6  }
0x1d: {  	s20 =	simm.s32 $0x2600;
	s16 =	sor.u32 $0x1C04, s30;
	s18 =	smax.u32 s19, $0x1  }
.LBB2_1:
0x1e: {  	s4 =	rddreg [dreg:$0xe]  }
0x1f: {  	[tilespmem:s3], [sflag:$0x1] =	stream.linear.gather [hbm4b:s4+s3], $0x200, $0x38;
	[tilespmem:$0x10590] =	vst v63  }
0x20: {  	s24 =	rddreg [dreg:$0xf];
	s5 =	simm.s32 $0x200  }
0x21: {  	[tilespmem:s5], [sflag:$0x1] =	stream.linear.gather [hbm4b:s24+s3], $0x200, $0x38;
	[tilespmem:$0x10590] =	vst v63  }
0x22: {  	s6 =	rddreg [dreg:$0x10];
	s7 =	simm.s32 $0x400  }
0x23: {  	[tilespmem:s7], [sflag:$0x1] =	stream.linear.gather [hbm4b:s6+s3], $0x200, $0x38;
	[tilespmem:$0x10590] =	vst v63  }
0x24: {  	s8 =	rddreg [dreg:$0x11];
	s9 =	simm.s32 $0x600  }
0x25: {  	[tilespmem:s9], [sflag:$0x1] =	stream.linear.gather [hbm4b:s8+s3], $0x200, $0x38;
	[tilespmem:$0x10590] =	vst v63  }
0x26: {  	s10 =	rddreg [dreg:$0x12];
	s11 =	simm.s32 $0x800  }
0x27: {  	[tilespmem:s11], [sflag:$0x1] =	stream.linear.gather [hbm4b:s10+s3], $0x200, $0x38;
	[tilespmem:$0x10590] =	vst v63  }
0x28: {  	s12 =	rddreg [dreg:$0x13];
	s13 =	simm.s32 $0xA00  }
0x29: {  	[tilespmem:s13], [sflag:$0x1] =	stream.linear.gather [hbm4b:s12+s3], $0x200, $0x38;
	[tilespmem:$0x10590] =	vst v63  }
0x2a: {  	s19 =	rddreg [dreg:$0x14];
	s24 =	simm.s32 $0xC00  }
0x2b: {  	[tilespmem:s24], [sflag:$0x1] =	stream.linear.gather [hbm4b:s19+s3], $0x200, $0x38;
	[tilespmem:$0x10590] =	vst v63  }
0x2c: {  	s5 =	rddreg [dreg:$0x15];
	s6 =	simm.s32 $0xE00  }
0x2d: {  	[tilespmem:s6], [sflag:$0x1] =	stream.linear.gather [hbm4b:s5+s3], $0x200, $0x38;
	[tilespmem:$0x10590] =	vst v63  }
0x2e: {  	s7 =	rddreg [dreg:$0x16];
	s8 =	simm.s32 $0x1000  }
0x2f: {  	[tilespmem:s8], [sflag:$0x1] =	stream.linear.gather [hbm4b:s7+s3], $0x200, $0x38;
	[tilespmem:$0x10590] =	vst v63  }
0x30: {  	s9 =	rddreg [dreg:$0xd];
	s10 =	simm.s32 $0x2900  }
0x31: {  	[tilespmem:s10], [sflag:$0x1] =	stream.linear.gather [hbm4b:s9+s3], $0x10, $0x38;
	[tilespmem:$0x10590] =	vst v63  }
0x32: {  	s11 =	simm.s32 $0x2400  }
0x33: {  	[tilespmem:s11], [sflag:$0x1] =	stream.linear.gather [hbm4b:s14+s3], $0x200, $0x38;
	[tilespmem:$0x10590] =	vst v63  }
0x34: {  	[spmem:s25], [sflag:s16] =	dma.local [hbm:s15], $0x1B90  }
0x35: {  	_ =	swait.ge [sflag:s31], $0x1B90  }
0x36: {  	[sflag:s31] =	ssyncset.done $0x0  }
0x37: {  	[sflag:s31] =	ssyncadd.s32 $0xFFFFE470  }
0x38: {  	_ =	swait.ge [sflag:s1], $0x200  }
0x39: {  	[sflag:s1] =	ssyncset.done $0x0  }
0x3a: {  	[sflag:s1] =	ssyncadd.s32 $0xFFFFFE00  }
0x3b: {  	_ =	swait.ge [sflag:s1], $0x200  }
0x3c: {  	[sflag:s1] =	ssyncset.done $0x0  }
0x3d: {  	[sflag:s1] =	ssyncadd.s32 $0xFFFFFE00  }
0x3e: {  	_ =	swait.ge [sflag:s1], $0x200  }
0x3f: {  	[sflag:s1] =	ssyncset.done $0x0  }
0x40: {  	[sflag:s1] =	ssyncadd.s32 $0xFFFFFE00  }
0x41: {  	_ =	swait.ge [sflag:s1], $0x200  }
0x42: {  	[sflag:s1] =	ssyncset.done $0x0  }
0x43: {  	[sflag:s1] =	ssyncadd.s32 $0xFFFFFE00  }
0x44: {  	_ =	swait.ge [sflag:s1], $0x200  }
0x45: {  	[sflag:s1] =	ssyncset.done $0x0  }
0x46: {  	[sflag:s1] =	ssyncadd.s32 $0xFFFFFE00  }
0x47: {  	_ =	swait.ge [sflag:s1], $0x200  }
0x48: {  	[sflag:s1] =	ssyncset.done $0x0  }
0x49: {  	[sflag:s1] =	ssyncadd.s32 $0xFFFFFE00  }
0x4a: {  	_ =	swait.ge [sflag:s1], $0x200  }
0x4b: {  	[sflag:s1] =	ssyncset.done $0x0  }
0x4c: {  	[sflag:s1] =	ssyncadd.s32 $0xFFFFFE00  }
0x4d: {  	_ =	swait.ge [sflag:s1], $0x200  }
0x4e: {  	[sflag:s1] =	ssyncset.done $0x0  }
0x4f: {  	[sflag:s1] =	ssyncadd.s32 $0xFFFFFE00  }
0x50: {  	_ =	swait.ge [sflag:s1], $0x200  }
0x51: {  	[sflag:s1] =	ssyncset.done $0x0  }
0x52: {  	[sflag:s1] =	ssyncadd.s32 $0xFFFFFE00  }
0x53: {  	_ =	swait.ge [sflag:s1], $0x10  }
0x54: {  	[sflag:s1] =	ssyncset.done $0x0  }
0x55: {  	[sflag:s1] =	ssyncadd.s32 $0xFFFFFFF0  }
0x56: {  	_ =	swait.ge [sflag:s1], $0x200  }
0x57: {  	[sflag:s1] =	ssyncset.done $0x0  }
0x58: {  	s7 =	simm.s32 $0x20;
	[sflag:s1] =	ssyncadd.s32 $0xFFFFFE00  }
0x59: {  	v1 =	vld [tilespmem:s7+$0x10]  }
0x5a: {  	s12 =	simm.s32 $0x0  }
0x5b: {  	s29 =	simm.s32 $0x30;
	s24 =	sand.u32 $0x180, s12;
	v2 =	vld [tilespmem:s7+$0xFFFFFFF0]  }
0x5c: {  	s28 =	simm.s32 $0x0;
	s19 =	sand.u32 $0x70, s29;
	s8 =	sor.u32 $0x1200, s24  }
0x5d: {  	s13 =	simm.s32 $0x20;
	s6 =	simm.s32 $0x10;
	s9 =	sor.u32 s19, s8;
	v0 =	vld [tilespmem:s7+$0x0]  }
0x5e: {  	s4 =	sand.u32 $0x40, s12;
	s5 =	sand.u32 $0x60, s13;
	s6 =	sand.u32 $0x50, s6;
	[tilespmem:s9+$0x0] =	vst v1;
	v1 =	vld [tilespmem:s7+$0xFFFFFFE0]  }
0x5f: {  	s30 =	sor.u32 s4, s8;
	s10 =	sor.u32 s5, s8;
	s11 =	sor.u32 s6, s8  }
0x60: {  	s8 =	simm.s32 $0x230;
	[tilespmem:s11+$0x0] =	vst v2;
	s7 =	simm.s32 $0x60;
	s9 =	simm.s32 $0x30  }
.LBB2_2:
0x61: {  	s9 =	sadd.s32 $0x40, s9  }
0x62: {  	v2 =	vld [tilespmem:s7+$0x10];
	s28 =	sadd.s32 $0x4, s28;
	[tilespmem:s10+$0x0] =	vst v0;
	s10 =	sadd.s32 $0xFFFFFFD0, s9  }
0x63: {  	v3 =	vld [tilespmem:s7+$0xFFFFFFF0];
	s11 =	sadd.s32 $0xFFFFFFE0, s9;
	p0 =	slt.u32 s28, $0x1C;
	[tilespmem:s30+$0x0] =	vst v1;
	s12 =	sadd.s32 $0xFFFFFFF0, s9  }
.Ltmp0:
0x64: {  	s30 =	sand.u32 $0x40, s10;
	s10 =	sand.u32 $0x180, s10;
	v0 =	vld [tilespmem:s7+$0x0];
	(pc) =	sbr.rel @p0 .LBB2_2-.Ltmp0, $4  }
0x65: {  	s13 =	sand.u32 $0x70, s9;
	s11 =	sand.u32 $0x50, s11;
	v1 =	vld [tilespmem:s7+$0xFFFFFFE0];
	s10 =	sor.u32 $0x1200, s10  }
0x66: {  	s12 =	sand.u32 $0x60, s12;
	s30 =	sor.u32 s30, s10;
	s13 =	sor.u32 s13, s10  }
0x67: {  	s11 =	sor.u32 s11, s10;
	s10 =	sor.u32 s12, s10;
	[tilespmem:s13+$0x0] =	vst v2  }
0x68: {  	s7 =	sadd.s32 $0x40, s7;
	[tilespmem:s11+$0x0] =	vst v3  }
0x69: {  	[tilespmem:s10+$0x0] =	vst v0  }
0x6a: {  	[tilespmem:s30+$0x0] =	vst v1  }
0x6b: {  	v1 =	vld [tilespmem:s8+$0x0];
	_ =	sdelay $0x2  }
0x6c: {  	v2 =	vld [tilespmem:s8+$0xFFFFFFE0]  }
0x6d: {  	v0 =	vld [tilespmem:s8+$0xFFFFFFF0]  }
0x6e: {  	v3 =	vadd.s32 $0x18800, v1;
	v1 =	vld [tilespmem:s8+$0xFFFFFFD0]  }
0x6f: {  	s7 =	simm.s32 $0x0;
	s9 =	sor.u32 $0x1400, s24  }
0x70: {  	s30 =	simm.s32 $0x430;
	s4 =	sor.u32 s4, s9;
	s28 =	sor.u32 s19, s9  }
0x71: {  	s8 =	sor.u32 s6, s9;
	v2 =	vadd.s32 $0x18800, v2;
	s6 =	sor.u32 s5, s9;
	s5 =	simm.s32 $0x270;
	[tilespmem:s28+$0x0] =	vst v3  }
.LBB2_4:
0x72: {  	v3 =	vld [tilespmem:s5+$0x0];
	s7 =	sadd.s32 $0x4, s7;
	[tilespmem:s8+$0x0] =	vst v2;
	v0 =	vadd.s32 $0x18800, v0;
	s29 =	sadd.s32 $0x40, s29  }
0x73: {  	s28 =	simm.s32 $0x30;
	v2 =	vld [tilespmem:s5+$0xFFFFFFE0];
	p0 =	slt.u32 s7, $0x1C;
	v1 =	vadd.s32 $0x18800, v1;
	[tilespmem:s6+$0x0] =	vst v0;
	s6 =	sadd.s32 $0xFFFFFFD0, s29  }
.Ltmp1:
0x74: {  	s8 =	sadd.s32 $0xFFFFFFE0, s29;
	s9 =	sadd.s32 $0xFFFFFFF0, s29;
	v0 =	vld [tilespmem:s5+$0xFFFFFFF0];
	[tilespmem:s4+$0x0] =	vst v1;
	(pc) =	sbr.rel @p0 .LBB2_4-.Ltmp1, $4  }
0x75: {  	s4 =	sand.u32 $0x40, s6;
	s6 =	sand.u32 $0x180, s6;
	s8 =	sand.u32 $0x50, s8;
	v1 =	vld [tilespmem:s5+$0xFFFFFFD0]  }
0x76: {  	s10 =	sand.u32 $0x70, s29;
	s9 =	sand.u32 $0x60, s9;
	s6 =	sor.u32 $0x1400, s6  }
0x77: {  	s4 =	sor.u32 s4, s6;
	s8 =	sor.u32 s8, s6;
	s10 =	sor.u32 s10, s6;
	v3 =	vadd.s32 $0x18800, v3  }
0x78: {  	s5 =	sadd.s32 $0x40, s5;
	s6 =	sor.u32 s9, s6;
	v2 =	vadd.s32 $0x18800, v2;
	[tilespmem:s10+$0x0] =	vst v3  }
0x79: {  	[tilespmem:s8+$0x0] =	vst v2;
	v0 =	vadd.s32 $0x18800, v0  }
0x7a: {  	v1 =	vadd.s32 $0x18800, v1;
	[tilespmem:s6+$0x0] =	vst v0  }
0x7b: {  	[tilespmem:s4+$0x0] =	vst v1  }
0x7c: {  	v1 =	vld [tilespmem:s30+$0x0];
	_ =	sdelay $0x2  }
0x7d: {  	s5 =	simm.s32 $0x0;
	s7 =	simm.s32 $0x10;
	v2 =	vld [tilespmem:s30+$0xFFFFFFE0]  }
0x7e: {  	s12 =	simm.s32 $0x20;
	s6 =	simm.s32 $0x0;
	s24 =	sand.u32 $0x40, s5;
	v0 =	vld [tilespmem:s30+$0xFFFFFFF0]  }
0x7f: {  	s29 =	sand.u32 $0x50, s7;
	s19 =	sand.u32 $0x60, s12;
	s4 =	sand.u32 $0x180, s5;
	v3 =	vadd.s32 $0x31000, v1;
	v1 =	vld [tilespmem:s30+$0xFFFFFFD0]  }
0x80: {  	s7 =	simm.s32 $0x630;
	s5 =	sand.u32 $0x70, s28;
	s13 =	sor.u32 $0x1600, s4  }
0x81: {  	s8 =	sor.u32 s24, s13;
	s11 =	sor.u32 s29, s13;
	s9 =	sor.u32 s5, s13  }
0x82: {  	s10 =	sor.u32 s19, s13;
	v2 =	vadd.s32 $0x31000, v2;
	s30 =	simm.s32 $0x470;
	[tilespmem:s9+$0x0] =	vst v3;
	s9 =	simm.s32 $0x30  }
.LBB2_6:
0x83: {  	v3 =	vld [tilespmem:s30+$0x0];
	s6 =	sadd.s32 $0x4, s6;
	[tilespmem:s11+$0x0] =	vst v2;
	v0 =	vadd.s32 $0x31000, v0;
	s9 =	sadd.s32 $0x40, s9  }
0x84: {  	v2 =	vld [tilespmem:s30+$0xFFFFFFE0];
	p0 =	slt.u32 s6, $0x1C;
	v1 =	vadd.s32 $0x31000, v1;
	[tilespmem:s10+$0x0] =	vst v0;
	s10 =	sadd.s32 $0xFFFFFFD0, s9  }
.Ltmp2:
0x85: {  	s11 =	sadd.s32 $0xFFFFFFE0, s9;
	s12 =	sadd.s32 $0xFFFFFFF0, s9;
	v0 =	vld [tilespmem:s30+$0xFFFFFFF0];
	[tilespmem:s8+$0x0] =	vst v1;
	(pc) =	sbr.rel @p0 .LBB2_6-.Ltmp2, $4  }
0x86: {  	s8 =	sand.u32 $0x40, s10;
	s10 =	sand.u32 $0x180, s10;
	s11 =	sand.u32 $0x50, s11;
	v1 =	vld [tilespmem:s30+$0xFFFFFFD0]  }
0x87: {  	s13 =	sand.u32 $0x70, s9;
	s12 =	sand.u32 $0x60, s12;
	s10 =	sor.u32 $0x1600, s10  }
0x88: {  	s8 =	sor.u32 s8, s10;
	s11 =	sor.u32 s11, s10;
	s13 =	sor.u32 s13, s10;
	v3 =	vadd.s32 $0x31000, v3  }
0x89: {  	s30 =	sadd.s32 $0x40, s30;
	s10 =	sor.u32 s12, s10;
	v2 =	vadd.s32 $0x31000, v2;
	[tilespmem:s13+$0x0] =	vst v3  }
0x8a: {  	[tilespmem:s11+$0x0] =	vst v2;
	v0 =	vadd.s32 $0x31000, v0  }
0x8b: {  	v1 =	vadd.s32 $0x31000, v1;
	[tilespmem:s10+$0x0] =	vst v0  }
0x8c: {  	[tilespmem:s8+$0x0] =	vst v1  }
0x8d: {  	v1 =	vld [tilespmem:s7+$0x0];
	_ =	sdelay $0x2  }
0x8e: {  	v2 =	vld [tilespmem:s7+$0xFFFFFFE0]  }
0x8f: {  	v0 =	vld [tilespmem:s7+$0xFFFFFFF0]  }
0x90: {  	v3 =	vadd.s32 $0x49800, v1;
	v1 =	vld [tilespmem:s7+$0xFFFFFFD0]  }
0x91: {  	s6 =	simm.s32 $0x0;
	s9 =	sor.u32 $0x1800, s4  }
0x92: {  	s30 =	simm.s32 $0x830;
	s4 =	sor.u32 s24, s9;
	s5 =	sor.u32 s5, s9  }
0x93: {  	s8 =	sor.u32 s29, s9;
	v2 =	vadd.s32 $0x49800, v2;
	s7 =	sor.u32 s19, s9;
	[tilespmem:s5+$0x0] =	vst v3;
	s5 =	simm.s32 $0x670  }
.LBB2_8:
0x94: {  	v3 =	vld [tilespmem:s5+$0x0];
	s6 =	sadd.s32 $0x4, s6;
	[tilespmem:s8+$0x0] =	vst v2;
	v0 =	vadd.s32 $0x49800, v0;
	s28 =	sadd.s32 $0x40, s28  }
0x95: {  	s29 =	simm.s32 $0x30;
	v2 =	vld [tilespmem:s5+$0xFFFFFFE0];
	p0 =	slt.u32 s6, $0x1C;
	v1 =	vadd.s32 $0x49800, v1;
	[tilespmem:s7+$0x0] =	vst v0;
	s7 =	sadd.s32 $0xFFFFFFD0, s28  }
.Ltmp3:
0x96: {  	s8 =	sadd.s32 $0xFFFFFFE0, s28;
	s9 =	sadd.s32 $0xFFFFFFF0, s28;
	v0 =	vld [tilespmem:s5+$0xFFFFFFF0];
	[tilespmem:s4+$0x0] =	vst v1;
	(pc) =	sbr.rel @p0 .LBB2_8-.Ltmp3, $4  }
0x97: {  	s4 =	sand.u32 $0x40, s7;
	s7 =	sand.u32 $0x180, s7;
	s8 =	sand.u32 $0x50, s8;
	v1 =	vld [tilespmem:s5+$0xFFFFFFD0]  }
0x98: {  	s10 =	sand.u32 $0x70, s28;
	s9 =	sand.u32 $0x60, s9;
	s7 =	sor.u32 $0x1800, s7  }
0x99: {  	s4 =	sor.u32 s4, s7;
	s8 =	sor.u32 s8, s7;
	s10 =	sor.u32 s10, s7;
	v3 =	vadd.s32 $0x49800, v3  }
0x9a: {  	s5 =	sadd.s32 $0x40, s5;
	s7 =	sor.u32 s9, s7;
	v2 =	vadd.s32 $0x49800, v2;
	[tilespmem:s10+$0x0] =	vst v3  }
0x9b: {  	[tilespmem:s8+$0x0] =	vst v2;
	v0 =	vadd.s32 $0x49800, v0  }
0x9c: {  	v1 =	vadd.s32 $0x49800, v1;
	[tilespmem:s7+$0x0] =	vst v0  }
0x9d: {  	[tilespmem:s4+$0x0] =	vst v1  }
0x9e: {  	v1 =	vld [tilespmem:s30+$0x0];
	_ =	sdelay $0x2  }
0x9f: {  	s6 =	simm.s32 $0x0;
	s5 =	simm.s32 $0x0;
	v2 =	vld [tilespmem:s30+$0xFFFFFFE0]  }
0xa0: {  	s11 =	simm.s32 $0x10;
	s12 =	simm.s32 $0x20;
	s24 =	sand.u32 $0x40, s5;
	v0 =	vld [tilespmem:s30+$0xFFFFFFF0]  }
0xa1: {  	s19 =	sand.u32 $0x50, s11;
	s28 =	sand.u32 $0x60, s12;
	s4 =	sand.u32 $0x180, s5;
	v3 =	vadd.s32 $0x62000, v1;
	v1 =	vld [tilespmem:s30+$0xFFFFFFD0]  }
0xa2: {  	s7 =	simm.s32 $0xA30;
	s5 =	sand.u32 $0x70, s29;
	s13 =	sor.u32 $0x1A00, s4  }
0xa3: {  	s8 =	sor.u32 s24, s13;
	s11 =	sor.u32 s19, s13;
	s9 =	sor.u32 s5, s13  }
0xa4: {  	s10 =	sor.u32 s28, s13;
	v2 =	vadd.s32 $0x62000, v2;
	s30 =	simm.s32 $0x870;
	[tilespmem:s9+$0x0] =	vst v3;
	s9 =	simm.s32 $0x30  }
.LBB2_10:
0xa5: {  	v3 =	vld [tilespmem:s30+$0x0];
	s6 =	sadd.s32 $0x4, s6;
	[tilespmem:s11+$0x0] =	vst v2;
	v0 =	vadd.s32 $0x62000, v0;
	s9 =	sadd.s32 $0x40, s9  }
0xa6: {  	v2 =	vld [tilespmem:s30+$0xFFFFFFE0];
	p0 =	slt.u32 s6, $0x1C;
	v1 =	vadd.s32 $0x62000, v1;
	[tilespmem:s10+$0x0] =	vst v0;
	s10 =	sadd.s32 $0xFFFFFFD0, s9  }
.Ltmp4:
0xa7: {  	s11 =	sadd.s32 $0xFFFFFFE0, s9;
	s12 =	sadd.s32 $0xFFFFFFF0, s9;
	v0 =	vld [tilespmem:s30+$0xFFFFFFF0];
	[tilespmem:s8+$0x0] =	vst v1;
	(pc) =	sbr.rel @p0 .LBB2_10-.Ltmp4, $4  }
0xa8: {  	s8 =	sand.u32 $0x40, s10;
	s10 =	sand.u32 $0x180, s10;
	s11 =	sand.u32 $0x50, s11;
	v1 =	vld [tilespmem:s30+$0xFFFFFFD0]  }
0xa9: {  	s13 =	sand.u32 $0x70, s9;
	s12 =	sand.u32 $0x60, s12;
	s10 =	sor.u32 $0x1A00, s10  }
0xaa: {  	s8 =	sor.u32 s8, s10;
	s11 =	sor.u32 s11, s10;
	s13 =	sor.u32 s13, s10;
	v3 =	vadd.s32 $0x62000, v3  }
0xab: {  	s30 =	sadd.s32 $0x40, s30;
	s10 =	sor.u32 s12, s10;
	v2 =	vadd.s32 $0x62000, v2;
	[tilespmem:s13+$0x0] =	vst v3  }
0xac: {  	[tilespmem:s11+$0x0] =	vst v2;
	v0 =	vadd.s32 $0x62000, v0  }
0xad: {  	v1 =	vadd.s32 $0x62000, v1;
	[tilespmem:s10+$0x0] =	vst v0  }
0xae: {  	[tilespmem:s8+$0x0] =	vst v1  }
0xaf: {  	v1 =	vld [tilespmem:s7+$0x0];
	_ =	sdelay $0x2  }
0xb0: {  	v2 =	vld [tilespmem:s7+$0xFFFFFFE0]  }
0xb1: {  	v0 =	vld [tilespmem:s7+$0xFFFFFFF0]  }
0xb2: {  	v3 =	vadd.s32 $0x7A800, v1;
	v1 =	vld [tilespmem:s7+$0xFFFFFFD0]  }
0xb3: {  	s6 =	simm.s32 $0x0;
	s9 =	sor.u32 $0x1C00, s4  }
0xb4: {  	s30 =	simm.s32 $0xC30;
	s4 =	sor.u32 s24, s9;
	s5 =	sor.u32 s5, s9  }
0xb5: {  	s8 =	sor.u32 s19, s9;
	v2 =	vadd.s32 $0x7A800, v2;
	s7 =	sor.u32 s28, s9;
	[tilespmem:s5+$0x0] =	vst v3;
	s5 =	simm.s32 $0xA70  }
.LBB2_12:
0xb6: {  	v3 =	vld [tilespmem:s5+$0x0];
	s6 =	sadd.s32 $0x4, s6;
	[tilespmem:s8+$0x0] =	vst v2;
	v0 =	vadd.s32 $0x7A800, v0;
	s29 =	sadd.s32 $0x40, s29  }
0xb7: {  	s28 =	simm.s32 $0x30;
	v2 =	vld [tilespmem:s5+$0xFFFFFFE0];
	p0 =	slt.u32 s6, $0x1C;
	v1 =	vadd.s32 $0x7A800, v1;
	[tilespmem:s7+$0x0] =	vst v0;
	s7 =	sadd.s32 $0xFFFFFFD0, s29  }
.Ltmp5:
0xb8: {  	s8 =	sadd.s32 $0xFFFFFFE0, s29;
	s9 =	sadd.s32 $0xFFFFFFF0, s29;
	v0 =	vld [tilespmem:s5+$0xFFFFFFF0];
	[tilespmem:s4+$0x0] =	vst v1;
	(pc) =	sbr.rel @p0 .LBB2_12-.Ltmp5, $4  }
0xb9: {  	s4 =	sand.u32 $0x40, s7;
	s7 =	sand.u32 $0x180, s7;
	s8 =	sand.u32 $0x50, s8;
	v1 =	vld [tilespmem:s5+$0xFFFFFFD0]  }
0xba: {  	s10 =	sand.u32 $0x70, s29;
	s9 =	sand.u32 $0x60, s9;
	s7 =	sor.u32 $0x1C00, s7  }
0xbb: {  	s4 =	sor.u32 s4, s7;
	s8 =	sor.u32 s8, s7;
	s10 =	sor.u32 s10, s7;
	v3 =	vadd.s32 $0x7A800, v3  }
0xbc: {  	s5 =	sadd.s32 $0x40, s5;
	s7 =	sor.u32 s9, s7;
	v2 =	vadd.s32 $0x7A800, v2;
	[tilespmem:s10+$0x0] =	vst v3  }
0xbd: {  	[tilespmem:s8+$0x0] =	vst v2;
	v0 =	vadd.s32 $0x7A800, v0  }
0xbe: {  	v1 =	vadd.s32 $0x7A800, v1;
	[tilespmem:s7+$0x0] =	vst v0  }
0xbf: {  	[tilespmem:s4+$0x0] =	vst v1  }
0xc0: {  	v1 =	vld [tilespmem:s30+$0x0];
	_ =	sdelay $0x2  }
0xc1: {  	s6 =	simm.s32 $0x0;
	s5 =	simm.s32 $0x0;
	v2 =	vld [tilespmem:s30+$0xFFFFFFE0]  }
0xc2: {  	s11 =	simm.s32 $0x10;
	s12 =	simm.s32 $0x20;
	s24 =	sand.u32 $0x40, s5;
	v0 =	vld [tilespmem:s30+$0xFFFFFFF0]  }
0xc3: {  	s19 =	sand.u32 $0x50, s11;
	s29 =	sand.u32 $0x60, s12;
	s4 =	sand.u32 $0x180, s5;
	v3 =	vadd.s32 $0x93000, v1;
	v1 =	vld [tilespmem:s30+$0xFFFFFFD0]  }
0xc4: {  	s7 =	simm.s32 $0xE30;
	s5 =	sand.u32 $0x70, s28;
	s13 =	sor.u32 $0x1E00, s4  }
0xc5: {  	s8 =	sor.u32 s24, s13;
	s11 =	sor.u32 s19, s13;
	s9 =	sor.u32 s5, s13  }
0xc6: {  	s10 =	sor.u32 s29, s13;
	v2 =	vadd.s32 $0x93000, v2;
	s30 =	simm.s32 $0xC70;
	[tilespmem:s9+$0x0] =	vst v3;
	s9 =	simm.s32 $0x30  }
.LBB2_14:
0xc7: {  	v3 =	vld [tilespmem:s30+$0x0];
	s6 =	sadd.s32 $0x4, s6;
	[tilespmem:s11+$0x0] =	vst v2;
	v0 =	vadd.s32 $0x93000, v0;
	s9 =	sadd.s32 $0x40, s9  }
0xc8: {  	v2 =	vld [tilespmem:s30+$0xFFFFFFE0];
	p0 =	slt.u32 s6, $0x1C;
	v1 =	vadd.s32 $0x93000, v1;
	[tilespmem:s10+$0x0] =	vst v0;
	s10 =	sadd.s32 $0xFFFFFFD0, s9  }
.Ltmp6:
0xc9: {  	s11 =	sadd.s32 $0xFFFFFFE0, s9;
	s12 =	sadd.s32 $0xFFFFFFF0, s9;
	v0 =	vld [tilespmem:s30+$0xFFFFFFF0];
	[tilespmem:s8+$0x0] =	vst v1;
	(pc) =	sbr.rel @p0 .LBB2_14-.Ltmp6, $4  }
0xca: {  	s8 =	sand.u32 $0x40, s10;
	s10 =	sand.u32 $0x180, s10;
	s11 =	sand.u32 $0x50, s11;
	v1 =	vld [tilespmem:s30+$0xFFFFFFD0]  }
0xcb: {  	s13 =	sand.u32 $0x70, s9;
	s12 =	sand.u32 $0x60, s12;
	s10 =	sor.u32 $0x1E00, s10  }
0xcc: {  	s8 =	sor.u32 s8, s10;
	s11 =	sor.u32 s11, s10;
	s13 =	sor.u32 s13, s10;
	v3 =	vadd.s32 $0x93000, v3  }
0xcd: {  	s30 =	sadd.s32 $0x40, s30;
	s10 =	sor.u32 s12, s10;
	v2 =	vadd.s32 $0x93000, v2;
	[tilespmem:s13+$0x0] =	vst v3  }
0xce: {  	[tilespmem:s11+$0x0] =	vst v2;
	v0 =	vadd.s32 $0x93000, v0  }
0xcf: {  	v1 =	vadd.s32 $0x93000, v1;
	[tilespmem:s10+$0x0] =	vst v0  }
0xd0: {  	[tilespmem:s8+$0x0] =	vst v1  }
0xd1: {  	v1 =	vld [tilespmem:s7+$0x0];
	_ =	sdelay $0x2  }
0xd2: {  	v2 =	vld [tilespmem:s7+$0xFFFFFFE0]  }
0xd3: {  	v0 =	vld [tilespmem:s7+$0xFFFFFFF0]  }
0xd4: {  	v3 =	vadd.s32 $0xAB800, v1;
	v1 =	vld [tilespmem:s7+$0xFFFFFFD0]  }
0xd5: {  	s6 =	simm.s32 $0x0;
	s9 =	sor.u32 $0x2000, s4  }
0xd6: {  	s30 =	simm.s32 $0x1030;
	s4 =	sor.u32 s24, s9;
	s5 =	sor.u32 s5, s9  }
0xd7: {  	s8 =	sor.u32 s19, s9;
	v2 =	vadd.s32 $0xAB800, v2;
	s7 =	sor.u32 s29, s9;
	[tilespmem:s5+$0x0] =	vst v3;
	s5 =	simm.s32 $0xE70  }
.LBB2_16:
0xd8: {  	v3 =	vld [tilespmem:s5+$0x0];
	s6 =	sadd.s32 $0x4, s6;
	[tilespmem:s8+$0x0] =	vst v2;
	v0 =	vadd.s32 $0xAB800, v0;
	s28 =	sadd.s32 $0x40, s28  }
0xd9: {  	s29 =	simm.s32 $0x30;
	v2 =	vld [tilespmem:s5+$0xFFFFFFE0];
	p0 =	slt.u32 s6, $0x1C;
	v1 =	vadd.s32 $0xAB800, v1;
	[tilespmem:s7+$0x0] =	vst v0;
	s7 =	sadd.s32 $0xFFFFFFD0, s28  }
.Ltmp7:
0xda: {  	s8 =	sadd.s32 $0xFFFFFFE0, s28;
	s9 =	sadd.s32 $0xFFFFFFF0, s28;
	v0 =	vld [tilespmem:s5+$0xFFFFFFF0];
	[tilespmem:s4+$0x0] =	vst v1;
	(pc) =	sbr.rel @p0 .LBB2_16-.Ltmp7, $4  }
0xdb: {  	s4 =	sand.u32 $0x40, s7;
	s7 =	sand.u32 $0x180, s7;
	s8 =	sand.u32 $0x50, s8;
	v1 =	vld [tilespmem:s5+$0xFFFFFFD0]  }
0xdc: {  	s10 =	sand.u32 $0x70, s28;
	s9 =	sand.u32 $0x60, s9;
	s7 =	sor.u32 $0x2000, s7  }
0xdd: {  	s4 =	sor.u32 s4, s7;
	s8 =	sor.u32 s8, s7;
	s10 =	sor.u32 s10, s7;
	v3 =	vadd.s32 $0xAB800, v3  }
0xde: {  	s5 =	sadd.s32 $0x40, s5;
	s7 =	sor.u32 s9, s7;
	v2 =	vadd.s32 $0xAB800, v2;
	[tilespmem:s10+$0x0] =	vst v3  }
0xdf: {  	[tilespmem:s8+$0x0] =	vst v2;
	v0 =	vadd.s32 $0xAB800, v0  }
0xe0: {  	v1 =	vadd.s32 $0xAB800, v1;
	[tilespmem:s7+$0x0] =	vst v0  }
0xe1: {  	[tilespmem:s4+$0x0] =	vst v1  }
0xe2: {  	v4 =	vld [tilespmem:s30+$0xFFFFFFD0]  }
0xe3: {  	s5 =	simm.s32 $0x4;
	v3 =	vld [tilespmem:s30+$0xFFFFFFF0]  }
0xe4: {  	s6 =	simm.s32 $0x0;
	s9 =	sand.u32 $0x70, s29;
	s10 =	simm.s32 $0x10;
	v2 =	vld [tilespmem:s30+$0x0]  }
0xe5: {  	s8 =	simm.s32 $0x20;
	s28 =	sand.u32 $0x180, s6;
	s4 =	simm.s32 $0x1070;
	v1 =	vld [tilespmem:s30+$0xFFFFFFE0]  }
0xe6: {  	s6 =	sand.u32 $0x40, s6;
	s11 =	sand.u32 $0x50, s10;
	s7 =	sor.u32 $0x2200, s28;
	v0 =	vld [tilespmem:s4+$0xFFFFFFD0]  }
0xe7: {  	s10 =	sor.u32 s6, s7;
	s6 =	sor.u32 s11, s7;
	s9 =	sor.u32 s9, s7;
	v4 =	vadd.s32 $0xC4000, v4  }
.LBB2_18:
0xe8: {  	s5 =	sadd.s32 $0x4, s5;
	v3 =	vadd.s32 $0xC4000, v3  }
0xe9: {  	v5 =	vld [tilespmem:s4+$0xFFFFFFF0];
	[tilespmem:s10+$0x0] =	vst v4;
	s8 =	sand.u32 $0x60, s8;
	v4 =	vadd.s32 $0xC4000, v2;
	s29 =	sadd.s32 $0x40, s29;
	p0 =	slt.u32 s5, $0x1C  }
.Ltmp8:
0xea: {  	v2 =	vld [tilespmem:s4+$0x0];
	v6 =	vadd.s32 $0xC4000, v1;
	s7 =	sor.u32 s8, s7;
	[tilespmem:s9+$0x0] =	vst v4;
	(pc) =	sbr.rel @p0 .LBB2_18-.Ltmp8, $4  }
0xeb: {  	s9 =	sadd.s32 $0xFFFFFFD0, s29;
	s11 =	sand.u32 $0x70, s29;
	v1 =	vld [tilespmem:s4+$0xFFFFFFE0];
	s4 =	sadd.s32 $0x40, s4;
	[tilespmem:s7+$0x0] =	vst v3;
	v3 =	vmov v0  }
0xec: {  	s10 =	sadd.s32 $0xFFFFFFE0, s29;
	s8 =	sadd.s32 $0xFFFFFFF0, s29;
	s7 =	sand.u32 $0x180, s9;
	v0 =	vld [tilespmem:s4+$0xFFFFFFD0];
	[tilespmem:s6+$0x0] =	vst v6  }
0xed: {  	s7 =	sor.u32 $0x2200, s7;
	s6 =	sand.u32 $0x40, s9;
	s9 =	sand.u32 $0x50, s10  }
0xee: {  	v4 =	vadd.s32 $0xC4000, v3;
	s10 =	sor.u32 s6, s7;
	s6 =	sor.u32 s9, s7;
	s9 =	sor.u32 s11, s7;
	v3 =	vmov v5  }
0xef: {  	s5 =	sadd.s32 $0x40, s29;
	v5 =	vld [tilespmem:s4+$0x0]  }
0xf0: {  	[tilespmem:s10+$0x0] =	vst v4;
	v59 =	vld [tilespmem:s4+$0xFFFFFFF0];
	s8 =	sand.u32 $0x60, s8;
	v2 =	vadd.s32 $0xC4000, v2;
	s30 =	sadd.s32 $0xFFFFFFD0, s5  }
0xf1: {  	v3 =	vadd.s32 $0xC4000, v3;
	v60 =	vld [tilespmem:s4+$0xFFFFFFE0];
	s7 =	sor.u32 s8, s7;
	[tilespmem:s9+$0x0] =	vst v2;
	s11 =	sand.u32 $0x180, s30  }
0xf2: {  	v1 =	vadd.s32 $0xC4000, v1;
	[tilespmem:s7+$0x0] =	vst v3;
	s12 =	sand.u32 $0x40, s30;
	s4 =	sor.u32 $0x2200, s11  }
0xf3: {  	s13 =	sand.u32 $0x70, s5;
	s19 =	sadd.s32 $0xFFFFFFF0, s5;
	[tilespmem:s6+$0x0] =	vst v1;
	v0 =	vadd.s32 $0xC4000, v0;
	s24 =	sor.u32 s12, s4  }
0xf4: {  	s5 =	sadd.s32 $0xFFFFFFE0, s5;
	s29 =	sand.u32 $0x60, s19;
	s28 =	sor.u32 s13, s4;
	[tilespmem:s24+$0x0] =	vst v0;
	v61 =	vadd.s32 $0xC4000, v5  }
0xf5: {  	s5 =	sand.u32 $0x50, s5;
	s6 =	sor.u32 s29, s4;
	v62 =	vadd.s32 $0xC4000, v59;
	[tilespmem:s28+$0x0] =	vst v61  }
0xf6: {  	s4 =	sor.u32 s5, s4;
	v63 =	vadd.s32 $0xC4000, v60;
	[tilespmem:s6+$0x0] =	vst v62  }
0xf7: {  	[tilespmem:s4+$0x0] =	vst v63  }
0xf8: {  	s30 =	simm.s32 $0x1200;
	s4 =	simm.s32 $0x0;
	[bflag:$0x0] =	sbarrier.arrive $0xFFFF  }
0xf9: {  	[tilespmem:s20], [sflag:$0x2] =	stream.indirect.gather [spmem:s2], $0x1, s30, s0, $0xb8;
	[tilespmem:$0x10590] =	vst v63  }
.LBB2_20:
0xfa: {  	s5 =	sshllo.u32 s4, $0x1  }
0xfb: {  	s5 =	sshll.u32 s5, $0x7  }
0xfc: {  	s6 =	sand.u32 $0x3FFFFF80, s5  }
0xfd: {  	s6 =	sadd.s32 $0x1200, s6  }
0xfe: {  	[tilespmem:s21], [sflag:$0x3] =	stream.indirect.gather [spmem:s2], $0x1, s6, s0, $0xb8;
	[tilespmem:$0x10590] =	vst v63  }
0xff: {  	s7 =	sshll.u32 s4, $0x8;
	p0 =	por $0x1, $0x1;
	_ =	swait.ge [sflag:s22], $0x80  }
0x100: {  	s8 =	simm.s32 $0x0;
	s7 =	sand.u32 $0x100, s7;
	[sflag:s22] =	ssyncset.done $0x0  }
0x101: {  	s7 =	sor.u32 $0x2400, s7;
	s6 =	sshll.u32 s4, $0x1;
	[sflag:s22] =	ssyncadd.s32 $0xFFFFFF80  }
.LBB2_21:
0x102: {  	v0 =	vld [tilespmem:s8+$0x2600]  }
0x103: {  	v1 =	vld [tilespmem:s8+$0x2610]  }
0x104: {  	v2 =	vld [tilespmem:s8+$0x2620]  }
0x105: {  	v3 =	vld [tilespmem:s8+$0x2630];
	p1 =	por p0, p0  }
.Ltmp9:
0x106: {  	s30 =	sadd.s32 s8, s7;
	(pc) =	sbr.rel @p1 .LBB2_21-.Ltmp9, $4  }
0x107: {  	[tilespmem:s30+$0x0] =	vst.add.f32.msk $0xffff, v0  }
0x108: {  	[tilespmem:s30+$0x10] =	vst.add.f32.msk $0xffff, v1  }
0x109: {  	[tilespmem:s30+$0x20] =	vst.add.f32.msk $0xffff, v2  }
0x10a: {  	s8 =	simm.s32 $0x40;
	p0 =	por $0x0, $0x0;
	[tilespmem:s30+$0x30] =	vst.add.f32.msk $0xffff, v3  }
0x10b: {  	s6 =	smin.u32 s6, $0x21  }
0x10c: {  	s6 =	sshll.u32 s6, $0x7  }
0x10d: {  	s6 =	sadd.s32 $0x1300, s6  }
0x10e: {  	[tilespmem:s20], [sflag:$0x2] =	stream.indirect.gather [spmem:s2], $0x1, s6, s0, $0xb8;
	[tilespmem:$0x10590] =	vst v63  }
0x10f: {  	_ =	swait.ge [sflag:s23], $0x80  }
0x110: {  	s5 =	sand.u32 $0x180, s5;
	p0 =	por $0x1, $0x1;
	[sflag:s23] =	ssyncset.done $0x0  }
0x111: {  	s5 =	sor.u32 $0x2400, s5;
	s6 =	simm.s32 $0x0;
	[sflag:s23] =	ssyncadd.s32 $0xFFFFFF80  }
.LBB2_23:
0x112: {  	v0 =	vld [tilespmem:s6+$0x2680]  }
0x113: {  	v1 =	vld [tilespmem:s6+$0x2690]  }
0x114: {  	v2 =	vld [tilespmem:s6+$0x26A0]  }
0x115: {  	v3 =	vld [tilespmem:s6+$0x26B0];
	p1 =	por p0, p0  }
.Ltmp10:
0x116: {  	s30 =	sadd.s32 s6, s5;
	(pc) =	sbr.rel @p1 .LBB2_23-.Ltmp10, $4  }
0x117: {  	[tilespmem:s30+$0x0] =	vst.add.f32.msk $0xffff, v0  }
0x118: {  	[tilespmem:s30+$0x10] =	vst.add.f32.msk $0xffff, v1  }
0x119: {  	[tilespmem:s30+$0x20] =	vst.add.f32.msk $0xffff, v2  }
0x11a: {  	s6 =	simm.s32 $0x40;
	p0 =	por $0x0, $0x0;
	[tilespmem:s30+$0x30] =	vst.add.f32.msk $0xffff, v3  }
0x11b: {  	s4 =	sadd.s32 $0x1, s4  }
0x11c: {  	p0 =	sne.s32 s4, $0x12  }
.Ltmp11:
0x11d: {  	_ = 	snop;
	(pc) =	sbr.rel @p0 .LBB2_20-.Ltmp11, $1  }
0x11e: {  	_ =	sdelay $0x3  }
0x11f: {  	_ =	swait.ge [sflag:s22], $0x80  }
0x120: {  	[sflag:s22] =	ssyncset.done $0x0  }
0x121: {  	[sflag:s22] =	ssyncadd.s32 $0xFFFFFF80  }
0x122: {  	s4 =	simm.s32 $0x2420;
	v0 =	vld [tilespmem:$0x2900]  }
0x123: {  	v1 =	vld [tilespmem:s4+$0xFFFFFFE0]  }
0x124: {  	v2 =	vld [tilespmem:s4+$0x10]  }
0x125: {  	v4 =	vld [tilespmem:s4+$0x0];
	_ =	sdelay $0x1  }
0x126: {  	v5 =	vld [tilespmem:s4+$0xFFFFFFF0]  }
0x127: {  	s5 =	simm.s32 $0x2460;
	v6 =	vadd.f32 v1, v0  }
0x128: {  	s4 =	simm.s32 $0x2720;
	v3 =	vld [tilespmem:s5+$0xFFFFFFE0];
	v7 =	vadd.f32 v2, v0  }
0x129: {  	v1 =	vld [tilespmem:s5+$0x10];
	[tilespmem:s4+$0xFFFFFFE0] =	vst v6;
	v6 =	vadd.f32 v4, v0  }
0x12a: {  	v2 =	vld [tilespmem:s5+$0x0];
	[tilespmem:s4+$0x10] =	vst v7  }
0x12b: {  	s6 =	simm.s32 $0x4;
	v5 =	vadd.f32 v5, v0;
	v4 =	vld [tilespmem:s5+$0xFFFFFFF0];
	[tilespmem:s4+$0x0] =	vst v6  }
.LBB2_26:
0x12c: {  	s6 =	sadd.s32 $0x4, s6  }
0x12d: {  	[tilespmem:s4+$0xFFFFFFF0] =	vst v5;
	s4 =	sadd.s32 $0x40, s4;
	p0 =	slt.u32 s6, $0x1C  }
.Ltmp12:
0x12e: {  	s5 =	sadd.s32 $0x40, s5;
	v5 =	vadd.f32 v3, v0;
	(pc) =	sbr.rel @p0 .LBB2_26-.Ltmp12, $4  }
0x12f: {  	v3 =	vld [tilespmem:s5+$0xFFFFFFE0];
	v6 =	vadd.f32 v1, v0  }
0x130: {  	v1 =	vld [tilespmem:s5+$0x10];
	[tilespmem:s4+$0xFFFFFFE0] =	vst v5;
	v7 =	vadd.f32 v2, v0  }
0x131: {  	v2 =	vld [tilespmem:s5+$0x0];
	v5 =	vadd.f32 v4, v0;
	[tilespmem:s4+$0x10] =	vst v6  }
0x132: {  	v4 =	vld [tilespmem:s5+$0xFFFFFFF0];
	[tilespmem:s4+$0x0] =	vst v7  }
0x133: {  	_ = 	snop  }
0x134: {  	v3 =	vadd.f32 v3, v0  }
0x135: {  	[tilespmem:s4+$0xFFFFFFF0] =	vst v5;
	s29 =	sadd.s32 $0x40, s4;
	v1 =	vadd.f32 v1, v0  }
0x136: {  	[tilespmem:s29+$0xFFFFFFE0] =	vst v3;
	v2 =	vadd.f32 v2, v0  }
0x137: {  	s26 =	sadd.s32 $0x1, s26;
	v63 =	vadd.f32 v4, v0;
	[tilespmem:s29+$0x10] =	vst v1  }
0x138: {  	p0 =	sne.s32 s26, s18;
	[tilespmem:s29+$0x0] =	vst v2  }
.Ltmp13:
0x139: {  	s30 =	simm.s32 $0x2700;
	[tilespmem:s29+$0xFFFFFFF0] =	vst v63;
	(pc) =	sbr.rel @p0 .LBB2_1-.Ltmp13, $4  }
0x13a: {  	[hbm4b:s17+s3] =	stream.linear.scatter [tilespmem:s30], [sflag:$0x4], $0x200, $0x38;
	[tilespmem:$0x10590] =	vst v63  }
0x13b: {  	_ =	swait.ge [sflag:s31], $0x200  }
0x13c: {  	[sflag:s31] =	ssyncset.done $0x0  }
0x13d: {  	[sflag:s31] =	ssyncadd.s32 $0xFFFFFE00  }
0x13e: {  	_ =	sfence.sel $0x180000  }
0x13f: {  	[bflag:$0x0] =	sbarrier.arrive $0xFFFF  }
0x140: {  	_ =	strace $0x9000004A  }
0x141: {  	s0 =	stileid.u32;
	[bflag:$0x2] =	sbarrier.arrive $0xFFFF  }
0x142: {  	p0 =	sne.s32 s0, $0x0;
	s0 =	rddreg [dreg:$0xc]  }
0x143: {  	s0 =	sadd.s32 @!p0 $0x100000, s0  }
0x144: {  	[sflag:s0] =	ssyncadd.tile.s32 @!p0 $0x1;
	_ =	shalt  }
.Lfunc_end2:
_tile_overlayer_lowered:
.L_overlay_start_2:
0x145: {  	(tag) =	ssettag $0x2  }
0x146: {  	s0 =	rddreg [dreg:$0x0];
	s2 =	stileid.u32  }
0x147: {  	s1 =	rddreg [dreg:$0x1];
	p0 =	sne.s32 s2, $0x0  }
0x148: {  	s3 =	rddreg [dreg:$0x2];
	[bflag:$0x3] =	sbarrier.arrive $0xFFFF;
	s2 =	simm.s32 @!p0 $0x1C04  }
0x149: {  	[timem:s3], [sflag:s2] =	dma.local @!p0 [hbm:s0], s1  }
0x14a: {  	s0 =	simm.s32 @!p0 $0x4  }
0x14b: {  	_ =	swait.ge @!p0 [sflag:s0], s1  }
0x14c: {  	s1 =	ssub.s32 @!p0 $0x0, s1;
	[sflag:s0] =	ssyncset.done @!p0 $0x0  }
0x14d: {  	[sflag:s0] =	ssyncadd.s32 @!p0 s1  }
0x14e: {  	[bflag:$0x3] =	sbarrier.arrive $0xFFFF  }
0x14f: {  	_ =	shalt  }

// kernel: kernel.16.cloned.1.call-start
scs
__scs_entry_jumppad:
0x0: {  	(pc) =	sbr.rel $0x88, $3  }
0x1: {  	(tag) =	ssettag $0x0;
	lr =	simm.s32 $0x1  }
0x2: {  	[smem:$0x3F85] =	sst lr;
	_ =	strace $0xD0000000  }
0x3: {  	_ = 	snop  }
0x4: {  	_ = 	snop  }
0x5: {  	_ = 	snop  }
0x6: {  	_ = 	snop  }
0x7: {  	_ = 	snop  }
__scs_overlays_trampoline_lowered:
0x8: {  	[smem:$0x3F94] =	sst s0  }
0x9: {  	[smem:$0x3F95] =	sst s1  }
0xa: {  	[smem:$0x3F96] =	sst s2  }
0xb: {  	[smem:$0x3F97] =	sst s3  }
0xc: {  	[smem:$0x3F98] =	sst s4  }
0xd: {  	[smem:$0x3F99] =	sst s5  }
0xe: {  	[smem:$0x3F9A] =	sst s6  }
0xf: {  	[smem:$0x3F9B] =	sst s7  }
0x10: {  	[smem:$0x3F9C] =	sst s8  }
0x11: {  	[smem:$0x3F9D] =	sst s9;
	s0 =	simm.s32 @!p0 $0x0  }
0x12: {  	s1 =	sld [smem:$0x3F83];
	s0 =	simm.s32 @p0 $0x1  }
0x13: {  	[smem:$0x3F9E] =	sst s0;
	s0 =	simm.s32 @!p1 $0x0  }
0x14: {  	s2 =	sld [smem:$0x3F82];
	s0 =	simm.s32 @p1 $0x1  }
0x15: {  	[smem:$0x3F9F] =	sst s0;
	s0 =	simm.s32 @!p2 $0x0  }
0x16: {  	s3 =	sld [smem:$0x3FDB];
	s0 =	simm.s32 @p2 $0x1  }
0x17: {  	s4 =	simm.s32 $0x1BF5;
	[smem:$0x3FA1] =	sst s0  }
0x18: {  	s0 =	sld [smem:$0x3F84];
	_ =	swait.ge [sflag:s4], $0x0  }
0x19: {  	s7 =	sld [smem:$0x3F85]  }
0x1a: {  	s8 =	sadd.s32 $0xFFFFE003, lr  }
0x1b: {  	s9 =	sadd.s32 $0xFFFFFEF7, lr;
	s5 =	simm.s32 $0xFFFFFFFF;
	p2 =	slt.u32 s8, $0xFFFFF086  }
0x1c: {  	p1 =	slt.u32 s9, $0xF7A;
	s5 =	simm.s32 @!p2 $0x0  }
0x1d: {  	s5 =	simm.s32 @p1 $0x1;
	p0 =	seq.s32 s7, s2  }
0x1e: {  	s7 =	smul.u32 @!p0 $0xF7A, s2;
	p2 =	seq.s32 @!p0 s5, $0x0  }
0x1f: {  	s9 =	smul.u32 $0xF7A, s1;
	s8 =	simm.s32 @!p0 $0x1BF5;
	p2 =	por !p2, p0  }
0x20: {  	[sflag:s8] =	ssyncset.s32 @!p0 $0xFFFFF086;
	s6 =	sadd.s32 @!p0 s3, s7;
	s7 =	simm.s32 @!p0 $0x108  }
0x21: {  	s3 =	sadd.s32 s3, s9;
	s6 =	sadd.s32 @!p0 $0x88, s6;
	s7 =	simm.s32 @p2 $0x1082  }
0x22: {  	[simem:s7], [sflag:s8] =	dma.local @!p0 [hbm:s6], $0xF7A  }
0x23: {  	s9 =	sor.u32 $0xD0000000, s2;
	s6 =	simm.s32 $0x108;
	_ =	swait.ge @!p0 [sflag:s8], $0x0  }
0x24: {  	s3 =	sadd.s32 $0x88, s3;
	s6 =	simm.s32 @!p1 $0x1082;
	[sflag:s4] =	ssyncset.s32 $0xFFFFF086  }
0x25: {  	[simem:s6], [sflag:s4] =	dma.local [hbm:s3], $0xF7A  }
0x26: {  	[smem:$0x3F85] =	sst s1;
	(tag) =	ssettag s2;
	_ =	strace s9  }
0x27: {  	s1 =	sld [smem:$0x3F95]  }
0x28: {  	s2 =	sld [smem:$0x3F96]  }
0x29: {  	s4 =	sld [smem:$0x3F98]  }
0x2a: {  	p0 =	seq.s32 s5, $0x0;
	s5 =	sld [smem:$0x3F99]  }
0x2b: {  	s6 =	sld [smem:$0x3F9A]  }
0x2c: {  	s7 =	sld [smem:$0x3F9B]  }
0x2d: {  	s3 =	simm.s32 $0x108;
	s8 =	sld [smem:$0x3F9C]  }
0x2e: {  	s3 =	simm.s32 @!p0 $0x1082;
	s9 =	sld [smem:$0x3F9D]  }
0x2f: {  	lr =	sadd.s32 s0, s3;
	s0 =	sld [smem:$0x3F94]  }
0x30: {  	s3 =	sld [smem:$0x3F97]  }
0x31: {  	[smem:$0x3FA0] =	sst s10  }
0x32: {  	s10 =	sld [smem:$0x3F9E];
	_ =	sdelay $0x3  }
0x33: {  	p0 =	seq.s32 s10, $0x1;
	s10 =	sld [smem:$0x3FA0];
	_ =	sdelay $0x3  }
0x34: {  	[smem:$0x3FA0] =	sst s10  }
0x35: {  	s10 =	sld [smem:$0x3F9F];
	_ =	sdelay $0x3  }
0x36: {  	p1 =	seq.s32 s10, $0x1;
	s10 =	sld [smem:$0x3FA0];
	_ =	sdelay $0x3  }
0x37: {  	[smem:$0x3FA0] =	sst s10  }
0x38: {  	s10 =	sld [smem:$0x3FA1]  }
0x39: {  	_ = 	snop;
	(pc) =	sbr.ind lr, $3  }
0x3a: {  	_ = 	snop  }
0x3b: {  	_ = 	snop  }
0x3c: {  	p2 =	seq.s32 s10, $0x1;
	s10 =	sld [smem:$0x3FA0]  }
0x3d: {  	_ =	shalt  }
0x3e: {  	_ =	shalt  }
0x3f: {  	_ =	shalt  }
0x40: {  	_ =	shalt  }
0x41: {  	_ =	shalt  }
0x42: {  	_ =	shalt  }
0x43: {  	_ =	shalt  }
0x44: {  	_ =	shalt  }
0x45: {  	_ =	shalt  }
0x46: {  	_ =	shalt  }
0x47: {  	_ =	shalt  }
0x48: {  	_ =	shalt  }
0x49: {  	_ =	shalt  }
0x4a: {  	_ =	shalt  }
0x4b: {  	_ =	shalt  }
0x4c: {  	_ =	shalt  }
0x4d: {  	_ =	shalt  }
0x4e: {  	_ =	shalt  }
0x4f: {  	_ =	shalt  }
0x50: {  	_ =	shalt  }
0x51: {  	_ =	shalt  }
0x52: {  	_ =	shalt  }
0x53: {  	_ =	shalt  }
0x54: {  	_ =	shalt  }
0x55: {  	_ =	shalt  }
0x56: {  	_ =	shalt  }
0x57: {  	_ =	shalt  }
0x58: {  	_ =	shalt  }
0x59: {  	_ =	shalt  }
0x5a: {  	_ =	shalt  }
0x5b: {  	_ =	shalt  }
0x5c: {  	_ =	shalt  }
0x5d: {  	_ =	shalt  }
0x5e: {  	_ =	shalt  }
0x5f: {  	_ =	shalt  }
0x60: {  	_ =	shalt  }
0x61: {  	_ =	shalt  }
0x62: {  	_ =	shalt  }
0x63: {  	_ =	shalt  }
0x64: {  	_ =	shalt  }
0x65: {  	_ =	shalt  }
0x66: {  	_ =	shalt  }
0x67: {  	_ =	shalt  }
0x68: {  	_ =	shalt  }
0x69: {  	_ =	shalt  }
0x6a: {  	_ =	shalt  }
0x6b: {  	_ =	shalt  }
0x6c: {  	_ =	shalt  }
0x6d: {  	_ =	shalt  }
0x6e: {  	_ =	shalt  }
0x6f: {  	_ =	shalt  }
0x70: {  	_ =	shalt  }
0x71: {  	_ =	shalt  }
0x72: {  	_ =	shalt  }
0x73: {  	_ =	shalt  }
0x74: {  	_ =	shalt  }
0x75: {  	_ =	shalt  }
0x76: {  	_ =	shalt  }
0x77: {  	_ =	shalt  }
0x78: {  	_ =	shalt  }
0x79: {  	_ =	shalt  }
0x7a: {  	_ =	shalt  }
0x7b: {  	_ =	shalt  }
0x7c: {  	_ =	shalt  }
0x7d: {  	_ =	shalt  }
0x7e: {  	_ =	shalt  }
0x7f: {  	_ =	shalt  }
0x80: {  	_ =	shalt  }
0x81: {  	_ =	shalt  }
0x82: {  	_ =	shalt  }
0x83: {  	_ =	shalt  }
0x84: {  	_ =	shalt  }
0x85: {  	_ =	shalt  }
0x86: {  	_ =	shalt  }
0x87: {  	_ =	shalt  }
.Lfunc_end0:
.L_simem_size_0:
called_computation.2_lowered:
.L_overlay_start_0:
0x88: {  	s2 =	sld [smem:$0x3FD9]  }
0x89: {  	s3 =	sld [smem:$0x3FFE];
	_ =	sdelay $0x1  }
0x8a: {  	s1 =	srdreg.scid  }
0x8b: {  	s0 =	sand.u32 $0x1, s1  }
0x8c: {  	s17 =	sshll.u32 s0, $0xA;
	s2 =	sadd.s32 s3, s2  }
0x8d: {  	s2 =	sadd.s32 s2, s17  }
0x8e: {  	[smem:$0x3FAC] =	sst s2  }
0x8f: {  	_ = 	snop  }
0x90: {  	s2 =	sld [smem:$0x3FBD]  }
0x91: {  	s18 =	sld [smem:$0x3FBC]  }
0x92: {  	s4 =	sld [smem:$0x3FBB]  }
0x93: {  	s5 =	sld [smem:$0x3FBA]  }
0x94: {  	s6 =	sld [smem:$0x3FB9]  }
0x95: {  	s7 =	sld [smem:$0x3FB8]  }
0x96: {  	s8 =	sld [smem:$0x3FB7]  }
0x97: {  	s9 =	sld [smem:$0x3FB6]  }
0x98: {  	s10 =	sld [smem:$0x3FB5]  }
0x99: {  	s11 =	sld [smem:$0x3FD0];
	(tm) =	ssettm $0x1  }
0x9a: {  	s12 =	sld [smem:$0x3FFB];
	_ =	sdelay $0x3  }
0x9b: {  	_ =	strace s12  }
0x9c: {  	s12 =	sld [smem:$0x3FFC];
	_ =	sdelay $0x3  }
0x9d: {  	_ =	strace s12  }
0x9e: {  	s12 =	sld [smem:$0x3FFD];
	_ =	sdelay $0x3  }
0x9f: {  	_ =	strace s12  }
0xa0: {  	_ =	strace $0x8FFFFFFF  }
0xa1: {  	s19 =	sld [smem:$0x3FDB];
	_ =	sdelay $0x1  }
0xa2: {  	s13 =	simm.s32 $_scs_section_size  }
0xa3: {  	s14 =	simm.s32 $_size__tile_overlayer_lowered;
	s15 =	simm.s32 $_tile_overlayer_lowered  }
0xa4: {  	s22 =	simm.s32 $0x1BFF;
	s21 =	sshll.u32 s15, $0x1;
	s12 =	sadd.s32 s13, s19  }
0xa5: {  	s16 =	simm.s32 $0x0;
	s20 =	sshll.u32 s14, $0x1;
	s14 =	sadd.s32 s21, s12  }
0xa6: {  	[timem:s16], [sflag:s22] =	dma.local [hbm:s14], s20  }
0xa7: {  	_ =	swait.ge [sflag:s22], s20  }
0xa8: {  	s13 =	ssub.s32 $0x0, s20;
	[sflag:s22] =	ssyncset.done $0x0  }
0xa9: {  	[sflag:s22] =	ssyncadd.s32 s13;
	_ =	sdelay $0x1  }
0xaa: {  	s23 =	simm.s32 $0x1B8B  }
0xab: {  	_ =	swait.ge [sflag:s23], $0x1  }
0xac: {  	[sflag:s23] =	ssyncset.done $0x0  }
0xad: {  	s25 =	simm.s32 $0x1B8E;
	s24 =	sld [smem:$0x3FFE];
	[sflag:s23] =	ssyncadd.s32 $0xFFFFFFFF  }
0xae: {  	s26 =	simm.s32 $execute0_lowered;
	[smem:$0x3FD2] =	sst s25  }
0xaf: {  	s14 =	sshll.u32 s26, $0x1;
	_ =	strace $0x8000004C;
	[dreg:$0x1] =	wrdreg $0xFFFFFFFF  }
0xb0: {  	s28 =	simm.s32 $_size_execute0_lowered;
	s12 =	sadd.s32 s12, s14;
	[dreg:$0x0] =	wrdreg $0x0  }
0xb1: {  	s14 =	sshll.u32 s28, $0x1;
	[dreg:$0x2] =	wrdreg s12  }
0xb2: {  	[dreg:$0x3] =	wrdreg s14  }
0xb3: {  	[dreg:$0x4] =	wrdreg $0xC0  }
0xb4: {  	_ =	task [dreg:s16], $0x5FFFF  }
0xb5: {  	[dreg:$0x1] =	wrdreg $0xFFFFFFFF  }
0xb6: {  	[dreg:$0x0] =	wrdreg $0x60  }
0xb7: {  	[dreg:$0x2] =	wrdreg s2  }
0xb8: {  	[dreg:$0x3] =	wrdreg s18  }
0xb9: {  	[dreg:$0x4] =	wrdreg s4  }
0xba: {  	[dreg:$0x5] =	wrdreg s5  }
0xbb: {  	[dreg:$0x6] =	wrdreg s6  }
0xbc: {  	[dreg:$0x7] =	wrdreg s7  }
0xbd: {  	[dreg:$0x8] =	wrdreg s8  }
0xbe: {  	[dreg:$0x9] =	wrdreg s9  }
0xbf: {  	[dreg:$0xa] =	wrdreg s10  }
0xc0: {  	[dreg:$0xb] =	wrdreg s24  }
0xc1: {  	[dreg:$0xc] =	wrdreg s11  }
0xc2: {  	[dreg:$0xd] =	wrdreg $0x29100  }
0xc3: {  	[dreg:$0xe] =	wrdreg $0x9  }
0xc4: {  	_ =	task.clear_ibuf [dreg:s16], $0xFFFFF;
	_ =	strace $0x9000004C  }
0xc5: {  	s29 =	simm.s32 $0x9;
	_ =	strace $0x8000004E  }
0xc6: {  	_ =	swait.ge [sflag:s29], $0x1  }
0xc7: {  	[sflag:s29] =	ssyncadd.s32 $0xFFFFFFFF  }
0xc8: {  	_ =	strace $0x9000004E  }
0xc9: {  	_ =	sfence  }
0xca: {  	s30 =	sld [smem:$0x0];
	_ =	sdelay $0x2  }
0xcb: {  	s31 =	sshll.u32 s1, $0xD;
	s1 =	sshrl.u32 s1, $0x2  }
0xcc: {  	s3 =	sand.u32 $0x4000, s31;
	s1 =	sadd.s32 s1, s30  }
0xcd: {  	s0 =	sor.u32 s3, s0;
	s1 =	sshll.u32 s1, $0x11  }
0xce: {  	s0 =	sor.u32 s1, s0  }
0xcf: {  	s0 =	sadd.s32 $0x8F2B, s0  }
0xd0: {  	[sflag:s0] =	ssyncadd.remote.s32 $0x1  }
0xd1: {  	_ =	sfence.sel $0xFFFF  }
0xd2: {  	[dreg:$0x0] =	wrdreg $0xFFFFFFFF;
	(pc) =	sbr.abs _section_cstart, $3  }
0xd3: {  	[dreg:$0x1] =	wrdreg $0xFFFFFFFF  }
0xd4: {  	_ =	task.clear_ibuf [dreg:s16], $0x2FFFF;
	_ =	strace $0x9FFFFFFF  }
0xd5: {  	(tm) =	ssettm $0x7FFFFFFF  }
tec
execute0_lowered:
.L_overlay_start_1:
0x0: {  	(tag) =	ssettag $0x1  }
0x1: {  	s0 =	rddreg [dreg:$0x0]  }
0x2: {  	s1 =	rddreg [dreg:$0x1]  }
0x3: {  	s4 =	rddreg [dreg:$0x2]  }
0x4: {  	s5 =	rddreg [dreg:$0x3]  }
0x5: {  	s6 =	rddreg [dreg:$0x4]  }
0x6: {  	s7 =	rddreg [dreg:$0x5]  }
0x7: {  	s8 =	rddreg [dreg:$0x6]  }
0x8: {  	s9 =	rddreg [dreg:$0x7]  }
0x9: {  	s10 =	rddreg [dreg:$0x8]  }
0xa: {  	s11 =	rddreg [dreg:$0x9]  }
0xb: {  	s14 =	rddreg [dreg:$0xa]  }
0xc: {  	s19 =	stileid.u32;
	s13 =	srdreg.scid  }
0xd: {  	s2 =	rddreg [dreg:$0xb];
	s3 =	simm.s32 $0x0;
	s28 =	sand.u32 $0x1, s13  }
0xe: {  	s15 =	smul.u32 $0xDC80, s19;
	s29 =	sshll.u32 s19, $0x7;
	s17 =	sshll.u32 s28, $0x6  }
0xf: {  	[smem:$0x7FF] =	sst s3;
	s18 =	sadd.s32 $0x1800, s11;
	s17 =	sor.u32 s17, s29  }
0x10: {  	_ =	strace $0x8000004D;
	[dreg:$0xd] =	wrdreg s18;
	s0 =	sadd.s32 s0, s17  }
0x11: {  	s31 =	simm.s32 $0x4;
	s20 =	sadd.s32 s1, s17;
	[dreg:$0xe] =	wrdreg s0  }
0x12: {  	s12 =	sshrl.u32 s15, $0x3;
	s21 =	sadd.s32 s4, s17;
	[dreg:$0xf] =	wrdreg s20  }
0x13: {  	s29 =	sadd.s32 s15, s2;
	s22 =	sadd.s32 s5, s17;
	[dreg:$0x10] =	wrdreg s21  }
0x14: {  	s16 =	sadd.s32 s12, s11;
	s23 =	sadd.s32 s6, s17;
	[dreg:$0x11] =	wrdreg s22  }
0x15: {  	s12 =	ssub.s32 $0x2, s28;
	s24 =	sadd.s32 s7, s17;
	[dreg:$0x12] =	wrdreg s23  }
0x16: {  	s11 =	sadd.s32 s17, s11;
	s25 =	sadd.s32 s8, s17;
	[dreg:$0x13] =	wrdreg s24  }
0x17: {  	s26 =	sadd.s32 s9, s17;
	s28 =	sadd.s32 s10, s17;
	[dreg:$0x14] =	wrdreg s25  }
0x18: {  	s14 =	sadd.s32 s14, s17;
	s1 =	simm.s32 $0x1;
	[dreg:$0x15] =	wrdreg s26  }
0x19: {  	s30 =	sshrl.u32 s12, $0x1;
	[dreg:$0x16] =	wrdreg s28;
	s15 =	sadd.s32 $0x27000, s16  }
0x1a: {  	s17 =	sadd.s32 $0x1A00, s11;
	s25 =	sshrl.u32 s29, $0x3;
	s0 =	simm.s32 $0x80  }
0x1b: {  	s20 =	simm.s32 $0x2600;
	s21 =	simm.s32 $0x2680;
	s22 =	simm.s32 $0x2  }
0x1c: {  	s23 =	simm.s32 $0x3;
	s13 =	ssub.s32 s12, s30;
	s30 =	sshll.u32 s19, $0x6  }
0x1d: {  	s26 =	simm.s32 $0x0;
	s16 =	sor.u32 $0x1C04, s30;
	s18 =	smax.u32 s13, $0x1  }
.LBB2_1:
0x1e: {  	s4 =	rddreg [dreg:$0xe]  }
0x1f: {  	[tilespmem:s3], [sflag:$0x1] =	stream.linear.gather [hbm4b:s4+s3], $0x200, $0x38;
	[tilespmem:$0x10590] =	vst v63  }
0x20: {  	s24 =	rddreg [dreg:$0xf];
	s5 =	simm.s32 $0x200  }
0x21: {  	[tilespmem:s5], [sflag:$0x1] =	stream.linear.gather [hbm4b:s24+s3], $0x200, $0x38;
	[tilespmem:$0x10590] =	vst v63  }
0x22: {  	s6 =	rddreg [dreg:$0x10];
	s7 =	simm.s32 $0x400  }
0x23: {  	[tilespmem:s7], [sflag:$0x1] =	stream.linear.gather [hbm4b:s6+s3], $0x200, $0x38;
	[tilespmem:$0x10590] =	vst v63  }
0x24: {  	s8 =	rddreg [dreg:$0x11];
	s9 =	simm.s32 $0x600  }
0x25: {  	[tilespmem:s9], [sflag:$0x1] =	stream.linear.gather [hbm4b:s8+s3], $0x200, $0x38;
	[tilespmem:$0x10590] =	vst v63  }
0x26: {  	s10 =	rddreg [dreg:$0x12];
	s11 =	simm.s32 $0x800  }
0x27: {  	[tilespmem:s11], [sflag:$0x1] =	stream.linear.gather [hbm4b:s10+s3], $0x200, $0x38;
	[tilespmem:$0x10590] =	vst v63  }
0x28: {  	s12 =	rddreg [dreg:$0x13];
	s13 =	simm.s32 $0xA00  }
0x29: {  	[tilespmem:s13], [sflag:$0x1] =	stream.linear.gather [hbm4b:s12+s3], $0x200, $0x38;
	[tilespmem:$0x10590] =	vst v63  }
0x2a: {  	s19 =	rddreg [dreg:$0x14];
	s24 =	simm.s32 $0xC00  }
0x2b: {  	[tilespmem:s24], [sflag:$0x1] =	stream.linear.gather [hbm4b:s19+s3], $0x200, $0x38;
	[tilespmem:$0x10590] =	vst v63  }
0x2c: {  	s5 =	rddreg [dreg:$0x15];
	s6 =	simm.s32 $0xE00  }
0x2d: {  	[tilespmem:s6], [sflag:$0x1] =	stream.linear.gather [hbm4b:s5+s3], $0x200, $0x38;
	[tilespmem:$0x10590] =	vst v63  }
0x2e: {  	s7 =	rddreg [dreg:$0x16];
	s8 =	simm.s32 $0x1000  }
0x2f: {  	[tilespmem:s8], [sflag:$0x1] =	stream.linear.gather [hbm4b:s7+s3], $0x200, $0x38;
	[tilespmem:$0x10590] =	vst v63  }
0x30: {  	s9 =	rddreg [dreg:$0xd];
	s10 =	simm.s32 $0x2900  }
0x31: {  	[tilespmem:s10], [sflag:$0x1] =	stream.linear.gather [hbm4b:s9+s3], $0x10, $0x38;
	[tilespmem:$0x10590] =	vst v63  }
0x32: {  	s11 =	simm.s32 $0x2400  }
0x33: {  	[tilespmem:s11], [sflag:$0x1] =	stream.linear.gather [hbm4b:s14+s3], $0x200, $0x38;
	[tilespmem:$0x10590] =	vst v63  }
0x34: {  	[spmem:s25], [sflag:s16] =	dma.local [hbm:s15], $0x1B90  }
0x35: {  	_ =	swait.ge [sflag:s31], $0x1B90  }
0x36: {  	[sflag:s31] =	ssyncset.done $0x0  }
0x37: {  	[sflag:s31] =	ssyncadd.s32 $0xFFFFE470  }
0x38: {  	_ =	swait.ge [sflag:s1], $0x200  }
0x39: {  	[sflag:s1] =	ssyncset.done $0x0  }
0x3a: {  	[sflag:s1] =	ssyncadd.s32 $0xFFFFFE00  }
0x3b: {  	_ =	swait.ge [sflag:s1], $0x200  }
0x3c: {  	[sflag:s1] =	ssyncset.done $0x0  }
0x3d: {  	[sflag:s1] =	ssyncadd.s32 $0xFFFFFE00  }
0x3e: {  	_ =	swait.ge [sflag:s1], $0x200  }
0x3f: {  	[sflag:s1] =	ssyncset.done $0x0  }
0x40: {  	[sflag:s1] =	ssyncadd.s32 $0xFFFFFE00  }
0x41: {  	_ =	swait.ge [sflag:s1], $0x200  }
0x42: {  	[sflag:s1] =	ssyncset.done $0x0  }
0x43: {  	[sflag:s1] =	ssyncadd.s32 $0xFFFFFE00  }
0x44: {  	_ =	swait.ge [sflag:s1], $0x200  }
0x45: {  	[sflag:s1] =	ssyncset.done $0x0  }
0x46: {  	[sflag:s1] =	ssyncadd.s32 $0xFFFFFE00  }
0x47: {  	_ =	swait.ge [sflag:s1], $0x200  }
0x48: {  	[sflag:s1] =	ssyncset.done $0x0  }
0x49: {  	[sflag:s1] =	ssyncadd.s32 $0xFFFFFE00  }
0x4a: {  	_ =	swait.ge [sflag:s1], $0x200  }
0x4b: {  	[sflag:s1] =	ssyncset.done $0x0  }
0x4c: {  	[sflag:s1] =	ssyncadd.s32 $0xFFFFFE00  }
0x4d: {  	_ =	swait.ge [sflag:s1], $0x200  }
0x4e: {  	[sflag:s1] =	ssyncset.done $0x0  }
0x4f: {  	[sflag:s1] =	ssyncadd.s32 $0xFFFFFE00  }
0x50: {  	_ =	swait.ge [sflag:s1], $0x200  }
0x51: {  	[sflag:s1] =	ssyncset.done $0x0  }
0x52: {  	[sflag:s1] =	ssyncadd.s32 $0xFFFFFE00  }
0x53: {  	_ =	swait.ge [sflag:s1], $0x10  }
0x54: {  	[sflag:s1] =	ssyncset.done $0x0  }
0x55: {  	[sflag:s1] =	ssyncadd.s32 $0xFFFFFFF0  }
0x56: {  	_ =	swait.ge [sflag:s1], $0x200  }
0x57: {  	[sflag:s1] =	ssyncset.done $0x0  }
0x58: {  	s7 =	simm.s32 $0x20;
	[sflag:s1] =	ssyncadd.s32 $0xFFFFFE00  }
0x59: {  	v1 =	vld [tilespmem:s7+$0x10]  }
0x5a: {  	s12 =	simm.s32 $0x0  }
0x5b: {  	s29 =	simm.s32 $0x30;
	s24 =	sand.u32 $0x180, s12;
	v2 =	vld [tilespmem:s7+$0xFFFFFFF0]  }
0x5c: {  	s28 =	simm.s32 $0x0;
	s19 =	sand.u32 $0x70, s29;
	s8 =	sor.u32 $0x1200, s24  }
0x5d: {  	s13 =	simm.s32 $0x20;
	s6 =	simm.s32 $0x10;
	s9 =	sor.u32 s19, s8;
	v0 =	vld [tilespmem:s7+$0x0]  }
0x5e: {  	s4 =	sand.u32 $0x40, s12;
	s5 =	sand.u32 $0x60, s13;
	s6 =	sand.u32 $0x50, s6;
	[tilespmem:s9+$0x0] =	vst v1;
	v1 =	vld [tilespmem:s7+$0xFFFFFFE0]  }
0x5f: {  	s30 =	sor.u32 s4, s8;
	s10 =	sor.u32 s5, s8;
	s11 =	sor.u32 s6, s8  }
0x60: {  	s8 =	simm.s32 $0x230;
	[tilespmem:s11+$0x0] =	vst v2;
	s7 =	simm.s32 $0x60;
	s9 =	simm.s32 $0x30  }
.LBB2_2:
0x61: {  	s9 =	sadd.s32 $0x40, s9  }
0x62: {  	v2 =	vld [tilespmem:s7+$0x10];
	s28 =	sadd.s32 $0x4, s28;
	[tilespmem:s10+$0x0] =	vst v0;
	s10 =	sadd.s32 $0xFFFFFFD0, s9  }
0x63: {  	v3 =	vld [tilespmem:s7+$0xFFFFFFF0];
	s11 =	sadd.s32 $0xFFFFFFE0, s9;
	p0 =	slt.u32 s28, $0x1C;
	[tilespmem:s30+$0x0] =	vst v1;
	s12 =	sadd.s32 $0xFFFFFFF0, s9  }
.Ltmp0:
0x64: {  	s30 =	sand.u32 $0x40, s10;
	s10 =	sand.u32 $0x180, s10;
	v0 =	vld [tilespmem:s7+$0x0];
	(pc) =	sbr.rel @p0 .LBB2_2-.Ltmp0, $4  }
0x65: {  	s13 =	sand.u32 $0x70, s9;
	s11 =	sand.u32 $0x50, s11;
	v1 =	vld [tilespmem:s7+$0xFFFFFFE0];
	s10 =	sor.u32 $0x1200, s10  }
0x66: {  	s12 =	sand.u32 $0x60, s12;
	s30 =	sor.u32 s30, s10;
	s13 =	sor.u32 s13, s10  }
0x67: {  	s11 =	sor.u32 s11, s10;
	s10 =	sor.u32 s12, s10;
	[tilespmem:s13+$0x0] =	vst v2  }
0x68: {  	s7 =	sadd.s32 $0x40, s7;
	[tilespmem:s11+$0x0] =	vst v3  }
0x69: {  	[tilespmem:s10+$0x0] =	vst v0  }
0x6a: {  	[tilespmem:s30+$0x0] =	vst v1  }
0x6b: {  	v1 =	vld [tilespmem:s8+$0x0];
	_ =	sdelay $0x2  }
0x6c: {  	v2 =	vld [tilespmem:s8+$0xFFFFFFE0]  }
0x6d: {  	v0 =	vld [tilespmem:s8+$0xFFFFFFF0]  }
0x6e: {  	v3 =	vadd.s32 $0x18800, v1;
	v1 =	vld [tilespmem:s8+$0xFFFFFFD0]  }
0x6f: {  	s7 =	simm.s32 $0x0;
	s9 =	sor.u32 $0x1400, s24  }
0x70: {  	s30 =	simm.s32 $0x430;
	s4 =	sor.u32 s4, s9;
	s28 =	sor.u32 s19, s9  }
0x71: {  	s8 =	sor.u32 s6, s9;
	v2 =	vadd.s32 $0x18800, v2;
	s6 =	sor.u32 s5, s9;
	s5 =	simm.s32 $0x270;
	[tilespmem:s28+$0x0] =	vst v3  }
.LBB2_4:
0x72: {  	v3 =	vld [tilespmem:s5+$0x0];
	s7 =	sadd.s32 $0x4, s7;
	[tilespmem:s8+$0x0] =	vst v2;
	v0 =	vadd.s32 $0x18800, v0;
	s29 =	sadd.s32 $0x40, s29  }
0x73: {  	s28 =	simm.s32 $0x30;
	v2 =	vld [tilespmem:s5+$0xFFFFFFE0];
	p0 =	slt.u32 s7, $0x1C;
	v1 =	vadd.s32 $0x18800, v1;
	[tilespmem:s6+$0x0] =	vst v0;
	s6 =	sadd.s32 $0xFFFFFFD0, s29  }
.Ltmp1:
0x74: {  	s8 =	sadd.s32 $0xFFFFFFE0, s29;
	s9 =	sadd.s32 $0xFFFFFFF0, s29;
	v0 =	vld [tilespmem:s5+$0xFFFFFFF0];
	[tilespmem:s4+$0x0] =	vst v1;
	(pc) =	sbr.rel @p0 .LBB2_4-.Ltmp1, $4  }
0x75: {  	s4 =	sand.u32 $0x40, s6;
	s6 =	sand.u32 $0x180, s6;
	s8 =	sand.u32 $0x50, s8;
	v1 =	vld [tilespmem:s5+$0xFFFFFFD0]  }
0x76: {  	s10 =	sand.u32 $0x70, s29;
	s9 =	sand.u32 $0x60, s9;
	s6 =	sor.u32 $0x1400, s6  }
0x77: {  	s4 =	sor.u32 s4, s6;
	s8 =	sor.u32 s8, s6;
	s10 =	sor.u32 s10, s6;
	v3 =	vadd.s32 $0x18800, v3  }
0x78: {  	s5 =	sadd.s32 $0x40, s5;
	s6 =	sor.u32 s9, s6;
	v2 =	vadd.s32 $0x18800, v2;
	[tilespmem:s10+$0x0] =	vst v3  }
0x79: {  	[tilespmem:s8+$0x0] =	vst v2;
	v0 =	vadd.s32 $0x18800, v0  }
0x7a: {  	v1 =	vadd.s32 $0x18800, v1;
	[tilespmem:s6+$0x0] =	vst v0  }
0x7b: {  	[tilespmem:s4+$0x0] =	vst v1  }
0x7c: {  	v1 =	vld [tilespmem:s30+$0x0];
	_ =	sdelay $0x2  }
0x7d: {  	s5 =	simm.s32 $0x0;
	s7 =	simm.s32 $0x10;
	v2 =	vld [tilespmem:s30+$0xFFFFFFE0]  }
0x7e: {  	s12 =	simm.s32 $0x20;
	s6 =	simm.s32 $0x0;
	s24 =	sand.u32 $0x40, s5;
	v0 =	vld [tilespmem:s30+$0xFFFFFFF0]  }
0x7f: {  	s29 =	sand.u32 $0x50, s7;
	s19 =	sand.u32 $0x60, s12;
	s4 =	sand.u32 $0x180, s5;
	v3 =	vadd.s32 $0x31000, v1;
	v1 =	vld [tilespmem:s30+$0xFFFFFFD0]  }
0x80: {  	s7 =	simm.s32 $0x630;
	s5 =	sand.u32 $0x70, s28;
	s13 =	sor.u32 $0x1600, s4  }
0x81: {  	s8 =	sor.u32 s24, s13;
	s11 =	sor.u32 s29, s13;
	s9 =	sor.u32 s5, s13  }
0x82: {  	s10 =	sor.u32 s19, s13;
	v2 =	vadd.s32 $0x31000, v2;
	s30 =	simm.s32 $0x470;
	[tilespmem:s9+$0x0] =	vst v3;
	s9 =	simm.s32 $0x30  }
.LBB2_6:
0x83: {  	v3 =	vld [tilespmem:s30+$0x0];
	s6 =	sadd.s32 $0x4, s6;
	[tilespmem:s11+$0x0] =	vst v2;
	v0 =	vadd.s32 $0x31000, v0;
	s9 =	sadd.s32 $0x40, s9  }
0x84: {  	v2 =	vld [tilespmem:s30+$0xFFFFFFE0];
	p0 =	slt.u32 s6, $0x1C;
	v1 =	vadd.s32 $0x31000, v1;
	[tilespmem:s10+$0x0] =	vst v0;
	s10 =	sadd.s32 $0xFFFFFFD0, s9  }
.Ltmp2:
0x85: {  	s11 =	sadd.s32 $0xFFFFFFE0, s9;
	s12 =	sadd.s32 $0xFFFFFFF0, s9;
	v0 =	vld [tilespmem:s30+$0xFFFFFFF0];
	[tilespmem:s8+$0x0] =	vst v1;
	(pc) =	sbr.rel @p0 .LBB2_6-.Ltmp2, $4  }
0x86: {  	s8 =	sand.u32 $0x40, s10;
	s10 =	sand.u32 $0x180, s10;
	s11 =	sand.u32 $0x50, s11;
	v1 =	vld [tilespmem:s30+$0xFFFFFFD0]  }
0x87: {  	s13 =	sand.u32 $0x70, s9;
	s12 =	sand.u32 $0x60, s12;
	s10 =	sor.u32 $0x1600, s10  }
0x88: {  	s8 =	sor.u32 s8, s10;
	s11 =	sor.u32 s11, s10;
	s13 =	sor.u32 s13, s10;
	v3 =	vadd.s32 $0x31000, v3  }
0x89: {  	s30 =	sadd.s32 $0x40, s30;
	s10 =	sor.u32 s12, s10;
	v2 =	vadd.s32 $0x31000, v2;
	[tilespmem:s13+$0x0] =	vst v3  }
0x8a: {  	[tilespmem:s11+$0x0] =	vst v2;
	v0 =	vadd.s32 $0x31000, v0  }
0x8b: {  	v1 =	vadd.s32 $0x31000, v1;
	[tilespmem:s10+$0x0] =	vst v0  }
0x8c: {  	[tilespmem:s8+$0x0] =	vst v1  }
0x8d: {  	v1 =	vld [tilespmem:s7+$0x0];
	_ =	sdelay $0x2  }
0x8e: {  	v2 =	vld [tilespmem:s7+$0xFFFFFFE0]  }
0x8f: {  	v0 =	vld [tilespmem:s7+$0xFFFFFFF0]  }
0x90: {  	v3 =	vadd.s32 $0x49800, v1;
	v1 =	vld [tilespmem:s7+$0xFFFFFFD0]  }
0x91: {  	s6 =	simm.s32 $0x0;
	s9 =	sor.u32 $0x1800, s4  }
0x92: {  	s30 =	simm.s32 $0x830;
	s4 =	sor.u32 s24, s9;
	s5 =	sor.u32 s5, s9  }
0x93: {  	s8 =	sor.u32 s29, s9;
	v2 =	vadd.s32 $0x49800, v2;
	s7 =	sor.u32 s19, s9;
	[tilespmem:s5+$0x0] =	vst v3;
	s5 =	simm.s32 $0x670  }
.LBB2_8:
0x94: {  	v3 =	vld [tilespmem:s5+$0x0];
	s6 =	sadd.s32 $0x4, s6;
	[tilespmem:s8+$0x0] =	vst v2;
	v0 =	vadd.s32 $0x49800, v0;
	s28 =	sadd.s32 $0x40, s28  }
0x95: {  	s29 =	simm.s32 $0x30;
	v2 =	vld [tilespmem:s5+$0xFFFFFFE0];
	p0 =	slt.u32 s6, $0x1C;
	v1 =	vadd.s32 $0x49800, v1;
	[tilespmem:s7+$0x0] =	vst v0;
	s7 =	sadd.s32 $0xFFFFFFD0, s28  }
.Ltmp3:
0x96: {  	s8 =	sadd.s32 $0xFFFFFFE0, s28;
	s9 =	sadd.s32 $0xFFFFFFF0, s28;
	v0 =	vld [tilespmem:s5+$0xFFFFFFF0];
	[tilespmem:s4+$0x0] =	vst v1;
	(pc) =	sbr.rel @p0 .LBB2_8-.Ltmp3, $4  }
0x97: {  	s4 =	sand.u32 $0x40, s7;
	s7 =	sand.u32 $0x180, s7;
	s8 =	sand.u32 $0x50, s8;
	v1 =	vld [tilespmem:s5+$0xFFFFFFD0]  }
0x98: {  	s10 =	sand.u32 $0x70, s28;
	s9 =	sand.u32 $0x60, s9;
	s7 =	sor.u32 $0x1800, s7  }
0x99: {  	s4 =	sor.u32 s4, s7;
	s8 =	sor.u32 s8, s7;
	s10 =	sor.u32 s10, s7;
	v3 =	vadd.s32 $0x49800, v3  }
0x9a: {  	s5 =	sadd.s32 $0x40, s5;
	s7 =	sor.u32 s9, s7;
	v2 =	vadd.s32 $0x49800, v2;
	[tilespmem:s10+$0x0] =	vst v3  }
0x9b: {  	[tilespmem:s8+$0x0] =	vst v2;
	v0 =	vadd.s32 $0x49800, v0  }
0x9c: {  	v1 =	vadd.s32 $0x49800, v1;
	[tilespmem:s7+$0x0] =	vst v0  }
0x9d: {  	[tilespmem:s4+$0x0] =	vst v1  }
0x9e: {  	v1 =	vld [tilespmem:s30+$0x0];
	_ =	sdelay $0x2  }
0x9f: {  	s6 =	simm.s32 $0x0;
	s5 =	simm.s32 $0x0;
	v2 =	vld [tilespmem:s30+$0xFFFFFFE0]  }
0xa0: {  	s11 =	simm.s32 $0x10;
	s12 =	simm.s32 $0x20;
	s24 =	sand.u32 $0x40, s5;
	v0 =	vld [tilespmem:s30+$0xFFFFFFF0]  }
0xa1: {  	s19 =	sand.u32 $0x50, s11;
	s28 =	sand.u32 $0x60, s12;
	s4 =	sand.u32 $0x180, s5;
	v3 =	vadd.s32 $0x62000, v1;
	v1 =	vld [tilespmem:s30+$0xFFFFFFD0]  }
0xa2: {  	s7 =	simm.s32 $0xA30;
	s5 =	sand.u32 $0x70, s29;
	s13 =	sor.u32 $0x1A00, s4  }
0xa3: {  	s8 =	sor.u32 s24, s13;
	s11 =	sor.u32 s19, s13;
	s9 =	sor.u32 s5, s13  }
0xa4: {  	s10 =	sor.u32 s28, s13;
	v2 =	vadd.s32 $0x62000, v2;
	s30 =	simm.s32 $0x870;
	[tilespmem:s9+$0x0] =	vst v3;
	s9 =	simm.s32 $0x30  }
.LBB2_10:
0xa5: {  	v3 =	vld [tilespmem:s30+$0x0];
	s6 =	sadd.s32 $0x4, s6;
	[tilespmem:s11+$0x0] =	vst v2;
	v0 =	vadd.s32 $0x62000, v0;
	s9 =	sadd.s32 $0x40, s9  }
0xa6: {  	v2 =	vld [tilespmem:s30+$0xFFFFFFE0];
	p0 =	slt.u32 s6, $0x1C;
	v1 =	vadd.s32 $0x62000, v1;
	[tilespmem:s10+$0x0] =	vst v0;
	s10 =	sadd.s32 $0xFFFFFFD0, s9  }
.Ltmp4:
0xa7: {  	s11 =	sadd.s32 $0xFFFFFFE0, s9;
	s12 =	sadd.s32 $0xFFFFFFF0, s9;
	v0 =	vld [tilespmem:s30+$0xFFFFFFF0];
	[tilespmem:s8+$0x0] =	vst v1;
	(pc) =	sbr.rel @p0 .LBB2_10-.Ltmp4, $4  }
0xa8: {  	s8 =	sand.u32 $0x40, s10;
	s10 =	sand.u32 $0x180, s10;
	s11 =	sand.u32 $0x50, s11;
	v1 =	vld [tilespmem:s30+$0xFFFFFFD0]  }
0xa9: {  	s13 =	sand.u32 $0x70, s9;
	s12 =	sand.u32 $0x60, s12;
	s10 =	sor.u32 $0x1A00, s10  }
0xaa: {  	s8 =	sor.u32 s8, s10;
	s11 =	sor.u32 s11, s10;
	s13 =	sor.u32 s13, s10;
	v3 =	vadd.s32 $0x62000, v3  }
0xab: {  	s30 =	sadd.s32 $0x40, s30;
	s10 =	sor.u32 s12, s10;
	v2 =	vadd.s32 $0x62000, v2;
	[tilespmem:s13+$0x0] =	vst v3  }
0xac: {  	[tilespmem:s11+$0x0] =	vst v2;
	v0 =	vadd.s32 $0x62000, v0  }
0xad: {  	v1 =	vadd.s32 $0x62000, v1;
	[tilespmem:s10+$0x0] =	vst v0  }
0xae: {  	[tilespmem:s8+$0x0] =	vst v1  }
0xaf: {  	v1 =	vld [tilespmem:s7+$0x0];
	_ =	sdelay $0x2  }
0xb0: {  	v2 =	vld [tilespmem:s7+$0xFFFFFFE0]  }
0xb1: {  	v0 =	vld [tilespmem:s7+$0xFFFFFFF0]  }
0xb2: {  	v3 =	vadd.s32 $0x7A800, v1;
	v1 =	vld [tilespmem:s7+$0xFFFFFFD0]  }
0xb3: {  	s6 =	simm.s32 $0x0;
	s9 =	sor.u32 $0x1C00, s4  }
0xb4: {  	s30 =	simm.s32 $0xC30;
	s4 =	sor.u32 s24, s9;
	s5 =	sor.u32 s5, s9  }
0xb5: {  	s8 =	sor.u32 s19, s9;
	v2 =	vadd.s32 $0x7A800, v2;
	s7 =	sor.u32 s28, s9;
	[tilespmem:s5+$0x0] =	vst v3;
	s5 =	simm.s32 $0xA70  }
.LBB2_12:
0xb6: {  	v3 =	vld [tilespmem:s5+$0x0];
	s6 =	sadd.s32 $0x4, s6;
	[tilespmem:s8+$0x0] =	vst v2;
	v0 =	vadd.s32 $0x7A800, v0;
	s29 =	sadd.s32 $0x40, s29  }
0xb7: {  	s28 =	simm.s32 $0x30;
	v2 =	vld [tilespmem:s5+$0xFFFFFFE0];
	p0 =	slt.u32 s6, $0x1C;
	v1 =	vadd.s32 $0x7A800, v1;
	[tilespmem:s7+$0x0] =	vst v0;
	s7 =	sadd.s32 $0xFFFFFFD0, s29  }
.Ltmp5:
0xb8: {  	s8 =	sadd.s32 $0xFFFFFFE0, s29;
	s9 =	sadd.s32 $0xFFFFFFF0, s29;
	v0 =	vld [tilespmem:s5+$0xFFFFFFF0];
	[tilespmem:s4+$0x0] =	vst v1;
	(pc) =	sbr.rel @p0 .LBB2_12-.Ltmp5, $4  }
0xb9: {  	s4 =	sand.u32 $0x40, s7;
	s7 =	sand.u32 $0x180, s7;
	s8 =	sand.u32 $0x50, s8;
	v1 =	vld [tilespmem:s5+$0xFFFFFFD0]  }
0xba: {  	s10 =	sand.u32 $0x70, s29;
	s9 =	sand.u32 $0x60, s9;
	s7 =	sor.u32 $0x1C00, s7  }
0xbb: {  	s4 =	sor.u32 s4, s7;
	s8 =	sor.u32 s8, s7;
	s10 =	sor.u32 s10, s7;
	v3 =	vadd.s32 $0x7A800, v3  }
0xbc: {  	s5 =	sadd.s32 $0x40, s5;
	s7 =	sor.u32 s9, s7;
	v2 =	vadd.s32 $0x7A800, v2;
	[tilespmem:s10+$0x0] =	vst v3  }
0xbd: {  	[tilespmem:s8+$0x0] =	vst v2;
	v0 =	vadd.s32 $0x7A800, v0  }
0xbe: {  	v1 =	vadd.s32 $0x7A800, v1;
	[tilespmem:s7+$0x0] =	vst v0  }
0xbf: {  	[tilespmem:s4+$0x0] =	vst v1  }
0xc0: {  	v1 =	vld [tilespmem:s30+$0x0];
	_ =	sdelay $0x2  }
0xc1: {  	s6 =	simm.s32 $0x0;
	s5 =	simm.s32 $0x0;
	v2 =	vld [tilespmem:s30+$0xFFFFFFE0]  }
0xc2: {  	s11 =	simm.s32 $0x10;
	s12 =	simm.s32 $0x20;
	s24 =	sand.u32 $0x40, s5;
	v0 =	vld [tilespmem:s30+$0xFFFFFFF0]  }
0xc3: {  	s19 =	sand.u32 $0x50, s11;
	s29 =	sand.u32 $0x60, s12;
	s4 =	sand.u32 $0x180, s5;
	v3 =	vadd.s32 $0x93000, v1;
	v1 =	vld [tilespmem:s30+$0xFFFFFFD0]  }
0xc4: {  	s7 =	simm.s32 $0xE30;
	s5 =	sand.u32 $0x70, s28;
	s13 =	sor.u32 $0x1E00, s4  }
0xc5: {  	s8 =	sor.u32 s24, s13;
	s11 =	sor.u32 s19, s13;
	s9 =	sor.u32 s5, s13  }
0xc6: {  	s10 =	sor.u32 s29, s13;
	v2 =	vadd.s32 $0x93000, v2;
	s30 =	simm.s32 $0xC70;
	[tilespmem:s9+$0x0] =	vst v3;
	s9 =	simm.s32 $0x30  }
.LBB2_14:
0xc7: {  	v3 =	vld [tilespmem:s30+$0x0];
	s6 =	sadd.s32 $0x4, s6;
	[tilespmem:s11+$0x0] =	vst v2;
	v0 =	vadd.s32 $0x93000, v0;
	s9 =	sadd.s32 $0x40, s9  }
0xc8: {  	v2 =	vld [tilespmem:s30+$0xFFFFFFE0];
	p0 =	slt.u32 s6, $0x1C;
	v1 =	vadd.s32 $0x93000, v1;
	[tilespmem:s10+$0x0] =	vst v0;
	s10 =	sadd.s32 $0xFFFFFFD0, s9  }
.Ltmp6:
0xc9: {  	s11 =	sadd.s32 $0xFFFFFFE0, s9;
	s12 =	sadd.s32 $0xFFFFFFF0, s9;
	v0 =	vld [tilespmem:s30+$0xFFFFFFF0];
	[tilespmem:s8+$0x0] =	vst v1;
	(pc) =	sbr.rel @p0 .LBB2_14-.Ltmp6, $4  }
0xca: {  	s8 =	sand.u32 $0x40, s10;
	s10 =	sand.u32 $0x180, s10;
	s11 =	sand.u32 $0x50, s11;
	v1 =	vld [tilespmem:s30+$0xFFFFFFD0]  }
0xcb: {  	s13 =	sand.u32 $0x70, s9;
	s12 =	sand.u32 $0x60, s12;
	s10 =	sor.u32 $0x1E00, s10  }
0xcc: {  	s8 =	sor.u32 s8, s10;
	s11 =	sor.u32 s11, s10;
	s13 =	sor.u32 s13, s10;
	v3 =	vadd.s32 $0x93000, v3  }
0xcd: {  	s30 =	sadd.s32 $0x40, s30;
	s10 =	sor.u32 s12, s10;
	v2 =	vadd.s32 $0x93000, v2;
	[tilespmem:s13+$0x0] =	vst v3  }
0xce: {  	[tilespmem:s11+$0x0] =	vst v2;
	v0 =	vadd.s32 $0x93000, v0  }
0xcf: {  	v1 =	vadd.s32 $0x93000, v1;
	[tilespmem:s10+$0x0] =	vst v0  }
0xd0: {  	[tilespmem:s8+$0x0] =	vst v1  }
0xd1: {  	v1 =	vld [tilespmem:s7+$0x0];
	_ =	sdelay $0x2  }
0xd2: {  	v2 =	vld [tilespmem:s7+$0xFFFFFFE0]  }
0xd3: {  	v0 =	vld [tilespmem:s7+$0xFFFFFFF0]  }
0xd4: {  	v3 =	vadd.s32 $0xAB800, v1;
	v1 =	vld [tilespmem:s7+$0xFFFFFFD0]  }
0xd5: {  	s6 =	simm.s32 $0x0;
	s9 =	sor.u32 $0x2000, s4  }
0xd6: {  	s30 =	simm.s32 $0x1030;
	s4 =	sor.u32 s24, s9;
	s5 =	sor.u32 s5, s9  }
0xd7: {  	s8 =	sor.u32 s19, s9;
	v2 =	vadd.s32 $0xAB800, v2;
	s7 =	sor.u32 s29, s9;
	[tilespmem:s5+$0x0] =	vst v3;
	s5 =	simm.s32 $0xE70  }
.LBB2_16:
0xd8: {  	v3 =	vld [tilespmem:s5+$0x0];
	s6 =	sadd.s32 $0x4, s6;
	[tilespmem:s8+$0x0] =	vst v2;
	v0 =	vadd.s32 $0xAB800, v0;
	s28 =	sadd.s32 $0x40, s28  }
0xd9: {  	s29 =	simm.s32 $0x30;
	v2 =	vld [tilespmem:s5+$0xFFFFFFE0];
	p0 =	slt.u32 s6, $0x1C;
	v1 =	vadd.s32 $0xAB800, v1;
	[tilespmem:s7+$0x0] =	vst v0;
	s7 =	sadd.s32 $0xFFFFFFD0, s28  }
.Ltmp7:
0xda: {  	s8 =	sadd.s32 $0xFFFFFFE0, s28;
	s9 =	sadd.s32 $0xFFFFFFF0, s28;
	v0 =	vld [tilespmem:s5+$0xFFFFFFF0];
	[tilespmem:s4+$0x0] =	vst v1;
	(pc) =	sbr.rel @p0 .LBB2_16-.Ltmp7, $4  }
0xdb: {  	s4 =	sand.u32 $0x40, s7;
	s7 =	sand.u32 $0x180, s7;
	s8 =	sand.u32 $0x50, s8;
	v1 =	vld [tilespmem:s5+$0xFFFFFFD0]  }
0xdc: {  	s10 =	sand.u32 $0x70, s28;
	s9 =	sand.u32 $0x60, s9;
	s7 =	sor.u32 $0x2000, s7  }
0xdd: {  	s4 =	sor.u32 s4, s7;
	s8 =	sor.u32 s8, s7;
	s10 =	sor.u32 s10, s7;
	v3 =	vadd.s32 $0xAB800, v3  }
0xde: {  	s5 =	sadd.s32 $0x40, s5;
	s7 =	sor.u32 s9, s7;
	v2 =	vadd.s32 $0xAB800, v2;
	[tilespmem:s10+$0x0] =	vst v3  }
0xdf: {  	[tilespmem:s8+$0x0] =	vst v2;
	v0 =	vadd.s32 $0xAB800, v0  }
0xe0: {  	v1 =	vadd.s32 $0xAB800, v1;
	[tilespmem:s7+$0x0] =	vst v0  }
0xe1: {  	[tilespmem:s4+$0x0] =	vst v1  }
0xe2: {  	v4 =	vld [tilespmem:s30+$0xFFFFFFD0]  }
0xe3: {  	s5 =	simm.s32 $0x4;
	v3 =	vld [tilespmem:s30+$0xFFFFFFF0]  }
0xe4: {  	s6 =	simm.s32 $0x0;
	s9 =	sand.u32 $0x70, s29;
	s10 =	simm.s32 $0x10;
	v2 =	vld [tilespmem:s30+$0x0]  }
0xe5: {  	s8 =	simm.s32 $0x20;
	s28 =	sand.u32 $0x180, s6;
	s4 =	simm.s32 $0x1070;
	v1 =	vld [tilespmem:s30+$0xFFFFFFE0]  }
0xe6: {  	s6 =	sand.u32 $0x40, s6;
	s11 =	sand.u32 $0x50, s10;
	s7 =	sor.u32 $0x2200, s28;
	v0 =	vld [tilespmem:s4+$0xFFFFFFD0]  }
0xe7: {  	s10 =	sor.u32 s6, s7;
	s6 =	sor.u32 s11, s7;
	s9 =	sor.u32 s9, s7;
	v4 =	vadd.s32 $0xC4000, v4  }
.LBB2_18:
0xe8: {  	s5 =	sadd.s32 $0x4, s5;
	v3 =	vadd.s32 $0xC4000, v3  }
0xe9: {  	v5 =	vld [tilespmem:s4+$0xFFFFFFF0];
	[tilespmem:s10+$0x0] =	vst v4;
	s8 =	sand.u32 $0x60, s8;
	v4 =	vadd.s32 $0xC4000, v2;
	s29 =	sadd.s32 $0x40, s29;
	p0 =	slt.u32 s5, $0x1C  }
.Ltmp8:
0xea: {  	v2 =	vld [tilespmem:s4+$0x0];
	v6 =	vadd.s32 $0xC4000, v1;
	s7 =	sor.u32 s8, s7;
	[tilespmem:s9+$0x0] =	vst v4;
	(pc) =	sbr.rel @p0 .LBB2_18-.Ltmp8, $4  }
0xeb: {  	s9 =	sadd.s32 $0xFFFFFFD0, s29;
	s11 =	sand.u32 $0x70, s29;
	v1 =	vld [tilespmem:s4+$0xFFFFFFE0];
	s4 =	sadd.s32 $0x40, s4;
	[tilespmem:s7+$0x0] =	vst v3;
	v3 =	vmov v0  }
0xec: {  	s10 =	sadd.s32 $0xFFFFFFE0, s29;
	s8 =	sadd.s32 $0xFFFFFFF0, s29;
	s7 =	sand.u32 $0x180, s9;
	v0 =	vld [tilespmem:s4+$0xFFFFFFD0];
	[tilespmem:s6+$0x0] =	vst v6  }
0xed: {  	s7 =	sor.u32 $0x2200, s7;
	s6 =	sand.u32 $0x40, s9;
	s9 =	sand.u32 $0x50, s10  }
0xee: {  	v4 =	vadd.s32 $0xC4000, v3;
	s10 =	sor.u32 s6, s7;
	s6 =	sor.u32 s9, s7;
	s9 =	sor.u32 s11, s7;
	v3 =	vmov v5  }
0xef: {  	s5 =	sadd.s32 $0x40, s29;
	v5 =	vld [tilespmem:s4+$0x0]  }
0xf0: {  	[tilespmem:s10+$0x0] =	vst v4;
	v59 =	vld [tilespmem:s4+$0xFFFFFFF0];
	s8 =	sand.u32 $0x60, s8;
	v2 =	vadd.s32 $0xC4000, v2;
	s30 =	sadd.s32 $0xFFFFFFD0, s5  }
0xf1: {  	v3 =	vadd.s32 $0xC4000, v3;
	v60 =	vld [tilespmem:s4+$0xFFFFFFE0];
	s7 =	sor.u32 s8, s7;
	[tilespmem:s9+$0x0] =	vst v2;
	s11 =	sand.u32 $0x180, s30  }
0xf2: {  	v1 =	vadd.s32 $0xC4000, v1;
	[tilespmem:s7+$0x0] =	vst v3;
	s12 =	sand.u32 $0x40, s30;
	s4 =	sor.u32 $0x2200, s11  }
0xf3: {  	s13 =	sand.u32 $0x70, s5;
	s19 =	sadd.s32 $0xFFFFFFF0, s5;
	[tilespmem:s6+$0x0] =	vst v1;
	v0 =	vadd.s32 $0xC4000, v0;
	s24 =	sor.u32 s12, s4  }
0xf4: {  	s5 =	sadd.s32 $0xFFFFFFE0, s5;
	s29 =	sand.u32 $0x60, s19;
	s28 =	sor.u32 s13, s4;
	[tilespmem:s24+$0x0] =	vst v0;
	v61 =	vadd.s32 $0xC4000, v5  }
0xf5: {  	s5 =	sand.u32 $0x50, s5;
	s6 =	sor.u32 s29, s4;
	v62 =	vadd.s32 $0xC4000, v59;
	[tilespmem:s28+$0x0] =	vst v61  }
0xf6: {  	s4 =	sor.u32 s5, s4;
	v63 =	vadd.s32 $0xC4000, v60;
	[tilespmem:s6+$0x0] =	vst v62  }
0xf7: {  	[tilespmem:s4+$0x0] =	vst v63  }
0xf8: {  	s30 =	simm.s32 $0x1200;
	s4 =	simm.s32 $0x0;
	[bflag:$0x0] =	sbarrier.arrive $0xFFFF  }
0xf9: {  	[tilespmem:s20], [sflag:$0x2] =	stream.indirect.gather [spmem:s2], $0x1, s30, s0, $0xb8;
	[tilespmem:$0x10590] =	vst v63  }
.LBB2_20:
0xfa: {  	s5 =	sshllo.u32 s4, $0x1  }
0xfb: {  	s5 =	sshll.u32 s5, $0x7  }
0xfc: {  	s6 =	sand.u32 $0x3FFFFF80, s5  }
0xfd: {  	s6 =	sadd.s32 $0x1200, s6  }
0xfe: {  	[tilespmem:s21], [sflag:$0x3] =	stream.indirect.gather [spmem:s2], $0x1, s6, s0, $0xb8;
	[tilespmem:$0x10590] =	vst v63  }
0xff: {  	s7 =	sshll.u32 s4, $0x8;
	p0 =	por $0x1, $0x1;
	_ =	swait.ge [sflag:s22], $0x80  }
0x100: {  	s8 =	simm.s32 $0x0;
	s7 =	sand.u32 $0x100, s7;
	[sflag:s22] =	ssyncset.done $0x0  }
0x101: {  	s7 =	sor.u32 $0x2400, s7;
	s6 =	sshll.u32 s4, $0x1;
	[sflag:s22] =	ssyncadd.s32 $0xFFFFFF80  }
.LBB2_21:
0x102: {  	v0 =	vld [tilespmem:s8+$0x2600]  }
0x103: {  	v1 =	vld [tilespmem:s8+$0x2610]  }
0x104: {  	v2 =	vld [tilespmem:s8+$0x2620]  }
0x105: {  	v3 =	vld [tilespmem:s8+$0x2630];
	p1 =	por p0, p0  }
.Ltmp9:
0x106: {  	s30 =	sadd.s32 s8, s7;
	(pc) =	sbr.rel @p1 .LBB2_21-.Ltmp9, $4  }
0x107: {  	[tilespmem:s30+$0x0] =	vst.add.f32.msk $0xffff, v0  }
0x108: {  	[tilespmem:s30+$0x10] =	vst.add.f32.msk $0xffff, v1  }
0x109: {  	[tilespmem:s30+$0x20] =	vst.add.f32.msk $0xffff, v2  }
0x10a: {  	s8 =	simm.s32 $0x40;
	p0 =	por $0x0, $0x0;
	[tilespmem:s30+$0x30] =	vst.add.f32.msk $0xffff, v3  }
0x10b: {  	s6 =	smin.u32 s6, $0x21  }
0x10c: {  	s6 =	sshll.u32 s6, $0x7  }
0x10d: {  	s6 =	sadd.s32 $0x1300, s6  }
0x10e: {  	[tilespmem:s20], [sflag:$0x2] =	stream.indirect.gather [spmem:s2], $0x1, s6, s0, $0xb8;
	[tilespmem:$0x10590] =	vst v63  }
0x10f: {  	_ =	swait.ge [sflag:s23], $0x80  }
0x110: {  	s5 =	sand.u32 $0x180, s5;
	p0 =	por $0x1, $0x1;
	[sflag:s23] =	ssyncset.done $0x0  }
0x111: {  	s5 =	sor.u32 $0x2400, s5;
	s6 =	simm.s32 $0x0;
	[sflag:s23] =	ssyncadd.s32 $0xFFFFFF80  }
.LBB2_23:
0x112: {  	v0 =	vld [tilespmem:s6+$0x2680]  }
0x113: {  	v1 =	vld [tilespmem:s6+$0x2690]  }
0x114: {  	v2 =	vld [tilespmem:s6+$0x26A0]  }
0x115: {  	v3 =	vld [tilespmem:s6+$0x26B0];
	p1 =	por p0, p0  }
.Ltmp10:
0x116: {  	s30 =	sadd.s32 s6, s5;
	(pc) =	sbr.rel @p1 .LBB2_23-.Ltmp10, $4  }
0x117: {  	[tilespmem:s30+$0x0] =	vst.add.f32.msk $0xffff, v0  }
0x118: {  	[tilespmem:s30+$0x10] =	vst.add.f32.msk $0xffff, v1  }
0x119: {  	[tilespmem:s30+$0x20] =	vst.add.f32.msk $0xffff, v2  }
0x11a: {  	s6 =	simm.s32 $0x40;
	p0 =	por $0x0, $0x0;
	[tilespmem:s30+$0x30] =	vst.add.f32.msk $0xffff, v3  }
0x11b: {  	s4 =	sadd.s32 $0x1, s4  }
0x11c: {  	p0 =	sne.s32 s4, $0x12  }
.Ltmp11:
0x11d: {  	_ = 	snop;
	(pc) =	sbr.rel @p0 .LBB2_20-.Ltmp11, $1  }
0x11e: {  	_ =	sdelay $0x3  }
0x11f: {  	_ =	swait.ge [sflag:s22], $0x80  }
0x120: {  	[sflag:s22] =	ssyncset.done $0x0  }
0x121: {  	[sflag:s22] =	ssyncadd.s32 $0xFFFFFF80  }
0x122: {  	s4 =	simm.s32 $0x2420;
	v0 =	vld [tilespmem:$0x2900]  }
0x123: {  	v1 =	vld [tilespmem:s4+$0xFFFFFFE0]  }
0x124: {  	v2 =	vld [tilespmem:s4+$0x10]  }
0x125: {  	v4 =	vld [tilespmem:s4+$0x0];
	_ =	sdelay $0x1  }
0x126: {  	v5 =	vld [tilespmem:s4+$0xFFFFFFF0]  }
0x127: {  	s5 =	simm.s32 $0x2460;
	v6 =	vadd.f32 v1, v0  }
0x128: {  	s4 =	simm.s32 $0x2720;
	v3 =	vld [tilespmem:s5+$0xFFFFFFE0];
	v7 =	vadd.f32 v2, v0  }
0x129: {  	v1 =	vld [tilespmem:s5+$0x10];
	[tilespmem:s4+$0xFFFFFFE0] =	vst v6;
	v6 =	vadd.f32 v4, v0  }
0x12a: {  	v2 =	vld [tilespmem:s5+$0x0];
	[tilespmem:s4+$0x10] =	vst v7  }
0x12b: {  	s6 =	simm.s32 $0x4;
	v5 =	vadd.f32 v5, v0;
	v4 =	vld [tilespmem:s5+$0xFFFFFFF0];
	[tilespmem:s4+$0x0] =	vst v6  }
.LBB2_26:
0x12c: {  	s6 =	sadd.s32 $0x4, s6  }
0x12d: {  	[tilespmem:s4+$0xFFFFFFF0] =	vst v5;
	s4 =	sadd.s32 $0x40, s4;
	p0 =	slt.u32 s6, $0x1C  }
.Ltmp12:
0x12e: {  	s5 =	sadd.s32 $0x40, s5;
	v5 =	vadd.f32 v3, v0;
	(pc) =	sbr.rel @p0 .LBB2_26-.Ltmp12, $4  }
0x12f: {  	v3 =	vld [tilespmem:s5+$0xFFFFFFE0];
	v6 =	vadd.f32 v1, v0  }
0x130: {  	v1 =	vld [tilespmem:s5+$0x10];
	[tilespmem:s4+$0xFFFFFFE0] =	vst v5;
	v7 =	vadd.f32 v2, v0  }
0x131: {  	v2 =	vld [tilespmem:s5+$0x0];
	v5 =	vadd.f32 v4, v0;
	[tilespmem:s4+$0x10] =	vst v6  }
0x132: {  	v4 =	vld [tilespmem:s5+$0xFFFFFFF0];
	[tilespmem:s4+$0x0] =	vst v7  }
0x133: {  	_ = 	snop  }
0x134: {  	v3 =	vadd.f32 v3, v0  }
0x135: {  	[tilespmem:s4+$0xFFFFFFF0] =	vst v5;
	s29 =	sadd.s32 $0x40, s4;
	v1 =	vadd.f32 v1, v0  }
0x136: {  	[tilespmem:s29+$0xFFFFFFE0] =	vst v3;
	v2 =	vadd.f32 v2, v0  }
0x137: {  	s26 =	sadd.s32 $0x1, s26;
	v63 =	vadd.f32 v4, v0;
	[tilespmem:s29+$0x10] =	vst v1  }
0x138: {  	p0 =	sne.s32 s26, s18;
	[tilespmem:s29+$0x0] =	vst v2  }
.Ltmp13:
0x139: {  	s30 =	simm.s32 $0x2700;
	[tilespmem:s29+$0xFFFFFFF0] =	vst v63;
	(pc) =	sbr.rel @p0 .LBB2_1-.Ltmp13, $4  }
0x13a: {  	[hbm4b:s17+s3] =	stream.linear.scatter [tilespmem:s30], [sflag:$0x4], $0x200, $0x38;
	[tilespmem:$0x10590] =	vst v63  }
0x13b: {  	_ =	swait.ge [sflag:s31], $0x200  }
0x13c: {  	[sflag:s31] =	ssyncset.done $0x0  }
0x13d: {  	[sflag:s31] =	ssyncadd.s32 $0xFFFFFE00  }
0x13e: {  	_ =	sfence.sel $0x180000  }
0x13f: {  	[bflag:$0x0] =	sbarrier.arrive $0xFFFF  }
0x140: {  	_ =	strace $0x9000004D  }
0x141: {  	s0 =	stileid.u32;
	[bflag:$0x2] =	sbarrier.arrive $0xFFFF  }
0x142: {  	p0 =	sne.s32 s0, $0x0;
	s0 =	rddreg [dreg:$0xc]  }
0x143: {  	s0 =	sadd.s32 @!p0 $0x100000, s0  }
0x144: {  	[sflag:s0] =	ssyncadd.tile.s32 @!p0 $0x1;
	_ =	shalt  }
.Lfunc_end2:
_tile_overlayer_lowered:
.L_overlay_start_2:
0x145: {  	(tag) =	ssettag $0x2  }
0x146: {  	s0 =	rddreg [dreg:$0x0];
	s2 =	stileid.u32  }
0x147: {  	s1 =	rddreg [dreg:$0x1];
	p0 =	sne.s32 s2, $0x0  }
0x148: {  	s3 =	rddreg [dreg:$0x2];
	[bflag:$0x3] =	sbarrier.arrive $0xFFFF;
	s2 =	simm.s32 @!p0 $0x1C04  }
0x149: {  	[timem:s3], [sflag:s2] =	dma.local @!p0 [hbm:s0], s1  }
0x14a: {  	s0 =	simm.s32 @!p0 $0x4  }
0x14b: {  	_ =	swait.ge @!p0 [sflag:s0], s1  }
0x14c: {  	s1 =	ssub.s32 @!p0 $0x0, s1;
	[sflag:s0] =	ssyncset.done @!p0 $0x0  }
0x14d: {  	[sflag:s0] =	ssyncadd.s32 @!p0 s1  }
0x14e: {  	[bflag:$0x3] =	sbarrier.arrive $0xFFFF  }
0x14f: {  	_ =	shalt  }

// kernel: kernel.19.cloned.1.call-start
scs
__scs_entry_jumppad:
0x0: {  	(pc) =	sbr.rel $0x88, $3  }
0x1: {  	(tag) =	ssettag $0x0;
	lr =	simm.s32 $0x1  }
0x2: {  	[smem:$0x3F85] =	sst lr;
	_ =	strace $0xD0000000  }
0x3: {  	_ = 	snop  }
0x4: {  	_ = 	snop  }
0x5: {  	_ = 	snop  }
0x6: {  	_ = 	snop  }
0x7: {  	_ = 	snop  }
__scs_overlays_trampoline_lowered:
0x8: {  	[smem:$0x3F94] =	sst s0  }
0x9: {  	[smem:$0x3F95] =	sst s1  }
0xa: {  	[smem:$0x3F96] =	sst s2  }
0xb: {  	[smem:$0x3F97] =	sst s3  }
0xc: {  	[smem:$0x3F98] =	sst s4  }
0xd: {  	[smem:$0x3F99] =	sst s5  }
0xe: {  	[smem:$0x3F9A] =	sst s6  }
0xf: {  	[smem:$0x3F9B] =	sst s7  }
0x10: {  	[smem:$0x3F9C] =	sst s8  }
0x11: {  	[smem:$0x3F9D] =	sst s9;
	s0 =	simm.s32 @!p0 $0x0  }
0x12: {  	s1 =	sld [smem:$0x3F83];
	s0 =	simm.s32 @p0 $0x1  }
0x13: {  	[smem:$0x3F9E] =	sst s0;
	s0 =	simm.s32 @!p1 $0x0  }
0x14: {  	s2 =	sld [smem:$0x3F82];
	s0 =	simm.s32 @p1 $0x1  }
0x15: {  	[smem:$0x3F9F] =	sst s0;
	s0 =	simm.s32 @!p2 $0x0  }
0x16: {  	s3 =	sld [smem:$0x3FDB];
	s0 =	simm.s32 @p2 $0x1  }
0x17: {  	s4 =	simm.s32 $0x1BF5;
	[smem:$0x3FA1] =	sst s0  }
0x18: {  	s0 =	sld [smem:$0x3F84];
	_ =	swait.ge [sflag:s4], $0x0  }
0x19: {  	s7 =	sld [smem:$0x3F85]  }
0x1a: {  	s8 =	sadd.s32 $0xFFFFE003, lr  }
0x1b: {  	s9 =	sadd.s32 $0xFFFFFEF7, lr;
	s5 =	simm.s32 $0xFFFFFFFF;
	p2 =	slt.u32 s8, $0xFFFFF086  }
0x1c: {  	p1 =	slt.u32 s9, $0xF7A;
	s5 =	simm.s32 @!p2 $0x0  }
0x1d: {  	s5 =	simm.s32 @p1 $0x1;
	p0 =	seq.s32 s7, s2  }
0x1e: {  	s7 =	smul.u32 @!p0 $0xF7A, s2;
	p2 =	seq.s32 @!p0 s5, $0x0  }
0x1f: {  	s9 =	smul.u32 $0xF7A, s1;
	s8 =	simm.s32 @!p0 $0x1BF5;
	p2 =	por !p2, p0  }
0x20: {  	[sflag:s8] =	ssyncset.s32 @!p0 $0xFFFFF086;
	s6 =	sadd.s32 @!p0 s3, s7;
	s7 =	simm.s32 @!p0 $0x108  }
0x21: {  	s3 =	sadd.s32 s3, s9;
	s6 =	sadd.s32 @!p0 $0x88, s6;
	s7 =	simm.s32 @p2 $0x1082  }
0x22: {  	[simem:s7], [sflag:s8] =	dma.local @!p0 [hbm:s6], $0xF7A  }
0x23: {  	s9 =	sor.u32 $0xD0000000, s2;
	s6 =	simm.s32 $0x108;
	_ =	swait.ge @!p0 [sflag:s8], $0x0  }
0x24: {  	s3 =	sadd.s32 $0x88, s3;
	s6 =	simm.s32 @!p1 $0x1082;
	[sflag:s4] =	ssyncset.s32 $0xFFFFF086  }
0x25: {  	[simem:s6], [sflag:s4] =	dma.local [hbm:s3], $0xF7A  }
0x26: {  	[smem:$0x3F85] =	sst s1;
	(tag) =	ssettag s2;
	_ =	strace s9  }
0x27: {  	s1 =	sld [smem:$0x3F95]  }
0x28: {  	s2 =	sld [smem:$0x3F96]  }
0x29: {  	s4 =	sld [smem:$0x3F98]  }
0x2a: {  	p0 =	seq.s32 s5, $0x0;
	s5 =	sld [smem:$0x3F99]  }
0x2b: {  	s6 =	sld [smem:$0x3F9A]  }
0x2c: {  	s7 =	sld [smem:$0x3F9B]  }
0x2d: {  	s3 =	simm.s32 $0x108;
	s8 =	sld [smem:$0x3F9C]  }
0x2e: {  	s3 =	simm.s32 @!p0 $0x1082;
	s9 =	sld [smem:$0x3F9D]  }
0x2f: {  	lr =	sadd.s32 s0, s3;
	s0 =	sld [smem:$0x3F94]  }
0x30: {  	s3 =	sld [smem:$0x3F97]  }
0x31: {  	[smem:$0x3FA0] =	sst s10  }
0x32: {  	s10 =	sld [smem:$0x3F9E];
	_ =	sdelay $0x3  }
0x33: {  	p0 =	seq.s32 s10, $0x1;
	s10 =	sld [smem:$0x3FA0];
	_ =	sdelay $0x3  }
0x34: {  	[smem:$0x3FA0] =	sst s10  }
0x35: {  	s10 =	sld [smem:$0x3F9F];
	_ =	sdelay $0x3  }
0x36: {  	p1 =	seq.s32 s10, $0x1;
	s10 =	sld [smem:$0x3FA0];
	_ =	sdelay $0x3  }
0x37: {  	[smem:$0x3FA0] =	sst s10  }
0x38: {  	s10 =	sld [smem:$0x3FA1]  }
0x39: {  	_ = 	snop;
	(pc) =	sbr.ind lr, $3  }
0x3a: {  	_ = 	snop  }
0x3b: {  	_ = 	snop  }
0x3c: {  	p2 =	seq.s32 s10, $0x1;
	s10 =	sld [smem:$0x3FA0]  }
0x3d: {  	_ =	shalt  }
0x3e: {  	_ =	shalt  }
0x3f: {  	_ =	shalt  }
0x40: {  	_ =	shalt  }
0x41: {  	_ =	shalt  }
0x42: {  	_ =	shalt  }
0x43: {  	_ =	shalt  }
0x44: {  	_ =	shalt  }
0x45: {  	_ =	shalt  }
0x46: {  	_ =	shalt  }
0x47: {  	_ =	shalt  }
0x48: {  	_ =	shalt  }
0x49: {  	_ =	shalt  }
0x4a: {  	_ =	shalt  }
0x4b: {  	_ =	shalt  }
0x4c: {  	_ =	shalt  }
0x4d: {  	_ =	shalt  }
0x4e: {  	_ =	shalt  }
0x4f: {  	_ =	shalt  }
0x50: {  	_ =	shalt  }
0x51: {  	_ =	shalt  }
0x52: {  	_ =	shalt  }
0x53: {  	_ =	shalt  }
0x54: {  	_ =	shalt  }
0x55: {  	_ =	shalt  }
0x56: {  	_ =	shalt  }
0x57: {  	_ =	shalt  }
0x58: {  	_ =	shalt  }
0x59: {  	_ =	shalt  }
0x5a: {  	_ =	shalt  }
0x5b: {  	_ =	shalt  }
0x5c: {  	_ =	shalt  }
0x5d: {  	_ =	shalt  }
0x5e: {  	_ =	shalt  }
0x5f: {  	_ =	shalt  }
0x60: {  	_ =	shalt  }
0x61: {  	_ =	shalt  }
0x62: {  	_ =	shalt  }
0x63: {  	_ =	shalt  }
0x64: {  	_ =	shalt  }
0x65: {  	_ =	shalt  }
0x66: {  	_ =	shalt  }
0x67: {  	_ =	shalt  }
0x68: {  	_ =	shalt  }
0x69: {  	_ =	shalt  }
0x6a: {  	_ =	shalt  }
0x6b: {  	_ =	shalt  }
0x6c: {  	_ =	shalt  }
0x6d: {  	_ =	shalt  }
0x6e: {  	_ =	shalt  }
0x6f: {  	_ =	shalt  }
0x70: {  	_ =	shalt  }
0x71: {  	_ =	shalt  }
0x72: {  	_ =	shalt  }
0x73: {  	_ =	shalt  }
0x74: {  	_ =	shalt  }
0x75: {  	_ =	shalt  }
0x76: {  	_ =	shalt  }
0x77: {  	_ =	shalt  }
0x78: {  	_ =	shalt  }
0x79: {  	_ =	shalt  }
0x7a: {  	_ =	shalt  }
0x7b: {  	_ =	shalt  }
0x7c: {  	_ =	shalt  }
0x7d: {  	_ =	shalt  }
0x7e: {  	_ =	shalt  }
0x7f: {  	_ =	shalt  }
0x80: {  	_ =	shalt  }
0x81: {  	_ =	shalt  }
0x82: {  	_ =	shalt  }
0x83: {  	_ =	shalt  }
0x84: {  	_ =	shalt  }
0x85: {  	_ =	shalt  }
0x86: {  	_ =	shalt  }
0x87: {  	_ =	shalt  }
.Lfunc_end0:
.L_simem_size_0:
called_computation.3_lowered:
.L_overlay_start_0:
0x88: {  	s2 =	sld [smem:$0x3FD9]  }
0x89: {  	s3 =	sld [smem:$0x3FFE];
	_ =	sdelay $0x1  }
0x8a: {  	s1 =	srdreg.scid  }
0x8b: {  	s0 =	sand.u32 $0x1, s1  }
0x8c: {  	s17 =	sshll.u32 s0, $0xA;
	s2 =	sadd.s32 s3, s2  }
0x8d: {  	s2 =	sadd.s32 s2, s17  }
0x8e: {  	[smem:$0x3FAC] =	sst s2  }
0x8f: {  	_ = 	snop  }
0x90: {  	s2 =	sld [smem:$0x3FB4]  }
0x91: {  	s18 =	sld [smem:$0x3FB3]  }
0x92: {  	s4 =	sld [smem:$0x3FB2]  }
0x93: {  	s5 =	sld [smem:$0x3FB1]  }
0x94: {  	s6 =	sld [smem:$0x3FB0]  }
0x95: {  	s7 =	sld [smem:$0x3FD0];
	(tm) =	ssettm $0x1  }
0x96: {  	s8 =	sld [smem:$0x3FFB];
	_ =	sdelay $0x3  }
0x97: {  	_ =	strace s8  }
0x98: {  	s8 =	sld [smem:$0x3FFC];
	_ =	sdelay $0x3  }
0x99: {  	_ =	strace s8  }
0x9a: {  	s8 =	sld [smem:$0x3FFD];
	_ =	sdelay $0x3  }
0x9b: {  	_ =	strace s8  }
0x9c: {  	_ =	strace $0x8FFFFFFF  }
0x9d: {  	s19 =	sld [smem:$0x3FDB];
	_ =	sdelay $0x1  }
0x9e: {  	s9 =	simm.s32 $_scs_section_size  }
0x9f: {  	s10 =	simm.s32 $_size__tile_overlayer_lowered;
	s11 =	simm.s32 $_tile_overlayer_lowered  }
0xa0: {  	s22 =	simm.s32 $0x1BFF;
	s21 =	sshll.u32 s11, $0x1;
	s8 =	sadd.s32 s9, s19  }
0xa1: {  	s12 =	simm.s32 $0x0;
	s20 =	sshll.u32 s10, $0x1;
	s10 =	sadd.s32 s21, s8  }
0xa2: {  	[timem:s12], [sflag:s22] =	dma.local [hbm:s10], s20  }
0xa3: {  	_ =	swait.ge [sflag:s22], s20  }
0xa4: {  	s9 =	ssub.s32 $0x0, s20;
	[sflag:s22] =	ssyncset.done $0x0  }
0xa5: {  	[sflag:s22] =	ssyncadd.s32 s9;
	_ =	sdelay $0x1  }
0xa6: {  	s23 =	simm.s32 $0x1B8B  }
0xa7: {  	_ =	swait.ge [sflag:s23], $0x1  }
0xa8: {  	[sflag:s23] =	ssyncset.done $0x0  }
0xa9: {  	s25 =	simm.s32 $0x1B8E;
	s24 =	sld [smem:$0x3FFE];
	[sflag:s23] =	ssyncadd.s32 $0xFFFFFFFF  }
0xaa: {  	s26 =	simm.s32 $execute0_lowered;
	[smem:$0x3FD2] =	sst s25  }
0xab: {  	s10 =	sshll.u32 s26, $0x1;
	_ =	strace $0x8000004F;
	[dreg:$0x1] =	wrdreg $0xFFFFFFFF  }
0xac: {  	s28 =	simm.s32 $_size_execute0_lowered;
	s8 =	sadd.s32 s8, s10;
	[dreg:$0x0] =	wrdreg $0x0  }
0xad: {  	s10 =	sshll.u32 s28, $0x1;
	[dreg:$0x2] =	wrdreg s8  }
0xae: {  	[dreg:$0x3] =	wrdreg s10  }
0xaf: {  	[dreg:$0x4] =	wrdreg $0xC0  }
0xb0: {  	_ =	task [dreg:s12], $0x5FFFF  }
0xb1: {  	[dreg:$0x1] =	wrdreg $0xFFFFFFFF  }
0xb2: {  	[dreg:$0x0] =	wrdreg $0x60  }
0xb3: {  	[dreg:$0x2] =	wrdreg s2  }
0xb4: {  	[dreg:$0x3] =	wrdreg s18  }
0xb5: {  	[dreg:$0x4] =	wrdreg s4  }
0xb6: {  	[dreg:$0x5] =	wrdreg s5  }
0xb7: {  	[dreg:$0x6] =	wrdreg s6  }
0xb8: {  	[dreg:$0x7] =	wrdreg s24  }
0xb9: {  	[dreg:$0x8] =	wrdreg s7  }
0xba: {  	[dreg:$0x9] =	wrdreg $0x19100  }
0xbb: {  	[dreg:$0xa] =	wrdreg $0x9  }
0xbc: {  	_ =	task.clear_ibuf [dreg:s12], $0xBFFFF;
	_ =	strace $0x9000004F  }
0xbd: {  	s29 =	simm.s32 $0x9;
	_ =	strace $0x80000051  }
0xbe: {  	_ =	swait.ge [sflag:s29], $0x1  }
0xbf: {  	[sflag:s29] =	ssyncadd.s32 $0xFFFFFFFF  }
0xc0: {  	_ =	strace $0x90000051  }
0xc1: {  	_ =	sfence  }
0xc2: {  	s30 =	sld [smem:$0x0];
	_ =	sdelay $0x2  }
0xc3: {  	s31 =	sshll.u32 s1, $0xD;
	s1 =	sshrl.u32 s1, $0x2  }
0xc4: {  	s3 =	sand.u32 $0x4000, s31;
	s1 =	sadd.s32 s1, s30  }
0xc5: {  	s0 =	sor.u32 s3, s0;
	s1 =	sshll.u32 s1, $0x11  }
0xc6: {  	s0 =	sor.u32 s1, s0  }
0xc7: {  	s0 =	sadd.s32 $0x8F2B, s0  }
0xc8: {  	[sflag:s0] =	ssyncadd.remote.s32 $0x1  }
0xc9: {  	_ =	sfence.sel $0xFFFF  }
0xca: {  	[dreg:$0x0] =	wrdreg $0xFFFFFFFF;
	(pc) =	sbr.abs _section_cstart, $3  }
0xcb: {  	[dreg:$0x1] =	wrdreg $0xFFFFFFFF  }
0xcc: {  	_ =	task.clear_ibuf [dreg:s12], $0x2FFFF;
	_ =	strace $0x9FFFFFFF  }
0xcd: {  	(tm) =	ssettm $0x7FFFFFFF  }
tec
execute0_lowered:
.L_overlay_start_1:
0x0: {  	(tag) =	ssettag $0x1  }
0x1: {  	s0 =	rddreg [dreg:$0x0]  }
0x2: {  	s1 =	rddreg [dreg:$0x1]  }
0x3: {  	s4 =	rddreg [dreg:$0x2]  }
0x4: {  	s5 =	rddreg [dreg:$0x3]  }
0x5: {  	s6 =	rddreg [dreg:$0x4]  }
0x6: {  	s7 =	rddreg [dreg:$0x5]  }
0x7: {  	s13 =	rddreg [dreg:$0x6]  }
0x8: {  	s2 =	rddreg [dreg:$0x7]  }
0x9: {  	s3 =	simm.s32 $0x0;
	s17 =	stileid.u32;
	s8 =	srdreg.scid  }
0xa: {  	s28 =	simm.s32 $0x1680;
	s29 =	simm.s32 $0x2;
	s30 =	simm.s32 $0x3  }
0xb: {  	[smem:$0x7FF] =	sst s3;
	s11 =	smul.u32 $0x7A80, s17;
	s8 =	sand.u32 $0x1, s8  }
0xc: {  	s10 =	sshll.u32 s17, $0x7;
	s19 =	sadd.s32 $0x1800, s7;
	s31 =	sshll.u32 s17, $0x6  }
0xd: {  	_ =	strace $0x80000050;
	s12 =	sshll.u32 s8, $0x6;
	s8 =	ssub.s32 $0x2, s8  }
0xe: {  	[dreg:$0x9] =	wrdreg s19;
	s9 =	sshrl.u32 s11, $0x3;
	s15 =	sor.u32 s12, s10  }
0xf: {  	s20 =	sshrl.u32 s8, $0x1;
	s26 =	sadd.s32 s11, s2;
	s0 =	sadd.s32 s0, s15  }
0x10: {  	s12 =	sor.u32 $0x1C04, s31;
	s21 =	sadd.s32 s1, s15;
	[dreg:$0xa] =	wrdreg s0  }
0x11: {  	s14 =	sadd.s32 s9, s7;
	s22 =	sadd.s32 s4, s15;
	[dreg:$0xb] =	wrdreg s21  }
0x12: {  	s7 =	sadd.s32 s15, s7;
	s23 =	sadd.s32 s5, s15;
	[dreg:$0xc] =	wrdreg s22  }
0x13: {  	s16 =	ssub.s32 s8, s20;
	s24 =	sadd.s32 s6, s15;
	[dreg:$0xd] =	wrdreg s23  }
0x14: {  	s13 =	sadd.s32 s13, s15;
	[dreg:$0xe] =	wrdreg s24;
	s25 =	sadd.s32 $0x1A00, s7  }
0x15: {  	s11 =	sadd.s32 $0x2200, s14;
	s14 =	smax.u32 s16, $0x1;
	s21 =	sshrl.u32 s26, $0x3  }
0x16: {  	s22 =	simm.s32 $0x4;
	s23 =	simm.s32 $0x1;
	s24 =	simm.s32 $0x80  }
0x17: {  	s26 =	simm.s32 $0x1600;
	s0 =	simm.s32 $0x0;
	[dreg:$0xf] =	wrdreg s25  }
.LBB2_1:
0x18: {  	s1 =	rddreg [dreg:$0xa]  }
0x19: {  	[tilespmem:s3], [sflag:$0x1] =	stream.linear.gather [hbm4b:s1+s3], $0x200, $0x38;
	[tilespmem:$0x9390] =	vst v63  }
0x1a: {  	s17 =	rddreg [dreg:$0xb];
	s4 =	simm.s32 $0x200  }
0x1b: {  	[tilespmem:s4], [sflag:$0x1] =	stream.linear.gather [hbm4b:s17+s3], $0x200, $0x38;
	[tilespmem:$0x9390] =	vst v63  }
0x1c: {  	s18 =	rddreg [dreg:$0xc];
	s19 =	simm.s32 $0x400  }
0x1d: {  	[tilespmem:s19], [sflag:$0x1] =	stream.linear.gather [hbm4b:s18+s3], $0x200, $0x38;
	[tilespmem:$0x9390] =	vst v63  }
0x1e: {  	s20 =	rddreg [dreg:$0xd];
	s25 =	simm.s32 $0x600  }
0x1f: {  	[tilespmem:s25], [sflag:$0x1] =	stream.linear.gather [hbm4b:s20+s3], $0x200, $0x38;
	[tilespmem:$0x9390] =	vst v63  }
0x20: {  	s5 =	simm.s32 $0x800;
	s4 =	rddreg [dreg:$0xe]  }
0x21: {  	[tilespmem:s5], [sflag:$0x1] =	stream.linear.gather [hbm4b:s4+s3], $0x200, $0x38;
	[tilespmem:$0x9390] =	vst v63  }
0x22: {  	s6 =	rddreg [dreg:$0x9];
	s7 =	simm.s32 $0x1900  }
0x23: {  	[tilespmem:s7], [sflag:$0x1] =	stream.linear.gather [hbm4b:s6+s3], $0x10, $0x38;
	[tilespmem:$0x9390] =	vst v63  }
0x24: {  	s8 =	rddreg [dreg:$0xf];
	s9 =	simm.s32 $0x1400  }
0x25: {  	[tilespmem:s9], [sflag:$0x1] =	stream.linear.gather [hbm4b:s8+s3], $0x200, $0x38;
	[tilespmem:$0x9390] =	vst v63  }
0x26: {  	[spmem:s21], [sflag:s12] =	dma.local [hbm:s11], $0xF50  }
0x27: {  	_ =	swait.ge [sflag:s22], $0xF50  }
0x28: {  	[sflag:s22] =	ssyncset.done $0x0  }
0x29: {  	[sflag:s22] =	ssyncadd.s32 $0xFFFFF0B0  }
0x2a: {  	_ =	swait.ge [sflag:s23], $0x200  }
0x2b: {  	[sflag:s23] =	ssyncset.done $0x0  }
0x2c: {  	[sflag:s23] =	ssyncadd.s32 $0xFFFFFE00  }
0x2d: {  	_ =	swait.ge [sflag:s23], $0x200  }
0x2e: {  	[sflag:s23] =	ssyncset.done $0x0  }
0x2f: {  	[sflag:s23] =	ssyncadd.s32 $0xFFFFFE00  }
0x30: {  	_ =	swait.ge [sflag:s23], $0x200  }
0x31: {  	[sflag:s23] =	ssyncset.done $0x0  }
0x32: {  	[sflag:s23] =	ssyncadd.s32 $0xFFFFFE00  }
0x33: {  	_ =	swait.ge [sflag:s23], $0x200  }
0x34: {  	[sflag:s23] =	ssyncset.done $0x0  }
0x35: {  	[sflag:s23] =	ssyncadd.s32 $0xFFFFFE00  }
0x36: {  	_ =	swait.ge [sflag:s23], $0x200  }
0x37: {  	[sflag:s23] =	ssyncset.done $0x0  }
0x38: {  	[sflag:s23] =	ssyncadd.s32 $0xFFFFFE00  }
0x39: {  	_ =	swait.ge [sflag:s23], $0x10  }
0x3a: {  	[sflag:s23] =	ssyncset.done $0x0  }
0x3b: {  	[sflag:s23] =	ssyncadd.s32 $0xFFFFFFF0  }
0x3c: {  	_ =	swait.ge [sflag:s23], $0x200  }
0x3d: {  	[sflag:s23] =	ssyncset.done $0x0  }
0x3e: {  	s10 =	simm.s32 $0x20;
	[sflag:s23] =	ssyncadd.s32 $0xFFFFFE00  }
0x3f: {  	v1 =	vld [tilespmem:s10+$0x10]  }
0x40: {  	s5 =	simm.s32 $0x0  }
0x41: {  	s15 =	simm.s32 $0x30;
	s16 =	sand.u32 $0x180, s5;
	v2 =	vld [tilespmem:s10+$0xFFFFFFF0]  }
0x42: {  	s17 =	simm.s32 $0x20;
	s19 =	sand.u32 $0x70, s15;
	s7 =	sor.u32 $0xA00, s16  }
0x43: {  	s17 =	sand.u32 $0x60, s17;
	s6 =	simm.s32 $0x10;
	s25 =	sor.u32 s19, s7;
	v0 =	vld [tilespmem:s10+$0x0]  }
0x44: {  	s20 =	simm.s32 $0x0;
	s4 =	simm.s32 $0x60;
	s18 =	sand.u32 $0x50, s6;
	[tilespmem:s25+$0x0] =	vst v1;
	v1 =	vld [tilespmem:s10+$0xFFFFFFE0]  }
0x45: {  	s1 =	sand.u32 $0x40, s5;
	s5 =	simm.s32 $0x30;
	s8 =	sor.u32 s18, s7  }
0x46: {  	s31 =	sor.u32 s1, s7;
	s6 =	sor.u32 s17, s7;
	s25 =	simm.s32 $0x230;
	[tilespmem:s8+$0x0] =	vst v2  }
.LBB2_2:
0x47: {  	s5 =	sadd.s32 $0x40, s5  }
0x48: {  	v2 =	vld [tilespmem:s4+$0x10];
	s20 =	sadd.s32 $0x4, s20;
	[tilespmem:s6+$0x0] =	vst v0;
	s6 =	sadd.s32 $0xFFFFFFD0, s5  }
0x49: {  	v3 =	vld [tilespmem:s4+$0xFFFFFFF0];
	s7 =	sadd.s32 $0xFFFFFFE0, s5;
	p0 =	slt.u32 s20, $0x1C;
	[tilespmem:s31+$0x0] =	vst v1;
	s9 =	sadd.s32 $0xFFFFFFF0, s5  }
.Ltmp0:
0x4a: {  	s8 =	sand.u32 $0x40, s6;
	s6 =	sand.u32 $0x180, s6;
	v0 =	vld [tilespmem:s4+$0x0];
	(pc) =	sbr.rel @p0 .LBB2_2-.Ltmp0, $4  }
0x4b: {  	s10 =	sand.u32 $0x70, s5;
	s7 =	sand.u32 $0x50, s7;
	v1 =	vld [tilespmem:s4+$0xFFFFFFE0];
	s6 =	sor.u32 $0xA00, s6  }
0x4c: {  	s31 =	sor.u32 s8, s6;
	s8 =	sand.u32 $0x60, s9;
	s9 =	sor.u32 s10, s6  }
0x4d: {  	s7 =	sor.u32 s7, s6;
	s6 =	sor.u32 s8, s6;
	[tilespmem:s9+$0x0] =	vst v2  }
0x4e: {  	s4 =	sadd.s32 $0x40, s4;
	[tilespmem:s7+$0x0] =	vst v3  }
0x4f: {  	[tilespmem:s6+$0x0] =	vst v0  }
0x50: {  	[tilespmem:s31+$0x0] =	vst v1  }
0x51: {  	v1 =	vld [tilespmem:s25+$0x0];
	_ =	sdelay $0x2  }
0x52: {  	v2 =	vld [tilespmem:s25+$0xFFFFFFE0]  }
0x53: {  	v0 =	vld [tilespmem:s25+$0xFFFFFFF0]  }
0x54: {  	v3 =	vadd.s32 $0x18800, v1;
	v1 =	vld [tilespmem:s25+$0xFFFFFFD0]  }
0x55: {  	s20 =	simm.s32 $0x0;
	s5 =	sor.u32 $0xC00, s16  }
0x56: {  	s16 =	simm.s32 $0x430;
	s4 =	sor.u32 s1, s5;
	s31 =	sor.u32 s19, s5  }
0x57: {  	s6 =	sor.u32 s18, s5;
	s5 =	sor.u32 s17, s5;
	s17 =	simm.s32 $0x270;
	v2 =	vadd.s32 $0x18800, v2;
	[tilespmem:s31+$0x0] =	vst v3  }
.LBB2_4:
0x58: {  	v3 =	vld [tilespmem:s17+$0x0];
	s20 =	sadd.s32 $0x4, s20;
	[tilespmem:s6+$0x0] =	vst v2;
	v0 =	vadd.s32 $0x18800, v0;
	s15 =	sadd.s32 $0x40, s15  }
0x59: {  	s1 =	simm.s32 $0x30;
	v2 =	vld [tilespmem:s17+$0xFFFFFFE0];
	p0 =	slt.u32 s20, $0x1C;
	v1 =	vadd.s32 $0x18800, v1;
	[tilespmem:s5+$0x0] =	vst v0;
	s5 =	sadd.s32 $0xFFFFFFD0, s15  }
.Ltmp1:
0x5a: {  	s6 =	sadd.s32 $0xFFFFFFE0, s15;
	s7 =	sadd.s32 $0xFFFFFFF0, s15;
	v0 =	vld [tilespmem:s17+$0xFFFFFFF0];
	[tilespmem:s4+$0x0] =	vst v1;
	(pc) =	sbr.rel @p0 .LBB2_4-.Ltmp1, $4  }
0x5b: {  	s4 =	sand.u32 $0x40, s5;
	s5 =	sand.u32 $0x180, s5;
	s6 =	sand.u32 $0x50, s6;
	v1 =	vld [tilespmem:s17+$0xFFFFFFD0]  }
0x5c: {  	s8 =	sand.u32 $0x70, s15;
	s7 =	sand.u32 $0x60, s7;
	s5 =	sor.u32 $0xC00, s5  }
0x5d: {  	s4 =	sor.u32 s4, s5;
	s6 =	sor.u32 s6, s5;
	s8 =	sor.u32 s8, s5;
	v3 =	vadd.s32 $0x18800, v3  }
0x5e: {  	s17 =	sadd.s32 $0x40, s17;
	s5 =	sor.u32 s7, s5;
	v2 =	vadd.s32 $0x18800, v2;
	[tilespmem:s8+$0x0] =	vst v3  }
0x5f: {  	[tilespmem:s6+$0x0] =	vst v2;
	v0 =	vadd.s32 $0x18800, v0  }
0x60: {  	v1 =	vadd.s32 $0x18800, v1;
	[tilespmem:s5+$0x0] =	vst v0  }
0x61: {  	[tilespmem:s4+$0x0] =	vst v1  }
0x62: {  	v1 =	vld [tilespmem:s16+$0x0];
	_ =	sdelay $0x2  }
0x63: {  	s25 =	simm.s32 $0x0;
	s7 =	simm.s32 $0x0;
	v2 =	vld [tilespmem:s16+$0xFFFFFFE0]  }
0x64: {  	s8 =	simm.s32 $0x10;
	s9 =	simm.s32 $0x20;
	s20 =	sand.u32 $0x70, s1;
	v0 =	vld [tilespmem:s16+$0xFFFFFFF0]  }
0x65: {  	s31 =	simm.s32 $0x630;
	s19 =	sand.u32 $0x180, s7;
	s18 =	sand.u32 $0x40, s7;
	v3 =	vadd.s32 $0x31000, v1;
	v1 =	vld [tilespmem:s16+$0xFFFFFFD0]  }
0x66: {  	s15 =	sand.u32 $0x50, s8;
	s17 =	sand.u32 $0x60, s9;
	s10 =	sor.u32 $0xE00, s19  }
0x67: {  	s5 =	simm.s32 $0x30;
	s4 =	sor.u32 s18, s10;
	s8 =	sor.u32 s20, s10  }
0x68: {  	s7 =	sor.u32 s15, s10;
	s6 =	sor.u32 s17, s10;
	v2 =	vadd.s32 $0x31000, v2;
	s16 =	simm.s32 $0x470;
	[tilespmem:s8+$0x0] =	vst v3  }
.LBB2_6:
0x69: {  	v3 =	vld [tilespmem:s16+$0x0];
	s25 =	sadd.s32 $0x4, s25;
	[tilespmem:s7+$0x0] =	vst v2;
	v0 =	vadd.s32 $0x31000, v0;
	s5 =	sadd.s32 $0x40, s5  }
0x6a: {  	v2 =	vld [tilespmem:s16+$0xFFFFFFE0];
	p0 =	slt.u32 s25, $0x1C;
	v1 =	vadd.s32 $0x31000, v1;
	[tilespmem:s6+$0x0] =	vst v0;
	s6 =	sadd.s32 $0xFFFFFFD0, s5  }
.Ltmp2:
0x6b: {  	s7 =	sadd.s32 $0xFFFFFFE0, s5;
	s8 =	sadd.s32 $0xFFFFFFF0, s5;
	v0 =	vld [tilespmem:s16+$0xFFFFFFF0];
	[tilespmem:s4+$0x0] =	vst v1;
	(pc) =	sbr.rel @p0 .LBB2_6-.Ltmp2, $4  }
0x6c: {  	s4 =	sand.u32 $0x40, s6;
	s6 =	sand.u32 $0x180, s6;
	s7 =	sand.u32 $0x50, s7;
	v1 =	vld [tilespmem:s16+$0xFFFFFFD0]  }
0x6d: {  	s9 =	sand.u32 $0x70, s5;
	s8 =	sand.u32 $0x60, s8;
	s6 =	sor.u32 $0xE00, s6  }
0x6e: {  	s4 =	sor.u32 s4, s6;
	s7 =	sor.u32 s7, s6;
	s9 =	sor.u32 s9, s6;
	v3 =	vadd.s32 $0x31000, v3  }
0x6f: {  	s16 =	sadd.s32 $0x40, s16;
	s6 =	sor.u32 s8, s6;
	v2 =	vadd.s32 $0x31000, v2;
	[tilespmem:s9+$0x0] =	vst v3  }
0x70: {  	[tilespmem:s7+$0x0] =	vst v2;
	v0 =	vadd.s32 $0x31000, v0  }
0x71: {  	v1 =	vadd.s32 $0x31000, v1;
	[tilespmem:s6+$0x0] =	vst v0  }
0x72: {  	[tilespmem:s4+$0x0] =	vst v1  }
0x73: {  	v1 =	vld [tilespmem:s31+$0x0];
	_ =	sdelay $0x2  }
0x74: {  	v2 =	vld [tilespmem:s31+$0xFFFFFFE0]  }
0x75: {  	v0 =	vld [tilespmem:s31+$0xFFFFFFF0]  }
0x76: {  	v3 =	vadd.s32 $0x49800, v1;
	v1 =	vld [tilespmem:s31+$0xFFFFFFD0]  }
0x77: {  	s25 =	simm.s32 $0x0;
	s5 =	sor.u32 $0x1000, s19  }
0x78: {  	s16 =	simm.s32 $0x830;
	s20 =	sor.u32 s20, s5;
	s6 =	sor.u32 s15, s5  }
0x79: {  	s4 =	sor.u32 s18, s5;
	s5 =	sor.u32 s17, s5;
	s17 =	simm.s32 $0x670;
	v2 =	vadd.s32 $0x49800, v2;
	[tilespmem:s20+$0x0] =	vst v3  }
.LBB2_8:
0x7a: {  	v3 =	vld [tilespmem:s17+$0x0];
	s25 =	sadd.s32 $0x4, s25;
	[tilespmem:s6+$0x0] =	vst v2;
	v0 =	vadd.s32 $0x49800, v0;
	s1 =	sadd.s32 $0x40, s1  }
0x7b: {  	s15 =	simm.s32 $0x30;
	v2 =	vld [tilespmem:s17+$0xFFFFFFE0];
	p0 =	slt.u32 s25, $0x1C;
	v1 =	vadd.s32 $0x49800, v1;
	[tilespmem:s5+$0x0] =	vst v0;
	s5 =	sadd.s32 $0xFFFFFFD0, s1  }
.Ltmp3:
0x7c: {  	s6 =	sadd.s32 $0xFFFFFFE0, s1;
	s7 =	sadd.s32 $0xFFFFFFF0, s1;
	v0 =	vld [tilespmem:s17+$0xFFFFFFF0];
	[tilespmem:s4+$0x0] =	vst v1;
	(pc) =	sbr.rel @p0 .LBB2_8-.Ltmp3, $4  }
0x7d: {  	s4 =	sand.u32 $0x40, s5;
	s5 =	sand.u32 $0x180, s5;
	s6 =	sand.u32 $0x50, s6;
	v1 =	vld [tilespmem:s17+$0xFFFFFFD0]  }
0x7e: {  	s8 =	sand.u32 $0x70, s1;
	s7 =	sand.u32 $0x60, s7;
	s5 =	sor.u32 $0x1000, s5  }
0x7f: {  	s4 =	sor.u32 s4, s5;
	s6 =	sor.u32 s6, s5;
	s8 =	sor.u32 s8, s5;
	v3 =	vadd.s32 $0x49800, v3  }
0x80: {  	s17 =	sadd.s32 $0x40, s17;
	s5 =	sor.u32 s7, s5;
	v2 =	vadd.s32 $0x49800, v2;
	[tilespmem:s8+$0x0] =	vst v3  }
0x81: {  	[tilespmem:s6+$0x0] =	vst v2;
	v0 =	vadd.s32 $0x49800, v0  }
0x82: {  	v1 =	vadd.s32 $0x49800, v1;
	[tilespmem:s5+$0x0] =	vst v0  }
0x83: {  	[tilespmem:s4+$0x0] =	vst v1  }
0x84: {  	v4 =	vld [tilespmem:s16+$0xFFFFFFD0]  }
0x85: {  	s17 =	simm.s32 $0x4;
	v3 =	vld [tilespmem:s16+$0xFFFFFFF0]  }
0x86: {  	s25 =	simm.s32 $0x0;
	s7 =	sand.u32 $0x70, s15;
	s1 =	simm.s32 $0x870;
	v2 =	vld [tilespmem:s16+$0x0]  }
0x87: {  	s8 =	simm.s32 $0x10;
	s31 =	sand.u32 $0x180, s25;
	s5 =	simm.s32 $0x20;
	v1 =	vld [tilespmem:s16+$0xFFFFFFE0]  }
0x88: {  	s9 =	sand.u32 $0x40, s25;
	s8 =	sand.u32 $0x50, s8;
	s4 =	sor.u32 $0x1200, s31;
	v0 =	vld [tilespmem:s1+$0xFFFFFFD0]  }
0x89: {  	s6 =	sor.u32 s9, s4;
	s16 =	sor.u32 s8, s4;
	s18 =	sor.u32 s7, s4;
	v4 =	vadd.s32 $0x62000, v4  }
.LBB2_10:
0x8a: {  	s17 =	sadd.s32 $0x4, s17;
	v3 =	vadd.s32 $0x62000, v3  }
0x8b: {  	v5 =	vld [tilespmem:s1+$0xFFFFFFF0];
	[tilespmem:s6+$0x0] =	vst v4;
	s5 =	sand.u32 $0x60, s5;
	v4 =	vadd.s32 $0x62000, v2;
	s15 =	sadd.s32 $0x40, s15;
	p0 =	slt.u32 s17, $0x1C  }
.Ltmp4:
0x8c: {  	v2 =	vld [tilespmem:s1+$0x0];
	v6 =	vadd.s32 $0x62000, v1;
	s4 =	sor.u32 s5, s4;
	[tilespmem:s18+$0x0] =	vst v4;
	(pc) =	sbr.rel @p0 .LBB2_10-.Ltmp4, $4  }
0x8d: {  	s6 =	sadd.s32 $0xFFFFFFD0, s15;
	s7 =	sand.u32 $0x70, s15;
	v1 =	vld [tilespmem:s1+$0xFFFFFFE0];
	s1 =	sadd.s32 $0x40, s1;
	[tilespmem:s4+$0x0] =	vst v3;
	v3 =	vmov v0  }
0x8e: {  	s8 =	sadd.s32 $0xFFFFFFE0, s15;
	s5 =	sadd.s32 $0xFFFFFFF0, s15;
	s4 =	sand.u32 $0x180, s6;
	v0 =	vld [tilespmem:s1+$0xFFFFFFD0];
	[tilespmem:s16+$0x0] =	vst v6  }
0x8f: {  	s6 =	sand.u32 $0x40, s6;
	s8 =	sand.u32 $0x50, s8;
	s4 =	sor.u32 $0x1200, s4  }
0x90: {  	v4 =	vadd.s32 $0x62000, v3;
	s6 =	sor.u32 s6, s4;
	s16 =	sor.u32 s8, s4;
	s18 =	sor.u32 s7, s4;
	v3 =	vmov v5  }
0x91: {  	s7 =	sadd.s32 $0x40, s15;
	v5 =	vld [tilespmem:s1+$0x0]  }
0x92: {  	[tilespmem:s6+$0x0] =	vst v4;
	v59 =	vld [tilespmem:s1+$0xFFFFFFF0];
	s5 =	sand.u32 $0x60, s5;
	v2 =	vadd.s32 $0x62000, v2;
	s10 =	sadd.s32 $0xFFFFFFD0, s7  }
0x93: {  	v3 =	vadd.s32 $0x62000, v3;
	v60 =	vld [tilespmem:s1+$0xFFFFFFE0];
	s4 =	sor.u32 s5, s4;
	[tilespmem:s18+$0x0] =	vst v2;
	s15 =	sand.u32 $0x180, s10  }
0x94: {  	v1 =	vadd.s32 $0x62000, v1;
	[tilespmem:s4+$0x0] =	vst v3;
	s17 =	sand.u32 $0x40, s10;
	s1 =	sor.u32 $0x1200, s15  }
0x95: {  	s18 =	sand.u32 $0x70, s7;
	s19 =	sadd.s32 $0xFFFFFFF0, s7;
	[tilespmem:s16+$0x0] =	vst v1;
	v0 =	vadd.s32 $0x62000, v0;
	s4 =	sor.u32 s17, s1  }
0x96: {  	s7 =	sadd.s32 $0xFFFFFFE0, s7;
	s20 =	sand.u32 $0x60, s19;
	s5 =	sor.u32 s18, s1;
	[tilespmem:s4+$0x0] =	vst v0;
	v61 =	vadd.s32 $0x62000, v5  }
0x97: {  	s25 =	sand.u32 $0x50, s7;
	v62 =	vadd.s32 $0x62000, v59;
	s4 =	sor.u32 s20, s1;
	[tilespmem:s5+$0x0] =	vst v61  }
0x98: {  	s1 =	sor.u32 s25, s1;
	v63 =	vadd.s32 $0x62000, v60;
	[tilespmem:s4+$0x0] =	vst v62  }
0x99: {  	[tilespmem:s1+$0x0] =	vst v63  }
0x9a: {  	s31 =	simm.s32 $0xA00;
	s1 =	simm.s32 $0x0;
	[bflag:$0x0] =	sbarrier.arrive $0xFFFF  }
0x9b: {  	[tilespmem:s26], [sflag:$0x2] =	stream.indirect.gather [spmem:s2], $0x1, s31, s24, $0xb8;
	[tilespmem:$0x9390] =	vst v63  }
.LBB2_12:
0x9c: {  	s4 =	sshllo.u32 s1, $0x1  }
0x9d: {  	s4 =	sshll.u32 s4, $0x7  }
0x9e: {  	s5 =	sand.u32 $0x3FFFFF80, s4  }
0x9f: {  	s5 =	sadd.s32 $0xA00, s5  }
0xa0: {  	[tilespmem:s28], [sflag:$0x3] =	stream.indirect.gather [spmem:s2], $0x1, s5, s24, $0xb8;
	[tilespmem:$0x9390] =	vst v63  }
0xa1: {  	s6 =	sshll.u32 s1, $0x8;
	p0 =	por $0x1, $0x1;
	_ =	swait.ge [sflag:s29], $0x80  }
0xa2: {  	s7 =	simm.s32 $0x0;
	s6 =	sand.u32 $0x100, s6;
	[sflag:s29] =	ssyncset.done $0x0  }
0xa3: {  	s6 =	sor.u32 $0x1400, s6;
	s5 =	sshll.u32 s1, $0x1;
	[sflag:s29] =	ssyncadd.s32 $0xFFFFFF80  }
.LBB2_13:
0xa4: {  	v0 =	vld [tilespmem:s7+$0x1600]  }
0xa5: {  	v1 =	vld [tilespmem:s7+$0x1610]  }
0xa6: {  	v2 =	vld [tilespmem:s7+$0x1620]  }
0xa7: {  	v3 =	vld [tilespmem:s7+$0x1630];
	p1 =	por p0, p0  }
.Ltmp5:
0xa8: {  	s31 =	sadd.s32 s7, s6;
	(pc) =	sbr.rel @p1 .LBB2_13-.Ltmp5, $4  }
0xa9: {  	[tilespmem:s31+$0x0] =	vst.add.f32.msk $0xffff, v0  }
0xaa: {  	[tilespmem:s31+$0x10] =	vst.add.f32.msk $0xffff, v1  }
0xab: {  	[tilespmem:s31+$0x20] =	vst.add.f32.msk $0xffff, v2  }
0xac: {  	s7 =	simm.s32 $0x40;
	p0 =	por $0x0, $0x0;
	[tilespmem:s31+$0x30] =	vst.add.f32.msk $0xffff, v3  }
0xad: {  	s5 =	smin.u32 s5, $0x11  }
0xae: {  	s5 =	sshll.u32 s5, $0x7  }
0xaf: {  	s5 =	sadd.s32 $0xB00, s5  }
0xb0: {  	[tilespmem:s26], [sflag:$0x2] =	stream.indirect.gather [spmem:s2], $0x1, s5, s24, $0xb8;
	[tilespmem:$0x9390] =	vst v63  }
0xb1: {  	_ =	swait.ge [sflag:s30], $0x80  }
0xb2: {  	s4 =	sand.u32 $0x180, s4;
	p0 =	por $0x1, $0x1;
	[sflag:s30] =	ssyncset.done $0x0  }
0xb3: {  	s4 =	sor.u32 $0x1400, s4;
	s5 =	simm.s32 $0x0;
	[sflag:s30] =	ssyncadd.s32 $0xFFFFFF80  }
.LBB2_15:
0xb4: {  	v0 =	vld [tilespmem:s5+$0x1680]  }
0xb5: {  	v1 =	vld [tilespmem:s5+$0x1690]  }
0xb6: {  	v2 =	vld [tilespmem:s5+$0x16A0]  }
0xb7: {  	v3 =	vld [tilespmem:s5+$0x16B0];
	p1 =	por p0, p0  }
.Ltmp6:
0xb8: {  	s31 =	sadd.s32 s5, s4;
	(pc) =	sbr.rel @p1 .LBB2_15-.Ltmp6, $4  }
0xb9: {  	[tilespmem:s31+$0x0] =	vst.add.f32.msk $0xffff, v0  }
0xba: {  	[tilespmem:s31+$0x10] =	vst.add.f32.msk $0xffff, v1  }
0xbb: {  	[tilespmem:s31+$0x20] =	vst.add.f32.msk $0xffff, v2  }
0xbc: {  	s5 =	simm.s32 $0x40;
	p0 =	por $0x0, $0x0;
	[tilespmem:s31+$0x30] =	vst.add.f32.msk $0xffff, v3  }
0xbd: {  	s1 =	sadd.s32 $0x1, s1  }
0xbe: {  	p0 =	sne.s32 s1, $0xA  }
.Ltmp7:
0xbf: {  	_ = 	snop;
	(pc) =	sbr.rel @p0 .LBB2_12-.Ltmp7, $1  }
0xc0: {  	_ =	sdelay $0x3  }
0xc1: {  	_ =	swait.ge [sflag:s29], $0x80  }
0xc2: {  	[sflag:s29] =	ssyncset.done $0x0  }
0xc3: {  	[sflag:s29] =	ssyncadd.s32 $0xFFFFFF80  }
0xc4: {  	s1 =	simm.s32 $0x1420;
	v0 =	vld [tilespmem:$0x1900]  }
0xc5: {  	v1 =	vld [tilespmem:s1+$0xFFFFFFE0]  }
0xc6: {  	v2 =	vld [tilespmem:s1+$0x10]  }
0xc7: {  	v4 =	vld [tilespmem:s1+$0x0];
	_ =	sdelay $0x1  }
0xc8: {  	v5 =	vld [tilespmem:s1+$0xFFFFFFF0]  }
0xc9: {  	s4 =	simm.s32 $0x1460;
	v6 =	vadd.f32 v1, v0  }
0xca: {  	s1 =	simm.s32 $0x1720;
	v3 =	vld [tilespmem:s4+$0xFFFFFFE0];
	v7 =	vadd.f32 v2, v0  }
0xcb: {  	v1 =	vld [tilespmem:s4+$0x10];
	[tilespmem:s1+$0xFFFFFFE0] =	vst v6;
	v6 =	vadd.f32 v4, v0  }
0xcc: {  	v2 =	vld [tilespmem:s4+$0x0];
	[tilespmem:s1+$0x10] =	vst v7  }
0xcd: {  	s5 =	simm.s32 $0x4;
	v5 =	vadd.f32 v5, v0;
	v4 =	vld [tilespmem:s4+$0xFFFFFFF0];
	[tilespmem:s1+$0x0] =	vst v6  }
.LBB2_18:
0xce: {  	s5 =	sadd.s32 $0x4, s5  }
0xcf: {  	[tilespmem:s1+$0xFFFFFFF0] =	vst v5;
	s1 =	sadd.s32 $0x40, s1;
	p0 =	slt.u32 s5, $0x1C  }
.Ltmp8:
0xd0: {  	s4 =	sadd.s32 $0x40, s4;
	v5 =	vadd.f32 v3, v0;
	(pc) =	sbr.rel @p0 .LBB2_18-.Ltmp8, $4  }
0xd1: {  	v3 =	vld [tilespmem:s4+$0xFFFFFFE0];
	v6 =	vadd.f32 v1, v0  }
0xd2: {  	v1 =	vld [tilespmem:s4+$0x10];
	[tilespmem:s1+$0xFFFFFFE0] =	vst v5;
	v7 =	vadd.f32 v2, v0  }
0xd3: {  	v2 =	vld [tilespmem:s4+$0x0];
	v5 =	vadd.f32 v4, v0;
	[tilespmem:s1+$0x10] =	vst v6  }
0xd4: {  	v4 =	vld [tilespmem:s4+$0xFFFFFFF0];
	[tilespmem:s1+$0x0] =	vst v7  }
0xd5: {  	_ = 	snop  }
0xd6: {  	v3 =	vadd.f32 v3, v0  }
0xd7: {  	[tilespmem:s1+$0xFFFFFFF0] =	vst v5;
	s25 =	sadd.s32 $0x40, s1;
	v1 =	vadd.f32 v1, v0  }
0xd8: {  	[tilespmem:s25+$0xFFFFFFE0] =	vst v3;
	v2 =	vadd.f32 v2, v0  }
0xd9: {  	s0 =	sadd.s32 $0x1, s0;
	v63 =	vadd.f32 v4, v0;
	[tilespmem:s25+$0x10] =	vst v1  }
0xda: {  	p0 =	sne.s32 s0, s14;
	[tilespmem:s25+$0x0] =	vst v2  }
.Ltmp9:
0xdb: {  	s31 =	simm.s32 $0x1700;
	[tilespmem:s25+$0xFFFFFFF0] =	vst v63;
	(pc) =	sbr.rel @p0 .LBB2_1-.Ltmp9, $4  }
0xdc: {  	[hbm4b:s13+s3] =	stream.linear.scatter [tilespmem:s31], [sflag:$0x4], $0x200, $0x38;
	[tilespmem:$0x9390] =	vst v63  }
0xdd: {  	_ =	swait.ge [sflag:s22], $0x200  }
0xde: {  	[sflag:s22] =	ssyncset.done $0x0  }
0xdf: {  	[sflag:s22] =	ssyncadd.s32 $0xFFFFFE00  }
0xe0: {  	_ =	sfence.sel $0x180000  }
0xe1: {  	[bflag:$0x0] =	sbarrier.arrive $0xFFFF  }
0xe2: {  	_ =	strace $0x90000050  }
0xe3: {  	s0 =	stileid.u32;
	[bflag:$0x2] =	sbarrier.arrive $0xFFFF  }
0xe4: {  	p0 =	sne.s32 s0, $0x0;
	s0 =	rddreg [dreg:$0x8]  }
0xe5: {  	s0 =	sadd.s32 @!p0 $0x100000, s0  }
0xe6: {  	[sflag:s0] =	ssyncadd.tile.s32 @!p0 $0x1;
	_ =	shalt  }
.Lfunc_end2:
_tile_overlayer_lowered:
.L_overlay_start_2:
0xe7: {  	(tag) =	ssettag $0x2  }
0xe8: {  	s0 =	rddreg [dreg:$0x0];
	s2 =	stileid.u32  }
0xe9: {  	s1 =	rddreg [dreg:$0x1];
	p0 =	sne.s32 s2, $0x0  }
0xea: {  	s3 =	rddreg [dreg:$0x2];
	[bflag:$0x3] =	sbarrier.arrive $0xFFFF;
	s2 =	simm.s32 @!p0 $0x1C04  }
0xeb: {  	[timem:s3], [sflag:s2] =	dma.local @!p0 [hbm:s0], s1  }
0xec: {  	s0 =	simm.s32 @!p0 $0x4  }
0xed: {  	_ =	swait.ge @!p0 [sflag:s0], s1  }
0xee: {  	s1 =	ssub.s32 @!p0 $0x0, s1;
	[sflag:s0] =	ssyncset.done @!p0 $0x0  }
0xef: {  	[sflag:s0] =	ssyncadd.s32 @!p0 s1  }
0xf0: {  	[bflag:$0x3] =	sbarrier.arrive $0xFFFF  }
0xf1: {  	_ =	shalt  }

</sc_bundles>
